<compile_context>
chip_gen: v7x
topology: tpu7x:2x2x1
jax: 0.10.2.dev20260603
libtpu: 0.0.44.dev20260713+nightly
codegen_flags: <defaults>
</compile_context>

<pallas_src>
import functools

import jax
import jax.numpy as jnp
from jax import lax
from jax.experimental import pallas as pl
from jax.experimental.pallas import tpu as pltpu
from jax.experimental.pallas import tpu_sc as plsc

BATCH = 4096
SEQ_LEN = 200
D_MODEL = 64
LANES = 16

NUM_CORES = 2
NUM_SUBCORES = 16
NUM_WORKERS = NUM_CORES * NUM_SUBCORES
SEQ_PER_WORKER = BATCH // NUM_WORKERS
NBUF = 7
LEAD = 4

_mesh = plsc.VectorSubcoreMesh(core_axis_name="c", subcore_axis_name="s")


@functools.partial(
    pl.kernel,
    mesh=_mesh,
    compiler_params=pltpu.CompilerParams(use_tc_tiling_on_sc=False),
    out_type=jax.ShapeDtypeStruct((BATCH, SEQ_LEN, D_MODEL), jnp.float32),
    scratch_types=[
        pltpu.VMEM((SEQ_PER_WORKER, SEQ_LEN), jnp.int32),
        pltpu.VMEM((SEQ_LEN, D_MODEL), jnp.float32),
        pltpu.VMEM((NBUF, SEQ_LEN, D_MODEL), jnp.float32),
        pltpu.SemaphoreType.DMA((NBUF,)),
        pltpu.SemaphoreType.DMA((NBUF,)),
    ],
)
def _emb_kernel(x_hbm, tok_hbm, pos_hbm, out_hbm, idx_v, pos_v, bufs, gsem, ssem):
    cid = lax.axis_index("c")
    sid = lax.axis_index("s")
    wid = sid * NUM_CORES + cid
    seq_base = wid * SEQ_PER_WORKER

    pltpu.sync_copy(x_hbm.at[pl.ds(seq_base, SEQ_PER_WORKER)], idx_v)
    pltpu.sync_copy(pos_hbm, pos_v)

    def start_gather(c, b):
        pltpu.async_copy(tok_hbm.at[idx_v.at[c]], bufs.at[b], gsem.at[b])

    def wait_gather(b):
        pltpu.make_async_copy(tok_hbm.at[idx_v.at[0]], bufs.at[b], gsem.at[b]).wait()

    def start_store(c, b):
        pltpu.async_copy(bufs.at[b], out_hbm.at[seq_base + c], ssem.at[b])

    def wait_store(b):
        pltpu.make_async_copy(bufs.at[b], out_hbm.at[seq_base], ssem.at[b]).wait()

    def add_pos(b):
        buf = bufs.at[b]

        def row(i, carry):
            for k in range(D_MODEL // LANES):
                sl = pl.ds(k * LANES, LANES)
                buf[i, sl] = buf[i, sl] + pos_v[i, sl]
            return carry

        lax.fori_loop(0, SEQ_LEN, row, 0, unroll=4)

    for b in range(LEAD):
        start_gather(b, b)

    def outer(go, carry):
        for b in range(NBUF):
            c = go * NBUF + b
            nslot = (b + LEAD) % NBUF

            @pl.when(c < SEQ_PER_WORKER - LEAD)
            def _issue():
                @pl.when(c >= NBUF - LEAD)
                def _drain():
                    wait_store(nslot)

                start_gather(c + LEAD, nslot)

            wait_gather(b)
            add_pos(b)
            start_store(c, b)
        return carry

    main = SEQ_PER_WORKER - (SEQ_PER_WORKER % NBUF)
    lax.fori_loop(0, main // NBUF, outer, 0)
    for c in range(main, SEQ_PER_WORKER):
        b = c % NBUF
        wait_gather(b)
        add_pos(b)
        start_store(c, b)

    for b in range(NBUF):
        wait_store(b)


@jax.jit
def kernel(x, token_table, pos_table):
    return _emb_kernel(x.astype(jnp.int32), token_table, pos_table)

# --- scband reference (transcript-rebuilt; emitter-appended) ---
"""Pipeline reference for scband-positional-embedding-39625368273612 (READ-ONLY COPY).

The authoritative reference and input builder live on the scoring server;
editing this copy changes nothing except your own understanding.
"""

import jax, jax.numpy as jnp
import numpy as np

VOCAB = 1000000
D_MODEL = 64
MAX_LEN = 200
BATCH = 4096
SEQ_LEN = 200


def setup_inputs(seed: int = 0) -> dict:
    key = jax.random.key(seed)
    k1, k2, k3 = jax.random.split(key, 3)
    x = jax.random.randint(k1, (BATCH, SEQ_LEN), 0, VOCAB, dtype=jnp.int64 if jax.config.jax_enable_x64 else jnp.int32)
    token_table = jax.random.normal(k2, (VOCAB, D_MODEL), dtype=jnp.float32) * 0.02
    pos_table = jax.random.normal(k3, (MAX_LEN, D_MODEL), dtype=jnp.float32) * 0.02
    return {"x": x, "token_table": token_table, "pos_table": pos_table}


def reference(x, token_table, pos_table):
    # token embedding lookup: gather rows from the token table
    tok = jnp.take(token_table, x, axis=0)  # [B, S, D]
    # positional embedding: positions 0..seq_len-1
    seq_len = x.shape[-1]
    positions = jnp.arange(seq_len)
    pos = jnp.take(pos_table, positions, axis=0)  # [S, D]
    out = tok + pos[None, :, :]
    # dropout is identity at inference time
    return out

if __name__ == "__main__":
    import jax
    _d = setup_inputs()
    print(jax.jit(kernel)(*tuple(_d.values())))

</pallas_src>

<mosaic_0001>
#map = affine_map<(d0, d1) -> (0, 0)>
#map1 = affine_map<(d0, d1) -> (0, 0, 0)>
module attributes {stable_mosaic.version = 14 : i64} {
  func.func @_emb_kernel(%arg0: i32, %arg1: i32, %arg2: memref<4096x200xi32, #tpu.memory_space<hbm>>, %arg3: memref<1000000x64xf32, #tpu.memory_space<hbm>>, %arg4: memref<200x64xf32, #tpu.memory_space<hbm>>, %arg5: memref<4096x200x64xf32, #tpu.memory_space<hbm>>, %arg6: memref<128x200xi32, #tpu.memory_space<vmem>>, %arg7: memref<200x64xf32, #tpu.memory_space<vmem>>, %arg8: memref<7x200x64xf32, #tpu.memory_space<vmem>>, %arg9: memref<7x!tpu.dma_semaphore, #tpu.memory_space<semaphore_mem>>, %arg10: memref<7x!tpu.dma_semaphore, #tpu.memory_space<semaphore_mem>>) attributes {dimension_semantics = [#tpu.dimension_semantics<core_parallel>, #tpu.dimension_semantics<subcore_parallel>], iteration_bounds = array<i64: 2, 16>, scalar_prefetch = 0 : i64, scratch_operands = 5 : i64, tpu.core_type = #tpu.core_type<sc_vector_subcore>, window_params = [{transform_indices = #map}, {transform_indices = #map}, {transform_indices = #map}, {transform_indices = #map1}]} {
    %mul3A = arith.constant 2 : i32
    %mul3A_0 = arith.muli %arg1, %mul3A : i32
    %add3A = arith.addi %mul3A_0, %arg0 : i32
    %mul3A_1 = arith.constant 128 : i32
    %mul3A_2 = arith.muli %add3A, %mul3A_1 : i32
    "tpu.region"() ({
      %run_scoped3A = tpu.sem_alloc : memref<!tpu.dma_semaphore, #tpu.memory_space<semaphore_mem>>
      %dma_start3A_294 = arith.constant 0 : i32
      %dma_start3A_295 = tpu.memref_slice %arg2[%mul3A_2, %dma_start3A_294] : memref<4096x200xi32, #tpu.memory_space<hbm>> -> memref<128x200xi32, #tpu.memory_space<hbm>>
      %dma_start3A_296 = arith.constant 0 : i32
      %dma_start3A_297 = tpu.memref_slice %arg2[%mul3A_2, %dma_start3A_296] : memref<4096x200xi32, #tpu.memory_space<hbm>> -> memref<128x200xi32, #tpu.memory_space<hbm>>
      tpu.enqueue_dma source(%dma_start3A_297 : memref<128x200xi32, #tpu.memory_space<hbm>>) target(%arg6 : memref<128x200xi32, #tpu.memory_space<vmem>>) target_semaphore(%run_scoped3A : memref<!tpu.dma_semaphore, #tpu.memory_space<semaphore_mem>>)
      %dma_wait3A_298 = arith.constant 0 : i32
      %dma_wait3A_299 = tpu.memref_slice %arg2[%mul3A_2, %dma_wait3A_298] : memref<4096x200xi32, #tpu.memory_space<hbm>> -> memref<128x200xi32, #tpu.memory_space<hbm>>
      %dma_wait3A_300 = arith.constant 0 : i32
      %dma_wait3A_301 = tpu.memref_slice %arg2[%mul3A_2, %dma_wait3A_300] : memref<4096x200xi32, #tpu.memory_space<hbm>> -> memref<128x200xi32, #tpu.memory_space<hbm>>
      tpu.wait_dma2 semaphore(%run_scoped3A : memref<!tpu.dma_semaphore, #tpu.memory_space<semaphore_mem>>) src(%dma_wait3A_301 : memref<128x200xi32, #tpu.memory_space<hbm>>) dst(%arg6 : memref<128x200xi32, #tpu.memory_space<vmem>>)
      tpu.yield
    }) : () -> ()
    "tpu.region"() ({
      %run_scoped3A = tpu.sem_alloc : memref<!tpu.dma_semaphore, #tpu.memory_space<semaphore_mem>>
      tpu.enqueue_dma source(%arg4 : memref<200x64xf32, #tpu.memory_space<hbm>>) target(%arg7 : memref<200x64xf32, #tpu.memory_space<vmem>>) target_semaphore(%run_scoped3A : memref<!tpu.dma_semaphore, #tpu.memory_space<semaphore_mem>>)
      tpu.wait_dma2 semaphore(%run_scoped3A : memref<!tpu.dma_semaphore, #tpu.memory_space<semaphore_mem>>) src(%arg4 : memref<200x64xf32, #tpu.memory_space<hbm>>) dst(%arg7 : memref<200x64xf32, #tpu.memory_space<vmem>>)
      tpu.yield
    }) : () -> ()
    %dma_start3A = arith.constant 0 : i32
    %dma_start3A_3 = arith.constant 0 : i32
    %dma_start3A_4 = arith.constant 0 : i32
    %dma_start3A_5 = arith.constant 0 : i32
    %dma_start3A_6 = arith.constant 0 : i32
    %dma_start3A_7 = tpu.memref_slice %arg8[%dma_start3A_3, %dma_start3A_5, %dma_start3A_6] : memref<7x200x64xf32, #tpu.memory_space<vmem>> -> memref<1x200x64xf32, #tpu.memory_space<vmem>>
    %dma_start3A_8 = tpu.memref_squeeze %dma_start3A_7 : memref<1x200x64xf32, #tpu.memory_space<vmem>> -> memref<200x64xf32, #tpu.memory_space<vmem>>
    %dma_start3A_9 = arith.constant 0 : i32
    %dma_start3A_10 = tpu.memref_slice %arg6[%dma_start3A, %dma_start3A_9] : memref<128x200xi32, #tpu.memory_space<vmem>> -> memref<1x200xi32, #tpu.memory_space<vmem>>
    %dma_start3A_11 = tpu.memref_squeeze %dma_start3A_10 : memref<1x200xi32, #tpu.memory_space<vmem>> -> memref<200xi32, #tpu.memory_space<vmem>>
    %dma_start3A_12 = arith.constant 0 : i32
    %dma_start3A_13 = arith.constant 0 : i32
    %dma_start3A_14 = tpu.memref_slice %arg3[%dma_start3A_12, %dma_start3A_13] : memref<1000000x64xf32, #tpu.memory_space<hbm>> -> memref<1000000x64xf32, #tpu.memory_space<hbm>>
    %dma_start3A_15 = tpu.memref_slice %arg9[%dma_start3A_4] : memref<7x!tpu.dma_semaphore, #tpu.memory_space<semaphore_mem>> -> memref<1x!tpu.dma_semaphore, #tpu.memory_space<semaphore_mem>>
    %dma_start3A_16 = tpu.memref_squeeze %dma_start3A_15 : memref<1x!tpu.dma_semaphore, #tpu.memory_space<semaphore_mem>> -> memref<!tpu.dma_semaphore, #tpu.memory_space<semaphore_mem>>
    tpu.enqueue_indirect_dma source(%dma_start3A_14 : memref<1000000x64xf32, #tpu.memory_space<hbm>>) target(%dma_start3A_8 : memref<200x64xf32, #tpu.memory_space<vmem>>) offsets(%dma_start3A_11 : memref<200xi32, #tpu.memory_space<vmem>>) semaphore(%dma_start3A_16 : memref<!tpu.dma_semaphore, #tpu.memory_space<semaphore_mem>>)
    %dma_start3A_17 = arith.constant 1 : i32
    %dma_start3A_18 = arith.constant 1 : i32
    %dma_start3A_19 = arith.constant 1 : i32
    %dma_start3A_20 = arith.constant 0 : i32
    %dma_start3A_21 = arith.constant 0 : i32
    %dma_start3A_22 = tpu.memref_slice %arg8[%dma_start3A_18, %dma_start3A_20, %dma_start3A_21] : memref<7x200x64xf32, #tpu.memory_space<vmem>> -> memref<1x200x64xf32, #tpu.memory_space<vmem>>
    %dma_start3A_23 = tpu.memref_squeeze %dma_start3A_22 : memref<1x200x64xf32, #tpu.memory_space<vmem>> -> memref<200x64xf32, #tpu.memory_space<vmem>>
    %dma_start3A_24 = arith.constant 0 : i32
    %dma_start3A_25 = tpu.memref_slice %arg6[%dma_start3A_17, %dma_start3A_24] : memref<128x200xi32, #tpu.memory_space<vmem>> -> memref<1x200xi32, #tpu.memory_space<vmem>>
    %dma_start3A_26 = tpu.memref_squeeze %dma_start3A_25 : memref<1x200xi32, #tpu.memory_space<vmem>> -> memref<200xi32, #tpu.memory_space<vmem>>
    %dma_start3A_27 = arith.constant 0 : i32
    %dma_start3A_28 = arith.constant 0 : i32
    %dma_start3A_29 = tpu.memref_slice %arg3[%dma_start3A_27, %dma_start3A_28] : memref<1000000x64xf32, #tpu.memory_space<hbm>> -> memref<1000000x64xf32, #tpu.memory_space<hbm>>
    %dma_start3A_30 = tpu.memref_slice %arg9[%dma_start3A_19] : memref<7x!tpu.dma_semaphore, #tpu.memory_space<semaphore_mem>> -> memref<1x!tpu.dma_semaphore, #tpu.memory_space<semaphore_mem>>
    %dma_start3A_31 = tpu.memref_squeeze %dma_start3A_30 : memref<1x!tpu.dma_semaphore, #tpu.memory_space<semaphore_mem>> -> memref<!tpu.dma_semaphore, #tpu.memory_space<semaphore_mem>>
    tpu.enqueue_indirect_dma source(%dma_start3A_29 : memref<1000000x64xf32, #tpu.memory_space<hbm>>) target(%dma_start3A_23 : memref<200x64xf32, #tpu.memory_space<vmem>>) offsets(%dma_start3A_26 : memref<200xi32, #tpu.memory_space<vmem>>) semaphore(%dma_start3A_31 : memref<!tpu.dma_semaphore, #tpu.memory_space<semaphore_mem>>)
    %dma_start3A_32 = arith.constant 2 : i32
    %dma_start3A_33 = arith.constant 2 : i32
    %dma_start3A_34 = arith.constant 2 : i32
    %dma_start3A_35 = arith.constant 0 : i32
    %dma_start3A_36 = arith.constant 0 : i32
    %dma_start3A_37 = tpu.memref_slice %arg8[%dma_start3A_33, %dma_start3A_35, %dma_start3A_36] : memref<7x200x64xf32, #tpu.memory_space<vmem>> -> memref<1x200x64xf32, #tpu.memory_space<vmem>>
    %dma_start3A_38 = tpu.memref_squeeze %dma_start3A_37 : memref<1x200x64xf32, #tpu.memory_space<vmem>> -> memref<200x64xf32, #tpu.memory_space<vmem>>
    %dma_start3A_39 = arith.constant 0 : i32
    %dma_start3A_40 = tpu.memref_slice %arg6[%dma_start3A_32, %dma_start3A_39] : memref<128x200xi32, #tpu.memory_space<vmem>> -> memref<1x200xi32, #tpu.memory_space<vmem>>
    %dma_start3A_41 = tpu.memref_squeeze %dma_start3A_40 : memref<1x200xi32, #tpu.memory_space<vmem>> -> memref<200xi32, #tpu.memory_space<vmem>>
    %dma_start3A_42 = arith.constant 0 : i32
    %dma_start3A_43 = arith.constant 0 : i32
    %dma_start3A_44 = tpu.memref_slice %arg3[%dma_start3A_42, %dma_start3A_43] : memref<1000000x64xf32, #tpu.memory_space<hbm>> -> memref<1000000x64xf32, #tpu.memory_space<hbm>>
    %dma_start3A_45 = tpu.memref_slice %arg9[%dma_start3A_34] : memref<7x!tpu.dma_semaphore, #tpu.memory_space<semaphore_mem>> -> memref<1x!tpu.dma_semaphore, #tpu.memory_space<semaphore_mem>>
    %dma_start3A_46 = tpu.memref_squeeze %dma_start3A_45 : memref<1x!tpu.dma_semaphore, #tpu.memory_space<semaphore_mem>> -> memref<!tpu.dma_semaphore, #tpu.memory_space<semaphore_mem>>
    tpu.enqueue_indirect_dma source(%dma_start3A_44 : memref<1000000x64xf32, #tpu.memory_space<hbm>>) target(%dma_start3A_38 : memref<200x64xf32, #tpu.memory_space<vmem>>) offsets(%dma_start3A_41 : memref<200xi32, #tpu.memory_space<vmem>>) semaphore(%dma_start3A_46 : memref<!tpu.dma_semaphore, #tpu.memory_space<semaphore_mem>>)
    %dma_start3A_47 = arith.constant 3 : i32
    %dma_start3A_48 = arith.constant 3 : i32
    %dma_start3A_49 = arith.constant 3 : i32
    %dma_start3A_50 = arith.constant 0 : i32
    %dma_start3A_51 = arith.constant 0 : i32
    %dma_start3A_52 = tpu.memref_slice %arg8[%dma_start3A_48, %dma_start3A_50, %dma_start3A_51] : memref<7x200x64xf32, #tpu.memory_space<vmem>> -> memref<1x200x64xf32, #tpu.memory_space<vmem>>
    %dma_start3A_53 = tpu.memref_squeeze %dma_start3A_52 : memref<1x200x64xf32, #tpu.memory_space<vmem>> -> memref<200x64xf32, #tpu.memory_space<vmem>>
    %dma_start3A_54 = arith.constant 0 : i32
    %dma_start3A_55 = tpu.memref_slice %arg6[%dma_start3A_47, %dma_start3A_54] : memref<128x200xi32, #tpu.memory_space<vmem>> -> memref<1x200xi32, #tpu.memory_space<vmem>>
    %dma_start3A_56 = tpu.memref_squeeze %dma_start3A_55 : memref<1x200xi32, #tpu.memory_space<vmem>> -> memref<200xi32, #tpu.memory_space<vmem>>
    %dma_start3A_57 = arith.constant 0 : i32
    %dma_start3A_58 = arith.constant 0 : i32
    %dma_start3A_59 = tpu.memref_slice %arg3[%dma_start3A_57, %dma_start3A_58] : memref<1000000x64xf32, #tpu.memory_space<hbm>> -> memref<1000000x64xf32, #tpu.memory_space<hbm>>
    %dma_start3A_60 = tpu.memref_slice %arg9[%dma_start3A_49] : memref<7x!tpu.dma_semaphore, #tpu.memory_space<semaphore_mem>> -> memref<1x!tpu.dma_semaphore, #tpu.memory_space<semaphore_mem>>
    %dma_start3A_61 = tpu.memref_squeeze %dma_start3A_60 : memref<1x!tpu.dma_semaphore, #tpu.memory_space<semaphore_mem>> -> memref<!tpu.dma_semaphore, #tpu.memory_space<semaphore_mem>>
    tpu.enqueue_indirect_dma source(%dma_start3A_59 : memref<1000000x64xf32, #tpu.memory_space<hbm>>) target(%dma_start3A_53 : memref<200x64xf32, #tpu.memory_space<vmem>>) offsets(%dma_start3A_56 : memref<200xi32, #tpu.memory_space<vmem>>) semaphore(%dma_start3A_61 : memref<!tpu.dma_semaphore, #tpu.memory_space<semaphore_mem>>)
    %scan3A = arith.constant 0 : i32
    %scan3A_62 = arith.constant 0 : i32
    %scan3A_63 = arith.constant 18 : i32
    %scan3A_64 = arith.addi %scan3A_62, %scan3A_63 : i32
    %scan3A_65 = arith.constant 1 : i32
    scf.for %scan3A_294 = %scan3A_62 to %scan3A_64 step %scan3A_65  : i32 {
      %mul3A_295 = arith.constant 7 : i32
      %mul3A_296 = arith.muli %scan3A_294, %mul3A_295 : i32
      %add3A_297 = arith.constant 0 : i32
      %add3A_298 = arith.addi %mul3A_296, %add3A_297 : i32
      %lt3A = arith.constant 124 : i32
      %lt3A_299 = arith.cmpi slt, %add3A_298, %lt3A : i32
      %convert_element_type3A = arith.extui %lt3A_299 : i1 to i32
      %cond3A = arith.constant 0 : i32
      %cond3A_300 = arith.cmpi ne, %convert_element_type3A, %cond3A : i32
      scf.if %cond3A_300 {
        %ge3A = arith.constant 3 : i32
        %ge3A_656 = arith.cmpi sge, %add3A_298, %ge3A : i32
        %convert_element_type3A_657 = arith.extui %ge3A_656 : i1 to i32
        %cond3A_658 = arith.constant 0 : i32
        %cond3A_659 = arith.cmpi ne, %convert_element_type3A_657, %cond3A_658 : i32
        scf.if %cond3A_659 {
          %dma_wait3A_676 = arith.constant 4 : i32
          %dma_wait3A_677 = arith.constant 4 : i32
          %dma_wait3A_678 = arith.constant 0 : i32
          %dma_wait3A_679 = arith.constant 0 : i32
          %dma_wait3A_680 = tpu.memref_slice %arg8[%dma_wait3A_676, %dma_wait3A_678, %dma_wait3A_679] : memref<7x200x64xf32, #tpu.memory_space<vmem>> -> memref<1x200x64xf32, #tpu.memory_space<vmem>>
          %dma_wait3A_681 = tpu.memref_squeeze %dma_wait3A_680 : memref<1x200x64xf32, #tpu.memory_space<vmem>> -> memref<200x64xf32, #tpu.memory_space<vmem>>
          %dma_wait3A_682 = arith.constant 0 : i32
          %dma_wait3A_683 = arith.constant 0 : i32
          %dma_wait3A_684 = tpu.memref_slice %arg5[%mul3A_2, %dma_wait3A_682, %dma_wait3A_683] : memref<4096x200x64xf32, #tpu.memory_space<hbm>> -> memref<1x200x64xf32, #tpu.memory_space<hbm>>
          %dma_wait3A_685 = tpu.memref_squeeze %dma_wait3A_684 : memref<1x200x64xf32, #tpu.memory_space<hbm>> -> memref<200x64xf32, #tpu.memory_space<hbm>>
          %dma_wait3A_686 = tpu.memref_slice %arg10[%dma_wait3A_677] : memref<7x!tpu.dma_semaphore, #tpu.memory_space<semaphore_mem>> -> memref<1x!tpu.dma_semaphore, #tpu.memory_space<semaphore_mem>>
          %dma_wait3A_687 = tpu.memref_squeeze %dma_wait3A_686 : memref<1x!tpu.dma_semaphore, #tpu.memory_space<semaphore_mem>> -> memref<!tpu.dma_semaphore, #tpu.memory_space<semaphore_mem>>
          %dma_wait3A_688 = arith.constant 0 : i32
          %dma_wait3A_689 = arith.constant 0 : i32
          %dma_wait3A_690 = tpu.memref_slice %arg5[%mul3A_2, %dma_wait3A_688, %dma_wait3A_689] : memref<4096x200x64xf32, #tpu.memory_space<hbm>> -> memref<1x200x64xf32, #tpu.memory_space<hbm>>
          %dma_wait3A_691 = tpu.memref_squeeze %dma_wait3A_690 : memref<1x200x64xf32, #tpu.memory_space<hbm>> -> memref<200x64xf32, #tpu.memory_space<hbm>>
          %dma_wait3A_692 = arith.constant 0 : i32
          %dma_wait3A_693 = arith.constant 0 : i32
          %dma_wait3A_694 = tpu.memref_slice %arg8[%dma_wait3A_676, %dma_wait3A_692, %dma_wait3A_693] : memref<7x200x64xf32, #tpu.memory_space<vmem>> -> memref<1x200x64xf32, #tpu.memory_space<vmem>>
          %dma_wait3A_695 = tpu.memref_squeeze %dma_wait3A_694 : memref<1x200x64xf32, #tpu.memory_space<vmem>> -> memref<200x64xf32, #tpu.memory_space<vmem>>
          tpu.wait_dma2 semaphore(%dma_wait3A_687 : memref<!tpu.dma_semaphore, #tpu.memory_space<semaphore_mem>>) src(%dma_wait3A_695 : memref<200x64xf32, #tpu.memory_space<vmem>>) dst(%dma_wait3A_691 : memref<200x64xf32, #tpu.memory_space<hbm>>)
        } else {
        }
        %add3A_660 = arith.constant 4 : i32
        %add3A_661 = arith.addi %add3A_298, %add3A_660 : i32
        %dma_start3A_662 = arith.constant 4 : i32
        %dma_start3A_663 = arith.constant 4 : i32
        %dma_start3A_664 = arith.constant 0 : i32
        %dma_start3A_665 = arith.constant 0 : i32
        %dma_start3A_666 = tpu.memref_slice %arg8[%dma_start3A_662, %dma_start3A_664, %dma_start3A_665] : memref<7x200x64xf32, #tpu.memory_space<vmem>> -> memref<1x200x64xf32, #tpu.memory_space<vmem>>
        %dma_start3A_667 = tpu.memref_squeeze %dma_start3A_666 : memref<1x200x64xf32, #tpu.memory_space<vmem>> -> memref<200x64xf32, #tpu.memory_space<vmem>>
        %dma_start3A_668 = arith.constant 0 : i32
        %dma_start3A_669 = tpu.memref_slice %arg6[%add3A_661, %dma_start3A_668] : memref<128x200xi32, #tpu.memory_space<vmem>> -> memref<1x200xi32, #tpu.memory_space<vmem>>
        %dma_start3A_670 = tpu.memref_squeeze %dma_start3A_669 : memref<1x200xi32, #tpu.memory_space<vmem>> -> memref<200xi32, #tpu.memory_space<vmem>>
        %dma_start3A_671 = arith.constant 0 : i32
        %dma_start3A_672 = arith.constant 0 : i32
        %dma_start3A_673 = tpu.memref_slice %arg3[%dma_start3A_671, %dma_start3A_672] : memref<1000000x64xf32, #tpu.memory_space<hbm>> -> memref<1000000x64xf32, #tpu.memory_space<hbm>>
        %dma_start3A_674 = tpu.memref_slice %arg9[%dma_start3A_663] : memref<7x!tpu.dma_semaphore, #tpu.memory_space<semaphore_mem>> -> memref<1x!tpu.dma_semaphore, #tpu.memory_space<semaphore_mem>>
        %dma_start3A_675 = tpu.memref_squeeze %dma_start3A_674 : memref<1x!tpu.dma_semaphore, #tpu.memory_space<semaphore_mem>> -> memref<!tpu.dma_semaphore, #tpu.memory_space<semaphore_mem>>
        tpu.enqueue_indirect_dma source(%dma_start3A_673 : memref<1000000x64xf32, #tpu.memory_space<hbm>>) target(%dma_start3A_667 : memref<200x64xf32, #tpu.memory_space<vmem>>) offsets(%dma_start3A_670 : memref<200xi32, #tpu.memory_space<vmem>>) semaphore(%dma_start3A_675 : memref<!tpu.dma_semaphore, #tpu.memory_space<semaphore_mem>>)
      } else {
      }
      %dma_wait3A_301 = arith.constant 0 : i32
      %dma_wait3A_302 = arith.constant 0 : i32
      %dma_wait3A_303 = arith.constant 0 : i32
      %dma_wait3A_304 = arith.constant 0 : i32
      %dma_wait3A_305 = arith.constant 0 : i32
      %dma_wait3A_306 = tpu.memref_slice %arg8[%dma_wait3A_302, %dma_wait3A_304, %dma_wait3A_305] : memref<7x200x64xf32, #tpu.memory_space<vmem>> -> memref<1x200x64xf32, #tpu.memory_space<vmem>>
      %dma_wait3A_307 = tpu.memref_squeeze %dma_wait3A_306 : memref<1x200x64xf32, #tpu.memory_space<vmem>> -> memref<200x64xf32, #tpu.memory_space<vmem>>
      %dma_wait3A_308 = arith.constant 0 : i32
      %dma_wait3A_309 = tpu.memref_slice %arg6[%dma_wait3A_301, %dma_wait3A_308] : memref<128x200xi32, #tpu.memory_space<vmem>> -> memref<1x200xi32, #tpu.memory_space<vmem>>
      %dma_wait3A_310 = tpu.memref_squeeze %dma_wait3A_309 : memref<1x200xi32, #tpu.memory_space<vmem>> -> memref<200xi32, #tpu.memory_space<vmem>>
      %dma_wait3A_311 = arith.constant 0 : i32
      %dma_wait3A_312 = arith.constant 0 : i32
      %dma_wait3A_313 = tpu.memref_slice %arg3[%dma_wait3A_311, %dma_wait3A_312] : memref<1000000x64xf32, #tpu.memory_space<hbm>> -> memref<1000000x64xf32, #tpu.memory_space<hbm>>
      %dma_wait3A_314 = tpu.memref_slice %arg9[%dma_wait3A_303] : memref<7x!tpu.dma_semaphore, #tpu.memory_space<semaphore_mem>> -> memref<1x!tpu.dma_semaphore, #tpu.memory_space<semaphore_mem>>
      %dma_wait3A_315 = tpu.memref_squeeze %dma_wait3A_314 : memref<1x!tpu.dma_semaphore, #tpu.memory_space<semaphore_mem>> -> memref<!tpu.dma_semaphore, #tpu.memory_space<semaphore_mem>>
      tpu.wait_indirect_dma semaphore(%dma_wait3A_315 : memref<!tpu.dma_semaphore, #tpu.memory_space<semaphore_mem>>) src(%dma_wait3A_313 : memref<1000000x64xf32, #tpu.memory_space<hbm>>) dst(%dma_wait3A_307 : memref<200x64xf32, #tpu.memory_space<vmem>>)
      %scan3A_316 = arith.constant 0 : i32
      %scan3A_317 = arith.constant 0 : i32
      %scan3A_318 = arith.constant 0 : i32
      %scan3A_319 = arith.constant 200 : i32
      %scan3A_320 = arith.addi %scan3A_318, %scan3A_319 : i32
      %scan3A_321 = arith.constant 4 : i32
      scf.for %scan3A_656 = %scan3A_318 to %scan3A_320 step %scan3A_321  : i32 {
        %get3A = arith.constant 0 : i32
        %get3A_657 = arith.constant 0 : i32
        %get3A_658 = tpu.memref_slice %arg8[%scan3A_317, %get3A, %get3A_657] : memref<7x200x64xf32, #tpu.memory_space<vmem>> -> memref<1x200x64xf32, #tpu.memory_space<vmem>>
        %get3A_659 = tpu.memref_squeeze %get3A_658 : memref<1x200x64xf32, #tpu.memory_space<vmem>> -> memref<200x64xf32, #tpu.memory_space<vmem>>
        %get3A_660 = arith.index_cast %scan3A_656 : i32 to index
        %get3A_661 = arith.constant 0 : index
        %get3A_662 = tpu.vector_load %get3A_659[%get3A_660, %get3A_661] {strides = array<i32>} : memref<200x64xf32, #tpu.memory_space<vmem>>, vector<1x16xf32>,
        %get3A_663 = vector.shape_cast %get3A_662 : vector<1x16xf32> to vector<16xf32>
        %get3A_664 = arith.index_cast %scan3A_656 : i32 to index
        %get3A_665 = arith.constant 0 : index
        %get3A_666 = tpu.vector_load %arg7[%get3A_664, %get3A_665] {strides = array<i32>} : memref<200x64xf32, #tpu.memory_space<vmem>>, vector<1x16xf32>,
        %get3A_667 = vector.shape_cast %get3A_666 : vector<1x16xf32> to vector<16xf32>
        %add3A_668 = arith.addf %get3A_663, %get3A_667 : vector<16xf32>
        %swap3A = arith.constant 0 : i32
        %swap3A_669 = arith.constant 0 : i32
        %swap3A_670 = tpu.memref_slice %arg8[%scan3A_317, %swap3A, %swap3A_669] : memref<7x200x64xf32, #tpu.memory_space<vmem>> -> memref<1x200x64xf32, #tpu.memory_space<vmem>>
        %swap3A_671 = tpu.memref_squeeze %swap3A_670 : memref<1x200x64xf32, #tpu.memory_space<vmem>> -> memref<200x64xf32, #tpu.memory_space<vmem>>
        %swap3A_672 = arith.index_cast %scan3A_656 : i32 to index
        %swap3A_673 = arith.constant 0 : index
        %swap3A_674 = tpu.vector_load %swap3A_671[%swap3A_672, %swap3A_673] {strides = array<i32>} : memref<200x64xf32, #tpu.memory_space<vmem>>, vector<1x16xf32>,
        %swap3A_675 = vector.shape_cast %swap3A_674 : vector<1x16xf32> to vector<16xf32>
        %swap3A_676 = vector.shape_cast %add3A_668 : vector<16xf32> to vector<1x16xf32>
        tpu.vector_store %swap3A_671[%swap3A_672, %swap3A_673], %swap3A_676 {strides = array<i32>} : memref<200x64xf32, #tpu.memory_space<vmem>>, vector<1x16xf32>,
        %get3A_677 = arith.constant 0 : i32
        %get3A_678 = arith.constant 0 : i32
        %get3A_679 = tpu.memref_slice %arg8[%scan3A_317, %get3A_677, %get3A_678] : memref<7x200x64xf32, #tpu.memory_space<vmem>> -> memref<1x200x64xf32, #tpu.memory_space<vmem>>
        %get3A_680 = tpu.memref_squeeze %get3A_679 : memref<1x200x64xf32, #tpu.memory_space<vmem>> -> memref<200x64xf32, #tpu.memory_space<vmem>>
        %get3A_681 = arith.index_cast %scan3A_656 : i32 to index
        %get3A_682 = arith.constant 16 : index
        %get3A_683 = tpu.vector_load %get3A_680[%get3A_681, %get3A_682] {strides = array<i32>} : memref<200x64xf32, #tpu.memory_space<vmem>>, vector<1x16xf32>,
        %get3A_684 = vector.shape_cast %get3A_683 : vector<1x16xf32> to vector<16xf32>
        %get3A_685 = arith.index_cast %scan3A_656 : i32 to index
        %get3A_686 = arith.constant 16 : index
        %get3A_687 = tpu.vector_load %arg7[%get3A_685, %get3A_686] {strides = array<i32>} : memref<200x64xf32, #tpu.memory_space<vmem>>, vector<1x16xf32>,
        %get3A_688 = vector.shape_cast %get3A_687 : vector<1x16xf32> to vector<16xf32>
        %add3A_689 = arith.addf %get3A_684, %get3A_688 : vector<16xf32>
        %swap3A_690 = arith.constant 0 : i32
        %swap3A_691 = arith.constant 0 : i32
        %swap3A_692 = tpu.memref_slice %arg8[%scan3A_317, %swap3A_690, %swap3A_691] : memref<7x200x64xf32, #tpu.memory_space<vmem>> -> memref<1x200x64xf32, #tpu.memory_space<vmem>>
        %swap3A_693 = tpu.memref_squeeze %swap3A_692 : memref<1x200x64xf32, #tpu.memory_space<vmem>> -> memref<200x64xf32, #tpu.memory_space<vmem>>
        %swap3A_694 = arith.index_cast %scan3A_656 : i32 to index
        %swap3A_695 = arith.constant 16 : index
        %swap3A_696 = tpu.vector_load %swap3A_693[%swap3A_694, %swap3A_695] {strides = array<i32>} : memref<200x64xf32, #tpu.memory_space<vmem>>, vector<1x16xf32>,
        %swap3A_697 = vector.shape_cast %swap3A_696 : vector<1x16xf32> to vector<16xf32>
        %swap3A_698 = vector.shape_cast %add3A_689 : vector<16xf32> to vector<1x16xf32>
        tpu.vector_store %swap3A_693[%swap3A_694, %swap3A_695], %swap3A_698 {strides = array<i32>} : memref<200x64xf32, #tpu.memory_space<vmem>>, vector<1x16xf32>,
        %get3A_699 = arith.constant 0 : i32
        %get3A_700 = arith.constant 0 : i32
        %get3A_701 = tpu.memref_slice %arg8[%scan3A_317, %get3A_699, %get3A_700] : memref<7x200x64xf32, #tpu.memory_space<vmem>> -> memref<1x200x64xf32, #tpu.memory_space<vmem>>
        %get3A_702 = tpu.memref_squeeze %get3A_701 : memref<1x200x64xf32, #tpu.memory_space<vmem>> -> memref<200x64xf32, #tpu.memory_space<vmem>>
        %get3A_703 = arith.index_cast %scan3A_656 : i32 to index
        %get3A_704 = arith.constant 32 : index
        %get3A_705 = tpu.vector_load %get3A_702[%get3A_703, %get3A_704] {strides = array<i32>} : memref<200x64xf32, #tpu.memory_space<vmem>>, vector<1x16xf32>,
        %get3A_706 = vector.shape_cast %get3A_705 : vector<1x16xf32> to vector<16xf32>
        %get3A_707 = arith.index_cast %scan3A_656 : i32 to index
        %get3A_708 = arith.constant 32 : index
        %get3A_709 = tpu.vector_load %arg7[%get3A_707, %get3A_708] {strides = array<i32>} : memref<200x64xf32, #tpu.memory_space<vmem>>, vector<1x16xf32>,
        %get3A_710 = vector.shape_cast %get3A_709 : vector<1x16xf32> to vector<16xf32>
        %add3A_711 = arith.addf %get3A_706, %get3A_710 : vector<16xf32>
        %swap3A_712 = arith.constant 0 : i32
        %swap3A_713 = arith.constant 0 : i32
        %swap3A_714 = tpu.memref_slice %arg8[%scan3A_317, %swap3A_712, %swap3A_713] : memref<7x200x64xf32, #tpu.memory_space<vmem>> -> memref<1x200x64xf32, #tpu.memory_space<vmem>>
        %swap3A_715 = tpu.memref_squeeze %swap3A_714 : memref<1x200x64xf32, #tpu.memory_space<vmem>> -> memref<200x64xf32, #tpu.memory_space<vmem>>
        %swap3A_716 = arith.index_cast %scan3A_656 : i32 to index
        %swap3A_717 = arith.constant 32 : index
        %swap3A_718 = tpu.vector_load %swap3A_715[%swap3A_716, %swap3A_717] {strides = array<i32>} : memref<200x64xf32, #tpu.memory_space<vmem>>, vector<1x16xf32>,
        %swap3A_719 = vector.shape_cast %swap3A_718 : vector<1x16xf32> to vector<16xf32>
        %swap3A_720 = vector.shape_cast %add3A_711 : vector<16xf32> to vector<1x16xf32>
        tpu.vector_store %swap3A_715[%swap3A_716, %swap3A_717], %swap3A_720 {strides = array<i32>} : memref<200x64xf32, #tpu.memory_space<vmem>>, vector<1x16xf32>,
        %get3A_721 = arith.constant 0 : i32
        %get3A_722 = arith.constant 0 : i32
        %get3A_723 = tpu.memref_slice %arg8[%scan3A_317, %get3A_721, %get3A_722] : memref<7x200x64xf32, #tpu.memory_space<vmem>> -> memref<1x200x64xf32, #tpu.memory_space<vmem>>
        %get3A_724 = tpu.memref_squeeze %get3A_723 : memref<1x200x64xf32, #tpu.memory_space<vmem>> -> memref<200x64xf32, #tpu.memory_space<vmem>>
        %get3A_725 = arith.index_cast %scan3A_656 : i32 to index
        %get3A_726 = arith.constant 48 : index
        %get3A_727 = tpu.vector_load %get3A_724[%get3A_725, %get3A_726] {strides = array<i32>} : memref<200x64xf32, #tpu.memory_space<vmem>>, vector<1x16xf32>,
        %get3A_728 = vector.shape_cast %get3A_727 : vector<1x16xf32> to vector<16xf32>
        %get3A_729 = arith.index_cast %scan3A_656 : i32 to index
        %get3A_730 = arith.constant 48 : index
        %get3A_731 = tpu.vector_load %arg7[%get3A_729, %get3A_730] {strides = array<i32>} : memref<200x64xf32, #tpu.memory_space<vmem>>, vector<1x16xf32>,
        %get3A_732 = vector.shape_cast %get3A_731 : vector<1x16xf32> to vector<16xf32>
        %add3A_733 = arith.addf %get3A_728, %get3A_732 : vector<16xf32>
        %swap3A_734 = arith.constant 0 : i32
        %swap3A_735 = arith.constant 0 : i32
        %swap3A_736 = tpu.memref_slice %arg8[%scan3A_317, %swap3A_734, %swap3A_735] : memref<7x200x64xf32, #tpu.memory_space<vmem>> -> memref<1x200x64xf32, #tpu.memory_space<vmem>>
        %swap3A_737 = tpu.memref_squeeze %swap3A_736 : memref<1x200x64xf32, #tpu.memory_space<vmem>> -> memref<200x64xf32, #tpu.memory_space<vmem>>
        %swap3A_738 = arith.index_cast %scan3A_656 : i32 to index
        %swap3A_739 = arith.constant 48 : index
        %swap3A_740 = tpu.vector_load %swap3A_737[%swap3A_738, %swap3A_739] {strides = array<i32>} : memref<200x64xf32, #tpu.memory_space<vmem>>, vector<1x16xf32>,
        %swap3A_741 = vector.shape_cast %swap3A_740 : vector<1x16xf32> to vector<16xf32>
        %swap3A_742 = vector.shape_cast %add3A_733 : vector<16xf32> to vector<1x16xf32>
        tpu.vector_store %swap3A_737[%swap3A_738, %swap3A_739], %swap3A_742 {strides = array<i32>} : memref<200x64xf32, #tpu.memory_space<vmem>>, vector<1x16xf32>,
        %scan3A_743 = arith.constant 1 : i32
        %scan3A_744 = arith.addi %scan3A_656, %scan3A_743 : i32
        %get3A_745 = arith.constant 0 : i32
        %get3A_746 = arith.constant 0 : i32
        %get3A_747 = tpu.memref_slice %arg8[%scan3A_317, %get3A_745, %get3A_746] : memref<7x200x64xf32, #tpu.memory_space<vmem>> -> memref<1x200x64xf32, #tpu.memory_space<vmem>>
        %get3A_748 = tpu.memref_squeeze %get3A_747 : memref<1x200x64xf32, #tpu.memory_space<vmem>> -> memref<200x64xf32, #tpu.memory_space<vmem>>
        %get3A_749 = arith.index_cast %scan3A_744 : i32 to index
        %get3A_750 = arith.constant 0 : index
        %get3A_751 = tpu.vector_load %get3A_748[%get3A_749, %get3A_750] {strides = array<i32>} : memref<200x64xf32, #tpu.memory_space<vmem>>, vector<1x16xf32>,
        %get3A_752 = vector.shape_cast %get3A_751 : vector<1x16xf32> to vector<16xf32>
        %get3A_753 = arith.index_cast %scan3A_744 : i32 to index
        %get3A_754 = arith.constant 0 : index
        %get3A_755 = tpu.vector_load %arg7[%get3A_753, %get3A_754] {strides = array<i32>} : memref<200x64xf32, #tpu.memory_space<vmem>>, vector<1x16xf32>,
        %get3A_756 = vector.shape_cast %get3A_755 : vector<1x16xf32> to vector<16xf32>
        %add3A_757 = arith.addf %get3A_752, %get3A_756 : vector<16xf32>
        %swap3A_758 = arith.constant 0 : i32
        %swap3A_759 = arith.constant 0 : i32
        %swap3A_760 = tpu.memref_slice %arg8[%scan3A_317, %swap3A_758, %swap3A_759] : memref<7x200x64xf32, #tpu.memory_space<vmem>> -> memref<1x200x64xf32, #tpu.memory_space<vmem>>
        %swap3A_761 = tpu.memref_squeeze %swap3A_760 : memref<1x200x64xf32, #tpu.memory_space<vmem>> -> memref<200x64xf32, #tpu.memory_space<vmem>>
        %swap3A_762 = arith.index_cast %scan3A_744 : i32 to index
        %swap3A_763 = arith.constant 0 : index
        %swap3A_764 = tpu.vector_load %swap3A_761[%swap3A_762, %swap3A_763] {strides = array<i32>} : memref<200x64xf32, #tpu.memory_space<vmem>>, vector<1x16xf32>,
        %swap3A_765 = vector.shape_cast %swap3A_764 : vector<1x16xf32> to vector<16xf32>
        %swap3A_766 = vector.shape_cast %add3A_757 : vector<16xf32> to vector<1x16xf32>
        tpu.vector_store %swap3A_761[%swap3A_762, %swap3A_763], %swap3A_766 {strides = array<i32>} : memref<200x64xf32, #tpu.memory_space<vmem>>, vector<1x16xf32>,
        %get3A_767 = arith.constant 0 : i32
        %get3A_768 = arith.constant 0 : i32
        %get3A_769 = tpu.memref_slice %arg8[%scan3A_317, %get3A_767, %get3A_768] : memref<7x200x64xf32, #tpu.memory_space<vmem>> -> memref<1x200x64xf32, #tpu.memory_space<vmem>>
        %get3A_770 = tpu.memref_squeeze %get3A_769 : memref<1x200x64xf32, #tpu.memory_space<vmem>> -> memref<200x64xf32, #tpu.memory_space<vmem>>
        %get3A_771 = arith.index_cast %scan3A_744 : i32 to index
        %get3A_772 = arith.constant 16 : index
        %get3A_773 = tpu.vector_load %get3A_770[%get3A_771, %get3A_772] {strides = array<i32>} : memref<200x64xf32, #tpu.memory_space<vmem>>, vector<1x16xf32>,
        %get3A_774 = vector.shape_cast %get3A_773 : vector<1x16xf32> to vector<16xf32>
        %get3A_775 = arith.index_cast %scan3A_744 : i32 to index
        %get3A_776 = arith.constant 16 : index
        %get3A_777 = tpu.vector_load %arg7[%get3A_775, %get3A_776] {strides = array<i32>} : memref<200x64xf32, #tpu.memory_space<vmem>>, vector<1x16xf32>,
        %get3A_778 = vector.shape_cast %get3A_777 : vector<1x16xf32> to vector<16xf32>
        %add3A_779 = arith.addf %get3A_774, %get3A_778 : vector<16xf32>
        %swap3A_780 = arith.constant 0 : i32
        %swap3A_781 = arith.constant 0 : i32
        %swap3A_782 = tpu.memref_slice %arg8[%scan3A_317, %swap3A_780, %swap3A_781] : memref<7x200x64xf32, #tpu.memory_space<vmem>> -> memref<1x200x64xf32, #tpu.memory_space<vmem>>
        %swap3A_783 = tpu.memref_squeeze %swap3A_782 : memref<1x200x64xf32, #tpu.memory_space<vmem>> -> memref<200x64xf32, #tpu.memory_space<vmem>>
        %swap3A_784 = arith.index_cast %scan3A_744 : i32 to index
        %swap3A_785 = arith.constant 16 : index
        %swap3A_786 = tpu.vector_load %swap3A_783[%swap3A_784, %swap3A_785] {strides = array<i32>} : memref<200x64xf32, #tpu.memory_space<vmem>>, vector<1x16xf32>,
        %swap3A_787 = vector.shape_cast %swap3A_786 : vector<1x16xf32> to vector<16xf32>
        %swap3A_788 = vector.shape_cast %add3A_779 : vector<16xf32> to vector<1x16xf32>
        tpu.vector_store %swap3A_783[%swap3A_784, %swap3A_785], %swap3A_788 {strides = array<i32>} : memref<200x64xf32, #tpu.memory_space<vmem>>, vector<1x16xf32>,
        %get3A_789 = arith.constant 0 : i32
        %get3A_790 = arith.constant 0 : i32
        %get3A_791 = tpu.memref_slice %arg8[%scan3A_317, %get3A_789, %get3A_790] : memref<7x200x64xf32, #tpu.memory_space<vmem>> -> memref<1x200x64xf32, #tpu.memory_space<vmem>>
        %get3A_792 = tpu.memref_squeeze %get3A_791 : memref<1x200x64xf32, #tpu.memory_space<vmem>> -> memref<200x64xf32, #tpu.memory_space<vmem>>
        %get3A_793 = arith.index_cast %scan3A_744 : i32 to index
        %get3A_794 = arith.constant 32 : index
        %get3A_795 = tpu.vector_load %get3A_792[%get3A_793, %get3A_794] {strides = array<i32>} : memref<200x64xf32, #tpu.memory_space<vmem>>, vector<1x16xf32>,
        %get3A_796 = vector.shape_cast %get3A_795 : vector<1x16xf32> to vector<16xf32>
        %get3A_797 = arith.index_cast %scan3A_744 : i32 to index
        %get3A_798 = arith.constant 32 : index
        %get3A_799 = tpu.vector_load %arg7[%get3A_797, %get3A_798] {strides = array<i32>} : memref<200x64xf32, #tpu.memory_space<vmem>>, vector<1x16xf32>,
        %get3A_800 = vector.shape_cast %get3A_799 : vector<1x16xf32> to vector<16xf32>
        %add3A_801 = arith.addf %get3A_796, %get3A_800 : vector<16xf32>
        %swap3A_802 = arith.constant 0 : i32
        %swap3A_803 = arith.constant 0 : i32
        %swap3A_804 = tpu.memref_slice %arg8[%scan3A_317, %swap3A_802, %swap3A_803] : memref<7x200x64xf32, #tpu.memory_space<vmem>> -> memref<1x200x64xf32, #tpu.memory_space<vmem>>
        %swap3A_805 = tpu.memref_squeeze %swap3A_804 : memref<1x200x64xf32, #tpu.memory_space<vmem>> -> memref<200x64xf32, #tpu.memory_space<vmem>>
        %swap3A_806 = arith.index_cast %scan3A_744 : i32 to index
        %swap3A_807 = arith.constant 32 : index
        %swap3A_808 = tpu.vector_load %swap3A_805[%swap3A_806, %swap3A_807] {strides = array<i32>} : memref<200x64xf32, #tpu.memory_space<vmem>>, vector<1x16xf32>,
        %swap3A_809 = vector.shape_cast %swap3A_808 : vector<1x16xf32> to vector<16xf32>
        %swap3A_810 = vector.shape_cast %add3A_801 : vector<16xf32> to vector<1x16xf32>
        tpu.vector_store %swap3A_805[%swap3A_806, %swap3A_807], %swap3A_810 {strides = array<i32>} : memref<200x64xf32, #tpu.memory_space<vmem>>, vector<1x16xf32>,
        %get3A_811 = arith.constant 0 : i32
        %get3A_812 = arith.constant 0 : i32
        %get3A_813 = tpu.memref_slice %arg8[%scan3A_317, %get3A_811, %get3A_812] : memref<7x200x64xf32, #tpu.memory_space<vmem>> -> memref<1x200x64xf32, #tpu.memory_space<vmem>>
        %get3A_814 = tpu.memref_squeeze %get3A_813 : memref<1x200x64xf32, #tpu.memory_space<vmem>> -> memref<200x64xf32, #tpu.memory_space<vmem>>
        %get3A_815 = arith.index_cast %scan3A_744 : i32 to index
        %get3A_816 = arith.constant 48 : index
        %get3A_817 = tpu.vector_load %get3A_814[%get3A_815, %get3A_816] {strides = array<i32>} : memref<200x64xf32, #tpu.memory_space<vmem>>, vector<1x16xf32>,
        %get3A_818 = vector.shape_cast %get3A_817 : vector<1x16xf32> to vector<16xf32>
        %get3A_819 = arith.index_cast %scan3A_744 : i32 to index
        %get3A_820 = arith.constant 48 : index
        %get3A_821 = tpu.vector_load %arg7[%get3A_819, %get3A_820] {strides = array<i32>} : memref<200x64xf32, #tpu.memory_space<vmem>>, vector<1x16xf32>,
        %get3A_822 = vector.shape_cast %get3A_821 : vector<1x16xf32> to vector<16xf32>
        %add3A_823 = arith.addf %get3A_818, %get3A_822 : vector<16xf32>
        %swap3A_824 = arith.constant 0 : i32
        %swap3A_825 = arith.constant 0 : i32
        %swap3A_826 = tpu.memref_slice %arg8[%scan3A_317, %swap3A_824, %swap3A_825] : memref<7x200x64xf32, #tpu.memory_space<vmem>> -> memref<1x200x64xf32, #tpu.memory_space<vmem>>
        %swap3A_827 = tpu.memref_squeeze %swap3A_826 : memref<1x200x64xf32, #tpu.memory_space<vmem>> -> memref<200x64xf32, #tpu.memory_space<vmem>>
        %swap3A_828 = arith.index_cast %scan3A_744 : i32 to index
        %swap3A_829 = arith.constant 48 : index
        %swap3A_830 = tpu.vector_load %swap3A_827[%swap3A_828, %swap3A_829] {strides = array<i32>} : memref<200x64xf32, #tpu.memory_space<vmem>>, vector<1x16xf32>,
        %swap3A_831 = vector.shape_cast %swap3A_830 : vector<1x16xf32> to vector<16xf32>
        %swap3A_832 = vector.shape_cast %add3A_823 : vector<16xf32> to vector<1x16xf32>
        tpu.vector_store %swap3A_827[%swap3A_828, %swap3A_829], %swap3A_832 {strides = array<i32>} : memref<200x64xf32, #tpu.memory_space<vmem>>, vector<1x16xf32>,
        %scan3A_833 = arith.constant 2 : i32
        %scan3A_834 = arith.addi %scan3A_656, %scan3A_833 : i32
        %get3A_835 = arith.constant 0 : i32
        %get3A_836 = arith.constant 0 : i32
        %get3A_837 = tpu.memref_slice %arg8[%scan3A_317, %get3A_835, %get3A_836] : memref<7x200x64xf32, #tpu.memory_space<vmem>> -> memref<1x200x64xf32, #tpu.memory_space<vmem>>
        %get3A_838 = tpu.memref_squeeze %get3A_837 : memref<1x200x64xf32, #tpu.memory_space<vmem>> -> memref<200x64xf32, #tpu.memory_space<vmem>>
        %get3A_839 = arith.index_cast %scan3A_834 : i32 to index
        %get3A_840 = arith.constant 0 : index
        %get3A_841 = tpu.vector_load %get3A_838[%get3A_839, %get3A_840] {strides = array<i32>} : memref<200x64xf32, #tpu.memory_space<vmem>>, vector<1x16xf32>,
        %get3A_842 = vector.shape_cast %get3A_841 : vector<1x16xf32> to vector<16xf32>
        %get3A_843 = arith.index_cast %scan3A_834 : i32 to index
        %get3A_844 = arith.constant 0 : index
        %get3A_845 = tpu.vector_load %arg7[%get3A_843, %get3A_844] {strides = array<i32>} : memref<200x64xf32, #tpu.memory_space<vmem>>, vector<1x16xf32>,
        %get3A_846 = vector.shape_cast %get3A_845 : vector<1x16xf32> to vector<16xf32>
        %add3A_847 = arith.addf %get3A_842, %get3A_846 : vector<16xf32>
        %swap3A_848 = arith.constant 0 : i32
        %swap3A_849 = arith.constant 0 : i32
        %swap3A_850 = tpu.memref_slice %arg8[%scan3A_317, %swap3A_848, %swap3A_849] : memref<7x200x64xf32, #tpu.memory_space<vmem>> -> memref<1x200x64xf32, #tpu.memory_space<vmem>>
        %swap3A_851 = tpu.memref_squeeze %swap3A_850 : memref<1x200x64xf32, #tpu.memory_space<vmem>> -> memref<200x64xf32, #tpu.memory_space<vmem>>
        %swap3A_852 = arith.index_cast %scan3A_834 : i32 to index
        %swap3A_853 = arith.constant 0 : index
        %swap3A_854 = tpu.vector_load %swap3A_851[%swap3A_852, %swap3A_853] {strides = array<i32>} : memref<200x64xf32, #tpu.memory_space<vmem>>, vector<1x16xf32>,
        %swap3A_855 = vector.shape_cast %swap3A_854 : vector<1x16xf32> to vector<16xf32>
        %swap3A_856 = vector.shape_cast %add3A_847 : vector<16xf32> to vector<1x16xf32>
        tpu.vector_store %swap3A_851[%swap3A_852, %swap3A_853], %swap3A_856 {strides = array<i32>} : memref<200x64xf32, #tpu.memory_space<vmem>>, vector<1x16xf32>,
        %get3A_857 = arith.constant 0 : i32
        %get3A_858 = arith.constant 0 : i32
        %get3A_859 = tpu.memref_slice %arg8[%scan3A_317, %get3A_857, %get3A_858] : memref<7x200x64xf32, #tpu.memory_space<vmem>> -> memref<1x200x64xf32, #tpu.memory_space<vmem>>
        %get3A_860 = tpu.memref_squeeze %get3A_859 : memref<1x200x64xf32, #tpu.memory_space<vmem>> -> memref<200x64xf32, #tpu.memory_space<vmem>>
        %get3A_861 = arith.index_cast %scan3A_834 : i32 to index
        %get3A_862 = arith.constant 16 : index
        %get3A_863 = tpu.vector_load %get3A_860[%get3A_861, %get3A_862] {strides = array<i32>} : memref<200x64xf32, #tpu.memory_space<vmem>>, vector<1x16xf32>,
        %get3A_864 = vector.shape_cast %get3A_863 : vector<1x16xf32> to vector<16xf32>
        %get3A_865 = arith.index_cast %scan3A_834 : i32 to index
        %get3A_866 = arith.constant 16 : index
        %get3A_867 = tpu.vector_load %arg7[%get3A_865, %get3A_866] {strides = array<i32>} : memref<200x64xf32, #tpu.memory_space<vmem>>, vector<1x16xf32>,
        %get3A_868 = vector.shape_cast %get3A_867 : vector<1x16xf32> to vector<16xf32>
        %add3A_869 = arith.addf %get3A_864, %get3A_868 : vector<16xf32>
        %swap3A_870 = arith.constant 0 : i32
        %swap3A_871 = arith.constant 0 : i32
        %swap3A_872 = tpu.memref_slice %arg8[%scan3A_317, %swap3A_870, %swap3A_871] : memref<7x200x64xf32, #tpu.memory_space<vmem>> -> memref<1x200x64xf32, #tpu.memory_space<vmem>>
        %swap3A_873 = tpu.memref_squeeze %swap3A_872 : memref<1x200x64xf32, #tpu.memory_space<vmem>> -> memref<200x64xf32, #tpu.memory_space<vmem>>
        %swap3A_874 = arith.index_cast %scan3A_834 : i32 to index
        %swap3A_875 = arith.constant 16 : index
        %swap3A_876 = tpu.vector_load %swap3A_873[%swap3A_874, %swap3A_875] {strides = array<i32>} : memref<200x64xf32, #tpu.memory_space<vmem>>, vector<1x16xf32>,
        %swap3A_877 = vector.shape_cast %swap3A_876 : vector<1x16xf32> to vector<16xf32>
        %swap3A_878 = vector.shape_cast %add3A_869 : vector<16xf32> to vector<1x16xf32>
        tpu.vector_store %swap3A_873[%swap3A_874, %swap3A_875], %swap3A_878 {strides = array<i32>} : memref<200x64xf32, #tpu.memory_space<vmem>>, vector<1x16xf32>,
        %get3A_879 = arith.constant 0 : i32
        %get3A_880 = arith.constant 0 : i32
        %get3A_881 = tpu.memref_slice %arg8[%scan3A_317, %get3A_879, %get3A_880] : memref<7x200x64xf32, #tpu.memory_space<vmem>> -> memref<1x200x64xf32, #tpu.memory_space<vmem>>
        %get3A_882 = tpu.memref_squeeze %get3A_881 : memref<1x200x64xf32, #tpu.memory_space<vmem>> -> memref<200x64xf32, #tpu.memory_space<vmem>>
        %get3A_883 = arith.index_cast %scan3A_834 : i32 to index
        %get3A_884 = arith.constant 32 : index
        %get3A_885 = tpu.vector_load %get3A_882[%get3A_883, %get3A_884] {strides = array<i32>} : memref<200x64xf32, #tpu.memory_space<vmem>>, vector<1x16xf32>,
        %get3A_886 = vector.shape_cast %get3A_885 : vector<1x16xf32> to vector<16xf32>
        %get3A_887 = arith.index_cast %scan3A_834 : i32 to index
        %get3A_888 = arith.constant 32 : index
        %get3A_889 = tpu.vector_load %arg7[%get3A_887, %get3A_888] {strides = array<i32>} : memref<200x64xf32, #tpu.memory_space<vmem>>, vector<1x16xf32>,
        %get3A_890 = vector.shape_cast %get3A_889 : vector<1x16xf32> to vector<16xf32>
        %add3A_891 = arith.addf %get3A_886, %get3A_890 : vector<16xf32>
        %swap3A_892 = arith.constant 0 : i32
        %swap3A_893 = arith.constant 0 : i32
        %swap3A_894 = tpu.memref_slice %arg8[%scan3A_317, %swap3A_892, %swap3A_893] : memref<7x200x64xf32, #tpu.memory_space<vmem>> -> memref<1x200x64xf32, #tpu.memory_space<vmem>>
        %swap3A_895 = tpu.memref_squeeze %swap3A_894 : memref<1x200x64xf32, #tpu.memory_space<vmem>> -> memref<200x64xf32, #tpu.memory_space<vmem>>
        %swap3A_896 = arith.index_cast %scan3A_834 : i32 to index
        %swap3A_897 = arith.constant 32 : index
        %swap3A_898 = tpu.vector_load %swap3A_895[%swap3A_896, %swap3A_897] {strides = array<i32>} : memref<200x64xf32, #tpu.memory_space<vmem>>, vector<1x16xf32>,
        %swap3A_899 = vector.shape_cast %swap3A_898 : vector<1x16xf32> to vector<16xf32>
        %swap3A_900 = vector.shape_cast %add3A_891 : vector<16xf32> to vector<1x16xf32>
        tpu.vector_store %swap3A_895[%swap3A_896, %swap3A_897], %swap3A_900 {strides = array<i32>} : memref<200x64xf32, #tpu.memory_space<vmem>>, vector<1x16xf32>,
        %get3A_901 = arith.constant 0 : i32
        %get3A_902 = arith.constant 0 : i32
        %get3A_903 = tpu.memref_slice %arg8[%scan3A_317, %get3A_901, %get3A_902] : memref<7x200x64xf32, #tpu.memory_space<vmem>> -> memref<1x200x64xf32, #tpu.memory_space<vmem>>
        %get3A_904 = tpu.memref_squeeze %get3A_903 : memref<1x200x64xf32, #tpu.memory_space<vmem>> -> memref<200x64xf32, #tpu.memory_space<vmem>>
        %get3A_905 = arith.index_cast %scan3A_834 : i32 to index
        %get3A_906 = arith.constant 48 : index
        %get3A_907 = tpu.vector_load %get3A_904[%get3A_905, %get3A_906] {strides = array<i32>} : memref<200x64xf32, #tpu.memory_space<vmem>>, vector<1x16xf32>,
        %get3A_908 = vector.shape_cast %get3A_907 : vector<1x16xf32> to vector<16xf32>
        %get3A_909 = arith.index_cast %scan3A_834 : i32 to index
        %get3A_910 = arith.constant 48 : index
        %get3A_911 = tpu.vector_load %arg7[%get3A_909, %get3A_910] {strides = array<i32>} : memref<200x64xf32, #tpu.memory_space<vmem>>, vector<1x16xf32>,
        %get3A_912 = vector.shape_cast %get3A_911 : vector<1x16xf32> to vector<16xf32>
        %add3A_913 = arith.addf %get3A_908, %get3A_912 : vector<16xf32>
        %swap3A_914 = arith.constant 0 : i32
        %swap3A_915 = arith.constant 0 : i32
        %swap3A_916 = tpu.memref_slice %arg8[%scan3A_317, %swap3A_914, %swap3A_915] : memref<7x200x64xf32, #tpu.memory_space<vmem>> -> memref<1x200x64xf32, #tpu.memory_space<vmem>>
        %swap3A_917 = tpu.memref_squeeze %swap3A_916 : memref<1x200x64xf32, #tpu.memory_space<vmem>> -> memref<200x64xf32, #tpu.memory_space<vmem>>
        %swap3A_918 = arith.index_cast %scan3A_834 : i32 to index
        %swap3A_919 = arith.constant 48 : index
        %swap3A_920 = tpu.vector_load %swap3A_917[%swap3A_918, %swap3A_919] {strides = array<i32>} : memref<200x64xf32, #tpu.memory_space<vmem>>, vector<1x16xf32>,
        %swap3A_921 = vector.shape_cast %swap3A_920 : vector<1x16xf32> to vector<16xf32>
        %swap3A_922 = vector.shape_cast %add3A_913 : vector<16xf32> to vector<1x16xf32>
        tpu.vector_store %swap3A_917[%swap3A_918, %swap3A_919], %swap3A_922 {strides = array<i32>} : memref<200x64xf32, #tpu.memory_space<vmem>>, vector<1x16xf32>,
        %scan3A_923 = arith.constant 3 : i32
        %scan3A_924 = arith.addi %scan3A_656, %scan3A_923 : i32
        %get3A_925 = arith.constant 0 : i32
        %get3A_926 = arith.constant 0 : i32
        %get3A_927 = tpu.memref_slice %arg8[%scan3A_317, %get3A_925, %get3A_926] : memref<7x200x64xf32, #tpu.memory_space<vmem>> -> memref<1x200x64xf32, #tpu.memory_space<vmem>>
        %get3A_928 = tpu.memref_squeeze %get3A_927 : memref<1x200x64xf32, #tpu.memory_space<vmem>> -> memref<200x64xf32, #tpu.memory_space<vmem>>
        %get3A_929 = arith.index_cast %scan3A_924 : i32 to index
        %get3A_930 = arith.constant 0 : index
        %get3A_931 = tpu.vector_load %get3A_928[%get3A_929, %get3A_930] {strides = array<i32>} : memref<200x64xf32, #tpu.memory_space<vmem>>, vector<1x16xf32>,
        %get3A_932 = vector.shape_cast %get3A_931 : vector<1x16xf32> to vector<16xf32>
        %get3A_933 = arith.index_cast %scan3A_924 : i32 to index
        %get3A_934 = arith.constant 0 : index
        %get3A_935 = tpu.vector_load %arg7[%get3A_933, %get3A_934] {strides = array<i32>} : memref<200x64xf32, #tpu.memory_space<vmem>>, vector<1x16xf32>,
        %get3A_936 = vector.shape_cast %get3A_935 : vector<1x16xf32> to vector<16xf32>
        %add3A_937 = arith.addf %get3A_932, %get3A_936 : vector<16xf32>
        %swap3A_938 = arith.constant 0 : i32
        %swap3A_939 = arith.constant 0 : i32
        %swap3A_940 = tpu.memref_slice %arg8[%scan3A_317, %swap3A_938, %swap3A_939] : memref<7x200x64xf32, #tpu.memory_space<vmem>> -> memref<1x200x64xf32, #tpu.memory_space<vmem>>
        %swap3A_941 = tpu.memref_squeeze %swap3A_940 : memref<1x200x64xf32, #tpu.memory_space<vmem>> -> memref<200x64xf32, #tpu.memory_space<vmem>>
        %swap3A_942 = arith.index_cast %scan3A_924 : i32 to index
        %swap3A_943 = arith.constant 0 : index
        %swap3A_944 = tpu.vector_load %swap3A_941[%swap3A_942, %swap3A_943] {strides = array<i32>} : memref<200x64xf32, #tpu.memory_space<vmem>>, vector<1x16xf32>,
        %swap3A_945 = vector.shape_cast %swap3A_944 : vector<1x16xf32> to vector<16xf32>
        %swap3A_946 = vector.shape_cast %add3A_937 : vector<16xf32> to vector<1x16xf32>
        tpu.vector_store %swap3A_941[%swap3A_942, %swap3A_943], %swap3A_946 {strides = array<i32>} : memref<200x64xf32, #tpu.memory_space<vmem>>, vector<1x16xf32>,
        %get3A_947 = arith.constant 0 : i32
        %get3A_948 = arith.constant 0 : i32
        %get3A_949 = tpu.memref_slice %arg8[%scan3A_317, %get3A_947, %get3A_948] : memref<7x200x64xf32, #tpu.memory_space<vmem>> -> memref<1x200x64xf32, #tpu.memory_space<vmem>>
        %get3A_950 = tpu.memref_squeeze %get3A_949 : memref<1x200x64xf32, #tpu.memory_space<vmem>> -> memref<200x64xf32, #tpu.memory_space<vmem>>
        %get3A_951 = arith.index_cast %scan3A_924 : i32 to index
        %get3A_952 = arith.constant 16 : index
        %get3A_953 = tpu.vector_load %get3A_950[%get3A_951, %get3A_952] {strides = array<i32>} : memref<200x64xf32, #tpu.memory_space<vmem>>, vector<1x16xf32>,
        %get3A_954 = vector.shape_cast %get3A_953 : vector<1x16xf32> to vector<16xf32>
        %get3A_955 = arith.index_cast %scan3A_924 : i32 to index
        %get3A_956 = arith.constant 16 : index
        %get3A_957 = tpu.vector_load %arg7[%get3A_955, %get3A_956] {strides = array<i32>} : memref<200x64xf32, #tpu.memory_space<vmem>>, vector<1x16xf32>,
        %get3A_958 = vector.shape_cast %get3A_957 : vector<1x16xf32> to vector<16xf32>
        %add3A_959 = arith.addf %get3A_954, %get3A_958 : vector<16xf32>
        %swap3A_960 = arith.constant 0 : i32
        %swap3A_961 = arith.constant 0 : i32
        %swap3A_962 = tpu.memref_slice %arg8[%scan3A_317, %swap3A_960, %swap3A_961] : memref<7x200x64xf32, #tpu.memory_space<vmem>> -> memref<1x200x64xf32, #tpu.memory_space<vmem>>
        %swap3A_963 = tpu.memref_squeeze %swap3A_962 : memref<1x200x64xf32, #tpu.memory_space<vmem>> -> memref<200x64xf32, #tpu.memory_space<vmem>>
        %swap3A_964 = arith.index_cast %scan3A_924 : i32 to index
        %swap3A_965 = arith.constant 16 : index
        %swap3A_966 = tpu.vector_load %swap3A_963[%swap3A_964, %swap3A_965] {strides = array<i32>} : memref<200x64xf32, #tpu.memory_space<vmem>>, vector<1x16xf32>,
        %swap3A_967 = vector.shape_cast %swap3A_966 : vector<1x16xf32> to vector<16xf32>
        %swap3A_968 = vector.shape_cast %add3A_959 : vector<16xf32> to vector<1x16xf32>
        tpu.vector_store %swap3A_963[%swap3A_964, %swap3A_965], %swap3A_968 {strides = array<i32>} : memref<200x64xf32, #tpu.memory_space<vmem>>, vector<1x16xf32>,
        %get3A_969 = arith.constant 0 : i32
        %get3A_970 = arith.constant 0 : i32
        %get3A_971 = tpu.memref_slice %arg8[%scan3A_317, %get3A_969, %get3A_970] : memref<7x200x64xf32, #tpu.memory_space<vmem>> -> memref<1x200x64xf32, #tpu.memory_space<vmem>>
        %get3A_972 = tpu.memref_squeeze %get3A_971 : memref<1x200x64xf32, #tpu.memory_space<vmem>> -> memref<200x64xf32, #tpu.memory_space<vmem>>
        %get3A_973 = arith.index_cast %scan3A_924 : i32 to index
        %get3A_974 = arith.constant 32 : index
        %get3A_975 = tpu.vector_load %get3A_972[%get3A_973, %get3A_974] {strides = array<i32>} : memref<200x64xf32, #tpu.memory_space<vmem>>, vector<1x16xf32>,
        %get3A_976 = vector.shape_cast %get3A_975 : vector<1x16xf32> to vector<16xf32>
        %get3A_977 = arith.index_cast %scan3A_924 : i32 to index
        %get3A_978 = arith.constant 32 : index
        %get3A_979 = tpu.vector_load %arg7[%get3A_977, %get3A_978] {strides = array<i32>} : memref<200x64xf32, #tpu.memory_space<vmem>>, vector<1x16xf32>,
        %get3A_980 = vector.shape_cast %get3A_979 : vector<1x16xf32> to vector<16xf32>
        %add3A_981 = arith.addf %get3A_976, %get3A_980 : vector<16xf32>
        %swap3A_982 = arith.constant 0 : i32
        %swap3A_983 = arith.constant 0 : i32
        %swap3A_984 = tpu.memref_slice %arg8[%scan3A_317, %swap3A_982, %swap3A_983] : memref<7x200x64xf32, #tpu.memory_space<vmem>> -> memref<1x200x64xf32, #tpu.memory_space<vmem>>
        %swap3A_985 = tpu.memref_squeeze %swap3A_984 : memref<1x200x64xf32, #tpu.memory_space<vmem>> -> memref<200x64xf32, #tpu.memory_space<vmem>>
        %swap3A_986 = arith.index_cast %scan3A_924 : i32 to index
        %swap3A_987 = arith.constant 32 : index
        %swap3A_988 = tpu.vector_load %swap3A_985[%swap3A_986, %swap3A_987] {strides = array<i32>} : memref<200x64xf32, #tpu.memory_space<vmem>>, vector<1x16xf32>,
        %swap3A_989 = vector.shape_cast %swap3A_988 : vector<1x16xf32> to vector<16xf32>
        %swap3A_990 = vector.shape_cast %add3A_981 : vector<16xf32> to vector<1x16xf32>
        tpu.vector_store %swap3A_985[%swap3A_986, %swap3A_987], %swap3A_990 {strides = array<i32>} : memref<200x64xf32, #tpu.memory_space<vmem>>, vector<1x16xf32>,
        %get3A_991 = arith.constant 0 : i32
        %get3A_992 = arith.constant 0 : i32
        %get3A_993 = tpu.memref_slice %arg8[%scan3A_317, %get3A_991, %get3A_992] : memref<7x200x64xf32, #tpu.memory_space<vmem>> -> memref<1x200x64xf32, #tpu.memory_space<vmem>>
        %get3A_994 = tpu.memref_squeeze %get3A_993 : memref<1x200x64xf32, #tpu.memory_space<vmem>> -> memref<200x64xf32, #tpu.memory_space<vmem>>
        %get3A_995 = arith.index_cast %scan3A_924 : i32 to index
        %get3A_996 = arith.constant 48 : index
        %get3A_997 = tpu.vector_load %get3A_994[%get3A_995, %get3A_996] {strides = array<i32>} : memref<200x64xf32, #tpu.memory_space<vmem>>, vector<1x16xf32>,
        %get3A_998 = vector.shape_cast %get3A_997 : vector<1x16xf32> to vector<16xf32>
        %get3A_999 = arith.index_cast %scan3A_924 : i32 to index
        %get3A_1000 = arith.constant 48 : index
        %get3A_1001 = tpu.vector_load %arg7[%get3A_999, %get3A_1000] {strides = array<i32>} : memref<200x64xf32, #tpu.memory_space<vmem>>, vector<1x16xf32>,
        %get3A_1002 = vector.shape_cast %get3A_1001 : vector<1x16xf32> to vector<16xf32>
        %add3A_1003 = arith.addf %get3A_998, %get3A_1002 : vector<16xf32>
        %swap3A_1004 = arith.constant 0 : i32
        %swap3A_1005 = arith.constant 0 : i32
        %swap3A_1006 = tpu.memref_slice %arg8[%scan3A_317, %swap3A_1004, %swap3A_1005] : memref<7x200x64xf32, #tpu.memory_space<vmem>> -> memref<1x200x64xf32, #tpu.memory_space<vmem>>
        %swap3A_1007 = tpu.memref_squeeze %swap3A_1006 : memref<1x200x64xf32, #tpu.memory_space<vmem>> -> memref<200x64xf32, #tpu.memory_space<vmem>>
        %swap3A_1008 = arith.index_cast %scan3A_924 : i32 to index
        %swap3A_1009 = arith.constant 48 : index
        %swap3A_1010 = tpu.vector_load %swap3A_1007[%swap3A_1008, %swap3A_1009] {strides = array<i32>} : memref<200x64xf32, #tpu.memory_space<vmem>>, vector<1x16xf32>,
        %swap3A_1011 = vector.shape_cast %swap3A_1010 : vector<1x16xf32> to vector<16xf32>
        %swap3A_1012 = vector.shape_cast %add3A_1003 : vector<16xf32> to vector<1x16xf32>
        tpu.vector_store %swap3A_1007[%swap3A_1008, %swap3A_1009], %swap3A_1012 {strides = array<i32>} : memref<200x64xf32, #tpu.memory_space<vmem>>, vector<1x16xf32>,
      }
      %scan3A_322 = arith.constant 200 : i32
      %add3A_323 = arith.addi %mul3A_2, %add3A_298 : i32
      %dma_start3A_324 = arith.constant 0 : i32
      %dma_start3A_325 = arith.constant 0 : i32
      %dma_start3A_326 = arith.constant 0 : i32
      %dma_start3A_327 = arith.constant 0 : i32
      %dma_start3A_328 = tpu.memref_slice %arg8[%dma_start3A_324, %dma_start3A_326, %dma_start3A_327] : memref<7x200x64xf32, #tpu.memory_space<vmem>> -> memref<1x200x64xf32, #tpu.memory_space<vmem>>
      %dma_start3A_329 = tpu.memref_squeeze %dma_start3A_328 : memref<1x200x64xf32, #tpu.memory_space<vmem>> -> memref<200x64xf32, #tpu.memory_space<vmem>>
      %dma_start3A_330 = arith.constant 0 : i32
      %dma_start3A_331 = arith.constant 0 : i32
      %dma_start3A_332 = tpu.memref_slice %arg5[%add3A_323, %dma_start3A_330, %dma_start3A_331] : memref<4096x200x64xf32, #tpu.memory_space<hbm>> -> memref<1x200x64xf32, #tpu.memory_space<hbm>>
      %dma_start3A_333 = tpu.memref_squeeze %dma_start3A_332 : memref<1x200x64xf32, #tpu.memory_space<hbm>> -> memref<200x64xf32, #tpu.memory_space<hbm>>
      %dma_start3A_334 = tpu.memref_slice %arg10[%dma_start3A_325] : memref<7x!tpu.dma_semaphore, #tpu.memory_space<semaphore_mem>> -> memref<1x!tpu.dma_semaphore, #tpu.memory_space<semaphore_mem>>
      %dma_start3A_335 = tpu.memref_squeeze %dma_start3A_334 : memref<1x!tpu.dma_semaphore, #tpu.memory_space<semaphore_mem>> -> memref<!tpu.dma_semaphore, #tpu.memory_space<semaphore_mem>>
      %dma_start3A_336 = arith.constant 0 : i32
      %dma_start3A_337 = arith.constant 0 : i32
      %dma_start3A_338 = tpu.memref_slice %arg5[%add3A_323, %dma_start3A_336, %dma_start3A_337] : memref<4096x200x64xf32, #tpu.memory_space<hbm>> -> memref<1x200x64xf32, #tpu.memory_space<hbm>>
      %dma_start3A_339 = tpu.memref_squeeze %dma_start3A_338 : memref<1x200x64xf32, #tpu.memory_space<hbm>> -> memref<200x64xf32, #tpu.memory_space<hbm>>
      %dma_start3A_340 = arith.constant 0 : i32
      %dma_start3A_341 = arith.constant 0 : i32
      %dma_start3A_342 = tpu.memref_slice %arg8[%dma_start3A_324, %dma_start3A_340, %dma_start3A_341] : memref<7x200x64xf32, #tpu.memory_space<vmem>> -> memref<1x200x64xf32, #tpu.memory_space<vmem>>
      %dma_start3A_343 = tpu.memref_squeeze %dma_start3A_342 : memref<1x200x64xf32, #tpu.memory_space<vmem>> -> memref<200x64xf32, #tpu.memory_space<vmem>>
      tpu.enqueue_dma source(%dma_start3A_343 : memref<200x64xf32, #tpu.memory_space<vmem>>) target(%dma_start3A_339 : memref<200x64xf32, #tpu.memory_space<hbm>>) target_semaphore(%dma_start3A_335 : memref<!tpu.dma_semaphore, #tpu.memory_space<semaphore_mem>>)
      %mul3A_344 = arith.constant 7 : i32
      %mul3A_345 = arith.muli %scan3A_294, %mul3A_344 : i32
      %add3A_346 = arith.constant 1 : i32
      %add3A_347 = arith.addi %mul3A_345, %add3A_346 : i32
      %lt3A_348 = arith.constant 124 : i32
      %lt3A_349 = arith.cmpi slt, %add3A_347, %lt3A_348 : i32
      %convert_element_type3A_350 = arith.extui %lt3A_349 : i1 to i32
      %cond3A_351 = arith.constant 0 : i32
      %cond3A_352 = arith.cmpi ne, %convert_element_type3A_350, %cond3A_351 : i32
      scf.if %cond3A_352 {
        %ge3A = arith.constant 3 : i32
        %ge3A_656 = arith.cmpi sge, %add3A_347, %ge3A : i32
        %convert_element_type3A_657 = arith.extui %ge3A_656 : i1 to i32
        %cond3A_658 = arith.constant 0 : i32
        %cond3A_659 = arith.cmpi ne, %convert_element_type3A_657, %cond3A_658 : i32
        scf.if %cond3A_659 {
          %dma_wait3A_676 = arith.constant 5 : i32
          %dma_wait3A_677 = arith.constant 5 : i32
          %dma_wait3A_678 = arith.constant 0 : i32
          %dma_wait3A_679 = arith.constant 0 : i32
          %dma_wait3A_680 = tpu.memref_slice %arg8[%dma_wait3A_676, %dma_wait3A_678, %dma_wait3A_679] : memref<7x200x64xf32, #tpu.memory_space<vmem>> -> memref<1x200x64xf32, #tpu.memory_space<vmem>>
          %dma_wait3A_681 = tpu.memref_squeeze %dma_wait3A_680 : memref<1x200x64xf32, #tpu.memory_space<vmem>> -> memref<200x64xf32, #tpu.memory_space<vmem>>
          %dma_wait3A_682 = arith.constant 0 : i32
          %dma_wait3A_683 = arith.constant 0 : i32
          %dma_wait3A_684 = tpu.memref_slice %arg5[%mul3A_2, %dma_wait3A_682, %dma_wait3A_683] : memref<4096x200x64xf32, #tpu.memory_space<hbm>> -> memref<1x200x64xf32, #tpu.memory_space<hbm>>
          %dma_wait3A_685 = tpu.memref_squeeze %dma_wait3A_684 : memref<1x200x64xf32, #tpu.memory_space<hbm>> -> memref<200x64xf32, #tpu.memory_space<hbm>>
          %dma_wait3A_686 = tpu.memref_slice %arg10[%dma_wait3A_677] : memref<7x!tpu.dma_semaphore, #tpu.memory_space<semaphore_mem>> -> memref<1x!tpu.dma_semaphore, #tpu.memory_space<semaphore_mem>>
          %dma_wait3A_687 = tpu.memref_squeeze %dma_wait3A_686 : memref<1x!tpu.dma_semaphore, #tpu.memory_space<semaphore_mem>> -> memref<!tpu.dma_semaphore, #tpu.memory_space<semaphore_mem>>
          %dma_wait3A_688 = arith.constant 0 : i32
          %dma_wait3A_689 = arith.constant 0 : i32
          %dma_wait3A_690 = tpu.memref_slice %arg5[%mul3A_2, %dma_wait3A_688, %dma_wait3A_689] : memref<4096x200x64xf32, #tpu.memory_space<hbm>> -> memref<1x200x64xf32, #tpu.memory_space<hbm>>
          %dma_wait3A_691 = tpu.memref_squeeze %dma_wait3A_690 : memref<1x200x64xf32, #tpu.memory_space<hbm>> -> memref<200x64xf32, #tpu.memory_space<hbm>>
          %dma_wait3A_692 = arith.constant 0 : i32
          %dma_wait3A_693 = arith.constant 0 : i32
          %dma_wait3A_694 = tpu.memref_slice %arg8[%dma_wait3A_676, %dma_wait3A_692, %dma_wait3A_693] : memref<7x200x64xf32, #tpu.memory_space<vmem>> -> memref<1x200x64xf32, #tpu.memory_space<vmem>>
          %dma_wait3A_695 = tpu.memref_squeeze %dma_wait3A_694 : memref<1x200x64xf32, #tpu.memory_space<vmem>> -> memref<200x64xf32, #tpu.memory_space<vmem>>
          tpu.wait_dma2 semaphore(%dma_wait3A_687 : memref<!tpu.dma_semaphore, #tpu.memory_space<semaphore_mem>>) src(%dma_wait3A_695 : memref<200x64xf32, #tpu.memory_space<vmem>>) dst(%dma_wait3A_691 : memref<200x64xf32, #tpu.memory_space<hbm>>)
        } else {
        }
        %add3A_660 = arith.constant 4 : i32
        %add3A_661 = arith.addi %add3A_347, %add3A_660 : i32
        %dma_start3A_662 = arith.constant 5 : i32
        %dma_start3A_663 = arith.constant 5 : i32
        %dma_start3A_664 = arith.constant 0 : i32
        %dma_start3A_665 = arith.constant 0 : i32
        %dma_start3A_666 = tpu.memref_slice %arg8[%dma_start3A_662, %dma_start3A_664, %dma_start3A_665] : memref<7x200x64xf32, #tpu.memory_space<vmem>> -> memref<1x200x64xf32, #tpu.memory_space<vmem>>
        %dma_start3A_667 = tpu.memref_squeeze %dma_start3A_666 : memref<1x200x64xf32, #tpu.memory_space<vmem>> -> memref<200x64xf32, #tpu.memory_space<vmem>>
        %dma_start3A_668 = arith.constant 0 : i32
        %dma_start3A_669 = tpu.memref_slice %arg6[%add3A_661, %dma_start3A_668] : memref<128x200xi32, #tpu.memory_space<vmem>> -> memref<1x200xi32, #tpu.memory_space<vmem>>
        %dma_start3A_670 = tpu.memref_squeeze %dma_start3A_669 : memref<1x200xi32, #tpu.memory_space<vmem>> -> memref<200xi32, #tpu.memory_space<vmem>>
        %dma_start3A_671 = arith.constant 0 : i32
        %dma_start3A_672 = arith.constant 0 : i32
        %dma_start3A_673 = tpu.memref_slice %arg3[%dma_start3A_671, %dma_start3A_672] : memref<1000000x64xf32, #tpu.memory_space<hbm>> -> memref<1000000x64xf32, #tpu.memory_space<hbm>>
        %dma_start3A_674 = tpu.memref_slice %arg9[%dma_start3A_663] : memref<7x!tpu.dma_semaphore, #tpu.memory_space<semaphore_mem>> -> memref<1x!tpu.dma_semaphore, #tpu.memory_space<semaphore_mem>>
        %dma_start3A_675 = tpu.memref_squeeze %dma_start3A_674 : memref<1x!tpu.dma_semaphore, #tpu.memory_space<semaphore_mem>> -> memref<!tpu.dma_semaphore, #tpu.memory_space<semaphore_mem>>
        tpu.enqueue_indirect_dma source(%dma_start3A_673 : memref<1000000x64xf32, #tpu.memory_space<hbm>>) target(%dma_start3A_667 : memref<200x64xf32, #tpu.memory_space<vmem>>) offsets(%dma_start3A_670 : memref<200xi32, #tpu.memory_space<vmem>>) semaphore(%dma_start3A_675 : memref<!tpu.dma_semaphore, #tpu.memory_space<semaphore_mem>>)
      } else {
      }
      %dma_wait3A_353 = arith.constant 0 : i32
      %dma_wait3A_354 = arith.constant 1 : i32
      %dma_wait3A_355 = arith.constant 1 : i32
      %dma_wait3A_356 = arith.constant 0 : i32
      %dma_wait3A_357 = arith.constant 0 : i32
      %dma_wait3A_358 = tpu.memref_slice %arg8[%dma_wait3A_354, %dma_wait3A_356, %dma_wait3A_357] : memref<7x200x64xf32, #tpu.memory_space<vmem>> -> memref<1x200x64xf32, #tpu.memory_space<vmem>>
      %dma_wait3A_359 = tpu.memref_squeeze %dma_wait3A_358 : memref<1x200x64xf32, #tpu.memory_space<vmem>> -> memref<200x64xf32, #tpu.memory_space<vmem>>
      %dma_wait3A_360 = arith.constant 0 : i32
      %dma_wait3A_361 = tpu.memref_slice %arg6[%dma_wait3A_353, %dma_wait3A_360] : memref<128x200xi32, #tpu.memory_space<vmem>> -> memref<1x200xi32, #tpu.memory_space<vmem>>
      %dma_wait3A_362 = tpu.memref_squeeze %dma_wait3A_361 : memref<1x200xi32, #tpu.memory_space<vmem>> -> memref<200xi32, #tpu.memory_space<vmem>>
      %dma_wait3A_363 = arith.constant 0 : i32
      %dma_wait3A_364 = arith.constant 0 : i32
      %dma_wait3A_365 = tpu.memref_slice %arg3[%dma_wait3A_363, %dma_wait3A_364] : memref<1000000x64xf32, #tpu.memory_space<hbm>> -> memref<1000000x64xf32, #tpu.memory_space<hbm>>
      %dma_wait3A_366 = tpu.memref_slice %arg9[%dma_wait3A_355] : memref<7x!tpu.dma_semaphore, #tpu.memory_space<semaphore_mem>> -> memref<1x!tpu.dma_semaphore, #tpu.memory_space<semaphore_mem>>
      %dma_wait3A_367 = tpu.memref_squeeze %dma_wait3A_366 : memref<1x!tpu.dma_semaphore, #tpu.memory_space<semaphore_mem>> -> memref<!tpu.dma_semaphore, #tpu.memory_space<semaphore_mem>>
      tpu.wait_indirect_dma semaphore(%dma_wait3A_367 : memref<!tpu.dma_semaphore, #tpu.memory_space<semaphore_mem>>) src(%dma_wait3A_365 : memref<1000000x64xf32, #tpu.memory_space<hbm>>) dst(%dma_wait3A_359 : memref<200x64xf32, #tpu.memory_space<vmem>>)
      %scan3A_368 = arith.constant 0 : i32
      %scan3A_369 = arith.constant 1 : i32
      %scan3A_370 = arith.constant 0 : i32
      %scan3A_371 = arith.constant 200 : i32
      %scan3A_372 = arith.addi %scan3A_370, %scan3A_371 : i32
      %scan3A_373 = arith.constant 4 : i32
      scf.for %scan3A_656 = %scan3A_370 to %scan3A_372 step %scan3A_373  : i32 {
        %get3A = arith.constant 0 : i32
        %get3A_657 = arith.constant 0 : i32
        %get3A_658 = tpu.memref_slice %arg8[%scan3A_369, %get3A, %get3A_657] : memref<7x200x64xf32, #tpu.memory_space<vmem>> -> memref<1x200x64xf32, #tpu.memory_space<vmem>>
        %get3A_659 = tpu.memref_squeeze %get3A_658 : memref<1x200x64xf32, #tpu.memory_space<vmem>> -> memref<200x64xf32, #tpu.memory_space<vmem>>
        %get3A_660 = arith.index_cast %scan3A_656 : i32 to index
        %get3A_661 = arith.constant 0 : index
        %get3A_662 = tpu.vector_load %get3A_659[%get3A_660, %get3A_661] {strides = array<i32>} : memref<200x64xf32, #tpu.memory_space<vmem>>, vector<1x16xf32>,
        %get3A_663 = vector.shape_cast %get3A_662 : vector<1x16xf32> to vector<16xf32>
        %get3A_664 = arith.index_cast %scan3A_656 : i32 to index
        %get3A_665 = arith.constant 0 : index
        %get3A_666 = tpu.vector_load %arg7[%get3A_664, %get3A_665] {strides = array<i32>} : memref<200x64xf32, #tpu.memory_space<vmem>>, vector<1x16xf32>,
        %get3A_667 = vector.shape_cast %get3A_666 : vector<1x16xf32> to vector<16xf32>
        %add3A_668 = arith.addf %get3A_663, %get3A_667 : vector<16xf32>
        %swap3A = arith.constant 0 : i32
        %swap3A_669 = arith.constant 0 : i32
        %swap3A_670 = tpu.memref_slice %arg8[%scan3A_369, %swap3A, %swap3A_669] : memref<7x200x64xf32, #tpu.memory_space<vmem>> -> memref<1x200x64xf32, #tpu.memory_space<vmem>>
        %swap3A_671 = tpu.memref_squeeze %swap3A_670 : memref<1x200x64xf32, #tpu.memory_space<vmem>> -> memref<200x64xf32, #tpu.memory_space<vmem>>
        %swap3A_672 = arith.index_cast %scan3A_656 : i32 to index
        %swap3A_673 = arith.constant 0 : index
        %swap3A_674 = tpu.vector_load %swap3A_671[%swap3A_672, %swap3A_673] {strides = array<i32>} : memref<200x64xf32, #tpu.memory_space<vmem>>, vector<1x16xf32>,
        %swap3A_675 = vector.shape_cast %swap3A_674 : vector<1x16xf32> to vector<16xf32>
        %swap3A_676 = vector.shape_cast %add3A_668 : vector<16xf32> to vector<1x16xf32>
        tpu.vector_store %swap3A_671[%swap3A_672, %swap3A_673], %swap3A_676 {strides = array<i32>} : memref<200x64xf32, #tpu.memory_space<vmem>>, vector<1x16xf32>,
        %get3A_677 = arith.constant 0 : i32
        %get3A_678 = arith.constant 0 : i32
        %get3A_679 = tpu.memref_slice %arg8[%scan3A_369, %get3A_677, %get3A_678] : memref<7x200x64xf32, #tpu.memory_space<vmem>> -> memref<1x200x64xf32, #tpu.memory_space<vmem>>
        %get3A_680 = tpu.memref_squeeze %get3A_679 : memref<1x200x64xf32, #tpu.memory_space<vmem>> -> memref<200x64xf32, #tpu.memory_space<vmem>>
        %get3A_681 = arith.index_cast %scan3A_656 : i32 to index
        %get3A_682 = arith.constant 16 : index
        %get3A_683 = tpu.vector_load %get3A_680[%get3A_681, %get3A_682] {strides = array<i32>} : memref<200x64xf32, #tpu.memory_space<vmem>>, vector<1x16xf32>,
        %get3A_684 = vector.shape_cast %get3A_683 : vector<1x16xf32> to vector<16xf32>
        %get3A_685 = arith.index_cast %scan3A_656 : i32 to index
        %get3A_686 = arith.constant 16 : index
        %get3A_687 = tpu.vector_load %arg7[%get3A_685, %get3A_686] {strides = array<i32>} : memref<200x64xf32, #tpu.memory_space<vmem>>, vector<1x16xf32>,
        %get3A_688 = vector.shape_cast %get3A_687 : vector<1x16xf32> to vector<16xf32>
        %add3A_689 = arith.addf %get3A_684, %get3A_688 : vector<16xf32>
        %swap3A_690 = arith.constant 0 : i32
        %swap3A_691 = arith.constant 0 : i32
        %swap3A_692 = tpu.memref_slice %arg8[%scan3A_369, %swap3A_690, %swap3A_691] : memref<7x200x64xf32, #tpu.memory_space<vmem>> -> memref<1x200x64xf32, #tpu.memory_space<vmem>>
        %swap3A_693 = tpu.memref_squeeze %swap3A_692 : memref<1x200x64xf32, #tpu.memory_space<vmem>> -> memref<200x64xf32, #tpu.memory_space<vmem>>
        %swap3A_694 = arith.index_cast %scan3A_656 : i32 to index
        %swap3A_695 = arith.constant 16 : index
        %swap3A_696 = tpu.vector_load %swap3A_693[%swap3A_694, %swap3A_695] {strides = array<i32>} : memref<200x64xf32, #tpu.memory_space<vmem>>, vector<1x16xf32>,
        %swap3A_697 = vector.shape_cast %swap3A_696 : vector<1x16xf32> to vector<16xf32>
        %swap3A_698 = vector.shape_cast %add3A_689 : vector<16xf32> to vector<1x16xf32>
        tpu.vector_store %swap3A_693[%swap3A_694, %swap3A_695], %swap3A_698 {strides = array<i32>} : memref<200x64xf32, #tpu.memory_space<vmem>>, vector<1x16xf32>,
        %get3A_699 = arith.constant 0 : i32
        %get3A_700 = arith.constant 0 : i32
        %get3A_701 = tpu.memref_slice %arg8[%scan3A_369, %get3A_699, %get3A_700] : memref<7x200x64xf32, #tpu.memory_space<vmem>> -> memref<1x200x64xf32, #tpu.memory_space<vmem>>
        %get3A_702 = tpu.memref_squeeze %get3A_701 : memref<1x200x64xf32, #tpu.memory_space<vmem>> -> memref<200x64xf32, #tpu.memory_space<vmem>>
        %get3A_703 = arith.index_cast %scan3A_656 : i32 to index
        %get3A_704 = arith.constant 32 : index
        %get3A_705 = tpu.vector_load %get3A_702[%get3A_703, %get3A_704] {strides = array<i32>} : memref<200x64xf32, #tpu.memory_space<vmem>>, vector<1x16xf32>,
        %get3A_706 = vector.shape_cast %get3A_705 : vector<1x16xf32> to vector<16xf32>
        %get3A_707 = arith.index_cast %scan3A_656 : i32 to index
        %get3A_708 = arith.constant 32 : index
        %get3A_709 = tpu.vector_load %arg7[%get3A_707, %get3A_708] {strides = array<i32>} : memref<200x64xf32, #tpu.memory_space<vmem>>, vector<1x16xf32>,
        %get3A_710 = vector.shape_cast %get3A_709 : vector<1x16xf32> to vector<16xf32>
        %add3A_711 = arith.addf %get3A_706, %get3A_710 : vector<16xf32>
        %swap3A_712 = arith.constant 0 : i32
        %swap3A_713 = arith.constant 0 : i32
        %swap3A_714 = tpu.memref_slice %arg8[%scan3A_369, %swap3A_712, %swap3A_713] : memref<7x200x64xf32, #tpu.memory_space<vmem>> -> memref<1x200x64xf32, #tpu.memory_space<vmem>>
        %swap3A_715 = tpu.memref_squeeze %swap3A_714 : memref<1x200x64xf32, #tpu.memory_space<vmem>> -> memref<200x64xf32, #tpu.memory_space<vmem>>
        %swap3A_716 = arith.index_cast %scan3A_656 : i32 to index
        %swap3A_717 = arith.constant 32 : index
        %swap3A_718 = tpu.vector_load %swap3A_715[%swap3A_716, %swap3A_717] {strides = array<i32>} : memref<200x64xf32, #tpu.memory_space<vmem>>, vector<1x16xf32>,
        %swap3A_719 = vector.shape_cast %swap3A_718 : vector<1x16xf32> to vector<16xf32>
        %swap3A_720 = vector.shape_cast %add3A_711 : vector<16xf32> to vector<1x16xf32>
        tpu.vector_store %swap3A_715[%swap3A_716, %swap3A_717], %swap3A_720 {strides = array<i32>} : memref<200x64xf32, #tpu.memory_space<vmem>>, vector<1x16xf32>,
        %get3A_721 = arith.constant 0 : i32
        %get3A_722 = arith.constant 0 : i32
        %get3A_723 = tpu.memref_slice %arg8[%scan3A_369, %get3A_721, %get3A_722] : memref<7x200x64xf32, #tpu.memory_space<vmem>> -> memref<1x200x64xf32, #tpu.memory_space<vmem>>
        %get3A_724 = tpu.memref_squeeze %get3A_723 : memref<1x200x64xf32, #tpu.memory_space<vmem>> -> memref<200x64xf32, #tpu.memory_space<vmem>>
        %get3A_725 = arith.index_cast %scan3A_656 : i32 to index
        %get3A_726 = arith.constant 48 : index
        %get3A_727 = tpu.vector_load %get3A_724[%get3A_725, %get3A_726] {strides = array<i32>} : memref<200x64xf32, #tpu.memory_space<vmem>>, vector<1x16xf32>,
        %get3A_728 = vector.shape_cast %get3A_727 : vector<1x16xf32> to vector<16xf32>
        %get3A_729 = arith.index_cast %scan3A_656 : i32 to index
        %get3A_730 = arith.constant 48 : index
        %get3A_731 = tpu.vector_load %arg7[%get3A_729, %get3A_730] {strides = array<i32>} : memref<200x64xf32, #tpu.memory_space<vmem>>, vector<1x16xf32>,
        %get3A_732 = vector.shape_cast %get3A_731 : vector<1x16xf32> to vector<16xf32>
        %add3A_733 = arith.addf %get3A_728, %get3A_732 : vector<16xf32>
        %swap3A_734 = arith.constant 0 : i32
        %swap3A_735 = arith.constant 0 : i32
        %swap3A_736 = tpu.memref_slice %arg8[%scan3A_369, %swap3A_734, %swap3A_735] : memref<7x200x64xf32, #tpu.memory_space<vmem>> -> memref<1x200x64xf32, #tpu.memory_space<vmem>>
        %swap3A_737 = tpu.memref_squeeze %swap3A_736 : memref<1x200x64xf32, #tpu.memory_space<vmem>> -> memref<200x64xf32, #tpu.memory_space<vmem>>
        %swap3A_738 = arith.index_cast %scan3A_656 : i32 to index
        %swap3A_739 = arith.constant 48 : index
        %swap3A_740 = tpu.vector_load %swap3A_737[%swap3A_738, %swap3A_739] {strides = array<i32>} : memref<200x64xf32, #tpu.memory_space<vmem>>, vector<1x16xf32>,
        %swap3A_741 = vector.shape_cast %swap3A_740 : vector<1x16xf32> to vector<16xf32>
        %swap3A_742 = vector.shape_cast %add3A_733 : vector<16xf32> to vector<1x16xf32>
        tpu.vector_store %swap3A_737[%swap3A_738, %swap3A_739], %swap3A_742 {strides = array<i32>} : memref<200x64xf32, #tpu.memory_space<vmem>>, vector<1x16xf32>,
        %scan3A_743 = arith.constant 1 : i32
        %scan3A_744 = arith.addi %scan3A_656, %scan3A_743 : i32
        %get3A_745 = arith.constant 0 : i32
        %get3A_746 = arith.constant 0 : i32
        %get3A_747 = tpu.memref_slice %arg8[%scan3A_369, %get3A_745, %get3A_746] : memref<7x200x64xf32, #tpu.memory_space<vmem>> -> memref<1x200x64xf32, #tpu.memory_space<vmem>>
        %get3A_748 = tpu.memref_squeeze %get3A_747 : memref<1x200x64xf32, #tpu.memory_space<vmem>> -> memref<200x64xf32, #tpu.memory_space<vmem>>
        %get3A_749 = arith.index_cast %scan3A_744 : i32 to index
        %get3A_750 = arith.constant 0 : index
        %get3A_751 = tpu.vector_load %get3A_748[%get3A_749, %get3A_750] {strides = array<i32>} : memref<200x64xf32, #tpu.memory_space<vmem>>, vector<1x16xf32>,
        %get3A_752 = vector.shape_cast %get3A_751 : vector<1x16xf32> to vector<16xf32>
        %get3A_753 = arith.index_cast %scan3A_744 : i32 to index
        %get3A_754 = arith.constant 0 : index
        %get3A_755 = tpu.vector_load %arg7[%get3A_753, %get3A_754] {strides = array<i32>} : memref<200x64xf32, #tpu.memory_space<vmem>>, vector<1x16xf32>,
        %get3A_756 = vector.shape_cast %get3A_755 : vector<1x16xf32> to vector<16xf32>
        %add3A_757 = arith.addf %get3A_752, %get3A_756 : vector<16xf32>
        %swap3A_758 = arith.constant 0 : i32
        %swap3A_759 = arith.constant 0 : i32
        %swap3A_760 = tpu.memref_slice %arg8[%scan3A_369, %swap3A_758, %swap3A_759] : memref<7x200x64xf32, #tpu.memory_space<vmem>> -> memref<1x200x64xf32, #tpu.memory_space<vmem>>
        %swap3A_761 = tpu.memref_squeeze %swap3A_760 : memref<1x200x64xf32, #tpu.memory_space<vmem>> -> memref<200x64xf32, #tpu.memory_space<vmem>>
        %swap3A_762 = arith.index_cast %scan3A_744 : i32 to index
        %swap3A_763 = arith.constant 0 : index
        %swap3A_764 = tpu.vector_load %swap3A_761[%swap3A_762, %swap3A_763] {strides = array<i32>} : memref<200x64xf32, #tpu.memory_space<vmem>>, vector<1x16xf32>,
        %swap3A_765 = vector.shape_cast %swap3A_764 : vector<1x16xf32> to vector<16xf32>
        %swap3A_766 = vector.shape_cast %add3A_757 : vector<16xf32> to vector<1x16xf32>
        tpu.vector_store %swap3A_761[%swap3A_762, %swap3A_763], %swap3A_766 {strides = array<i32>} : memref<200x64xf32, #tpu.memory_space<vmem>>, vector<1x16xf32>,
        %get3A_767 = arith.constant 0 : i32
        %get3A_768 = arith.constant 0 : i32
        %get3A_769 = tpu.memref_slice %arg8[%scan3A_369, %get3A_767, %get3A_768] : memref<7x200x64xf32, #tpu.memory_space<vmem>> -> memref<1x200x64xf32, #tpu.memory_space<vmem>>
        %get3A_770 = tpu.memref_squeeze %get3A_769 : memref<1x200x64xf32, #tpu.memory_space<vmem>> -> memref<200x64xf32, #tpu.memory_space<vmem>>
        %get3A_771 = arith.index_cast %scan3A_744 : i32 to index
        %get3A_772 = arith.constant 16 : index
        %get3A_773 = tpu.vector_load %get3A_770[%get3A_771, %get3A_772] {strides = array<i32>} : memref<200x64xf32, #tpu.memory_space<vmem>>, vector<1x16xf32>,
        %get3A_774 = vector.shape_cast %get3A_773 : vector<1x16xf32> to vector<16xf32>
        %get3A_775 = arith.index_cast %scan3A_744 : i32 to index
        %get3A_776 = arith.constant 16 : index
        %get3A_777 = tpu.vector_load %arg7[%get3A_775, %get3A_776] {strides = array<i32>} : memref<200x64xf32, #tpu.memory_space<vmem>>, vector<1x16xf32>,
        %get3A_778 = vector.shape_cast %get3A_777 : vector<1x16xf32> to vector<16xf32>
        %add3A_779 = arith.addf %get3A_774, %get3A_778 : vector<16xf32>
        %swap3A_780 = arith.constant 0 : i32
        %swap3A_781 = arith.constant 0 : i32
        %swap3A_782 = tpu.memref_slice %arg8[%scan3A_369, %swap3A_780, %swap3A_781] : memref<7x200x64xf32, #tpu.memory_space<vmem>> -> memref<1x200x64xf32, #tpu.memory_space<vmem>>
        %swap3A_783 = tpu.memref_squeeze %swap3A_782 : memref<1x200x64xf32, #tpu.memory_space<vmem>> -> memref<200x64xf32, #tpu.memory_space<vmem>>
        %swap3A_784 = arith.index_cast %scan3A_744 : i32 to index
        %swap3A_785 = arith.constant 16 : index
        %swap3A_786 = tpu.vector_load %swap3A_783[%swap3A_784, %swap3A_785] {strides = array<i32>} : memref<200x64xf32, #tpu.memory_space<vmem>>, vector<1x16xf32>,
        %swap3A_787 = vector.shape_cast %swap3A_786 : vector<1x16xf32> to vector<16xf32>
        %swap3A_788 = vector.shape_cast %add3A_779 : vector<16xf32> to vector<1x16xf32>
        tpu.vector_store %swap3A_783[%swap3A_784, %swap3A_785], %swap3A_788 {strides = array<i32>} : memref<200x64xf32, #tpu.memory_space<vmem>>, vector<1x16xf32>,
        %get3A_789 = arith.constant 0 : i32
        %get3A_790 = arith.constant 0 : i32
        %get3A_791 = tpu.memref_slice %arg8[%scan3A_369, %get3A_789, %get3A_790] : memref<7x200x64xf32, #tpu.memory_space<vmem>> -> memref<1x200x64xf32, #tpu.memory_space<vmem>>
        %get3A_792 = tpu.memref_squeeze %get3A_791 : memref<1x200x64xf32, #tpu.memory_space<vmem>> -> memref<200x64xf32, #tpu.memory_space<vmem>>
        %get3A_793 = arith.index_cast %scan3A_744 : i32 to index
        %get3A_794 = arith.constant 32 : index
        %get3A_795 = tpu.vector_load %get3A_792[%get3A_793, %get3A_794] {strides = array<i32>} : memref<200x64xf32, #tpu.memory_space<vmem>>, vector<1x16xf32>,
        %get3A_796 = vector.shape_cast %get3A_795 : vector<1x16xf32> to vector<16xf32>
        %get3A_797 = arith.index_cast %scan3A_744 : i32 to index
        %get3A_798 = arith.constant 32 : index
        %get3A_799 = tpu.vector_load %arg7[%get3A_797, %get3A_798] {strides = array<i32>} : memref<200x64xf32, #tpu.memory_space<vmem>>, vector<1x16xf32>,
        %get3A_800 = vector.shape_cast %get3A_799 : vector<1x16xf32> to vector<16xf32>
        %add3A_801 = arith.addf %get3A_796, %get3A_800 : vector<16xf32>
        %swap3A_802 = arith.constant 0 : i32
        %swap3A_803 = arith.constant 0 : i32
        %swap3A_804 = tpu.memref_slice %arg8[%scan3A_369, %swap3A_802, %swap3A_803] : memref<7x200x64xf32, #tpu.memory_space<vmem>> -> memref<1x200x64xf32, #tpu.memory_space<vmem>>
        %swap3A_805 = tpu.memref_squeeze %swap3A_804 : memref<1x200x64xf32, #tpu.memory_space<vmem>> -> memref<200x64xf32, #tpu.memory_space<vmem>>
        %swap3A_806 = arith.index_cast %scan3A_744 : i32 to index
        %swap3A_807 = arith.constant 32 : index
        %swap3A_808 = tpu.vector_load %swap3A_805[%swap3A_806, %swap3A_807] {strides = array<i32>} : memref<200x64xf32, #tpu.memory_space<vmem>>, vector<1x16xf32>,
        %swap3A_809 = vector.shape_cast %swap3A_808 : vector<1x16xf32> to vector<16xf32>
        %swap3A_810 = vector.shape_cast %add3A_801 : vector<16xf32> to vector<1x16xf32>
        tpu.vector_store %swap3A_805[%swap3A_806, %swap3A_807], %swap3A_810 {strides = array<i32>} : memref<200x64xf32, #tpu.memory_space<vmem>>, vector<1x16xf32>,
        %get3A_811 = arith.constant 0 : i32
        %get3A_812 = arith.constant 0 : i32
        %get3A_813 = tpu.memref_slice %arg8[%scan3A_369, %get3A_811, %get3A_812] : memref<7x200x64xf32, #tpu.memory_space<vmem>> -> memref<1x200x64xf32, #tpu.memory_space<vmem>>
        %get3A_814 = tpu.memref_squeeze %get3A_813 : memref<1x200x64xf32, #tpu.memory_space<vmem>> -> memref<200x64xf32, #tpu.memory_space<vmem>>
        %get3A_815 = arith.index_cast %scan3A_744 : i32 to index
        %get3A_816 = arith.constant 48 : index
        %get3A_817 = tpu.vector_load %get3A_814[%get3A_815, %get3A_816] {strides = array<i32>} : memref<200x64xf32, #tpu.memory_space<vmem>>, vector<1x16xf32>,
        %get3A_818 = vector.shape_cast %get3A_817 : vector<1x16xf32> to vector<16xf32>
        %get3A_819 = arith.index_cast %scan3A_744 : i32 to index
        %get3A_820 = arith.constant 48 : index
        %get3A_821 = tpu.vector_load %arg7[%get3A_819, %get3A_820] {strides = array<i32>} : memref<200x64xf32, #tpu.memory_space<vmem>>, vector<1x16xf32>,
        %get3A_822 = vector.shape_cast %get3A_821 : vector<1x16xf32> to vector<16xf32>
        %add3A_823 = arith.addf %get3A_818, %get3A_822 : vector<16xf32>
        %swap3A_824 = arith.constant 0 : i32
        %swap3A_825 = arith.constant 0 : i32
        %swap3A_826 = tpu.memref_slice %arg8[%scan3A_369, %swap3A_824, %swap3A_825] : memref<7x200x64xf32, #tpu.memory_space<vmem>> -> memref<1x200x64xf32, #tpu.memory_space<vmem>>
        %swap3A_827 = tpu.memref_squeeze %swap3A_826 : memref<1x200x64xf32, #tpu.memory_space<vmem>> -> memref<200x64xf32, #tpu.memory_space<vmem>>
        %swap3A_828 = arith.index_cast %scan3A_744 : i32 to index
        %swap3A_829 = arith.constant 48 : index
        %swap3A_830 = tpu.vector_load %swap3A_827[%swap3A_828, %swap3A_829] {strides = array<i32>} : memref<200x64xf32, #tpu.memory_space<vmem>>, vector<1x16xf32>,
        %swap3A_831 = vector.shape_cast %swap3A_830 : vector<1x16xf32> to vector<16xf32>
        %swap3A_832 = vector.shape_cast %add3A_823 : vector<16xf32> to vector<1x16xf32>
        tpu.vector_store %swap3A_827[%swap3A_828, %swap3A_829], %swap3A_832 {strides = array<i32>} : memref<200x64xf32, #tpu.memory_space<vmem>>, vector<1x16xf32>,
        %scan3A_833 = arith.constant 2 : i32
        %scan3A_834 = arith.addi %scan3A_656, %scan3A_833 : i32
        %get3A_835 = arith.constant 0 : i32
        %get3A_836 = arith.constant 0 : i32
        %get3A_837 = tpu.memref_slice %arg8[%scan3A_369, %get3A_835, %get3A_836] : memref<7x200x64xf32, #tpu.memory_space<vmem>> -> memref<1x200x64xf32, #tpu.memory_space<vmem>>
        %get3A_838 = tpu.memref_squeeze %get3A_837 : memref<1x200x64xf32, #tpu.memory_space<vmem>> -> memref<200x64xf32, #tpu.memory_space<vmem>>
        %get3A_839 = arith.index_cast %scan3A_834 : i32 to index
        %get3A_840 = arith.constant 0 : index
        %get3A_841 = tpu.vector_load %get3A_838[%get3A_839, %get3A_840] {strides = array<i32>} : memref<200x64xf32, #tpu.memory_space<vmem>>, vector<1x16xf32>,
        %get3A_842 = vector.shape_cast %get3A_841 : vector<1x16xf32> to vector<16xf32>
        %get3A_843 = arith.index_cast %scan3A_834 : i32 to index
        %get3A_844 = arith.constant 0 : index
        %get3A_845 = tpu.vector_load %arg7[%get3A_843, %get3A_844] {strides = array<i32>} : memref<200x64xf32, #tpu.memory_space<vmem>>, vector<1x16xf32>,
        %get3A_846 = vector.shape_cast %get3A_845 : vector<1x16xf32> to vector<16xf32>
        %add3A_847 = arith.addf %get3A_842, %get3A_846 : vector<16xf32>
        %swap3A_848 = arith.constant 0 : i32
        %swap3A_849 = arith.constant 0 : i32
        %swap3A_850 = tpu.memref_slice %arg8[%scan3A_369, %swap3A_848, %swap3A_849] : memref<7x200x64xf32, #tpu.memory_space<vmem>> -> memref<1x200x64xf32, #tpu.memory_space<vmem>>
        %swap3A_851 = tpu.memref_squeeze %swap3A_850 : memref<1x200x64xf32, #tpu.memory_space<vmem>> -> memref<200x64xf32, #tpu.memory_space<vmem>>
        %swap3A_852 = arith.index_cast %scan3A_834 : i32 to index
        %swap3A_853 = arith.constant 0 : index
        %swap3A_854 = tpu.vector_load %swap3A_851[%swap3A_852, %swap3A_853] {strides = array<i32>} : memref<200x64xf32, #tpu.memory_space<vmem>>, vector<1x16xf32>,
        %swap3A_855 = vector.shape_cast %swap3A_854 : vector<1x16xf32> to vector<16xf32>
        %swap3A_856 = vector.shape_cast %add3A_847 : vector<16xf32> to vector<1x16xf32>
        tpu.vector_store %swap3A_851[%swap3A_852, %swap3A_853], %swap3A_856 {strides = array<i32>} : memref<200x64xf32, #tpu.memory_space<vmem>>, vector<1x16xf32>,
        %get3A_857 = arith.constant 0 : i32
        %get3A_858 = arith.constant 0 : i32
        %get3A_859 = tpu.memref_slice %arg8[%scan3A_369, %get3A_857, %get3A_858] : memref<7x200x64xf32, #tpu.memory_space<vmem>> -> memref<1x200x64xf32, #tpu.memory_space<vmem>>
        %get3A_860 = tpu.memref_squeeze %get3A_859 : memref<1x200x64xf32, #tpu.memory_space<vmem>> -> memref<200x64xf32, #tpu.memory_space<vmem>>
        %get3A_861 = arith.index_cast %scan3A_834 : i32 to index
        %get3A_862 = arith.constant 16 : index
        %get3A_863 = tpu.vector_load %get3A_860[%get3A_861, %get3A_862] {strides = array<i32>} : memref<200x64xf32, #tpu.memory_space<vmem>>, vector<1x16xf32>,
        %get3A_864 = vector.shape_cast %get3A_863 : vector<1x16xf32> to vector<16xf32>
        %get3A_865 = arith.index_cast %scan3A_834 : i32 to index
        %get3A_866 = arith.constant 16 : index
        %get3A_867 = tpu.vector_load %arg7[%get3A_865, %get3A_866] {strides = array<i32>} : memref<200x64xf32, #tpu.memory_space<vmem>>, vector<1x16xf32>,
        %get3A_868 = vector.shape_cast %get3A_867 : vector<1x16xf32> to vector<16xf32>
        %add3A_869 = arith.addf %get3A_864, %get3A_868 : vector<16xf32>
        %swap3A_870 = arith.constant 0 : i32
        %swap3A_871 = arith.constant 0 : i32
        %swap3A_872 = tpu.memref_slice %arg8[%scan3A_369, %swap3A_870, %swap3A_871] : memref<7x200x64xf32, #tpu.memory_space<vmem>> -> memref<1x200x64xf32, #tpu.memory_space<vmem>>
        %swap3A_873 = tpu.memref_squeeze %swap3A_872 : memref<1x200x64xf32, #tpu.memory_space<vmem>> -> memref<200x64xf32, #tpu.memory_space<vmem>>
        %swap3A_874 = arith.index_cast %scan3A_834 : i32 to index
        %swap3A_875 = arith.constant 16 : index
        %swap3A_876 = tpu.vector_load %swap3A_873[%swap3A_874, %swap3A_875] {strides = array<i32>} : memref<200x64xf32, #tpu.memory_space<vmem>>, vector<1x16xf32>,
        %swap3A_877 = vector.shape_cast %swap3A_876 : vector<1x16xf32> to vector<16xf32>
        %swap3A_878 = vector.shape_cast %add3A_869 : vector<16xf32> to vector<1x16xf32>
        tpu.vector_store %swap3A_873[%swap3A_874, %swap3A_875], %swap3A_878 {strides = array<i32>} : memref<200x64xf32, #tpu.memory_space<vmem>>, vector<1x16xf32>,
        %get3A_879 = arith.constant 0 : i32
        %get3A_880 = arith.constant 0 : i32
        %get3A_881 = tpu.memref_slice %arg8[%scan3A_369, %get3A_879, %get3A_880] : memref<7x200x64xf32, #tpu.memory_space<vmem>> -> memref<1x200x64xf32, #tpu.memory_space<vmem>>
        %get3A_882 = tpu.memref_squeeze %get3A_881 : memref<1x200x64xf32, #tpu.memory_space<vmem>> -> memref<200x64xf32, #tpu.memory_space<vmem>>
        %get3A_883 = arith.index_cast %scan3A_834 : i32 to index
        %get3A_884 = arith.constant 32 : index
        %get3A_885 = tpu.vector_load %get3A_882[%get3A_883, %get3A_884] {strides = array<i32>} : memref<200x64xf32, #tpu.memory_space<vmem>>, vector<1x16xf32>,
        %get3A_886 = vector.shape_cast %get3A_885 : vector<1x16xf32> to vector<16xf32>
        %get3A_887 = arith.index_cast %scan3A_834 : i32 to index
        %get3A_888 = arith.constant 32 : index
        %get3A_889 = tpu.vector_load %arg7[%get3A_887, %get3A_888] {strides = array<i32>} : memref<200x64xf32, #tpu.memory_space<vmem>>, vector<1x16xf32>,
        %get3A_890 = vector.shape_cast %get3A_889 : vector<1x16xf32> to vector<16xf32>
        %add3A_891 = arith.addf %get3A_886, %get3A_890 : vector<16xf32>
        %swap3A_892 = arith.constant 0 : i32
        %swap3A_893 = arith.constant 0 : i32
        %swap3A_894 = tpu.memref_slice %arg8[%scan3A_369, %swap3A_892, %swap3A_893] : memref<7x200x64xf32, #tpu.memory_space<vmem>> -> memref<1x200x64xf32, #tpu.memory_space<vmem>>
        %swap3A_895 = tpu.memref_squeeze %swap3A_894 : memref<1x200x64xf32, #tpu.memory_space<vmem>> -> memref<200x64xf32, #tpu.memory_space<vmem>>
        %swap3A_896 = arith.index_cast %scan3A_834 : i32 to index
        %swap3A_897 = arith.constant 32 : index
        %swap3A_898 = tpu.vector_load %swap3A_895[%swap3A_896, %swap3A_897] {strides = array<i32>} : memref<200x64xf32, #tpu.memory_space<vmem>>, vector<1x16xf32>,
        %swap3A_899 = vector.shape_cast %swap3A_898 : vector<1x16xf32> to vector<16xf32>
        %swap3A_900 = vector.shape_cast %add3A_891 : vector<16xf32> to vector<1x16xf32>
        tpu.vector_store %swap3A_895[%swap3A_896, %swap3A_897], %swap3A_900 {strides = array<i32>} : memref<200x64xf32, #tpu.memory_space<vmem>>, vector<1x16xf32>,
        %get3A_901 = arith.constant 0 : i32
        %get3A_902 = arith.constant 0 : i32
        %get3A_903 = tpu.memref_slice %arg8[%scan3A_369, %get3A_901, %get3A_902] : memref<7x200x64xf32, #tpu.memory_space<vmem>> -> memref<1x200x64xf32, #tpu.memory_space<vmem>>
        %get3A_904 = tpu.memref_squeeze %get3A_903 : memref<1x200x64xf32, #tpu.memory_space<vmem>> -> memref<200x64xf32, #tpu.memory_space<vmem>>
        %get3A_905 = arith.index_cast %scan3A_834 : i32 to index
        %get3A_906 = arith.constant 48 : index
        %get3A_907 = tpu.vector_load %get3A_904[%get3A_905, %get3A_906] {strides = array<i32>} : memref<200x64xf32, #tpu.memory_space<vmem>>, vector<1x16xf32>,
        %get3A_908 = vector.shape_cast %get3A_907 : vector<1x16xf32> to vector<16xf32>
        %get3A_909 = arith.index_cast %scan3A_834 : i32 to index
        %get3A_910 = arith.constant 48 : index
        %get3A_911 = tpu.vector_load %arg7[%get3A_909, %get3A_910] {strides = array<i32>} : memref<200x64xf32, #tpu.memory_space<vmem>>, vector<1x16xf32>,
        %get3A_912 = vector.shape_cast %get3A_911 : vector<1x16xf32> to vector<16xf32>
        %add3A_913 = arith.addf %get3A_908, %get3A_912 : vector<16xf32>
        %swap3A_914 = arith.constant 0 : i32
        %swap3A_915 = arith.constant 0 : i32
        %swap3A_916 = tpu.memref_slice %arg8[%scan3A_369, %swap3A_914, %swap3A_915] : memref<7x200x64xf32, #tpu.memory_space<vmem>> -> memref<1x200x64xf32, #tpu.memory_space<vmem>>
        %swap3A_917 = tpu.memref_squeeze %swap3A_916 : memref<1x200x64xf32, #tpu.memory_space<vmem>> -> memref<200x64xf32, #tpu.memory_space<vmem>>
        %swap3A_918 = arith.index_cast %scan3A_834 : i32 to index
        %swap3A_919 = arith.constant 48 : index
        %swap3A_920 = tpu.vector_load %swap3A_917[%swap3A_918, %swap3A_919] {strides = array<i32>} : memref<200x64xf32, #tpu.memory_space<vmem>>, vector<1x16xf32>,
        %swap3A_921 = vector.shape_cast %swap3A_920 : vector<1x16xf32> to vector<16xf32>
        %swap3A_922 = vector.shape_cast %add3A_913 : vector<16xf32> to vector<1x16xf32>
        tpu.vector_store %swap3A_917[%swap3A_918, %swap3A_919], %swap3A_922 {strides = array<i32>} : memref<200x64xf32, #tpu.memory_space<vmem>>, vector<1x16xf32>,
        %scan3A_923 = arith.constant 3 : i32
        %scan3A_924 = arith.addi %scan3A_656, %scan3A_923 : i32
        %get3A_925 = arith.constant 0 : i32
        %get3A_926 = arith.constant 0 : i32
        %get3A_927 = tpu.memref_slice %arg8[%scan3A_369, %get3A_925, %get3A_926] : memref<7x200x64xf32, #tpu.memory_space<vmem>> -> memref<1x200x64xf32, #tpu.memory_space<vmem>>
        %get3A_928 = tpu.memref_squeeze %get3A_927 : memref<1x200x64xf32, #tpu.memory_space<vmem>> -> memref<200x64xf32, #tpu.memory_space<vmem>>
        %get3A_929 = arith.index_cast %scan3A_924 : i32 to index
        %get3A_930 = arith.constant 0 : index
        %get3A_931 = tpu.vector_load %get3A_928[%get3A_929, %get3A_930] {strides = array<i32>} : memref<200x64xf32, #tpu.memory_space<vmem>>, vector<1x16xf32>,
        %get3A_932 = vector.shape_cast %get3A_931 : vector<1x16xf32> to vector<16xf32>
        %get3A_933 = arith.index_cast %scan3A_924 : i32 to index
        %get3A_934 = arith.constant 0 : index
        %get3A_935 = tpu.vector_load %arg7[%get3A_933, %get3A_934] {strides = array<i32>} : memref<200x64xf32, #tpu.memory_space<vmem>>, vector<1x16xf32>,
        %get3A_936 = vector.shape_cast %get3A_935 : vector<1x16xf32> to vector<16xf32>
        %add3A_937 = arith.addf %get3A_932, %get3A_936 : vector<16xf32>
        %swap3A_938 = arith.constant 0 : i32
        %swap3A_939 = arith.constant 0 : i32
        %swap3A_940 = tpu.memref_slice %arg8[%scan3A_369, %swap3A_938, %swap3A_939] : memref<7x200x64xf32, #tpu.memory_space<vmem>> -> memref<1x200x64xf32, #tpu.memory_space<vmem>>
        %swap3A_941 = tpu.memref_squeeze %swap3A_940 : memref<1x200x64xf32, #tpu.memory_space<vmem>> -> memref<200x64xf32, #tpu.memory_space<vmem>>
        %swap3A_942 = arith.index_cast %scan3A_924 : i32 to index
        %swap3A_943 = arith.constant 0 : index
        %swap3A_944 = tpu.vector_load %swap3A_941[%swap3A_942, %swap3A_943] {strides = array<i32>} : memref<200x64xf32, #tpu.memory_space<vmem>>, vector<1x16xf32>,
        %swap3A_945 = vector.shape_cast %swap3A_944 : vector<1x16xf32> to vector<16xf32>
        %swap3A_946 = vector.shape_cast %add3A_937 : vector<16xf32> to vector<1x16xf32>
        tpu.vector_store %swap3A_941[%swap3A_942, %swap3A_943], %swap3A_946 {strides = array<i32>} : memref<200x64xf32, #tpu.memory_space<vmem>>, vector<1x16xf32>,
        %get3A_947 = arith.constant 0 : i32
        %get3A_948 = arith.constant 0 : i32
        %get3A_949 = tpu.memref_slice %arg8[%scan3A_369, %get3A_947, %get3A_948] : memref<7x200x64xf32, #tpu.memory_space<vmem>> -> memref<1x200x64xf32, #tpu.memory_space<vmem>>
        %get3A_950 = tpu.memref_squeeze %get3A_949 : memref<1x200x64xf32, #tpu.memory_space<vmem>> -> memref<200x64xf32, #tpu.memory_space<vmem>>
        %get3A_951 = arith.index_cast %scan3A_924 : i32 to index
        %get3A_952 = arith.constant 16 : index
        %get3A_953 = tpu.vector_load %get3A_950[%get3A_951, %get3A_952] {strides = array<i32>} : memref<200x64xf32, #tpu.memory_space<vmem>>, vector<1x16xf32>,
        %get3A_954 = vector.shape_cast %get3A_953 : vector<1x16xf32> to vector<16xf32>
        %get3A_955 = arith.index_cast %scan3A_924 : i32 to index
        %get3A_956 = arith.constant 16 : index
        %get3A_957 = tpu.vector_load %arg7[%get3A_955, %get3A_956] {strides = array<i32>} : memref<200x64xf32, #tpu.memory_space<vmem>>, vector<1x16xf32>,
        %get3A_958 = vector.shape_cast %get3A_957 : vector<1x16xf32> to vector<16xf32>
        %add3A_959 = arith.addf %get3A_954, %get3A_958 : vector<16xf32>
        %swap3A_960 = arith.constant 0 : i32
        %swap3A_961 = arith.constant 0 : i32
        %swap3A_962 = tpu.memref_slice %arg8[%scan3A_369, %swap3A_960, %swap3A_961] : memref<7x200x64xf32, #tpu.memory_space<vmem>> -> memref<1x200x64xf32, #tpu.memory_space<vmem>>
        %swap3A_963 = tpu.memref_squeeze %swap3A_962 : memref<1x200x64xf32, #tpu.memory_space<vmem>> -> memref<200x64xf32, #tpu.memory_space<vmem>>
        %swap3A_964 = arith.index_cast %scan3A_924 : i32 to index
        %swap3A_965 = arith.constant 16 : index
        %swap3A_966 = tpu.vector_load %swap3A_963[%swap3A_964, %swap3A_965] {strides = array<i32>} : memref<200x64xf32, #tpu.memory_space<vmem>>, vector<1x16xf32>,
        %swap3A_967 = vector.shape_cast %swap3A_966 : vector<1x16xf32> to vector<16xf32>
        %swap3A_968 = vector.shape_cast %add3A_959 : vector<16xf32> to vector<1x16xf32>
        tpu.vector_store %swap3A_963[%swap3A_964, %swap3A_965], %swap3A_968 {strides = array<i32>} : memref<200x64xf32, #tpu.memory_space<vmem>>, vector<1x16xf32>,
        %get3A_969 = arith.constant 0 : i32
        %get3A_970 = arith.constant 0 : i32
        %get3A_971 = tpu.memref_slice %arg8[%scan3A_369, %get3A_969, %get3A_970] : memref<7x200x64xf32, #tpu.memory_space<vmem>> -> memref<1x200x64xf32, #tpu.memory_space<vmem>>
        %get3A_972 = tpu.memref_squeeze %get3A_971 : memref<1x200x64xf32, #tpu.memory_space<vmem>> -> memref<200x64xf32, #tpu.memory_space<vmem>>
        %get3A_973 = arith.index_cast %scan3A_924 : i32 to index
        %get3A_974 = arith.constant 32 : index
        %get3A_975 = tpu.vector_load %get3A_972[%get3A_973, %get3A_974] {strides = array<i32>} : memref<200x64xf32, #tpu.memory_space<vmem>>, vector<1x16xf32>,
        %get3A_976 = vector.shape_cast %get3A_975 : vector<1x16xf32> to vector<16xf32>
        %get3A_977 = arith.index_cast %scan3A_924 : i32 to index
        %get3A_978 = arith.constant 32 : index
        %get3A_979 = tpu.vector_load %arg7[%get3A_977, %get3A_978] {strides = array<i32>} : memref<200x64xf32, #tpu.memory_space<vmem>>, vector<1x16xf32>,
        %get3A_980 = vector.shape_cast %get3A_979 : vector<1x16xf32> to vector<16xf32>
        %add3A_981 = arith.addf %get3A_976, %get3A_980 : vector<16xf32>
        %swap3A_982 = arith.constant 0 : i32
        %swap3A_983 = arith.constant 0 : i32
        %swap3A_984 = tpu.memref_slice %arg8[%scan3A_369, %swap3A_982, %swap3A_983] : memref<7x200x64xf32, #tpu.memory_space<vmem>> -> memref<1x200x64xf32, #tpu.memory_space<vmem>>
        %swap3A_985 = tpu.memref_squeeze %swap3A_984 : memref<1x200x64xf32, #tpu.memory_space<vmem>> -> memref<200x64xf32, #tpu.memory_space<vmem>>
        %swap3A_986 = arith.index_cast %scan3A_924 : i32 to index
        %swap3A_987 = arith.constant 32 : index
        %swap3A_988 = tpu.vector_load %swap3A_985[%swap3A_986, %swap3A_987] {strides = array<i32>} : memref<200x64xf32, #tpu.memory_space<vmem>>, vector<1x16xf32>,
        %swap3A_989 = vector.shape_cast %swap3A_988 : vector<1x16xf32> to vector<16xf32>
        %swap3A_990 = vector.shape_cast %add3A_981 : vector<16xf32> to vector<1x16xf32>
        tpu.vector_store %swap3A_985[%swap3A_986, %swap3A_987], %swap3A_990 {strides = array<i32>} : memref<200x64xf32, #tpu.memory_space<vmem>>, vector<1x16xf32>,
        %get3A_991 = arith.constant 0 : i32
        %get3A_992 = arith.constant 0 : i32
        %get3A_993 = tpu.memref_slice %arg8[%scan3A_369, %get3A_991, %get3A_992] : memref<7x200x64xf32, #tpu.memory_space<vmem>> -> memref<1x200x64xf32, #tpu.memory_space<vmem>>
        %get3A_994 = tpu.memref_squeeze %get3A_993 : memref<1x200x64xf32, #tpu.memory_space<vmem>> -> memref<200x64xf32, #tpu.memory_space<vmem>>
        %get3A_995 = arith.index_cast %scan3A_924 : i32 to index
        %get3A_996 = arith.constant 48 : index
        %get3A_997 = tpu.vector_load %get3A_994[%get3A_995, %get3A_996] {strides = array<i32>} : memref<200x64xf32, #tpu.memory_space<vmem>>, vector<1x16xf32>,
        %get3A_998 = vector.shape_cast %get3A_997 : vector<1x16xf32> to vector<16xf32>
        %get3A_999 = arith.index_cast %scan3A_924 : i32 to index
        %get3A_1000 = arith.constant 48 : index
        %get3A_1001 = tpu.vector_load %arg7[%get3A_999, %get3A_1000] {strides = array<i32>} : memref<200x64xf32, #tpu.memory_space<vmem>>, vector<1x16xf32>,
        %get3A_1002 = vector.shape_cast %get3A_1001 : vector<1x16xf32> to vector<16xf32>
        %add3A_1003 = arith.addf %get3A_998, %get3A_1002 : vector<16xf32>
        %swap3A_1004 = arith.constant 0 : i32
        %swap3A_1005 = arith.constant 0 : i32
        %swap3A_1006 = tpu.memref_slice %arg8[%scan3A_369, %swap3A_1004, %swap3A_1005] : memref<7x200x64xf32, #tpu.memory_space<vmem>> -> memref<1x200x64xf32, #tpu.memory_space<vmem>>
        %swap3A_1007 = tpu.memref_squeeze %swap3A_1006 : memref<1x200x64xf32, #tpu.memory_space<vmem>> -> memref<200x64xf32, #tpu.memory_space<vmem>>
        %swap3A_1008 = arith.index_cast %scan3A_924 : i32 to index
        %swap3A_1009 = arith.constant 48 : index
        %swap3A_1010 = tpu.vector_load %swap3A_1007[%swap3A_1008, %swap3A_1009] {strides = array<i32>} : memref<200x64xf32, #tpu.memory_space<vmem>>, vector<1x16xf32>,
        %swap3A_1011 = vector.shape_cast %swap3A_1010 : vector<1x16xf32> to vector<16xf32>
        %swap3A_1012 = vector.shape_cast %add3A_1003 : vector<16xf32> to vector<1x16xf32>
        tpu.vector_store %swap3A_1007[%swap3A_1008, %swap3A_1009], %swap3A_1012 {strides = array<i32>} : memref<200x64xf32, #tpu.memory_space<vmem>>, vector<1x16xf32>,
      }
      %scan3A_374 = arith.constant 200 : i32
      %add3A_375 = arith.addi %mul3A_2, %add3A_347 : i32
      %dma_start3A_376 = arith.constant 1 : i32
      %dma_start3A_377 = arith.constant 1 : i32
      %dma_start3A_378 = arith.constant 0 : i32
      %dma_start3A_379 = arith.constant 0 : i32
      %dma_start3A_380 = tpu.memref_slice %arg8[%dma_start3A_376, %dma_start3A_378, %dma_start3A_379] : memref<7x200x64xf32, #tpu.memory_space<vmem>> -> memref<1x200x64xf32, #tpu.memory_space<vmem>>
      %dma_start3A_381 = tpu.memref_squeeze %dma_start3A_380 : memref<1x200x64xf32, #tpu.memory_space<vmem>> -> memref<200x64xf32, #tpu.memory_space<vmem>>
      %dma_start3A_382 = arith.constant 0 : i32
      %dma_start3A_383 = arith.constant 0 : i32
      %dma_start3A_384 = tpu.memref_slice %arg5[%add3A_375, %dma_start3A_382, %dma_start3A_383] : memref<4096x200x64xf32, #tpu.memory_space<hbm>> -> memref<1x200x64xf32, #tpu.memory_space<hbm>>
      %dma_start3A_385 = tpu.memref_squeeze %dma_start3A_384 : memref<1x200x64xf32, #tpu.memory_space<hbm>> -> memref<200x64xf32, #tpu.memory_space<hbm>>
      %dma_start3A_386 = tpu.memref_slice %arg10[%dma_start3A_377] : memref<7x!tpu.dma_semaphore, #tpu.memory_space<semaphore_mem>> -> memref<1x!tpu.dma_semaphore, #tpu.memory_space<semaphore_mem>>
      %dma_start3A_387 = tpu.memref_squeeze %dma_start3A_386 : memref<1x!tpu.dma_semaphore, #tpu.memory_space<semaphore_mem>> -> memref<!tpu.dma_semaphore, #tpu.memory_space<semaphore_mem>>
      %dma_start3A_388 = arith.constant 0 : i32
      %dma_start3A_389 = arith.constant 0 : i32
      %dma_start3A_390 = tpu.memref_slice %arg5[%add3A_375, %dma_start3A_388, %dma_start3A_389] : memref<4096x200x64xf32, #tpu.memory_space<hbm>> -> memref<1x200x64xf32, #tpu.memory_space<hbm>>
      %dma_start3A_391 = tpu.memref_squeeze %dma_start3A_390 : memref<1x200x64xf32, #tpu.memory_space<hbm>> -> memref<200x64xf32, #tpu.memory_space<hbm>>
      %dma_start3A_392 = arith.constant 0 : i32
      %dma_start3A_393 = arith.constant 0 : i32
      %dma_start3A_394 = tpu.memref_slice %arg8[%dma_start3A_376, %dma_start3A_392, %dma_start3A_393] : memref<7x200x64xf32, #tpu.memory_space<vmem>> -> memref<1x200x64xf32, #tpu.memory_space<vmem>>
      %dma_start3A_395 = tpu.memref_squeeze %dma_start3A_394 : memref<1x200x64xf32, #tpu.memory_space<vmem>> -> memref<200x64xf32, #tpu.memory_space<vmem>>
      tpu.enqueue_dma source(%dma_start3A_395 : memref<200x64xf32, #tpu.memory_space<vmem>>) target(%dma_start3A_391 : memref<200x64xf32, #tpu.memory_space<hbm>>) target_semaphore(%dma_start3A_387 : memref<!tpu.dma_semaphore, #tpu.memory_space<semaphore_mem>>)
      %mul3A_396 = arith.constant 7 : i32
      %mul3A_397 = arith.muli %scan3A_294, %mul3A_396 : i32
      %add3A_398 = arith.constant 2 : i32
      %add3A_399 = arith.addi %mul3A_397, %add3A_398 : i32
      %lt3A_400 = arith.constant 124 : i32
      %lt3A_401 = arith.cmpi slt, %add3A_399, %lt3A_400 : i32
      %convert_element_type3A_402 = arith.extui %lt3A_401 : i1 to i32
      %cond3A_403 = arith.constant 0 : i32
      %cond3A_404 = arith.cmpi ne, %convert_element_type3A_402, %cond3A_403 : i32
      scf.if %cond3A_404 {
        %ge3A = arith.constant 3 : i32
        %ge3A_656 = arith.cmpi sge, %add3A_399, %ge3A : i32
        %convert_element_type3A_657 = arith.extui %ge3A_656 : i1 to i32
        %cond3A_658 = arith.constant 0 : i32
        %cond3A_659 = arith.cmpi ne, %convert_element_type3A_657, %cond3A_658 : i32
        scf.if %cond3A_659 {
          %dma_wait3A_676 = arith.constant 6 : i32
          %dma_wait3A_677 = arith.constant 6 : i32
          %dma_wait3A_678 = arith.constant 0 : i32
          %dma_wait3A_679 = arith.constant 0 : i32
          %dma_wait3A_680 = tpu.memref_slice %arg8[%dma_wait3A_676, %dma_wait3A_678, %dma_wait3A_679] : memref<7x200x64xf32, #tpu.memory_space<vmem>> -> memref<1x200x64xf32, #tpu.memory_space<vmem>>
          %dma_wait3A_681 = tpu.memref_squeeze %dma_wait3A_680 : memref<1x200x64xf32, #tpu.memory_space<vmem>> -> memref<200x64xf32, #tpu.memory_space<vmem>>
          %dma_wait3A_682 = arith.constant 0 : i32
          %dma_wait3A_683 = arith.constant 0 : i32
          %dma_wait3A_684 = tpu.memref_slice %arg5[%mul3A_2, %dma_wait3A_682, %dma_wait3A_683] : memref<4096x200x64xf32, #tpu.memory_space<hbm>> -> memref<1x200x64xf32, #tpu.memory_space<hbm>>
          %dma_wait3A_685 = tpu.memref_squeeze %dma_wait3A_684 : memref<1x200x64xf32, #tpu.memory_space<hbm>> -> memref<200x64xf32, #tpu.memory_space<hbm>>
          %dma_wait3A_686 = tpu.memref_slice %arg10[%dma_wait3A_677] : memref<7x!tpu.dma_semaphore, #tpu.memory_space<semaphore_mem>> -> memref<1x!tpu.dma_semaphore, #tpu.memory_space<semaphore_mem>>
          %dma_wait3A_687 = tpu.memref_squeeze %dma_wait3A_686 : memref<1x!tpu.dma_semaphore, #tpu.memory_space<semaphore_mem>> -> memref<!tpu.dma_semaphore, #tpu.memory_space<semaphore_mem>>
          %dma_wait3A_688 = arith.constant 0 : i32
          %dma_wait3A_689 = arith.constant 0 : i32
          %dma_wait3A_690 = tpu.memref_slice %arg5[%mul3A_2, %dma_wait3A_688, %dma_wait3A_689] : memref<4096x200x64xf32, #tpu.memory_space<hbm>> -> memref<1x200x64xf32, #tpu.memory_space<hbm>>
          %dma_wait3A_691 = tpu.memref_squeeze %dma_wait3A_690 : memref<1x200x64xf32, #tpu.memory_space<hbm>> -> memref<200x64xf32, #tpu.memory_space<hbm>>
          %dma_wait3A_692 = arith.constant 0 : i32
          %dma_wait3A_693 = arith.constant 0 : i32
          %dma_wait3A_694 = tpu.memref_slice %arg8[%dma_wait3A_676, %dma_wait3A_692, %dma_wait3A_693] : memref<7x200x64xf32, #tpu.memory_space<vmem>> -> memref<1x200x64xf32, #tpu.memory_space<vmem>>
          %dma_wait3A_695 = tpu.memref_squeeze %dma_wait3A_694 : memref<1x200x64xf32, #tpu.memory_space<vmem>> -> memref<200x64xf32, #tpu.memory_space<vmem>>
          tpu.wait_dma2 semaphore(%dma_wait3A_687 : memref<!tpu.dma_semaphore, #tpu.memory_space<semaphore_mem>>) src(%dma_wait3A_695 : memref<200x64xf32, #tpu.memory_space<vmem>>) dst(%dma_wait3A_691 : memref<200x64xf32, #tpu.memory_space<hbm>>)
        } else {
        }
        %add3A_660 = arith.constant 4 : i32
        %add3A_661 = arith.addi %add3A_399, %add3A_660 : i32
        %dma_start3A_662 = arith.constant 6 : i32
        %dma_start3A_663 = arith.constant 6 : i32
        %dma_start3A_664 = arith.constant 0 : i32
        %dma_start3A_665 = arith.constant 0 : i32
        %dma_start3A_666 = tpu.memref_slice %arg8[%dma_start3A_662, %dma_start3A_664, %dma_start3A_665] : memref<7x200x64xf32, #tpu.memory_space<vmem>> -> memref<1x200x64xf32, #tpu.memory_space<vmem>>
        %dma_start3A_667 = tpu.memref_squeeze %dma_start3A_666 : memref<1x200x64xf32, #tpu.memory_space<vmem>> -> memref<200x64xf32, #tpu.memory_space<vmem>>
        %dma_start3A_668 = arith.constant 0 : i32
        %dma_start3A_669 = tpu.memref_slice %arg6[%add3A_661, %dma_start3A_668] : memref<128x200xi32, #tpu.memory_space<vmem>> -> memref<1x200xi32, #tpu.memory_space<vmem>>
        %dma_start3A_670 = tpu.memref_squeeze %dma_start3A_669 : memref<1x200xi32, #tpu.memory_space<vmem>> -> memref<200xi32, #tpu.memory_space<vmem>>
        %dma_start3A_671 = arith.constant 0 : i32
        %dma_start3A_672 = arith.constant 0 : i32
        %dma_start3A_673 = tpu.memref_slice %arg3[%dma_start3A_671, %dma_start3A_672] : memref<1000000x64xf32, #tpu.memory_space<hbm>> -> memref<1000000x64xf32, #tpu.memory_space<hbm>>
        %dma_start3A_674 = tpu.memref_slice %arg9[%dma_start3A_663] : memref<7x!tpu.dma_semaphore, #tpu.memory_space<semaphore_mem>> -> memref<1x!tpu.dma_semaphore, #tpu.memory_space<semaphore_mem>>
        %dma_start3A_675 = tpu.memref_squeeze %dma_start3A_674 : memref<1x!tpu.dma_semaphore, #tpu.memory_space<semaphore_mem>> -> memref<!tpu.dma_semaphore, #tpu.memory_space<semaphore_mem>>
        tpu.enqueue_indirect_dma source(%dma_start3A_673 : memref<1000000x64xf32, #tpu.memory_space<hbm>>) target(%dma_start3A_667 : memref<200x64xf32, #tpu.memory_space<vmem>>) offsets(%dma_start3A_670 : memref<200xi32, #tpu.memory_space<vmem>>) semaphore(%dma_start3A_675 : memref<!tpu.dma_semaphore, #tpu.memory_space<semaphore_mem>>)
      } else {
      }
      %dma_wait3A_405 = arith.constant 0 : i32
      %dma_wait3A_406 = arith.constant 2 : i32
      %dma_wait3A_407 = arith.constant 2 : i32
      %dma_wait3A_408 = arith.constant 0 : i32
      %dma_wait3A_409 = arith.constant 0 : i32
      %dma_wait3A_410 = tpu.memref_slice %arg8[%dma_wait3A_406, %dma_wait3A_408, %dma_wait3A_409] : memref<7x200x64xf32, #tpu.memory_space<vmem>> -> memref<1x200x64xf32, #tpu.memory_space<vmem>>
      %dma_wait3A_411 = tpu.memref_squeeze %dma_wait3A_410 : memref<1x200x64xf32, #tpu.memory_space<vmem>> -> memref<200x64xf32, #tpu.memory_space<vmem>>
      %dma_wait3A_412 = arith.constant 0 : i32
      %dma_wait3A_413 = tpu.memref_slice %arg6[%dma_wait3A_405, %dma_wait3A_412] : memref<128x200xi32, #tpu.memory_space<vmem>> -> memref<1x200xi32, #tpu.memory_space<vmem>>
      %dma_wait3A_414 = tpu.memref_squeeze %dma_wait3A_413 : memref<1x200xi32, #tpu.memory_space<vmem>> -> memref<200xi32, #tpu.memory_space<vmem>>
      %dma_wait3A_415 = arith.constant 0 : i32
      %dma_wait3A_416 = arith.constant 0 : i32
      %dma_wait3A_417 = tpu.memref_slice %arg3[%dma_wait3A_415, %dma_wait3A_416] : memref<1000000x64xf32, #tpu.memory_space<hbm>> -> memref<1000000x64xf32, #tpu.memory_space<hbm>>
      %dma_wait3A_418 = tpu.memref_slice %arg9[%dma_wait3A_407] : memref<7x!tpu.dma_semaphore, #tpu.memory_space<semaphore_mem>> -> memref<1x!tpu.dma_semaphore, #tpu.memory_space<semaphore_mem>>
      %dma_wait3A_419 = tpu.memref_squeeze %dma_wait3A_418 : memref<1x!tpu.dma_semaphore, #tpu.memory_space<semaphore_mem>> -> memref<!tpu.dma_semaphore, #tpu.memory_space<semaphore_mem>>
      tpu.wait_indirect_dma semaphore(%dma_wait3A_419 : memref<!tpu.dma_semaphore, #tpu.memory_space<semaphore_mem>>) src(%dma_wait3A_417 : memref<1000000x64xf32, #tpu.memory_space<hbm>>) dst(%dma_wait3A_411 : memref<200x64xf32, #tpu.memory_space<vmem>>)
      %scan3A_420 = arith.constant 0 : i32
      %scan3A_421 = arith.constant 2 : i32
      %scan3A_422 = arith.constant 0 : i32
      %scan3A_423 = arith.constant 200 : i32
      %scan3A_424 = arith.addi %scan3A_422, %scan3A_423 : i32
      %scan3A_425 = arith.constant 4 : i32
      scf.for %scan3A_656 = %scan3A_422 to %scan3A_424 step %scan3A_425  : i32 {
        %get3A = arith.constant 0 : i32
        %get3A_657 = arith.constant 0 : i32
        %get3A_658 = tpu.memref_slice %arg8[%scan3A_421, %get3A, %get3A_657] : memref<7x200x64xf32, #tpu.memory_space<vmem>> -> memref<1x200x64xf32, #tpu.memory_space<vmem>>
        %get3A_659 = tpu.memref_squeeze %get3A_658 : memref<1x200x64xf32, #tpu.memory_space<vmem>> -> memref<200x64xf32, #tpu.memory_space<vmem>>
        %get3A_660 = arith.index_cast %scan3A_656 : i32 to index
        %get3A_661 = arith.constant 0 : index
        %get3A_662 = tpu.vector_load %get3A_659[%get3A_660, %get3A_661] {strides = array<i32>} : memref<200x64xf32, #tpu.memory_space<vmem>>, vector<1x16xf32>,
        %get3A_663 = vector.shape_cast %get3A_662 : vector<1x16xf32> to vector<16xf32>
        %get3A_664 = arith.index_cast %scan3A_656 : i32 to index
        %get3A_665 = arith.constant 0 : index
        %get3A_666 = tpu.vector_load %arg7[%get3A_664, %get3A_665] {strides = array<i32>} : memref<200x64xf32, #tpu.memory_space<vmem>>, vector<1x16xf32>,
        %get3A_667 = vector.shape_cast %get3A_666 : vector<1x16xf32> to vector<16xf32>
        %add3A_668 = arith.addf %get3A_663, %get3A_667 : vector<16xf32>
        %swap3A = arith.constant 0 : i32
        %swap3A_669 = arith.constant 0 : i32
        %swap3A_670 = tpu.memref_slice %arg8[%scan3A_421, %swap3A, %swap3A_669] : memref<7x200x64xf32, #tpu.memory_space<vmem>> -> memref<1x200x64xf32, #tpu.memory_space<vmem>>
        %swap3A_671 = tpu.memref_squeeze %swap3A_670 : memref<1x200x64xf32, #tpu.memory_space<vmem>> -> memref<200x64xf32, #tpu.memory_space<vmem>>
        %swap3A_672 = arith.index_cast %scan3A_656 : i32 to index
        %swap3A_673 = arith.constant 0 : index
        %swap3A_674 = tpu.vector_load %swap3A_671[%swap3A_672, %swap3A_673] {strides = array<i32>} : memref<200x64xf32, #tpu.memory_space<vmem>>, vector<1x16xf32>,
        %swap3A_675 = vector.shape_cast %swap3A_674 : vector<1x16xf32> to vector<16xf32>
        %swap3A_676 = vector.shape_cast %add3A_668 : vector<16xf32> to vector<1x16xf32>
        tpu.vector_store %swap3A_671[%swap3A_672, %swap3A_673], %swap3A_676 {strides = array<i32>} : memref<200x64xf32, #tpu.memory_space<vmem>>, vector<1x16xf32>,
        %get3A_677 = arith.constant 0 : i32
        %get3A_678 = arith.constant 0 : i32
        %get3A_679 = tpu.memref_slice %arg8[%scan3A_421, %get3A_677, %get3A_678] : memref<7x200x64xf32, #tpu.memory_space<vmem>> -> memref<1x200x64xf32, #tpu.memory_space<vmem>>
        %get3A_680 = tpu.memref_squeeze %get3A_679 : memref<1x200x64xf32, #tpu.memory_space<vmem>> -> memref<200x64xf32, #tpu.memory_space<vmem>>
        %get3A_681 = arith.index_cast %scan3A_656 : i32 to index
        %get3A_682 = arith.constant 16 : index
        %get3A_683 = tpu.vector_load %get3A_680[%get3A_681, %get3A_682] {strides = array<i32>} : memref<200x64xf32, #tpu.memory_space<vmem>>, vector<1x16xf32>,
        %get3A_684 = vector.shape_cast %get3A_683 : vector<1x16xf32> to vector<16xf32>
        %get3A_685 = arith.index_cast %scan3A_656 : i32 to index
        %get3A_686 = arith.constant 16 : index
        %get3A_687 = tpu.vector_load %arg7[%get3A_685, %get3A_686] {strides = array<i32>} : memref<200x64xf32, #tpu.memory_space<vmem>>, vector<1x16xf32>,
        %get3A_688 = vector.shape_cast %get3A_687 : vector<1x16xf32> to vector<16xf32>
        %add3A_689 = arith.addf %get3A_684, %get3A_688 : vector<16xf32>
        %swap3A_690 = arith.constant 0 : i32
        %swap3A_691 = arith.constant 0 : i32
        %swap3A_692 = tpu.memref_slice %arg8[%scan3A_421, %swap3A_690, %swap3A_691] : memref<7x200x64xf32, #tpu.memory_space<vmem>> -> memref<1x200x64xf32, #tpu.memory_space<vmem>>
        %swap3A_693 = tpu.memref_squeeze %swap3A_692 : memref<1x200x64xf32, #tpu.memory_space<vmem>> -> memref<200x64xf32, #tpu.memory_space<vmem>>
        %swap3A_694 = arith.index_cast %scan3A_656 : i32 to index
        %swap3A_695 = arith.constant 16 : index
        %swap3A_696 = tpu.vector_load %swap3A_693[%swap3A_694, %swap3A_695] {strides = array<i32>} : memref<200x64xf32, #tpu.memory_space<vmem>>, vector<1x16xf32>,
        %swap3A_697 = vector.shape_cast %swap3A_696 : vector<1x16xf32> to vector<16xf32>
        %swap3A_698 = vector.shape_cast %add3A_689 : vector<16xf32> to vector<1x16xf32>
        tpu.vector_store %swap3A_693[%swap3A_694, %swap3A_695], %swap3A_698 {strides = array<i32>} : memref<200x64xf32, #tpu.memory_space<vmem>>, vector<1x16xf32>,
        %get3A_699 = arith.constant 0 : i32
        %get3A_700 = arith.constant 0 : i32
        %get3A_701 = tpu.memref_slice %arg8[%scan3A_421, %get3A_699, %get3A_700] : memref<7x200x64xf32, #tpu.memory_space<vmem>> -> memref<1x200x64xf32, #tpu.memory_space<vmem>>
        %get3A_702 = tpu.memref_squeeze %get3A_701 : memref<1x200x64xf32, #tpu.memory_space<vmem>> -> memref<200x64xf32, #tpu.memory_space<vmem>>
        %get3A_703 = arith.index_cast %scan3A_656 : i32 to index
        %get3A_704 = arith.constant 32 : index
        %get3A_705 = tpu.vector_load %get3A_702[%get3A_703, %get3A_704] {strides = array<i32>} : memref<200x64xf32, #tpu.memory_space<vmem>>, vector<1x16xf32>,
        %get3A_706 = vector.shape_cast %get3A_705 : vector<1x16xf32> to vector<16xf32>
        %get3A_707 = arith.index_cast %scan3A_656 : i32 to index
        %get3A_708 = arith.constant 32 : index
        %get3A_709 = tpu.vector_load %arg7[%get3A_707, %get3A_708] {strides = array<i32>} : memref<200x64xf32, #tpu.memory_space<vmem>>, vector<1x16xf32>,
        %get3A_710 = vector.shape_cast %get3A_709 : vector<1x16xf32> to vector<16xf32>
        %add3A_711 = arith.addf %get3A_706, %get3A_710 : vector<16xf32>
        %swap3A_712 = arith.constant 0 : i32
        %swap3A_713 = arith.constant 0 : i32
        %swap3A_714 = tpu.memref_slice %arg8[%scan3A_421, %swap3A_712, %swap3A_713] : memref<7x200x64xf32, #tpu.memory_space<vmem>> -> memref<1x200x64xf32, #tpu.memory_space<vmem>>
        %swap3A_715 = tpu.memref_squeeze %swap3A_714 : memref<1x200x64xf32, #tpu.memory_space<vmem>> -> memref<200x64xf32, #tpu.memory_space<vmem>>
        %swap3A_716 = arith.index_cast %scan3A_656 : i32 to index
        %swap3A_717 = arith.constant 32 : index
        %swap3A_718 = tpu.vector_load %swap3A_715[%swap3A_716, %swap3A_717] {strides = array<i32>} : memref<200x64xf32, #tpu.memory_space<vmem>>, vector<1x16xf32>,
        %swap3A_719 = vector.shape_cast %swap3A_718 : vector<1x16xf32> to vector<16xf32>
        %swap3A_720 = vector.shape_cast %add3A_711 : vector<16xf32> to vector<1x16xf32>
        tpu.vector_store %swap3A_715[%swap3A_716, %swap3A_717], %swap3A_720 {strides = array<i32>} : memref<200x64xf32, #tpu.memory_space<vmem>>, vector<1x16xf32>,
        %get3A_721 = arith.constant 0 : i32
        %get3A_722 = arith.constant 0 : i32
        %get3A_723 = tpu.memref_slice %arg8[%scan3A_421, %get3A_721, %get3A_722] : memref<7x200x64xf32, #tpu.memory_space<vmem>> -> memref<1x200x64xf32, #tpu.memory_space<vmem>>
        %get3A_724 = tpu.memref_squeeze %get3A_723 : memref<1x200x64xf32, #tpu.memory_space<vmem>> -> memref<200x64xf32, #tpu.memory_space<vmem>>
        %get3A_725 = arith.index_cast %scan3A_656 : i32 to index
        %get3A_726 = arith.constant 48 : index
        %get3A_727 = tpu.vector_load %get3A_724[%get3A_725, %get3A_726] {strides = array<i32>} : memref<200x64xf32, #tpu.memory_space<vmem>>, vector<1x16xf32>,
        %get3A_728 = vector.shape_cast %get3A_727 : vector<1x16xf32> to vector<16xf32>
        %get3A_729 = arith.index_cast %scan3A_656 : i32 to index
        %get3A_730 = arith.constant 48 : index
        %get3A_731 = tpu.vector_load %arg7[%get3A_729, %get3A_730] {strides = array<i32>} : memref<200x64xf32, #tpu.memory_space<vmem>>, vector<1x16xf32>,
        %get3A_732 = vector.shape_cast %get3A_731 : vector<1x16xf32> to vector<16xf32>
        %add3A_733 = arith.addf %get3A_728, %get3A_732 : vector<16xf32>
        %swap3A_734 = arith.constant 0 : i32
        %swap3A_735 = arith.constant 0 : i32
        %swap3A_736 = tpu.memref_slice %arg8[%scan3A_421, %swap3A_734, %swap3A_735] : memref<7x200x64xf32, #tpu.memory_space<vmem>> -> memref<1x200x64xf32, #tpu.memory_space<vmem>>
        %swap3A_737 = tpu.memref_squeeze %swap3A_736 : memref<1x200x64xf32, #tpu.memory_space<vmem>> -> memref<200x64xf32, #tpu.memory_space<vmem>>
        %swap3A_738 = arith.index_cast %scan3A_656 : i32 to index
        %swap3A_739 = arith.constant 48 : index
        %swap3A_740 = tpu.vector_load %swap3A_737[%swap3A_738, %swap3A_739] {strides = array<i32>} : memref<200x64xf32, #tpu.memory_space<vmem>>, vector<1x16xf32>,
        %swap3A_741 = vector.shape_cast %swap3A_740 : vector<1x16xf32> to vector<16xf32>
        %swap3A_742 = vector.shape_cast %add3A_733 : vector<16xf32> to vector<1x16xf32>
        tpu.vector_store %swap3A_737[%swap3A_738, %swap3A_739], %swap3A_742 {strides = array<i32>} : memref<200x64xf32, #tpu.memory_space<vmem>>, vector<1x16xf32>,
        %scan3A_743 = arith.constant 1 : i32
        %scan3A_744 = arith.addi %scan3A_656, %scan3A_743 : i32
        %get3A_745 = arith.constant 0 : i32
        %get3A_746 = arith.constant 0 : i32
        %get3A_747 = tpu.memref_slice %arg8[%scan3A_421, %get3A_745, %get3A_746] : memref<7x200x64xf32, #tpu.memory_space<vmem>> -> memref<1x200x64xf32, #tpu.memory_space<vmem>>
        %get3A_748 = tpu.memref_squeeze %get3A_747 : memref<1x200x64xf32, #tpu.memory_space<vmem>> -> memref<200x64xf32, #tpu.memory_space<vmem>>
        %get3A_749 = arith.index_cast %scan3A_744 : i32 to index
        %get3A_750 = arith.constant 0 : index
        %get3A_751 = tpu.vector_load %get3A_748[%get3A_749, %get3A_750] {strides = array<i32>} : memref<200x64xf32, #tpu.memory_space<vmem>>, vector<1x16xf32>,
        %get3A_752 = vector.shape_cast %get3A_751 : vector<1x16xf32> to vector<16xf32>
        %get3A_753 = arith.index_cast %scan3A_744 : i32 to index
        %get3A_754 = arith.constant 0 : index
        %get3A_755 = tpu.vector_load %arg7[%get3A_753, %get3A_754] {strides = array<i32>} : memref<200x64xf32, #tpu.memory_space<vmem>>, vector<1x16xf32>,
        %get3A_756 = vector.shape_cast %get3A_755 : vector<1x16xf32> to vector<16xf32>
        %add3A_757 = arith.addf %get3A_752, %get3A_756 : vector<16xf32>
        %swap3A_758 = arith.constant 0 : i32
        %swap3A_759 = arith.constant 0 : i32
        %swap3A_760 = tpu.memref_slice %arg8[%scan3A_421, %swap3A_758, %swap3A_759] : memref<7x200x64xf32, #tpu.memory_space<vmem>> -> memref<1x200x64xf32, #tpu.memory_space<vmem>>
        %swap3A_761 = tpu.memref_squeeze %swap3A_760 : memref<1x200x64xf32, #tpu.memory_space<vmem>> -> memref<200x64xf32, #tpu.memory_space<vmem>>
        %swap3A_762 = arith.index_cast %scan3A_744 : i32 to index
        %swap3A_763 = arith.constant 0 : index
        %swap3A_764 = tpu.vector_load %swap3A_761[%swap3A_762, %swap3A_763] {strides = array<i32>} : memref<200x64xf32, #tpu.memory_space<vmem>>, vector<1x16xf32>,
        %swap3A_765 = vector.shape_cast %swap3A_764 : vector<1x16xf32> to vector<16xf32>
        %swap3A_766 = vector.shape_cast %add3A_757 : vector<16xf32> to vector<1x16xf32>
        tpu.vector_store %swap3A_761[%swap3A_762, %swap3A_763], %swap3A_766 {strides = array<i32>} : memref<200x64xf32, #tpu.memory_space<vmem>>, vector<1x16xf32>,
        %get3A_767 = arith.constant 0 : i32
        %get3A_768 = arith.constant 0 : i32
        %get3A_769 = tpu.memref_slice %arg8[%scan3A_421, %get3A_767, %get3A_768] : memref<7x200x64xf32, #tpu.memory_space<vmem>> -> memref<1x200x64xf32, #tpu.memory_space<vmem>>
        %get3A_770 = tpu.memref_squeeze %get3A_769 : memref<1x200x64xf32, #tpu.memory_space<vmem>> -> memref<200x64xf32, #tpu.memory_space<vmem>>
        %get3A_771 = arith.index_cast %scan3A_744 : i32 to index
        %get3A_772 = arith.constant 16 : index
        %get3A_773 = tpu.vector_load %get3A_770[%get3A_771, %get3A_772] {strides = array<i32>} : memref<200x64xf32, #tpu.memory_space<vmem>>, vector<1x16xf32>,
        %get3A_774 = vector.shape_cast %get3A_773 : vector<1x16xf32> to vector<16xf32>
        %get3A_775 = arith.index_cast %scan3A_744 : i32 to index
        %get3A_776 = arith.constant 16 : index
        %get3A_777 = tpu.vector_load %arg7[%get3A_775, %get3A_776] {strides = array<i32>} : memref<200x64xf32, #tpu.memory_space<vmem>>, vector<1x16xf32>,
        %get3A_778 = vector.shape_cast %get3A_777 : vector<1x16xf32> to vector<16xf32>
        %add3A_779 = arith.addf %get3A_774, %get3A_778 : vector<16xf32>
        %swap3A_780 = arith.constant 0 : i32
        %swap3A_781 = arith.constant 0 : i32
        %swap3A_782 = tpu.memref_slice %arg8[%scan3A_421, %swap3A_780, %swap3A_781] : memref<7x200x64xf32, #tpu.memory_space<vmem>> -> memref<1x200x64xf32, #tpu.memory_space<vmem>>
        %swap3A_783 = tpu.memref_squeeze %swap3A_782 : memref<1x200x64xf32, #tpu.memory_space<vmem>> -> memref<200x64xf32, #tpu.memory_space<vmem>>
        %swap3A_784 = arith.index_cast %scan3A_744 : i32 to index
        %swap3A_785 = arith.constant 16 : index
        %swap3A_786 = tpu.vector_load %swap3A_783[%swap3A_784, %swap3A_785] {strides = array<i32>} : memref<200x64xf32, #tpu.memory_space<vmem>>, vector<1x16xf32>,
        %swap3A_787 = vector.shape_cast %swap3A_786 : vector<1x16xf32> to vector<16xf32>
        %swap3A_788 = vector.shape_cast %add3A_779 : vector<16xf32> to vector<1x16xf32>
        tpu.vector_store %swap3A_783[%swap3A_784, %swap3A_785], %swap3A_788 {strides = array<i32>} : memref<200x64xf32, #tpu.memory_space<vmem>>, vector<1x16xf32>,
        %get3A_789 = arith.constant 0 : i32
        %get3A_790 = arith.constant 0 : i32
        %get3A_791 = tpu.memref_slice %arg8[%scan3A_421, %get3A_789, %get3A_790] : memref<7x200x64xf32, #tpu.memory_space<vmem>> -> memref<1x200x64xf32, #tpu.memory_space<vmem>>
        %get3A_792 = tpu.memref_squeeze %get3A_791 : memref<1x200x64xf32, #tpu.memory_space<vmem>> -> memref<200x64xf32, #tpu.memory_space<vmem>>
        %get3A_793 = arith.index_cast %scan3A_744 : i32 to index
        %get3A_794 = arith.constant 32 : index
        %get3A_795 = tpu.vector_load %get3A_792[%get3A_793, %get3A_794] {strides = array<i32>} : memref<200x64xf32, #tpu.memory_space<vmem>>, vector<1x16xf32>,
        %get3A_796 = vector.shape_cast %get3A_795 : vector<1x16xf32> to vector<16xf32>
        %get3A_797 = arith.index_cast %scan3A_744 : i32 to index
        %get3A_798 = arith.constant 32 : index
        %get3A_799 = tpu.vector_load %arg7[%get3A_797, %get3A_798] {strides = array<i32>} : memref<200x64xf32, #tpu.memory_space<vmem>>, vector<1x16xf32>,
        %get3A_800 = vector.shape_cast %get3A_799 : vector<1x16xf32> to vector<16xf32>
        %add3A_801 = arith.addf %get3A_796, %get3A_800 : vector<16xf32>
        %swap3A_802 = arith.constant 0 : i32
        %swap3A_803 = arith.constant 0 : i32
        %swap3A_804 = tpu.memref_slice %arg8[%scan3A_421, %swap3A_802, %swap3A_803] : memref<7x200x64xf32, #tpu.memory_space<vmem>> -> memref<1x200x64xf32, #tpu.memory_space<vmem>>
        %swap3A_805 = tpu.memref_squeeze %swap3A_804 : memref<1x200x64xf32, #tpu.memory_space<vmem>> -> memref<200x64xf32, #tpu.memory_space<vmem>>
        %swap3A_806 = arith.index_cast %scan3A_744 : i32 to index
        %swap3A_807 = arith.constant 32 : index
        %swap3A_808 = tpu.vector_load %swap3A_805[%swap3A_806, %swap3A_807] {strides = array<i32>} : memref<200x64xf32, #tpu.memory_space<vmem>>, vector<1x16xf32>,
        %swap3A_809 = vector.shape_cast %swap3A_808 : vector<1x16xf32> to vector<16xf32>
        %swap3A_810 = vector.shape_cast %add3A_801 : vector<16xf32> to vector<1x16xf32>
        tpu.vector_store %swap3A_805[%swap3A_806, %swap3A_807], %swap3A_810 {strides = array<i32>} : memref<200x64xf32, #tpu.memory_space<vmem>>, vector<1x16xf32>,
        %get3A_811 = arith.constant 0 : i32
        %get3A_812 = arith.constant 0 : i32
        %get3A_813 = tpu.memref_slice %arg8[%scan3A_421, %get3A_811, %get3A_812] : memref<7x200x64xf32, #tpu.memory_space<vmem>> -> memref<1x200x64xf32, #tpu.memory_space<vmem>>
        %get3A_814 = tpu.memref_squeeze %get3A_813 : memref<1x200x64xf32, #tpu.memory_space<vmem>> -> memref<200x64xf32, #tpu.memory_space<vmem>>
        %get3A_815 = arith.index_cast %scan3A_744 : i32 to index
        %get3A_816 = arith.constant 48 : index
        %get3A_817 = tpu.vector_load %get3A_814[%get3A_815, %get3A_816] {strides = array<i32>} : memref<200x64xf32, #tpu.memory_space<vmem>>, vector<1x16xf32>,
        %get3A_818 = vector.shape_cast %get3A_817 : vector<1x16xf32> to vector<16xf32>
        %get3A_819 = arith.index_cast %scan3A_744 : i32 to index
        %get3A_820 = arith.constant 48 : index
        %get3A_821 = tpu.vector_load %arg7[%get3A_819, %get3A_820] {strides = array<i32>} : memref<200x64xf32, #tpu.memory_space<vmem>>, vector<1x16xf32>,
        %get3A_822 = vector.shape_cast %get3A_821 : vector<1x16xf32> to vector<16xf32>
        %add3A_823 = arith.addf %get3A_818, %get3A_822 : vector<16xf32>
        %swap3A_824 = arith.constant 0 : i32
        %swap3A_825 = arith.constant 0 : i32
        %swap3A_826 = tpu.memref_slice %arg8[%scan3A_421, %swap3A_824, %swap3A_825] : memref<7x200x64xf32, #tpu.memory_space<vmem>> -> memref<1x200x64xf32, #tpu.memory_space<vmem>>
        %swap3A_827 = tpu.memref_squeeze %swap3A_826 : memref<1x200x64xf32, #tpu.memory_space<vmem>> -> memref<200x64xf32, #tpu.memory_space<vmem>>
        %swap3A_828 = arith.index_cast %scan3A_744 : i32 to index
        %swap3A_829 = arith.constant 48 : index
        %swap3A_830 = tpu.vector_load %swap3A_827[%swap3A_828, %swap3A_829] {strides = array<i32>} : memref<200x64xf32, #tpu.memory_space<vmem>>, vector<1x16xf32>,
        %swap3A_831 = vector.shape_cast %swap3A_830 : vector<1x16xf32> to vector<16xf32>
        %swap3A_832 = vector.shape_cast %add3A_823 : vector<16xf32> to vector<1x16xf32>
        tpu.vector_store %swap3A_827[%swap3A_828, %swap3A_829], %swap3A_832 {strides = array<i32>} : memref<200x64xf32, #tpu.memory_space<vmem>>, vector<1x16xf32>,
        %scan3A_833 = arith.constant 2 : i32
        %scan3A_834 = arith.addi %scan3A_656, %scan3A_833 : i32
        %get3A_835 = arith.constant 0 : i32
        %get3A_836 = arith.constant 0 : i32
        %get3A_837 = tpu.memref_slice %arg8[%scan3A_421, %get3A_835, %get3A_836] : memref<7x200x64xf32, #tpu.memory_space<vmem>> -> memref<1x200x64xf32, #tpu.memory_space<vmem>>
        %get3A_838 = tpu.memref_squeeze %get3A_837 : memref<1x200x64xf32, #tpu.memory_space<vmem>> -> memref<200x64xf32, #tpu.memory_space<vmem>>
        %get3A_839 = arith.index_cast %scan3A_834 : i32 to index
        %get3A_840 = arith.constant 0 : index
        %get3A_841 = tpu.vector_load %get3A_838[%get3A_839, %get3A_840] {strides = array<i32>} : memref<200x64xf32, #tpu.memory_space<vmem>>, vector<1x16xf32>,
        %get3A_842 = vector.shape_cast %get3A_841 : vector<1x16xf32> to vector<16xf32>
        %get3A_843 = arith.index_cast %scan3A_834 : i32 to index
        %get3A_844 = arith.constant 0 : index
        %get3A_845 = tpu.vector_load %arg7[%get3A_843, %get3A_844] {strides = array<i32>} : memref<200x64xf32, #tpu.memory_space<vmem>>, vector<1x16xf32>,
        %get3A_846 = vector.shape_cast %get3A_845 : vector<1x16xf32> to vector<16xf32>
        %add3A_847 = arith.addf %get3A_842, %get3A_846 : vector<16xf32>
        %swap3A_848 = arith.constant 0 : i32
        %swap3A_849 = arith.constant 0 : i32
        %swap3A_850 = tpu.memref_slice %arg8[%scan3A_421, %swap3A_848, %swap3A_849] : memref<7x200x64xf32, #tpu.memory_space<vmem>> -> memref<1x200x64xf32, #tpu.memory_space<vmem>>
        %swap3A_851 = tpu.memref_squeeze %swap3A_850 : memref<1x200x64xf32, #tpu.memory_space<vmem>> -> memref<200x64xf32, #tpu.memory_space<vmem>>
        %swap3A_852 = arith.index_cast %scan3A_834 : i32 to index
        %swap3A_853 = arith.constant 0 : index
        %swap3A_854 = tpu.vector_load %swap3A_851[%swap3A_852, %swap3A_853] {strides = array<i32>} : memref<200x64xf32, #tpu.memory_space<vmem>>, vector<1x16xf32>,
        %swap3A_855 = vector.shape_cast %swap3A_854 : vector<1x16xf32> to vector<16xf32>
        %swap3A_856 = vector.shape_cast %add3A_847 : vector<16xf32> to vector<1x16xf32>
        tpu.vector_store %swap3A_851[%swap3A_852, %swap3A_853], %swap3A_856 {strides = array<i32>} : memref<200x64xf32, #tpu.memory_space<vmem>>, vector<1x16xf32>,
        %get3A_857 = arith.constant 0 : i32
        %get3A_858 = arith.constant 0 : i32
        %get3A_859 = tpu.memref_slice %arg8[%scan3A_421, %get3A_857, %get3A_858] : memref<7x200x64xf32, #tpu.memory_space<vmem>> -> memref<1x200x64xf32, #tpu.memory_space<vmem>>
        %get3A_860 = tpu.memref_squeeze %get3A_859 : memref<1x200x64xf32, #tpu.memory_space<vmem>> -> memref<200x64xf32, #tpu.memory_space<vmem>>
        %get3A_861 = arith.index_cast %scan3A_834 : i32 to index
        %get3A_862 = arith.constant 16 : index
        %get3A_863 = tpu.vector_load %get3A_860[%get3A_861, %get3A_862] {strides = array<i32>} : memref<200x64xf32, #tpu.memory_space<vmem>>, vector<1x16xf32>,
        %get3A_864 = vector.shape_cast %get3A_863 : vector<1x16xf32> to vector<16xf32>
        %get3A_865 = arith.index_cast %scan3A_834 : i32 to index
        %get3A_866 = arith.constant 16 : index
        %get3A_867 = tpu.vector_load %arg7[%get3A_865, %get3A_866] {strides = array<i32>} : memref<200x64xf32, #tpu.memory_space<vmem>>, vector<1x16xf32>,
        %get3A_868 = vector.shape_cast %get3A_867 : vector<1x16xf32> to vector<16xf32>
        %add3A_869 = arith.addf %get3A_864, %get3A_868 : vector<16xf32>
        %swap3A_870 = arith.constant 0 : i32
        %swap3A_871 = arith.constant 0 : i32
        %swap3A_872 = tpu.memref_slice %arg8[%scan3A_421, %swap3A_870, %swap3A_871] : memref<7x200x64xf32, #tpu.memory_space<vmem>> -> memref<1x200x64xf32, #tpu.memory_space<vmem>>
        %swap3A_873 = tpu.memref_squeeze %swap3A_872 : memref<1x200x64xf32, #tpu.memory_space<vmem>> -> memref<200x64xf32, #tpu.memory_space<vmem>>
        %swap3A_874 = arith.index_cast %scan3A_834 : i32 to index
        %swap3A_875 = arith.constant 16 : index
        %swap3A_876 = tpu.vector_load %swap3A_873[%swap3A_874, %swap3A_875] {strides = array<i32>} : memref<200x64xf32, #tpu.memory_space<vmem>>, vector<1x16xf32>,
        %swap3A_877 = vector.shape_cast %swap3A_876 : vector<1x16xf32> to vector<16xf32>
        %swap3A_878 = vector.shape_cast %add3A_869 : vector<16xf32> to vector<1x16xf32>
        tpu.vector_store %swap3A_873[%swap3A_874, %swap3A_875], %swap3A_878 {strides = array<i32>} : memref<200x64xf32, #tpu.memory_space<vmem>>, vector<1x16xf32>,
        %get3A_879 = arith.constant 0 : i32
        %get3A_880 = arith.constant 0 : i32
        %get3A_881 = tpu.memref_slice %arg8[%scan3A_421, %get3A_879, %get3A_880] : memref<7x200x64xf32, #tpu.memory_space<vmem>> -> memref<1x200x64xf32, #tpu.memory_space<vmem>>
        %get3A_882 = tpu.memref_squeeze %get3A_881 : memref<1x200x64xf32, #tpu.memory_space<vmem>> -> memref<200x64xf32, #tpu.memory_space<vmem>>
        %get3A_883 = arith.index_cast %scan3A_834 : i32 to index
        %get3A_884 = arith.constant 32 : index
        %get3A_885 = tpu.vector_load %get3A_882[%get3A_883, %get3A_884] {strides = array<i32>} : memref<200x64xf32, #tpu.memory_space<vmem>>, vector<1x16xf32>,
        %get3A_886 = vector.shape_cast %get3A_885 : vector<1x16xf32> to vector<16xf32>
        %get3A_887 = arith.index_cast %scan3A_834 : i32 to index
        %get3A_888 = arith.constant 32 : index
        %get3A_889 = tpu.vector_load %arg7[%get3A_887, %get3A_888] {strides = array<i32>} : memref<200x64xf32, #tpu.memory_space<vmem>>, vector<1x16xf32>,
        %get3A_890 = vector.shape_cast %get3A_889 : vector<1x16xf32> to vector<16xf32>
        %add3A_891 = arith.addf %get3A_886, %get3A_890 : vector<16xf32>
        %swap3A_892 = arith.constant 0 : i32
        %swap3A_893 = arith.constant 0 : i32
        %swap3A_894 = tpu.memref_slice %arg8[%scan3A_421, %swap3A_892, %swap3A_893] : memref<7x200x64xf32, #tpu.memory_space<vmem>> -> memref<1x200x64xf32, #tpu.memory_space<vmem>>
        %swap3A_895 = tpu.memref_squeeze %swap3A_894 : memref<1x200x64xf32, #tpu.memory_space<vmem>> -> memref<200x64xf32, #tpu.memory_space<vmem>>
        %swap3A_896 = arith.index_cast %scan3A_834 : i32 to index
        %swap3A_897 = arith.constant 32 : index
        %swap3A_898 = tpu.vector_load %swap3A_895[%swap3A_896, %swap3A_897] {strides = array<i32>} : memref<200x64xf32, #tpu.memory_space<vmem>>, vector<1x16xf32>,
        %swap3A_899 = vector.shape_cast %swap3A_898 : vector<1x16xf32> to vector<16xf32>
        %swap3A_900 = vector.shape_cast %add3A_891 : vector<16xf32> to vector<1x16xf32>
        tpu.vector_store %swap3A_895[%swap3A_896, %swap3A_897], %swap3A_900 {strides = array<i32>} : memref<200x64xf32, #tpu.memory_space<vmem>>, vector<1x16xf32>,
        %get3A_901 = arith.constant 0 : i32
        %get3A_902 = arith.constant 0 : i32
        %get3A_903 = tpu.memref_slice %arg8[%scan3A_421, %get3A_901, %get3A_902] : memref<7x200x64xf32, #tpu.memory_space<vmem>> -> memref<1x200x64xf32, #tpu.memory_space<vmem>>
        %get3A_904 = tpu.memref_squeeze %get3A_903 : memref<1x200x64xf32, #tpu.memory_space<vmem>> -> memref<200x64xf32, #tpu.memory_space<vmem>>
        %get3A_905 = arith.index_cast %scan3A_834 : i32 to index
        %get3A_906 = arith.constant 48 : index
        %get3A_907 = tpu.vector_load %get3A_904[%get3A_905, %get3A_906] {strides = array<i32>} : memref<200x64xf32, #tpu.memory_space<vmem>>, vector<1x16xf32>,
        %get3A_908 = vector.shape_cast %get3A_907 : vector<1x16xf32> to vector<16xf32>
        %get3A_909 = arith.index_cast %scan3A_834 : i32 to index
        %get3A_910 = arith.constant 48 : index
        %get3A_911 = tpu.vector_load %arg7[%get3A_909, %get3A_910] {strides = array<i32>} : memref<200x64xf32, #tpu.memory_space<vmem>>, vector<1x16xf32>,
        %get3A_912 = vector.shape_cast %get3A_911 : vector<1x16xf32> to vector<16xf32>
        %add3A_913 = arith.addf %get3A_908, %get3A_912 : vector<16xf32>
        %swap3A_914 = arith.constant 0 : i32
        %swap3A_915 = arith.constant 0 : i32
        %swap3A_916 = tpu.memref_slice %arg8[%scan3A_421, %swap3A_914, %swap3A_915] : memref<7x200x64xf32, #tpu.memory_space<vmem>> -> memref<1x200x64xf32, #tpu.memory_space<vmem>>
        %swap3A_917 = tpu.memref_squeeze %swap3A_916 : memref<1x200x64xf32, #tpu.memory_space<vmem>> -> memref<200x64xf32, #tpu.memory_space<vmem>>
        %swap3A_918 = arith.index_cast %scan3A_834 : i32 to index
        %swap3A_919 = arith.constant 48 : index
        %swap3A_920 = tpu.vector_load %swap3A_917[%swap3A_918, %swap3A_919] {strides = array<i32>} : memref<200x64xf32, #tpu.memory_space<vmem>>, vector<1x16xf32>,
        %swap3A_921 = vector.shape_cast %swap3A_920 : vector<1x16xf32> to vector<16xf32>
        %swap3A_922 = vector.shape_cast %add3A_913 : vector<16xf32> to vector<1x16xf32>
        tpu.vector_store %swap3A_917[%swap3A_918, %swap3A_919], %swap3A_922 {strides = array<i32>} : memref<200x64xf32, #tpu.memory_space<vmem>>, vector<1x16xf32>,
        %scan3A_923 = arith.constant 3 : i32
        %scan3A_924 = arith.addi %scan3A_656, %scan3A_923 : i32
        %get3A_925 = arith.constant 0 : i32
        %get3A_926 = arith.constant 0 : i32
        %get3A_927 = tpu.memref_slice %arg8[%scan3A_421, %get3A_925, %get3A_926] : memref<7x200x64xf32, #tpu.memory_space<vmem>> -> memref<1x200x64xf32, #tpu.memory_space<vmem>>
        %get3A_928 = tpu.memref_squeeze %get3A_927 : memref<1x200x64xf32, #tpu.memory_space<vmem>> -> memref<200x64xf32, #tpu.memory_space<vmem>>
        %get3A_929 = arith.index_cast %scan3A_924 : i32 to index
        %get3A_930 = arith.constant 0 : index
        %get3A_931 = tpu.vector_load %get3A_928[%get3A_929, %get3A_930] {strides = array<i32>} : memref<200x64xf32, #tpu.memory_space<vmem>>, vector<1x16xf32>,
        %get3A_932 = vector.shape_cast %get3A_931 : vector<1x16xf32> to vector<16xf32>
        %get3A_933 = arith.index_cast %scan3A_924 : i32 to index
        %get3A_934 = arith.constant 0 : index
        %get3A_935 = tpu.vector_load %arg7[%get3A_933, %get3A_934] {strides = array<i32>} : memref<200x64xf32, #tpu.memory_space<vmem>>, vector<1x16xf32>,
        %get3A_936 = vector.shape_cast %get3A_935 : vector<1x16xf32> to vector<16xf32>
        %add3A_937 = arith.addf %get3A_932, %get3A_936 : vector<16xf32>
        %swap3A_938 = arith.constant 0 : i32
        %swap3A_939 = arith.constant 0 : i32
        %swap3A_940 = tpu.memref_slice %arg8[%scan3A_421, %swap3A_938, %swap3A_939] : memref<7x200x64xf32, #tpu.memory_space<vmem>> -> memref<1x200x64xf32, #tpu.memory_space<vmem>>
        %swap3A_941 = tpu.memref_squeeze %swap3A_940 : memref<1x200x64xf32, #tpu.memory_space<vmem>> -> memref<200x64xf32, #tpu.memory_space<vmem>>
        %swap3A_942 = arith.index_cast %scan3A_924 : i32 to index
        %swap3A_943 = arith.constant 0 : index
        %swap3A_944 = tpu.vector_load %swap3A_941[%swap3A_942, %swap3A_943] {strides = array<i32>} : memref<200x64xf32, #tpu.memory_space<vmem>>, vector<1x16xf32>,
        %swap3A_945 = vector.shape_cast %swap3A_944 : vector<1x16xf32> to vector<16xf32>
        %swap3A_946 = vector.shape_cast %add3A_937 : vector<16xf32> to vector<1x16xf32>
        tpu.vector_store %swap3A_941[%swap3A_942, %swap3A_943], %swap3A_946 {strides = array<i32>} : memref<200x64xf32, #tpu.memory_space<vmem>>, vector<1x16xf32>,
        %get3A_947 = arith.constant 0 : i32
        %get3A_948 = arith.constant 0 : i32
        %get3A_949 = tpu.memref_slice %arg8[%scan3A_421, %get3A_947, %get3A_948] : memref<7x200x64xf32, #tpu.memory_space<vmem>> -> memref<1x200x64xf32, #tpu.memory_space<vmem>>
        %get3A_950 = tpu.memref_squeeze %get3A_949 : memref<1x200x64xf32, #tpu.memory_space<vmem>> -> memref<200x64xf32, #tpu.memory_space<vmem>>
        %get3A_951 = arith.index_cast %scan3A_924 : i32 to index
        %get3A_952 = arith.constant 16 : index
        %get3A_953 = tpu.vector_load %get3A_950[%get3A_951, %get3A_952] {strides = array<i32>} : memref<200x64xf32, #tpu.memory_space<vmem>>, vector<1x16xf32>,
        %get3A_954 = vector.shape_cast %get3A_953 : vector<1x16xf32> to vector<16xf32>
        %get3A_955 = arith.index_cast %scan3A_924 : i32 to index
        %get3A_956 = arith.constant 16 : index
        %get3A_957 = tpu.vector_load %arg7[%get3A_955, %get3A_956] {strides = array<i32>} : memref<200x64xf32, #tpu.memory_space<vmem>>, vector<1x16xf32>,
        %get3A_958 = vector.shape_cast %get3A_957 : vector<1x16xf32> to vector<16xf32>
        %add3A_959 = arith.addf %get3A_954, %get3A_958 : vector<16xf32>
        %swap3A_960 = arith.constant 0 : i32
        %swap3A_961 = arith.constant 0 : i32
        %swap3A_962 = tpu.memref_slice %arg8[%scan3A_421, %swap3A_960, %swap3A_961] : memref<7x200x64xf32, #tpu.memory_space<vmem>> -> memref<1x200x64xf32, #tpu.memory_space<vmem>>
        %swap3A_963 = tpu.memref_squeeze %swap3A_962 : memref<1x200x64xf32, #tpu.memory_space<vmem>> -> memref<200x64xf32, #tpu.memory_space<vmem>>
        %swap3A_964 = arith.index_cast %scan3A_924 : i32 to index
        %swap3A_965 = arith.constant 16 : index
        %swap3A_966 = tpu.vector_load %swap3A_963[%swap3A_964, %swap3A_965] {strides = array<i32>} : memref<200x64xf32, #tpu.memory_space<vmem>>, vector<1x16xf32>,
        %swap3A_967 = vector.shape_cast %swap3A_966 : vector<1x16xf32> to vector<16xf32>
        %swap3A_968 = vector.shape_cast %add3A_959 : vector<16xf32> to vector<1x16xf32>
        tpu.vector_store %swap3A_963[%swap3A_964, %swap3A_965], %swap3A_968 {strides = array<i32>} : memref<200x64xf32, #tpu.memory_space<vmem>>, vector<1x16xf32>,
        %get3A_969 = arith.constant 0 : i32
        %get3A_970 = arith.constant 0 : i32
        %get3A_971 = tpu.memref_slice %arg8[%scan3A_421, %get3A_969, %get3A_970] : memref<7x200x64xf32, #tpu.memory_space<vmem>> -> memref<1x200x64xf32, #tpu.memory_space<vmem>>
        %get3A_972 = tpu.memref_squeeze %get3A_971 : memref<1x200x64xf32, #tpu.memory_space<vmem>> -> memref<200x64xf32, #tpu.memory_space<vmem>>
        %get3A_973 = arith.index_cast %scan3A_924 : i32 to index
        %get3A_974 = arith.constant 32 : index
        %get3A_975 = tpu.vector_load %get3A_972[%get3A_973, %get3A_974] {strides = array<i32>} : memref<200x64xf32, #tpu.memory_space<vmem>>, vector<1x16xf32>,
        %get3A_976 = vector.shape_cast %get3A_975 : vector<1x16xf32> to vector<16xf32>
        %get3A_977 = arith.index_cast %scan3A_924 : i32 to index
        %get3A_978 = arith.constant 32 : index
        %get3A_979 = tpu.vector_load %arg7[%get3A_977, %get3A_978] {strides = array<i32>} : memref<200x64xf32, #tpu.memory_space<vmem>>, vector<1x16xf32>,
        %get3A_980 = vector.shape_cast %get3A_979 : vector<1x16xf32> to vector<16xf32>
        %add3A_981 = arith.addf %get3A_976, %get3A_980 : vector<16xf32>
        %swap3A_982 = arith.constant 0 : i32
        %swap3A_983 = arith.constant 0 : i32
        %swap3A_984 = tpu.memref_slice %arg8[%scan3A_421, %swap3A_982, %swap3A_983] : memref<7x200x64xf32, #tpu.memory_space<vmem>> -> memref<1x200x64xf32, #tpu.memory_space<vmem>>
        %swap3A_985 = tpu.memref_squeeze %swap3A_984 : memref<1x200x64xf32, #tpu.memory_space<vmem>> -> memref<200x64xf32, #tpu.memory_space<vmem>>
        %swap3A_986 = arith.index_cast %scan3A_924 : i32 to index
        %swap3A_987 = arith.constant 32 : index
        %swap3A_988 = tpu.vector_load %swap3A_985[%swap3A_986, %swap3A_987] {strides = array<i32>} : memref<200x64xf32, #tpu.memory_space<vmem>>, vector<1x16xf32>,
        %swap3A_989 = vector.shape_cast %swap3A_988 : vector<1x16xf32> to vector<16xf32>
        %swap3A_990 = vector.shape_cast %add3A_981 : vector<16xf32> to vector<1x16xf32>
        tpu.vector_store %swap3A_985[%swap3A_986, %swap3A_987], %swap3A_990 {strides = array<i32>} : memref<200x64xf32, #tpu.memory_space<vmem>>, vector<1x16xf32>,
        %get3A_991 = arith.constant 0 : i32
        %get3A_992 = arith.constant 0 : i32
        %get3A_993 = tpu.memref_slice %arg8[%scan3A_421, %get3A_991, %get3A_992] : memref<7x200x64xf32, #tpu.memory_space<vmem>> -> memref<1x200x64xf32, #tpu.memory_space<vmem>>
        %get3A_994 = tpu.memref_squeeze %get3A_993 : memref<1x200x64xf32, #tpu.memory_space<vmem>> -> memref<200x64xf32, #tpu.memory_space<vmem>>
        %get3A_995 = arith.index_cast %scan3A_924 : i32 to index
        %get3A_996 = arith.constant 48 : index
        %get3A_997 = tpu.vector_load %get3A_994[%get3A_995, %get3A_996] {strides = array<i32>} : memref<200x64xf32, #tpu.memory_space<vmem>>, vector<1x16xf32>,
        %get3A_998 = vector.shape_cast %get3A_997 : vector<1x16xf32> to vector<16xf32>
        %get3A_999 = arith.index_cast %scan3A_924 : i32 to index
        %get3A_1000 = arith.constant 48 : index
        %get3A_1001 = tpu.vector_load %arg7[%get3A_999, %get3A_1000] {strides = array<i32>} : memref<200x64xf32, #tpu.memory_space<vmem>>, vector<1x16xf32>,
        %get3A_1002 = vector.shape_cast %get3A_1001 : vector<1x16xf32> to vector<16xf32>
        %add3A_1003 = arith.addf %get3A_998, %get3A_1002 : vector<16xf32>
        %swap3A_1004 = arith.constant 0 : i32
        %swap3A_1005 = arith.constant 0 : i32
        %swap3A_1006 = tpu.memref_slice %arg8[%scan3A_421, %swap3A_1004, %swap3A_1005] : memref<7x200x64xf32, #tpu.memory_space<vmem>> -> memref<1x200x64xf32, #tpu.memory_space<vmem>>
        %swap3A_1007 = tpu.memref_squeeze %swap3A_1006 : memref<1x200x64xf32, #tpu.memory_space<vmem>> -> memref<200x64xf32, #tpu.memory_space<vmem>>
        %swap3A_1008 = arith.index_cast %scan3A_924 : i32 to index
        %swap3A_1009 = arith.constant 48 : index
        %swap3A_1010 = tpu.vector_load %swap3A_1007[%swap3A_1008, %swap3A_1009] {strides = array<i32>} : memref<200x64xf32, #tpu.memory_space<vmem>>, vector<1x16xf32>,
        %swap3A_1011 = vector.shape_cast %swap3A_1010 : vector<1x16xf32> to vector<16xf32>
        %swap3A_1012 = vector.shape_cast %add3A_1003 : vector<16xf32> to vector<1x16xf32>
        tpu.vector_store %swap3A_1007[%swap3A_1008, %swap3A_1009], %swap3A_1012 {strides = array<i32>} : memref<200x64xf32, #tpu.memory_space<vmem>>, vector<1x16xf32>,
      }
      %scan3A_426 = arith.constant 200 : i32
      %add3A_427 = arith.addi %mul3A_2, %add3A_399 : i32
      %dma_start3A_428 = arith.constant 2 : i32
      %dma_start3A_429 = arith.constant 2 : i32
      %dma_start3A_430 = arith.constant 0 : i32
      %dma_start3A_431 = arith.constant 0 : i32
      %dma_start3A_432 = tpu.memref_slice %arg8[%dma_start3A_428, %dma_start3A_430, %dma_start3A_431] : memref<7x200x64xf32, #tpu.memory_space<vmem>> -> memref<1x200x64xf32, #tpu.memory_space<vmem>>
      %dma_start3A_433 = tpu.memref_squeeze %dma_start3A_432 : memref<1x200x64xf32, #tpu.memory_space<vmem>> -> memref<200x64xf32, #tpu.memory_space<vmem>>
      %dma_start3A_434 = arith.constant 0 : i32
      %dma_start3A_435 = arith.constant 0 : i32
      %dma_start3A_436 = tpu.memref_slice %arg5[%add3A_427, %dma_start3A_434, %dma_start3A_435] : memref<4096x200x64xf32, #tpu.memory_space<hbm>> -> memref<1x200x64xf32, #tpu.memory_space<hbm>>
      %dma_start3A_437 = tpu.memref_squeeze %dma_start3A_436 : memref<1x200x64xf32, #tpu.memory_space<hbm>> -> memref<200x64xf32, #tpu.memory_space<hbm>>
      %dma_start3A_438 = tpu.memref_slice %arg10[%dma_start3A_429] : memref<7x!tpu.dma_semaphore, #tpu.memory_space<semaphore_mem>> -> memref<1x!tpu.dma_semaphore, #tpu.memory_space<semaphore_mem>>
      %dma_start3A_439 = tpu.memref_squeeze %dma_start3A_438 : memref<1x!tpu.dma_semaphore, #tpu.memory_space<semaphore_mem>> -> memref<!tpu.dma_semaphore, #tpu.memory_space<semaphore_mem>>
      %dma_start3A_440 = arith.constant 0 : i32
      %dma_start3A_441 = arith.constant 0 : i32
      %dma_start3A_442 = tpu.memref_slice %arg5[%add3A_427, %dma_start3A_440, %dma_start3A_441] : memref<4096x200x64xf32, #tpu.memory_space<hbm>> -> memref<1x200x64xf32, #tpu.memory_space<hbm>>
      %dma_start3A_443 = tpu.memref_squeeze %dma_start3A_442 : memref<1x200x64xf32, #tpu.memory_space<hbm>> -> memref<200x64xf32, #tpu.memory_space<hbm>>
      %dma_start3A_444 = arith.constant 0 : i32
      %dma_start3A_445 = arith.constant 0 : i32
      %dma_start3A_446 = tpu.memref_slice %arg8[%dma_start3A_428, %dma_start3A_444, %dma_start3A_445] : memref<7x200x64xf32, #tpu.memory_space<vmem>> -> memref<1x200x64xf32, #tpu.memory_space<vmem>>
      %dma_start3A_447 = tpu.memref_squeeze %dma_start3A_446 : memref<1x200x64xf32, #tpu.memory_space<vmem>> -> memref<200x64xf32, #tpu.memory_space<vmem>>
      tpu.enqueue_dma source(%dma_start3A_447 : memref<200x64xf32, #tpu.memory_space<vmem>>) target(%dma_start3A_443 : memref<200x64xf32, #tpu.memory_space<hbm>>) target_semaphore(%dma_start3A_439 : memref<!tpu.dma_semaphore, #tpu.memory_space<semaphore_mem>>)
      %mul3A_448 = arith.constant 7 : i32
      %mul3A_449 = arith.muli %scan3A_294, %mul3A_448 : i32
      %add3A_450 = arith.constant 3 : i32
      %add3A_451 = arith.addi %mul3A_449, %add3A_450 : i32
      %lt3A_452 = arith.constant 124 : i32
      %lt3A_453 = arith.cmpi slt, %add3A_451, %lt3A_452 : i32
      %convert_element_type3A_454 = arith.extui %lt3A_453 : i1 to i32
      %cond3A_455 = arith.constant 0 : i32
      %cond3A_456 = arith.cmpi ne, %convert_element_type3A_454, %cond3A_455 : i32
      scf.if %cond3A_456 {
        %ge3A = arith.constant 3 : i32
        %ge3A_656 = arith.cmpi sge, %add3A_451, %ge3A : i32
        %convert_element_type3A_657 = arith.extui %ge3A_656 : i1 to i32
        %cond3A_658 = arith.constant 0 : i32
        %cond3A_659 = arith.cmpi ne, %convert_element_type3A_657, %cond3A_658 : i32
        scf.if %cond3A_659 {
          %dma_wait3A_676 = arith.constant 0 : i32
          %dma_wait3A_677 = arith.constant 0 : i32
          %dma_wait3A_678 = arith.constant 0 : i32
          %dma_wait3A_679 = arith.constant 0 : i32
          %dma_wait3A_680 = tpu.memref_slice %arg8[%dma_wait3A_676, %dma_wait3A_678, %dma_wait3A_679] : memref<7x200x64xf32, #tpu.memory_space<vmem>> -> memref<1x200x64xf32, #tpu.memory_space<vmem>>
          %dma_wait3A_681 = tpu.memref_squeeze %dma_wait3A_680 : memref<1x200x64xf32, #tpu.memory_space<vmem>> -> memref<200x64xf32, #tpu.memory_space<vmem>>
          %dma_wait3A_682 = arith.constant 0 : i32
          %dma_wait3A_683 = arith.constant 0 : i32
          %dma_wait3A_684 = tpu.memref_slice %arg5[%mul3A_2, %dma_wait3A_682, %dma_wait3A_683] : memref<4096x200x64xf32, #tpu.memory_space<hbm>> -> memref<1x200x64xf32, #tpu.memory_space<hbm>>
          %dma_wait3A_685 = tpu.memref_squeeze %dma_wait3A_684 : memref<1x200x64xf32, #tpu.memory_space<hbm>> -> memref<200x64xf32, #tpu.memory_space<hbm>>
          %dma_wait3A_686 = tpu.memref_slice %arg10[%dma_wait3A_677] : memref<7x!tpu.dma_semaphore, #tpu.memory_space<semaphore_mem>> -> memref<1x!tpu.dma_semaphore, #tpu.memory_space<semaphore_mem>>
          %dma_wait3A_687 = tpu.memref_squeeze %dma_wait3A_686 : memref<1x!tpu.dma_semaphore, #tpu.memory_space<semaphore_mem>> -> memref<!tpu.dma_semaphore, #tpu.memory_space<semaphore_mem>>
          %dma_wait3A_688 = arith.constant 0 : i32
          %dma_wait3A_689 = arith.constant 0 : i32
          %dma_wait3A_690 = tpu.memref_slice %arg5[%mul3A_2, %dma_wait3A_688, %dma_wait3A_689] : memref<4096x200x64xf32, #tpu.memory_space<hbm>> -> memref<1x200x64xf32, #tpu.memory_space<hbm>>
          %dma_wait3A_691 = tpu.memref_squeeze %dma_wait3A_690 : memref<1x200x64xf32, #tpu.memory_space<hbm>> -> memref<200x64xf32, #tpu.memory_space<hbm>>
          %dma_wait3A_692 = arith.constant 0 : i32
          %dma_wait3A_693 = arith.constant 0 : i32
          %dma_wait3A_694 = tpu.memref_slice %arg8[%dma_wait3A_676, %dma_wait3A_692, %dma_wait3A_693] : memref<7x200x64xf32, #tpu.memory_space<vmem>> -> memref<1x200x64xf32, #tpu.memory_space<vmem>>
          %dma_wait3A_695 = tpu.memref_squeeze %dma_wait3A_694 : memref<1x200x64xf32, #tpu.memory_space<vmem>> -> memref<200x64xf32, #tpu.memory_space<vmem>>
          tpu.wait_dma2 semaphore(%dma_wait3A_687 : memref<!tpu.dma_semaphore, #tpu.memory_space<semaphore_mem>>) src(%dma_wait3A_695 : memref<200x64xf32, #tpu.memory_space<vmem>>) dst(%dma_wait3A_691 : memref<200x64xf32, #tpu.memory_space<hbm>>)
        } else {
        }
        %add3A_660 = arith.constant 4 : i32
        %add3A_661 = arith.addi %add3A_451, %add3A_660 : i32
        %dma_start3A_662 = arith.constant 0 : i32
        %dma_start3A_663 = arith.constant 0 : i32
        %dma_start3A_664 = arith.constant 0 : i32
        %dma_start3A_665 = arith.constant 0 : i32
        %dma_start3A_666 = tpu.memref_slice %arg8[%dma_start3A_662, %dma_start3A_664, %dma_start3A_665] : memref<7x200x64xf32, #tpu.memory_space<vmem>> -> memref<1x200x64xf32, #tpu.memory_space<vmem>>
        %dma_start3A_667 = tpu.memref_squeeze %dma_start3A_666 : memref<1x200x64xf32, #tpu.memory_space<vmem>> -> memref<200x64xf32, #tpu.memory_space<vmem>>
        %dma_start3A_668 = arith.constant 0 : i32
        %dma_start3A_669 = tpu.memref_slice %arg6[%add3A_661, %dma_start3A_668] : memref<128x200xi32, #tpu.memory_space<vmem>> -> memref<1x200xi32, #tpu.memory_space<vmem>>
        %dma_start3A_670 = tpu.memref_squeeze %dma_start3A_669 : memref<1x200xi32, #tpu.memory_space<vmem>> -> memref<200xi32, #tpu.memory_space<vmem>>
        %dma_start3A_671 = arith.constant 0 : i32
        %dma_start3A_672 = arith.constant 0 : i32
        %dma_start3A_673 = tpu.memref_slice %arg3[%dma_start3A_671, %dma_start3A_672] : memref<1000000x64xf32, #tpu.memory_space<hbm>> -> memref<1000000x64xf32, #tpu.memory_space<hbm>>
        %dma_start3A_674 = tpu.memref_slice %arg9[%dma_start3A_663] : memref<7x!tpu.dma_semaphore, #tpu.memory_space<semaphore_mem>> -> memref<1x!tpu.dma_semaphore, #tpu.memory_space<semaphore_mem>>
        %dma_start3A_675 = tpu.memref_squeeze %dma_start3A_674 : memref<1x!tpu.dma_semaphore, #tpu.memory_space<semaphore_mem>> -> memref<!tpu.dma_semaphore, #tpu.memory_space<semaphore_mem>>
        tpu.enqueue_indirect_dma source(%dma_start3A_673 : memref<1000000x64xf32, #tpu.memory_space<hbm>>) target(%dma_start3A_667 : memref<200x64xf32, #tpu.memory_space<vmem>>) offsets(%dma_start3A_670 : memref<200xi32, #tpu.memory_space<vmem>>) semaphore(%dma_start3A_675 : memref<!tpu.dma_semaphore, #tpu.memory_space<semaphore_mem>>)
      } else {
      }
      %dma_wait3A_457 = arith.constant 0 : i32
      %dma_wait3A_458 = arith.constant 3 : i32
      %dma_wait3A_459 = arith.constant 3 : i32
      %dma_wait3A_460 = arith.constant 0 : i32
      %dma_wait3A_461 = arith.constant 0 : i32
      %dma_wait3A_462 = tpu.memref_slice %arg8[%dma_wait3A_458, %dma_wait3A_460, %dma_wait3A_461] : memref<7x200x64xf32, #tpu.memory_space<vmem>> -> memref<1x200x64xf32, #tpu.memory_space<vmem>>
      %dma_wait3A_463 = tpu.memref_squeeze %dma_wait3A_462 : memref<1x200x64xf32, #tpu.memory_space<vmem>> -> memref<200x64xf32, #tpu.memory_space<vmem>>
      %dma_wait3A_464 = arith.constant 0 : i32
      %dma_wait3A_465 = tpu.memref_slice %arg6[%dma_wait3A_457, %dma_wait3A_464] : memref<128x200xi32, #tpu.memory_space<vmem>> -> memref<1x200xi32, #tpu.memory_space<vmem>>
      %dma_wait3A_466 = tpu.memref_squeeze %dma_wait3A_465 : memref<1x200xi32, #tpu.memory_space<vmem>> -> memref<200xi32, #tpu.memory_space<vmem>>
      %dma_wait3A_467 = arith.constant 0 : i32
      %dma_wait3A_468 = arith.constant 0 : i32
      %dma_wait3A_469 = tpu.memref_slice %arg3[%dma_wait3A_467, %dma_wait3A_468] : memref<1000000x64xf32, #tpu.memory_space<hbm>> -> memref<1000000x64xf32, #tpu.memory_space<hbm>>
      %dma_wait3A_470 = tpu.memref_slice %arg9[%dma_wait3A_459] : memref<7x!tpu.dma_semaphore, #tpu.memory_space<semaphore_mem>> -> memref<1x!tpu.dma_semaphore, #tpu.memory_space<semaphore_mem>>
      %dma_wait3A_471 = tpu.memref_squeeze %dma_wait3A_470 : memref<1x!tpu.dma_semaphore, #tpu.memory_space<semaphore_mem>> -> memref<!tpu.dma_semaphore, #tpu.memory_space<semaphore_mem>>
      tpu.wait_indirect_dma semaphore(%dma_wait3A_471 : memref<!tpu.dma_semaphore, #tpu.memory_space<semaphore_mem>>) src(%dma_wait3A_469 : memref<1000000x64xf32, #tpu.memory_space<hbm>>) dst(%dma_wait3A_463 : memref<200x64xf32, #tpu.memory_space<vmem>>)
      %scan3A_472 = arith.constant 0 : i32
      %scan3A_473 = arith.constant 3 : i32
      %scan3A_474 = arith.constant 0 : i32
      %scan3A_475 = arith.constant 200 : i32
      %scan3A_476 = arith.addi %scan3A_474, %scan3A_475 : i32
      %scan3A_477 = arith.constant 4 : i32
      scf.for %scan3A_656 = %scan3A_474 to %scan3A_476 step %scan3A_477  : i32 {
        %get3A = arith.constant 0 : i32
        %get3A_657 = arith.constant 0 : i32
        %get3A_658 = tpu.memref_slice %arg8[%scan3A_473, %get3A, %get3A_657] : memref<7x200x64xf32, #tpu.memory_space<vmem>> -> memref<1x200x64xf32, #tpu.memory_space<vmem>>
        %get3A_659 = tpu.memref_squeeze %get3A_658 : memref<1x200x64xf32, #tpu.memory_space<vmem>> -> memref<200x64xf32, #tpu.memory_space<vmem>>
        %get3A_660 = arith.index_cast %scan3A_656 : i32 to index
        %get3A_661 = arith.constant 0 : index
        %get3A_662 = tpu.vector_load %get3A_659[%get3A_660, %get3A_661] {strides = array<i32>} : memref<200x64xf32, #tpu.memory_space<vmem>>, vector<1x16xf32>,
        %get3A_663 = vector.shape_cast %get3A_662 : vector<1x16xf32> to vector<16xf32>
        %get3A_664 = arith.index_cast %scan3A_656 : i32 to index
        %get3A_665 = arith.constant 0 : index
        %get3A_666 = tpu.vector_load %arg7[%get3A_664, %get3A_665] {strides = array<i32>} : memref<200x64xf32, #tpu.memory_space<vmem>>, vector<1x16xf32>,
        %get3A_667 = vector.shape_cast %get3A_666 : vector<1x16xf32> to vector<16xf32>
        %add3A_668 = arith.addf %get3A_663, %get3A_667 : vector<16xf32>
        %swap3A = arith.constant 0 : i32
        %swap3A_669 = arith.constant 0 : i32
        %swap3A_670 = tpu.memref_slice %arg8[%scan3A_473, %swap3A, %swap3A_669] : memref<7x200x64xf32, #tpu.memory_space<vmem>> -> memref<1x200x64xf32, #tpu.memory_space<vmem>>
        %swap3A_671 = tpu.memref_squeeze %swap3A_670 : memref<1x200x64xf32, #tpu.memory_space<vmem>> -> memref<200x64xf32, #tpu.memory_space<vmem>>
        %swap3A_672 = arith.index_cast %scan3A_656 : i32 to index
        %swap3A_673 = arith.constant 0 : index
        %swap3A_674 = tpu.vector_load %swap3A_671[%swap3A_672, %swap3A_673] {strides = array<i32>} : memref<200x64xf32, #tpu.memory_space<vmem>>, vector<1x16xf32>,
        %swap3A_675 = vector.shape_cast %swap3A_674 : vector<1x16xf32> to vector<16xf32>
        %swap3A_676 = vector.shape_cast %add3A_668 : vector<16xf32> to vector<1x16xf32>
        tpu.vector_store %swap3A_671[%swap3A_672, %swap3A_673], %swap3A_676 {strides = array<i32>} : memref<200x64xf32, #tpu.memory_space<vmem>>, vector<1x16xf32>,
        %get3A_677 = arith.constant 0 : i32
        %get3A_678 = arith.constant 0 : i32
        %get3A_679 = tpu.memref_slice %arg8[%scan3A_473, %get3A_677, %get3A_678] : memref<7x200x64xf32, #tpu.memory_space<vmem>> -> memref<1x200x64xf32, #tpu.memory_space<vmem>>
        %get3A_680 = tpu.memref_squeeze %get3A_679 : memref<1x200x64xf32, #tpu.memory_space<vmem>> -> memref<200x64xf32, #tpu.memory_space<vmem>>
        %get3A_681 = arith.index_cast %scan3A_656 : i32 to index
        %get3A_682 = arith.constant 16 : index
        %get3A_683 = tpu.vector_load %get3A_680[%get3A_681, %get3A_682] {strides = array<i32>} : memref<200x64xf32, #tpu.memory_space<vmem>>, vector<1x16xf32>,
        %get3A_684 = vector.shape_cast %get3A_683 : vector<1x16xf32> to vector<16xf32>
        %get3A_685 = arith.index_cast %scan3A_656 : i32 to index
        %get3A_686 = arith.constant 16 : index
        %get3A_687 = tpu.vector_load %arg7[%get3A_685, %get3A_686] {strides = array<i32>} : memref<200x64xf32, #tpu.memory_space<vmem>>, vector<1x16xf32>,
        %get3A_688 = vector.shape_cast %get3A_687 : vector<1x16xf32> to vector<16xf32>
        %add3A_689 = arith.addf %get3A_684, %get3A_688 : vector<16xf32>
        %swap3A_690 = arith.constant 0 : i32
        %swap3A_691 = arith.constant 0 : i32
        %swap3A_692 = tpu.memref_slice %arg8[%scan3A_473, %swap3A_690, %swap3A_691] : memref<7x200x64xf32, #tpu.memory_space<vmem>> -> memref<1x200x64xf32, #tpu.memory_space<vmem>>
        %swap3A_693 = tpu.memref_squeeze %swap3A_692 : memref<1x200x64xf32, #tpu.memory_space<vmem>> -> memref<200x64xf32, #tpu.memory_space<vmem>>
        %swap3A_694 = arith.index_cast %scan3A_656 : i32 to index
        %swap3A_695 = arith.constant 16 : index
        %swap3A_696 = tpu.vector_load %swap3A_693[%swap3A_694, %swap3A_695] {strides = array<i32>} : memref<200x64xf32, #tpu.memory_space<vmem>>, vector<1x16xf32>,
        %swap3A_697 = vector.shape_cast %swap3A_696 : vector<1x16xf32> to vector<16xf32>
        %swap3A_698 = vector.shape_cast %add3A_689 : vector<16xf32> to vector<1x16xf32>
        tpu.vector_store %swap3A_693[%swap3A_694, %swap3A_695], %swap3A_698 {strides = array<i32>} : memref<200x64xf32, #tpu.memory_space<vmem>>, vector<1x16xf32>,
        %get3A_699 = arith.constant 0 : i32
        %get3A_700 = arith.constant 0 : i32
        %get3A_701 = tpu.memref_slice %arg8[%scan3A_473, %get3A_699, %get3A_700] : memref<7x200x64xf32, #tpu.memory_space<vmem>> -> memref<1x200x64xf32, #tpu.memory_space<vmem>>
        %get3A_702 = tpu.memref_squeeze %get3A_701 : memref<1x200x64xf32, #tpu.memory_space<vmem>> -> memref<200x64xf32, #tpu.memory_space<vmem>>
        %get3A_703 = arith.index_cast %scan3A_656 : i32 to index
        %get3A_704 = arith.constant 32 : index
        %get3A_705 = tpu.vector_load %get3A_702[%get3A_703, %get3A_704] {strides = array<i32>} : memref<200x64xf32, #tpu.memory_space<vmem>>, vector<1x16xf32>,
        %get3A_706 = vector.shape_cast %get3A_705 : vector<1x16xf32> to vector<16xf32>
        %get3A_707 = arith.index_cast %scan3A_656 : i32 to index
        %get3A_708 = arith.constant 32 : index
        %get3A_709 = tpu.vector_load %arg7[%get3A_707, %get3A_708] {strides = array<i32>} : memref<200x64xf32, #tpu.memory_space<vmem>>, vector<1x16xf32>,
        %get3A_710 = vector.shape_cast %get3A_709 : vector<1x16xf32> to vector<16xf32>
        %add3A_711 = arith.addf %get3A_706, %get3A_710 : vector<16xf32>
        %swap3A_712 = arith.constant 0 : i32
        %swap3A_713 = arith.constant 0 : i32
        %swap3A_714 = tpu.memref_slice %arg8[%scan3A_473, %swap3A_712, %swap3A_713] : memref<7x200x64xf32, #tpu.memory_space<vmem>> -> memref<1x200x64xf32, #tpu.memory_space<vmem>>
        %swap3A_715 = tpu.memref_squeeze %swap3A_714 : memref<1x200x64xf32, #tpu.memory_space<vmem>> -> memref<200x64xf32, #tpu.memory_space<vmem>>
        %swap3A_716 = arith.index_cast %scan3A_656 : i32 to index
        %swap3A_717 = arith.constant 32 : index
        %swap3A_718 = tpu.vector_load %swap3A_715[%swap3A_716, %swap3A_717] {strides = array<i32>} : memref<200x64xf32, #tpu.memory_space<vmem>>, vector<1x16xf32>,
        %swap3A_719 = vector.shape_cast %swap3A_718 : vector<1x16xf32> to vector<16xf32>
        %swap3A_720 = vector.shape_cast %add3A_711 : vector<16xf32> to vector<1x16xf32>
        tpu.vector_store %swap3A_715[%swap3A_716, %swap3A_717], %swap3A_720 {strides = array<i32>} : memref<200x64xf32, #tpu.memory_space<vmem>>, vector<1x16xf32>,
        %get3A_721 = arith.constant 0 : i32
        %get3A_722 = arith.constant 0 : i32
        %get3A_723 = tpu.memref_slice %arg8[%scan3A_473, %get3A_721, %get3A_722] : memref<7x200x64xf32, #tpu.memory_space<vmem>> -> memref<1x200x64xf32, #tpu.memory_space<vmem>>
        %get3A_724 = tpu.memref_squeeze %get3A_723 : memref<1x200x64xf32, #tpu.memory_space<vmem>> -> memref<200x64xf32, #tpu.memory_space<vmem>>
        %get3A_725 = arith.index_cast %scan3A_656 : i32 to index
        %get3A_726 = arith.constant 48 : index
        %get3A_727 = tpu.vector_load %get3A_724[%get3A_725, %get3A_726] {strides = array<i32>} : memref<200x64xf32, #tpu.memory_space<vmem>>, vector<1x16xf32>,
        %get3A_728 = vector.shape_cast %get3A_727 : vector<1x16xf32> to vector<16xf32>
        %get3A_729 = arith.index_cast %scan3A_656 : i32 to index
        %get3A_730 = arith.constant 48 : index
        %get3A_731 = tpu.vector_load %arg7[%get3A_729, %get3A_730] {strides = array<i32>} : memref<200x64xf32, #tpu.memory_space<vmem>>, vector<1x16xf32>,
        %get3A_732 = vector.shape_cast %get3A_731 : vector<1x16xf32> to vector<16xf32>
        %add3A_733 = arith.addf %get3A_728, %get3A_732 : vector<16xf32>
        %swap3A_734 = arith.constant 0 : i32
        %swap3A_735 = arith.constant 0 : i32
        %swap3A_736 = tpu.memref_slice %arg8[%scan3A_473, %swap3A_734, %swap3A_735] : memref<7x200x64xf32, #tpu.memory_space<vmem>> -> memref<1x200x64xf32, #tpu.memory_space<vmem>>
        %swap3A_737 = tpu.memref_squeeze %swap3A_736 : memref<1x200x64xf32, #tpu.memory_space<vmem>> -> memref<200x64xf32, #tpu.memory_space<vmem>>
        %swap3A_738 = arith.index_cast %scan3A_656 : i32 to index
        %swap3A_739 = arith.constant 48 : index
        %swap3A_740 = tpu.vector_load %swap3A_737[%swap3A_738, %swap3A_739] {strides = array<i32>} : memref<200x64xf32, #tpu.memory_space<vmem>>, vector<1x16xf32>,
        %swap3A_741 = vector.shape_cast %swap3A_740 : vector<1x16xf32> to vector<16xf32>
        %swap3A_742 = vector.shape_cast %add3A_733 : vector<16xf32> to vector<1x16xf32>
        tpu.vector_store %swap3A_737[%swap3A_738, %swap3A_739], %swap3A_742 {strides = array<i32>} : memref<200x64xf32, #tpu.memory_space<vmem>>, vector<1x16xf32>,
        %scan3A_743 = arith.constant 1 : i32
        %scan3A_744 = arith.addi %scan3A_656, %scan3A_743 : i32
        %get3A_745 = arith.constant 0 : i32
        %get3A_746 = arith.constant 0 : i32
        %get3A_747 = tpu.memref_slice %arg8[%scan3A_473, %get3A_745, %get3A_746] : memref<7x200x64xf32, #tpu.memory_space<vmem>> -> memref<1x200x64xf32, #tpu.memory_space<vmem>>
        %get3A_748 = tpu.memref_squeeze %get3A_747 : memref<1x200x64xf32, #tpu.memory_space<vmem>> -> memref<200x64xf32, #tpu.memory_space<vmem>>
        %get3A_749 = arith.index_cast %scan3A_744 : i32 to index
        %get3A_750 = arith.constant 0 : index
        %get3A_751 = tpu.vector_load %get3A_748[%get3A_749, %get3A_750] {strides = array<i32>} : memref<200x64xf32, #tpu.memory_space<vmem>>, vector<1x16xf32>,
        %get3A_752 = vector.shape_cast %get3A_751 : vector<1x16xf32> to vector<16xf32>
        %get3A_753 = arith.index_cast %scan3A_744 : i32 to index
        %get3A_754 = arith.constant 0 : index
        %get3A_755 = tpu.vector_load %arg7[%get3A_753, %get3A_754] {strides = array<i32>} : memref<200x64xf32, #tpu.memory_space<vmem>>, vector<1x16xf32>,
        %get3A_756 = vector.shape_cast %get3A_755 : vector<1x16xf32> to vector<16xf32>
        %add3A_757 = arith.addf %get3A_752, %get3A_756 : vector<16xf32>
        %swap3A_758 = arith.constant 0 : i32
        %swap3A_759 = arith.constant 0 : i32
        %swap3A_760 = tpu.memref_slice %arg8[%scan3A_473, %swap3A_758, %swap3A_759] : memref<7x200x64xf32, #tpu.memory_space<vmem>> -> memref<1x200x64xf32, #tpu.memory_space<vmem>>
        %swap3A_761 = tpu.memref_squeeze %swap3A_760 : memref<1x200x64xf32, #tpu.memory_space<vmem>> -> memref<200x64xf32, #tpu.memory_space<vmem>>
        %swap3A_762 = arith.index_cast %scan3A_744 : i32 to index
        %swap3A_763 = arith.constant 0 : index
        %swap3A_764 = tpu.vector_load %swap3A_761[%swap3A_762, %swap3A_763] {strides = array<i32>} : memref<200x64xf32, #tpu.memory_space<vmem>>, vector<1x16xf32>,
        %swap3A_765 = vector.shape_cast %swap3A_764 : vector<1x16xf32> to vector<16xf32>
        %swap3A_766 = vector.shape_cast %add3A_757 : vector<16xf32> to vector<1x16xf32>
        tpu.vector_store %swap3A_761[%swap3A_762, %swap3A_763], %swap3A_766 {strides = array<i32>} : memref<200x64xf32, #tpu.memory_space<vmem>>, vector<1x16xf32>,
        %get3A_767 = arith.constant 0 : i32
        %get3A_768 = arith.constant 0 : i32
        %get3A_769 = tpu.memref_slice %arg8[%scan3A_473, %get3A_767, %get3A_768] : memref<7x200x64xf32, #tpu.memory_space<vmem>> -> memref<1x200x64xf32, #tpu.memory_space<vmem>>
        %get3A_770 = tpu.memref_squeeze %get3A_769 : memref<1x200x64xf32, #tpu.memory_space<vmem>> -> memref<200x64xf32, #tpu.memory_space<vmem>>
        %get3A_771 = arith.index_cast %scan3A_744 : i32 to index
        %get3A_772 = arith.constant 16 : index
        %get3A_773 = tpu.vector_load %get3A_770[%get3A_771, %get3A_772] {strides = array<i32>} : memref<200x64xf32, #tpu.memory_space<vmem>>, vector<1x16xf32>,
        %get3A_774 = vector.shape_cast %get3A_773 : vector<1x16xf32> to vector<16xf32>
        %get3A_775 = arith.index_cast %scan3A_744 : i32 to index
        %get3A_776 = arith.constant 16 : index
        %get3A_777 = tpu.vector_load %arg7[%get3A_775, %get3A_776] {strides = array<i32>} : memref<200x64xf32, #tpu.memory_space<vmem>>, vector<1x16xf32>,
        %get3A_778 = vector.shape_cast %get3A_777 : vector<1x16xf32> to vector<16xf32>
        %add3A_779 = arith.addf %get3A_774, %get3A_778 : vector<16xf32>
        %swap3A_780 = arith.constant 0 : i32
        %swap3A_781 = arith.constant 0 : i32
        %swap3A_782 = tpu.memref_slice %arg8[%scan3A_473, %swap3A_780, %swap3A_781] : memref<7x200x64xf32, #tpu.memory_space<vmem>> -> memref<1x200x64xf32, #tpu.memory_space<vmem>>
        %swap3A_783 = tpu.memref_squeeze %swap3A_782 : memref<1x200x64xf32, #tpu.memory_space<vmem>> -> memref<200x64xf32, #tpu.memory_space<vmem>>
        %swap3A_784 = arith.index_cast %scan3A_744 : i32 to index
        %swap3A_785 = arith.constant 16 : index
        %swap3A_786 = tpu.vector_load %swap3A_783[%swap3A_784, %swap3A_785] {strides = array<i32>} : memref<200x64xf32, #tpu.memory_space<vmem>>, vector<1x16xf32>,
        %swap3A_787 = vector.shape_cast %swap3A_786 : vector<1x16xf32> to vector<16xf32>
        %swap3A_788 = vector.shape_cast %add3A_779 : vector<16xf32> to vector<1x16xf32>
        tpu.vector_store %swap3A_783[%swap3A_784, %swap3A_785], %swap3A_788 {strides = array<i32>} : memref<200x64xf32, #tpu.memory_space<vmem>>, vector<1x16xf32>,
        %get3A_789 = arith.constant 0 : i32
        %get3A_790 = arith.constant 0 : i32
        %get3A_791 = tpu.memref_slice %arg8[%scan3A_473, %get3A_789, %get3A_790] : memref<7x200x64xf32, #tpu.memory_space<vmem>> -> memref<1x200x64xf32, #tpu.memory_space<vmem>>
        %get3A_792 = tpu.memref_squeeze %get3A_791 : memref<1x200x64xf32, #tpu.memory_space<vmem>> -> memref<200x64xf32, #tpu.memory_space<vmem>>
        %get3A_793 = arith.index_cast %scan3A_744 : i32 to index
        %get3A_794 = arith.constant 32 : index
        %get3A_795 = tpu.vector_load %get3A_792[%get3A_793, %get3A_794] {strides = array<i32>} : memref<200x64xf32, #tpu.memory_space<vmem>>, vector<1x16xf32>,
        %get3A_796 = vector.shape_cast %get3A_795 : vector<1x16xf32> to vector<16xf32>
        %get3A_797 = arith.index_cast %scan3A_744 : i32 to index
        %get3A_798 = arith.constant 32 : index
        %get3A_799 = tpu.vector_load %arg7[%get3A_797, %get3A_798] {strides = array<i32>} : memref<200x64xf32, #tpu.memory_space<vmem>>, vector<1x16xf32>,
        %get3A_800 = vector.shape_cast %get3A_799 : vector<1x16xf32> to vector<16xf32>
        %add3A_801 = arith.addf %get3A_796, %get3A_800 : vector<16xf32>
        %swap3A_802 = arith.constant 0 : i32
        %swap3A_803 = arith.constant 0 : i32
        %swap3A_804 = tpu.memref_slice %arg8[%scan3A_473, %swap3A_802, %swap3A_803] : memref<7x200x64xf32, #tpu.memory_space<vmem>> -> memref<1x200x64xf32, #tpu.memory_space<vmem>>
        %swap3A_805 = tpu.memref_squeeze %swap3A_804 : memref<1x200x64xf32, #tpu.memory_space<vmem>> -> memref<200x64xf32, #tpu.memory_space<vmem>>
        %swap3A_806 = arith.index_cast %scan3A_744 : i32 to index
        %swap3A_807 = arith.constant 32 : index
        %swap3A_808 = tpu.vector_load %swap3A_805[%swap3A_806, %swap3A_807] {strides = array<i32>} : memref<200x64xf32, #tpu.memory_space<vmem>>, vector<1x16xf32>,
        %swap3A_809 = vector.shape_cast %swap3A_808 : vector<1x16xf32> to vector<16xf32>
        %swap3A_810 = vector.shape_cast %add3A_801 : vector<16xf32> to vector<1x16xf32>
        tpu.vector_store %swap3A_805[%swap3A_806, %swap3A_807], %swap3A_810 {strides = array<i32>} : memref<200x64xf32, #tpu.memory_space<vmem>>, vector<1x16xf32>,
        %get3A_811 = arith.constant 0 : i32
        %get3A_812 = arith.constant 0 : i32
        %get3A_813 = tpu.memref_slice %arg8[%scan3A_473, %get3A_811, %get3A_812] : memref<7x200x64xf32, #tpu.memory_space<vmem>> -> memref<1x200x64xf32, #tpu.memory_space<vmem>>
        %get3A_814 = tpu.memref_squeeze %get3A_813 : memref<1x200x64xf32, #tpu.memory_space<vmem>> -> memref<200x64xf32, #tpu.memory_space<vmem>>
        %get3A_815 = arith.index_cast %scan3A_744 : i32 to index
        %get3A_816 = arith.constant 48 : index
        %get3A_817 = tpu.vector_load %get3A_814[%get3A_815, %get3A_816] {strides = array<i32>} : memref<200x64xf32, #tpu.memory_space<vmem>>, vector<1x16xf32>,
        %get3A_818 = vector.shape_cast %get3A_817 : vector<1x16xf32> to vector<16xf32>
        %get3A_819 = arith.index_cast %scan3A_744 : i32 to index
        %get3A_820 = arith.constant 48 : index
        %get3A_821 = tpu.vector_load %arg7[%get3A_819, %get3A_820] {strides = array<i32>} : memref<200x64xf32, #tpu.memory_space<vmem>>, vector<1x16xf32>,
        %get3A_822 = vector.shape_cast %get3A_821 : vector<1x16xf32> to vector<16xf32>
        %add3A_823 = arith.addf %get3A_818, %get3A_822 : vector<16xf32>
        %swap3A_824 = arith.constant 0 : i32
        %swap3A_825 = arith.constant 0 : i32
        %swap3A_826 = tpu.memref_slice %arg8[%scan3A_473, %swap3A_824, %swap3A_825] : memref<7x200x64xf32, #tpu.memory_space<vmem>> -> memref<1x200x64xf32, #tpu.memory_space<vmem>>
        %swap3A_827 = tpu.memref_squeeze %swap3A_826 : memref<1x200x64xf32, #tpu.memory_space<vmem>> -> memref<200x64xf32, #tpu.memory_space<vmem>>
        %swap3A_828 = arith.index_cast %scan3A_744 : i32 to index
        %swap3A_829 = arith.constant 48 : index
        %swap3A_830 = tpu.vector_load %swap3A_827[%swap3A_828, %swap3A_829] {strides = array<i32>} : memref<200x64xf32, #tpu.memory_space<vmem>>, vector<1x16xf32>,
        %swap3A_831 = vector.shape_cast %swap3A_830 : vector<1x16xf32> to vector<16xf32>
        %swap3A_832 = vector.shape_cast %add3A_823 : vector<16xf32> to vector<1x16xf32>
        tpu.vector_store %swap3A_827[%swap3A_828, %swap3A_829], %swap3A_832 {strides = array<i32>} : memref<200x64xf32, #tpu.memory_space<vmem>>, vector<1x16xf32>,
        %scan3A_833 = arith.constant 2 : i32
        %scan3A_834 = arith.addi %scan3A_656, %scan3A_833 : i32
        %get3A_835 = arith.constant 0 : i32
        %get3A_836 = arith.constant 0 : i32
        %get3A_837 = tpu.memref_slice %arg8[%scan3A_473, %get3A_835, %get3A_836] : memref<7x200x64xf32, #tpu.memory_space<vmem>> -> memref<1x200x64xf32, #tpu.memory_space<vmem>>
        %get3A_838 = tpu.memref_squeeze %get3A_837 : memref<1x200x64xf32, #tpu.memory_space<vmem>> -> memref<200x64xf32, #tpu.memory_space<vmem>>
        %get3A_839 = arith.index_cast %scan3A_834 : i32 to index
        %get3A_840 = arith.constant 0 : index
        %get3A_841 = tpu.vector_load %get3A_838[%get3A_839, %get3A_840] {strides = array<i32>} : memref<200x64xf32, #tpu.memory_space<vmem>>, vector<1x16xf32>,
        %get3A_842 = vector.shape_cast %get3A_841 : vector<1x16xf32> to vector<16xf32>
        %get3A_843 = arith.index_cast %scan3A_834 : i32 to index
        %get3A_844 = arith.constant 0 : index
        %get3A_845 = tpu.vector_load %arg7[%get3A_843, %get3A_844] {strides = array<i32>} : memref<200x64xf32, #tpu.memory_space<vmem>>, vector<1x16xf32>,
        %get3A_846 = vector.shape_cast %get3A_845 : vector<1x16xf32> to vector<16xf32>
        %add3A_847 = arith.addf %get3A_842, %get3A_846 : vector<16xf32>
        %swap3A_848 = arith.constant 0 : i32
        %swap3A_849 = arith.constant 0 : i32
        %swap3A_850 = tpu.memref_slice %arg8[%scan3A_473, %swap3A_848, %swap3A_849] : memref<7x200x64xf32, #tpu.memory_space<vmem>> -> memref<1x200x64xf32, #tpu.memory_space<vmem>>
        %swap3A_851 = tpu.memref_squeeze %swap3A_850 : memref<1x200x64xf32, #tpu.memory_space<vmem>> -> memref<200x64xf32, #tpu.memory_space<vmem>>
        %swap3A_852 = arith.index_cast %scan3A_834 : i32 to index
        %swap3A_853 = arith.constant 0 : index
        %swap3A_854 = tpu.vector_load %swap3A_851[%swap3A_852, %swap3A_853] {strides = array<i32>} : memref<200x64xf32, #tpu.memory_space<vmem>>, vector<1x16xf32>,
        %swap3A_855 = vector.shape_cast %swap3A_854 : vector<1x16xf32> to vector<16xf32>
        %swap3A_856 = vector.shape_cast %add3A_847 : vector<16xf32> to vector<1x16xf32>
        tpu.vector_store %swap3A_851[%swap3A_852, %swap3A_853], %swap3A_856 {strides = array<i32>} : memref<200x64xf32, #tpu.memory_space<vmem>>, vector<1x16xf32>,
        %get3A_857 = arith.constant 0 : i32
        %get3A_858 = arith.constant 0 : i32
        %get3A_859 = tpu.memref_slice %arg8[%scan3A_473, %get3A_857, %get3A_858] : memref<7x200x64xf32, #tpu.memory_space<vmem>> -> memref<1x200x64xf32, #tpu.memory_space<vmem>>
        %get3A_860 = tpu.memref_squeeze %get3A_859 : memref<1x200x64xf32, #tpu.memory_space<vmem>> -> memref<200x64xf32, #tpu.memory_space<vmem>>
        %get3A_861 = arith.index_cast %scan3A_834 : i32 to index
        %get3A_862 = arith.constant 16 : index
        %get3A_863 = tpu.vector_load %get3A_860[%get3A_861, %get3A_862] {strides = array<i32>} : memref<200x64xf32, #tpu.memory_space<vmem>>, vector<1x16xf32>,
        %get3A_864 = vector.shape_cast %get3A_863 : vector<1x16xf32> to vector<16xf32>
        %get3A_865 = arith.index_cast %scan3A_834 : i32 to index
        %get3A_866 = arith.constant 16 : index
        %get3A_867 = tpu.vector_load %arg7[%get3A_865, %get3A_866] {strides = array<i32>} : memref<200x64xf32, #tpu.memory_space<vmem>>, vector<1x16xf32>,
        %get3A_868 = vector.shape_cast %get3A_867 : vector<1x16xf32> to vector<16xf32>
        %add3A_869 = arith.addf %get3A_864, %get3A_868 : vector<16xf32>
        %swap3A_870 = arith.constant 0 : i32
        %swap3A_871 = arith.constant 0 : i32
        %swap3A_872 = tpu.memref_slice %arg8[%scan3A_473, %swap3A_870, %swap3A_871] : memref<7x200x64xf32, #tpu.memory_space<vmem>> -> memref<1x200x64xf32, #tpu.memory_space<vmem>>
        %swap3A_873 = tpu.memref_squeeze %swap3A_872 : memref<1x200x64xf32, #tpu.memory_space<vmem>> -> memref<200x64xf32, #tpu.memory_space<vmem>>
        %swap3A_874 = arith.index_cast %scan3A_834 : i32 to index
        %swap3A_875 = arith.constant 16 : index
        %swap3A_876 = tpu.vector_load %swap3A_873[%swap3A_874, %swap3A_875] {strides = array<i32>} : memref<200x64xf32, #tpu.memory_space<vmem>>, vector<1x16xf32>,
        %swap3A_877 = vector.shape_cast %swap3A_876 : vector<1x16xf32> to vector<16xf32>
        %swap3A_878 = vector.shape_cast %add3A_869 : vector<16xf32> to vector<1x16xf32>
        tpu.vector_store %swap3A_873[%swap3A_874, %swap3A_875], %swap3A_878 {strides = array<i32>} : memref<200x64xf32, #tpu.memory_space<vmem>>, vector<1x16xf32>,
        %get3A_879 = arith.constant 0 : i32
        %get3A_880 = arith.constant 0 : i32
        %get3A_881 = tpu.memref_slice %arg8[%scan3A_473, %get3A_879, %get3A_880] : memref<7x200x64xf32, #tpu.memory_space<vmem>> -> memref<1x200x64xf32, #tpu.memory_space<vmem>>
        %get3A_882 = tpu.memref_squeeze %get3A_881 : memref<1x200x64xf32, #tpu.memory_space<vmem>> -> memref<200x64xf32, #tpu.memory_space<vmem>>
        %get3A_883 = arith.index_cast %scan3A_834 : i32 to index
        %get3A_884 = arith.constant 32 : index
        %get3A_885 = tpu.vector_load %get3A_882[%get3A_883, %get3A_884] {strides = array<i32>} : memref<200x64xf32, #tpu.memory_space<vmem>>, vector<1x16xf32>,
        %get3A_886 = vector.shape_cast %get3A_885 : vector<1x16xf32> to vector<16xf32>
        %get3A_887 = arith.index_cast %scan3A_834 : i32 to index
        %get3A_888 = arith.constant 32 : index
        %get3A_889 = tpu.vector_load %arg7[%get3A_887, %get3A_888] {strides = array<i32>} : memref<200x64xf32, #tpu.memory_space<vmem>>, vector<1x16xf32>,
        %get3A_890 = vector.shape_cast %get3A_889 : vector<1x16xf32> to vector<16xf32>
        %add3A_891 = arith.addf %get3A_886, %get3A_890 : vector<16xf32>
        %swap3A_892 = arith.constant 0 : i32
        %swap3A_893 = arith.constant 0 : i32
        %swap3A_894 = tpu.memref_slice %arg8[%scan3A_473, %swap3A_892, %swap3A_893] : memref<7x200x64xf32, #tpu.memory_space<vmem>> -> memref<1x200x64xf32, #tpu.memory_space<vmem>>
        %swap3A_895 = tpu.memref_squeeze %swap3A_894 : memref<1x200x64xf32, #tpu.memory_space<vmem>> -> memref<200x64xf32, #tpu.memory_space<vmem>>
        %swap3A_896 = arith.index_cast %scan3A_834 : i32 to index
        %swap3A_897 = arith.constant 32 : index
        %swap3A_898 = tpu.vector_load %swap3A_895[%swap3A_896, %swap3A_897] {strides = array<i32>} : memref<200x64xf32, #tpu.memory_space<vmem>>, vector<1x16xf32>,
        %swap3A_899 = vector.shape_cast %swap3A_898 : vector<1x16xf32> to vector<16xf32>
        %swap3A_900 = vector.shape_cast %add3A_891 : vector<16xf32> to vector<1x16xf32>
        tpu.vector_store %swap3A_895[%swap3A_896, %swap3A_897], %swap3A_900 {strides = array<i32>} : memref<200x64xf32, #tpu.memory_space<vmem>>, vector<1x16xf32>,
        %get3A_901 = arith.constant 0 : i32
        %get3A_902 = arith.constant 0 : i32
        %get3A_903 = tpu.memref_slice %arg8[%scan3A_473, %get3A_901, %get3A_902] : memref<7x200x64xf32, #tpu.memory_space<vmem>> -> memref<1x200x64xf32, #tpu.memory_space<vmem>>
        %get3A_904 = tpu.memref_squeeze %get3A_903 : memref<1x200x64xf32, #tpu.memory_space<vmem>> -> memref<200x64xf32, #tpu.memory_space<vmem>>
        %get3A_905 = arith.index_cast %scan3A_834 : i32 to index
        %get3A_906 = arith.constant 48 : index
        %get3A_907 = tpu.vector_load %get3A_904[%get3A_905, %get3A_906] {strides = array<i32>} : memref<200x64xf32, #tpu.memory_space<vmem>>, vector<1x16xf32>,
        %get3A_908 = vector.shape_cast %get3A_907 : vector<1x16xf32> to vector<16xf32>
        %get3A_909 = arith.index_cast %scan3A_834 : i32 to index
        %get3A_910 = arith.constant 48 : index
        %get3A_911 = tpu.vector_load %arg7[%get3A_909, %get3A_910] {strides = array<i32>} : memref<200x64xf32, #tpu.memory_space<vmem>>, vector<1x16xf32>,
        %get3A_912 = vector.shape_cast %get3A_911 : vector<1x16xf32> to vector<16xf32>
        %add3A_913 = arith.addf %get3A_908, %get3A_912 : vector<16xf32>
        %swap3A_914 = arith.constant 0 : i32
        %swap3A_915 = arith.constant 0 : i32
        %swap3A_916 = tpu.memref_slice %arg8[%scan3A_473, %swap3A_914, %swap3A_915] : memref<7x200x64xf32, #tpu.memory_space<vmem>> -> memref<1x200x64xf32, #tpu.memory_space<vmem>>
        %swap3A_917 = tpu.memref_squeeze %swap3A_916 : memref<1x200x64xf32, #tpu.memory_space<vmem>> -> memref<200x64xf32, #tpu.memory_space<vmem>>
        %swap3A_918 = arith.index_cast %scan3A_834 : i32 to index
        %swap3A_919 = arith.constant 48 : index
        %swap3A_920 = tpu.vector_load %swap3A_917[%swap3A_918, %swap3A_919] {strides = array<i32>} : memref<200x64xf32, #tpu.memory_space<vmem>>, vector<1x16xf32>,
        %swap3A_921 = vector.shape_cast %swap3A_920 : vector<1x16xf32> to vector<16xf32>
        %swap3A_922 = vector.shape_cast %add3A_913 : vector<16xf32> to vector<1x16xf32>
        tpu.vector_store %swap3A_917[%swap3A_918, %swap3A_919], %swap3A_922 {strides = array<i32>} : memref<200x64xf32, #tpu.memory_space<vmem>>, vector<1x16xf32>,
        %scan3A_923 = arith.constant 3 : i32
        %scan3A_924 = arith.addi %scan3A_656, %scan3A_923 : i32
        %get3A_925 = arith.constant 0 : i32
        %get3A_926 = arith.constant 0 : i32
        %get3A_927 = tpu.memref_slice %arg8[%scan3A_473, %get3A_925, %get3A_926] : memref<7x200x64xf32, #tpu.memory_space<vmem>> -> memref<1x200x64xf32, #tpu.memory_space<vmem>>
        %get3A_928 = tpu.memref_squeeze %get3A_927 : memref<1x200x64xf32, #tpu.memory_space<vmem>> -> memref<200x64xf32, #tpu.memory_space<vmem>>
        %get3A_929 = arith.index_cast %scan3A_924 : i32 to index
        %get3A_930 = arith.constant 0 : index
        %get3A_931 = tpu.vector_load %get3A_928[%get3A_929, %get3A_930] {strides = array<i32>} : memref<200x64xf32, #tpu.memory_space<vmem>>, vector<1x16xf32>,
        %get3A_932 = vector.shape_cast %get3A_931 : vector<1x16xf32> to vector<16xf32>
        %get3A_933 = arith.index_cast %scan3A_924 : i32 to index
        %get3A_934 = arith.constant 0 : index
        %get3A_935 = tpu.vector_load %arg7[%get3A_933, %get3A_934] {strides = array<i32>} : memref<200x64xf32, #tpu.memory_space<vmem>>, vector<1x16xf32>,
        %get3A_936 = vector.shape_cast %get3A_935 : vector<1x16xf32> to vector<16xf32>
        %add3A_937 = arith.addf %get3A_932, %get3A_936 : vector<16xf32>
        %swap3A_938 = arith.constant 0 : i32
        %swap3A_939 = arith.constant 0 : i32
        %swap3A_940 = tpu.memref_slice %arg8[%scan3A_473, %swap3A_938, %swap3A_939] : memref<7x200x64xf32, #tpu.memory_space<vmem>> -> memref<1x200x64xf32, #tpu.memory_space<vmem>>
        %swap3A_941 = tpu.memref_squeeze %swap3A_940 : memref<1x200x64xf32, #tpu.memory_space<vmem>> -> memref<200x64xf32, #tpu.memory_space<vmem>>
        %swap3A_942 = arith.index_cast %scan3A_924 : i32 to index
        %swap3A_943 = arith.constant 0 : index
        %swap3A_944 = tpu.vector_load %swap3A_941[%swap3A_942, %swap3A_943] {strides = array<i32>} : memref<200x64xf32, #tpu.memory_space<vmem>>, vector<1x16xf32>,
        %swap3A_945 = vector.shape_cast %swap3A_944 : vector<1x16xf32> to vector<16xf32>
        %swap3A_946 = vector.shape_cast %add3A_937 : vector<16xf32> to vector<1x16xf32>
        tpu.vector_store %swap3A_941[%swap3A_942, %swap3A_943], %swap3A_946 {strides = array<i32>} : memref<200x64xf32, #tpu.memory_space<vmem>>, vector<1x16xf32>,
        %get3A_947 = arith.constant 0 : i32
        %get3A_948 = arith.constant 0 : i32
        %get3A_949 = tpu.memref_slice %arg8[%scan3A_473, %get3A_947, %get3A_948] : memref<7x200x64xf32, #tpu.memory_space<vmem>> -> memref<1x200x64xf32, #tpu.memory_space<vmem>>
        %get3A_950 = tpu.memref_squeeze %get3A_949 : memref<1x200x64xf32, #tpu.memory_space<vmem>> -> memref<200x64xf32, #tpu.memory_space<vmem>>
        %get3A_951 = arith.index_cast %scan3A_924 : i32 to index
        %get3A_952 = arith.constant 16 : index
        %get3A_953 = tpu.vector_load %get3A_950[%get3A_951, %get3A_952] {strides = array<i32>} : memref<200x64xf32, #tpu.memory_space<vmem>>, vector<1x16xf32>,
        %get3A_954 = vector.shape_cast %get3A_953 : vector<1x16xf32> to vector<16xf32>
        %get3A_955 = arith.index_cast %scan3A_924 : i32 to index
        %get3A_956 = arith.constant 16 : index
        %get3A_957 = tpu.vector_load %arg7[%get3A_955, %get3A_956] {strides = array<i32>} : memref<200x64xf32, #tpu.memory_space<vmem>>, vector<1x16xf32>,
        %get3A_958 = vector.shape_cast %get3A_957 : vector<1x16xf32> to vector<16xf32>
        %add3A_959 = arith.addf %get3A_954, %get3A_958 : vector<16xf32>
        %swap3A_960 = arith.constant 0 : i32
        %swap3A_961 = arith.constant 0 : i32
        %swap3A_962 = tpu.memref_slice %arg8[%scan3A_473, %swap3A_960, %swap3A_961] : memref<7x200x64xf32, #tpu.memory_space<vmem>> -> memref<1x200x64xf32, #tpu.memory_space<vmem>>
        %swap3A_963 = tpu.memref_squeeze %swap3A_962 : memref<1x200x64xf32, #tpu.memory_space<vmem>> -> memref<200x64xf32, #tpu.memory_space<vmem>>
        %swap3A_964 = arith.index_cast %scan3A_924 : i32 to index
        %swap3A_965 = arith.constant 16 : index
        %swap3A_966 = tpu.vector_load %swap3A_963[%swap3A_964, %swap3A_965] {strides = array<i32>} : memref<200x64xf32, #tpu.memory_space<vmem>>, vector<1x16xf32>,
        %swap3A_967 = vector.shape_cast %swap3A_966 : vector<1x16xf32> to vector<16xf32>
        %swap3A_968 = vector.shape_cast %add3A_959 : vector<16xf32> to vector<1x16xf32>
        tpu.vector_store %swap3A_963[%swap3A_964, %swap3A_965], %swap3A_968 {strides = array<i32>} : memref<200x64xf32, #tpu.memory_space<vmem>>, vector<1x16xf32>,
        %get3A_969 = arith.constant 0 : i32
        %get3A_970 = arith.constant 0 : i32
        %get3A_971 = tpu.memref_slice %arg8[%scan3A_473, %get3A_969, %get3A_970] : memref<7x200x64xf32, #tpu.memory_space<vmem>> -> memref<1x200x64xf32, #tpu.memory_space<vmem>>
        %get3A_972 = tpu.memref_squeeze %get3A_971 : memref<1x200x64xf32, #tpu.memory_space<vmem>> -> memref<200x64xf32, #tpu.memory_space<vmem>>
        %get3A_973 = arith.index_cast %scan3A_924 : i32 to index
        %get3A_974 = arith.constant 32 : index
        %get3A_975 = tpu.vector_load %get3A_972[%get3A_973, %get3A_974] {strides = array<i32>} : memref<200x64xf32, #tpu.memory_space<vmem>>, vector<1x16xf32>,
        %get3A_976 = vector.shape_cast %get3A_975 : vector<1x16xf32> to vector<16xf32>
        %get3A_977 = arith.index_cast %scan3A_924 : i32 to index
        %get3A_978 = arith.constant 32 : index
        %get3A_979 = tpu.vector_load %arg7[%get3A_977, %get3A_978] {strides = array<i32>} : memref<200x64xf32, #tpu.memory_space<vmem>>, vector<1x16xf32>,
        %get3A_980 = vector.shape_cast %get3A_979 : vector<1x16xf32> to vector<16xf32>
        %add3A_981 = arith.addf %get3A_976, %get3A_980 : vector<16xf32>
        %swap3A_982 = arith.constant 0 : i32
        %swap3A_983 = arith.constant 0 : i32
        %swap3A_984 = tpu.memref_slice %arg8[%scan3A_473, %swap3A_982, %swap3A_983] : memref<7x200x64xf32, #tpu.memory_space<vmem>> -> memref<1x200x64xf32, #tpu.memory_space<vmem>>
        %swap3A_985 = tpu.memref_squeeze %swap3A_984 : memref<1x200x64xf32, #tpu.memory_space<vmem>> -> memref<200x64xf32, #tpu.memory_space<vmem>>
        %swap3A_986 = arith.index_cast %scan3A_924 : i32 to index
        %swap3A_987 = arith.constant 32 : index
        %swap3A_988 = tpu.vector_load %swap3A_985[%swap3A_986, %swap3A_987] {strides = array<i32>} : memref<200x64xf32, #tpu.memory_space<vmem>>, vector<1x16xf32>,
        %swap3A_989 = vector.shape_cast %swap3A_988 : vector<1x16xf32> to vector<16xf32>
        %swap3A_990 = vector.shape_cast %add3A_981 : vector<16xf32> to vector<1x16xf32>
        tpu.vector_store %swap3A_985[%swap3A_986, %swap3A_987], %swap3A_990 {strides = array<i32>} : memref<200x64xf32, #tpu.memory_space<vmem>>, vector<1x16xf32>,
        %get3A_991 = arith.constant 0 : i32
        %get3A_992 = arith.constant 0 : i32
        %get3A_993 = tpu.memref_slice %arg8[%scan3A_473, %get3A_991, %get3A_992] : memref<7x200x64xf32, #tpu.memory_space<vmem>> -> memref<1x200x64xf32, #tpu.memory_space<vmem>>
        %get3A_994 = tpu.memref_squeeze %get3A_993 : memref<1x200x64xf32, #tpu.memory_space<vmem>> -> memref<200x64xf32, #tpu.memory_space<vmem>>
        %get3A_995 = arith.index_cast %scan3A_924 : i32 to index
        %get3A_996 = arith.constant 48 : index
        %get3A_997 = tpu.vector_load %get3A_994[%get3A_995, %get3A_996] {strides = array<i32>} : memref<200x64xf32, #tpu.memory_space<vmem>>, vector<1x16xf32>,
        %get3A_998 = vector.shape_cast %get3A_997 : vector<1x16xf32> to vector<16xf32>
        %get3A_999 = arith.index_cast %scan3A_924 : i32 to index
        %get3A_1000 = arith.constant 48 : index
        %get3A_1001 = tpu.vector_load %arg7[%get3A_999, %get3A_1000] {strides = array<i32>} : memref<200x64xf32, #tpu.memory_space<vmem>>, vector<1x16xf32>,
        %get3A_1002 = vector.shape_cast %get3A_1001 : vector<1x16xf32> to vector<16xf32>
        %add3A_1003 = arith.addf %get3A_998, %get3A_1002 : vector<16xf32>
        %swap3A_1004 = arith.constant 0 : i32
        %swap3A_1005 = arith.constant 0 : i32
        %swap3A_1006 = tpu.memref_slice %arg8[%scan3A_473, %swap3A_1004, %swap3A_1005] : memref<7x200x64xf32, #tpu.memory_space<vmem>> -> memref<1x200x64xf32, #tpu.memory_space<vmem>>
        %swap3A_1007 = tpu.memref_squeeze %swap3A_1006 : memref<1x200x64xf32, #tpu.memory_space<vmem>> -> memref<200x64xf32, #tpu.memory_space<vmem>>
        %swap3A_1008 = arith.index_cast %scan3A_924 : i32 to index
        %swap3A_1009 = arith.constant 48 : index
        %swap3A_1010 = tpu.vector_load %swap3A_1007[%swap3A_1008, %swap3A_1009] {strides = array<i32>} : memref<200x64xf32, #tpu.memory_space<vmem>>, vector<1x16xf32>,
        %swap3A_1011 = vector.shape_cast %swap3A_1010 : vector<1x16xf32> to vector<16xf32>
        %swap3A_1012 = vector.shape_cast %add3A_1003 : vector<16xf32> to vector<1x16xf32>
        tpu.vector_store %swap3A_1007[%swap3A_1008, %swap3A_1009], %swap3A_1012 {strides = array<i32>} : memref<200x64xf32, #tpu.memory_space<vmem>>, vector<1x16xf32>,
      }
      %scan3A_478 = arith.constant 200 : i32
      %add3A_479 = arith.addi %mul3A_2, %add3A_451 : i32
      %dma_start3A_480 = arith.constant 3 : i32
      %dma_start3A_481 = arith.constant 3 : i32
      %dma_start3A_482 = arith.constant 0 : i32
      %dma_start3A_483 = arith.constant 0 : i32
      %dma_start3A_484 = tpu.memref_slice %arg8[%dma_start3A_480, %dma_start3A_482, %dma_start3A_483] : memref<7x200x64xf32, #tpu.memory_space<vmem>> -> memref<1x200x64xf32, #tpu.memory_space<vmem>>
      %dma_start3A_485 = tpu.memref_squeeze %dma_start3A_484 : memref<1x200x64xf32, #tpu.memory_space<vmem>> -> memref<200x64xf32, #tpu.memory_space<vmem>>
      %dma_start3A_486 = arith.constant 0 : i32
      %dma_start3A_487 = arith.constant 0 : i32
      %dma_start3A_488 = tpu.memref_slice %arg5[%add3A_479, %dma_start3A_486, %dma_start3A_487] : memref<4096x200x64xf32, #tpu.memory_space<hbm>> -> memref<1x200x64xf32, #tpu.memory_space<hbm>>
      %dma_start3A_489 = tpu.memref_squeeze %dma_start3A_488 : memref<1x200x64xf32, #tpu.memory_space<hbm>> -> memref<200x64xf32, #tpu.memory_space<hbm>>
      %dma_start3A_490 = tpu.memref_slice %arg10[%dma_start3A_481] : memref<7x!tpu.dma_semaphore, #tpu.memory_space<semaphore_mem>> -> memref<1x!tpu.dma_semaphore, #tpu.memory_space<semaphore_mem>>
      %dma_start3A_491 = tpu.memref_squeeze %dma_start3A_490 : memref<1x!tpu.dma_semaphore, #tpu.memory_space<semaphore_mem>> -> memref<!tpu.dma_semaphore, #tpu.memory_space<semaphore_mem>>
      %dma_start3A_492 = arith.constant 0 : i32
      %dma_start3A_493 = arith.constant 0 : i32
      %dma_start3A_494 = tpu.memref_slice %arg5[%add3A_479, %dma_start3A_492, %dma_start3A_493] : memref<4096x200x64xf32, #tpu.memory_space<hbm>> -> memref<1x200x64xf32, #tpu.memory_space<hbm>>
      %dma_start3A_495 = tpu.memref_squeeze %dma_start3A_494 : memref<1x200x64xf32, #tpu.memory_space<hbm>> -> memref<200x64xf32, #tpu.memory_space<hbm>>
      %dma_start3A_496 = arith.constant 0 : i32
      %dma_start3A_497 = arith.constant 0 : i32
      %dma_start3A_498 = tpu.memref_slice %arg8[%dma_start3A_480, %dma_start3A_496, %dma_start3A_497] : memref<7x200x64xf32, #tpu.memory_space<vmem>> -> memref<1x200x64xf32, #tpu.memory_space<vmem>>
      %dma_start3A_499 = tpu.memref_squeeze %dma_start3A_498 : memref<1x200x64xf32, #tpu.memory_space<vmem>> -> memref<200x64xf32, #tpu.memory_space<vmem>>
      tpu.enqueue_dma source(%dma_start3A_499 : memref<200x64xf32, #tpu.memory_space<vmem>>) target(%dma_start3A_495 : memref<200x64xf32, #tpu.memory_space<hbm>>) target_semaphore(%dma_start3A_491 : memref<!tpu.dma_semaphore, #tpu.memory_space<semaphore_mem>>)
      %mul3A_500 = arith.constant 7 : i32
      %mul3A_501 = arith.muli %scan3A_294, %mul3A_500 : i32
      %add3A_502 = arith.constant 4 : i32
      %add3A_503 = arith.addi %mul3A_501, %add3A_502 : i32
      %lt3A_504 = arith.constant 124 : i32
      %lt3A_505 = arith.cmpi slt, %add3A_503, %lt3A_504 : i32
      %convert_element_type3A_506 = arith.extui %lt3A_505 : i1 to i32
      %cond3A_507 = arith.constant 0 : i32
      %cond3A_508 = arith.cmpi ne, %convert_element_type3A_506, %cond3A_507 : i32
      scf.if %cond3A_508 {
        %ge3A = arith.constant 3 : i32
        %ge3A_656 = arith.cmpi sge, %add3A_503, %ge3A : i32
        %convert_element_type3A_657 = arith.extui %ge3A_656 : i1 to i32
        %cond3A_658 = arith.constant 0 : i32
        %cond3A_659 = arith.cmpi ne, %convert_element_type3A_657, %cond3A_658 : i32
        scf.if %cond3A_659 {
          %dma_wait3A_676 = arith.constant 1 : i32
          %dma_wait3A_677 = arith.constant 1 : i32
          %dma_wait3A_678 = arith.constant 0 : i32
          %dma_wait3A_679 = arith.constant 0 : i32
          %dma_wait3A_680 = tpu.memref_slice %arg8[%dma_wait3A_676, %dma_wait3A_678, %dma_wait3A_679] : memref<7x200x64xf32, #tpu.memory_space<vmem>> -> memref<1x200x64xf32, #tpu.memory_space<vmem>>
          %dma_wait3A_681 = tpu.memref_squeeze %dma_wait3A_680 : memref<1x200x64xf32, #tpu.memory_space<vmem>> -> memref<200x64xf32, #tpu.memory_space<vmem>>
          %dma_wait3A_682 = arith.constant 0 : i32
          %dma_wait3A_683 = arith.constant 0 : i32
          %dma_wait3A_684 = tpu.memref_slice %arg5[%mul3A_2, %dma_wait3A_682, %dma_wait3A_683] : memref<4096x200x64xf32, #tpu.memory_space<hbm>> -> memref<1x200x64xf32, #tpu.memory_space<hbm>>
          %dma_wait3A_685 = tpu.memref_squeeze %dma_wait3A_684 : memref<1x200x64xf32, #tpu.memory_space<hbm>> -> memref<200x64xf32, #tpu.memory_space<hbm>>
          %dma_wait3A_686 = tpu.memref_slice %arg10[%dma_wait3A_677] : memref<7x!tpu.dma_semaphore, #tpu.memory_space<semaphore_mem>> -> memref<1x!tpu.dma_semaphore, #tpu.memory_space<semaphore_mem>>
          %dma_wait3A_687 = tpu.memref_squeeze %dma_wait3A_686 : memref<1x!tpu.dma_semaphore, #tpu.memory_space<semaphore_mem>> -> memref<!tpu.dma_semaphore, #tpu.memory_space<semaphore_mem>>
          %dma_wait3A_688 = arith.constant 0 : i32
          %dma_wait3A_689 = arith.constant 0 : i32
          %dma_wait3A_690 = tpu.memref_slice %arg5[%mul3A_2, %dma_wait3A_688, %dma_wait3A_689] : memref<4096x200x64xf32, #tpu.memory_space<hbm>> -> memref<1x200x64xf32, #tpu.memory_space<hbm>>
          %dma_wait3A_691 = tpu.memref_squeeze %dma_wait3A_690 : memref<1x200x64xf32, #tpu.memory_space<hbm>> -> memref<200x64xf32, #tpu.memory_space<hbm>>
          %dma_wait3A_692 = arith.constant 0 : i32
          %dma_wait3A_693 = arith.constant 0 : i32
          %dma_wait3A_694 = tpu.memref_slice %arg8[%dma_wait3A_676, %dma_wait3A_692, %dma_wait3A_693] : memref<7x200x64xf32, #tpu.memory_space<vmem>> -> memref<1x200x64xf32, #tpu.memory_space<vmem>>
          %dma_wait3A_695 = tpu.memref_squeeze %dma_wait3A_694 : memref<1x200x64xf32, #tpu.memory_space<vmem>> -> memref<200x64xf32, #tpu.memory_space<vmem>>
          tpu.wait_dma2 semaphore(%dma_wait3A_687 : memref<!tpu.dma_semaphore, #tpu.memory_space<semaphore_mem>>) src(%dma_wait3A_695 : memref<200x64xf32, #tpu.memory_space<vmem>>) dst(%dma_wait3A_691 : memref<200x64xf32, #tpu.memory_space<hbm>>)
        } else {
        }
        %add3A_660 = arith.constant 4 : i32
        %add3A_661 = arith.addi %add3A_503, %add3A_660 : i32
        %dma_start3A_662 = arith.constant 1 : i32
        %dma_start3A_663 = arith.constant 1 : i32
        %dma_start3A_664 = arith.constant 0 : i32
        %dma_start3A_665 = arith.constant 0 : i32
        %dma_start3A_666 = tpu.memref_slice %arg8[%dma_start3A_662, %dma_start3A_664, %dma_start3A_665] : memref<7x200x64xf32, #tpu.memory_space<vmem>> -> memref<1x200x64xf32, #tpu.memory_space<vmem>>
        %dma_start3A_667 = tpu.memref_squeeze %dma_start3A_666 : memref<1x200x64xf32, #tpu.memory_space<vmem>> -> memref<200x64xf32, #tpu.memory_space<vmem>>
        %dma_start3A_668 = arith.constant 0 : i32
        %dma_start3A_669 = tpu.memref_slice %arg6[%add3A_661, %dma_start3A_668] : memref<128x200xi32, #tpu.memory_space<vmem>> -> memref<1x200xi32, #tpu.memory_space<vmem>>
        %dma_start3A_670 = tpu.memref_squeeze %dma_start3A_669 : memref<1x200xi32, #tpu.memory_space<vmem>> -> memref<200xi32, #tpu.memory_space<vmem>>
        %dma_start3A_671 = arith.constant 0 : i32
        %dma_start3A_672 = arith.constant 0 : i32
        %dma_start3A_673 = tpu.memref_slice %arg3[%dma_start3A_671, %dma_start3A_672] : memref<1000000x64xf32, #tpu.memory_space<hbm>> -> memref<1000000x64xf32, #tpu.memory_space<hbm>>
        %dma_start3A_674 = tpu.memref_slice %arg9[%dma_start3A_663] : memref<7x!tpu.dma_semaphore, #tpu.memory_space<semaphore_mem>> -> memref<1x!tpu.dma_semaphore, #tpu.memory_space<semaphore_mem>>
        %dma_start3A_675 = tpu.memref_squeeze %dma_start3A_674 : memref<1x!tpu.dma_semaphore, #tpu.memory_space<semaphore_mem>> -> memref<!tpu.dma_semaphore, #tpu.memory_space<semaphore_mem>>
        tpu.enqueue_indirect_dma source(%dma_start3A_673 : memref<1000000x64xf32, #tpu.memory_space<hbm>>) target(%dma_start3A_667 : memref<200x64xf32, #tpu.memory_space<vmem>>) offsets(%dma_start3A_670 : memref<200xi32, #tpu.memory_space<vmem>>) semaphore(%dma_start3A_675 : memref<!tpu.dma_semaphore, #tpu.memory_space<semaphore_mem>>)
      } else {
      }
      %dma_wait3A_509 = arith.constant 0 : i32
      %dma_wait3A_510 = arith.constant 4 : i32
      %dma_wait3A_511 = arith.constant 4 : i32
      %dma_wait3A_512 = arith.constant 0 : i32
      %dma_wait3A_513 = arith.constant 0 : i32
      %dma_wait3A_514 = tpu.memref_slice %arg8[%dma_wait3A_510, %dma_wait3A_512, %dma_wait3A_513] : memref<7x200x64xf32, #tpu.memory_space<vmem>> -> memref<1x200x64xf32, #tpu.memory_space<vmem>>
      %dma_wait3A_515 = tpu.memref_squeeze %dma_wait3A_514 : memref<1x200x64xf32, #tpu.memory_space<vmem>> -> memref<200x64xf32, #tpu.memory_space<vmem>>
      %dma_wait3A_516 = arith.constant 0 : i32
      %dma_wait3A_517 = tpu.memref_slice %arg6[%dma_wait3A_509, %dma_wait3A_516] : memref<128x200xi32, #tpu.memory_space<vmem>> -> memref<1x200xi32, #tpu.memory_space<vmem>>
      %dma_wait3A_518 = tpu.memref_squeeze %dma_wait3A_517 : memref<1x200xi32, #tpu.memory_space<vmem>> -> memref<200xi32, #tpu.memory_space<vmem>>
      %dma_wait3A_519 = arith.constant 0 : i32
      %dma_wait3A_520 = arith.constant 0 : i32
      %dma_wait3A_521 = tpu.memref_slice %arg3[%dma_wait3A_519, %dma_wait3A_520] : memref<1000000x64xf32, #tpu.memory_space<hbm>> -> memref<1000000x64xf32, #tpu.memory_space<hbm>>
      %dma_wait3A_522 = tpu.memref_slice %arg9[%dma_wait3A_511] : memref<7x!tpu.dma_semaphore, #tpu.memory_space<semaphore_mem>> -> memref<1x!tpu.dma_semaphore, #tpu.memory_space<semaphore_mem>>
      %dma_wait3A_523 = tpu.memref_squeeze %dma_wait3A_522 : memref<1x!tpu.dma_semaphore, #tpu.memory_space<semaphore_mem>> -> memref<!tpu.dma_semaphore, #tpu.memory_space<semaphore_mem>>
      tpu.wait_indirect_dma semaphore(%dma_wait3A_523 : memref<!tpu.dma_semaphore, #tpu.memory_space<semaphore_mem>>) src(%dma_wait3A_521 : memref<1000000x64xf32, #tpu.memory_space<hbm>>) dst(%dma_wait3A_515 : memref<200x64xf32, #tpu.memory_space<vmem>>)
      %scan3A_524 = arith.constant 0 : i32
      %scan3A_525 = arith.constant 4 : i32
      %scan3A_526 = arith.constant 0 : i32
      %scan3A_527 = arith.constant 200 : i32
      %scan3A_528 = arith.addi %scan3A_526, %scan3A_527 : i32
      %scan3A_529 = arith.constant 4 : i32
      scf.for %scan3A_656 = %scan3A_526 to %scan3A_528 step %scan3A_529  : i32 {
        %get3A = arith.constant 0 : i32
        %get3A_657 = arith.constant 0 : i32
        %get3A_658 = tpu.memref_slice %arg8[%scan3A_525, %get3A, %get3A_657] : memref<7x200x64xf32, #tpu.memory_space<vmem>> -> memref<1x200x64xf32, #tpu.memory_space<vmem>>
        %get3A_659 = tpu.memref_squeeze %get3A_658 : memref<1x200x64xf32, #tpu.memory_space<vmem>> -> memref<200x64xf32, #tpu.memory_space<vmem>>
        %get3A_660 = arith.index_cast %scan3A_656 : i32 to index
        %get3A_661 = arith.constant 0 : index
        %get3A_662 = tpu.vector_load %get3A_659[%get3A_660, %get3A_661] {strides = array<i32>} : memref<200x64xf32, #tpu.memory_space<vmem>>, vector<1x16xf32>,
        %get3A_663 = vector.shape_cast %get3A_662 : vector<1x16xf32> to vector<16xf32>
        %get3A_664 = arith.index_cast %scan3A_656 : i32 to index
        %get3A_665 = arith.constant 0 : index
        %get3A_666 = tpu.vector_load %arg7[%get3A_664, %get3A_665] {strides = array<i32>} : memref<200x64xf32, #tpu.memory_space<vmem>>, vector<1x16xf32>,
        %get3A_667 = vector.shape_cast %get3A_666 : vector<1x16xf32> to vector<16xf32>
        %add3A_668 = arith.addf %get3A_663, %get3A_667 : vector<16xf32>
        %swap3A = arith.constant 0 : i32
        %swap3A_669 = arith.constant 0 : i32
        %swap3A_670 = tpu.memref_slice %arg8[%scan3A_525, %swap3A, %swap3A_669] : memref<7x200x64xf32, #tpu.memory_space<vmem>> -> memref<1x200x64xf32, #tpu.memory_space<vmem>>
        %swap3A_671 = tpu.memref_squeeze %swap3A_670 : memref<1x200x64xf32, #tpu.memory_space<vmem>> -> memref<200x64xf32, #tpu.memory_space<vmem>>
        %swap3A_672 = arith.index_cast %scan3A_656 : i32 to index
        %swap3A_673 = arith.constant 0 : index
        %swap3A_674 = tpu.vector_load %swap3A_671[%swap3A_672, %swap3A_673] {strides = array<i32>} : memref<200x64xf32, #tpu.memory_space<vmem>>, vector<1x16xf32>,
        %swap3A_675 = vector.shape_cast %swap3A_674 : vector<1x16xf32> to vector<16xf32>
        %swap3A_676 = vector.shape_cast %add3A_668 : vector<16xf32> to vector<1x16xf32>
        tpu.vector_store %swap3A_671[%swap3A_672, %swap3A_673], %swap3A_676 {strides = array<i32>} : memref<200x64xf32, #tpu.memory_space<vmem>>, vector<1x16xf32>,
        %get3A_677 = arith.constant 0 : i32
        %get3A_678 = arith.constant 0 : i32
        %get3A_679 = tpu.memref_slice %arg8[%scan3A_525, %get3A_677, %get3A_678] : memref<7x200x64xf32, #tpu.memory_space<vmem>> -> memref<1x200x64xf32, #tpu.memory_space<vmem>>
        %get3A_680 = tpu.memref_squeeze %get3A_679 : memref<1x200x64xf32, #tpu.memory_space<vmem>> -> memref<200x64xf32, #tpu.memory_space<vmem>>
        %get3A_681 = arith.index_cast %scan3A_656 : i32 to index
        %get3A_682 = arith.constant 16 : index
        %get3A_683 = tpu.vector_load %get3A_680[%get3A_681, %get3A_682] {strides = array<i32>} : memref<200x64xf32, #tpu.memory_space<vmem>>, vector<1x16xf32>,
        %get3A_684 = vector.shape_cast %get3A_683 : vector<1x16xf32> to vector<16xf32>
        %get3A_685 = arith.index_cast %scan3A_656 : i32 to index
        %get3A_686 = arith.constant 16 : index
        %get3A_687 = tpu.vector_load %arg7[%get3A_685, %get3A_686] {strides = array<i32>} : memref<200x64xf32, #tpu.memory_space<vmem>>, vector<1x16xf32>,
        %get3A_688 = vector.shape_cast %get3A_687 : vector<1x16xf32> to vector<16xf32>
        %add3A_689 = arith.addf %get3A_684, %get3A_688 : vector<16xf32>
        %swap3A_690 = arith.constant 0 : i32
        %swap3A_691 = arith.constant 0 : i32
        %swap3A_692 = tpu.memref_slice %arg8[%scan3A_525, %swap3A_690, %swap3A_691] : memref<7x200x64xf32, #tpu.memory_space<vmem>> -> memref<1x200x64xf32, #tpu.memory_space<vmem>>
        %swap3A_693 = tpu.memref_squeeze %swap3A_692 : memref<1x200x64xf32, #tpu.memory_space<vmem>> -> memref<200x64xf32, #tpu.memory_space<vmem>>
        %swap3A_694 = arith.index_cast %scan3A_656 : i32 to index
        %swap3A_695 = arith.constant 16 : index
        %swap3A_696 = tpu.vector_load %swap3A_693[%swap3A_694, %swap3A_695] {strides = array<i32>} : memref<200x64xf32, #tpu.memory_space<vmem>>, vector<1x16xf32>,
        %swap3A_697 = vector.shape_cast %swap3A_696 : vector<1x16xf32> to vector<16xf32>
        %swap3A_698 = vector.shape_cast %add3A_689 : vector<16xf32> to vector<1x16xf32>
        tpu.vector_store %swap3A_693[%swap3A_694, %swap3A_695], %swap3A_698 {strides = array<i32>} : memref<200x64xf32, #tpu.memory_space<vmem>>, vector<1x16xf32>,
        %get3A_699 = arith.constant 0 : i32
        %get3A_700 = arith.constant 0 : i32
        %get3A_701 = tpu.memref_slice %arg8[%scan3A_525, %get3A_699, %get3A_700] : memref<7x200x64xf32, #tpu.memory_space<vmem>> -> memref<1x200x64xf32, #tpu.memory_space<vmem>>
        %get3A_702 = tpu.memref_squeeze %get3A_701 : memref<1x200x64xf32, #tpu.memory_space<vmem>> -> memref<200x64xf32, #tpu.memory_space<vmem>>
        %get3A_703 = arith.index_cast %scan3A_656 : i32 to index
        %get3A_704 = arith.constant 32 : index
        %get3A_705 = tpu.vector_load %get3A_702[%get3A_703, %get3A_704] {strides = array<i32>} : memref<200x64xf32, #tpu.memory_space<vmem>>, vector<1x16xf32>,
        %get3A_706 = vector.shape_cast %get3A_705 : vector<1x16xf32> to vector<16xf32>
        %get3A_707 = arith.index_cast %scan3A_656 : i32 to index
        %get3A_708 = arith.constant 32 : index
        %get3A_709 = tpu.vector_load %arg7[%get3A_707, %get3A_708] {strides = array<i32>} : memref<200x64xf32, #tpu.memory_space<vmem>>, vector<1x16xf32>,
        %get3A_710 = vector.shape_cast %get3A_709 : vector<1x16xf32> to vector<16xf32>
        %add3A_711 = arith.addf %get3A_706, %get3A_710 : vector<16xf32>
        %swap3A_712 = arith.constant 0 : i32
        %swap3A_713 = arith.constant 0 : i32
        %swap3A_714 = tpu.memref_slice %arg8[%scan3A_525, %swap3A_712, %swap3A_713] : memref<7x200x64xf32, #tpu.memory_space<vmem>> -> memref<1x200x64xf32, #tpu.memory_space<vmem>>
        %swap3A_715 = tpu.memref_squeeze %swap3A_714 : memref<1x200x64xf32, #tpu.memory_space<vmem>> -> memref<200x64xf32, #tpu.memory_space<vmem>>
        %swap3A_716 = arith.index_cast %scan3A_656 : i32 to index
        %swap3A_717 = arith.constant 32 : index
        %swap3A_718 = tpu.vector_load %swap3A_715[%swap3A_716, %swap3A_717] {strides = array<i32>} : memref<200x64xf32, #tpu.memory_space<vmem>>, vector<1x16xf32>,
        %swap3A_719 = vector.shape_cast %swap3A_718 : vector<1x16xf32> to vector<16xf32>
        %swap3A_720 = vector.shape_cast %add3A_711 : vector<16xf32> to vector<1x16xf32>
        tpu.vector_store %swap3A_715[%swap3A_716, %swap3A_717], %swap3A_720 {strides = array<i32>} : memref<200x64xf32, #tpu.memory_space<vmem>>, vector<1x16xf32>,
        %get3A_721 = arith.constant 0 : i32
        %get3A_722 = arith.constant 0 : i32
        %get3A_723 = tpu.memref_slice %arg8[%scan3A_525, %get3A_721, %get3A_722] : memref<7x200x64xf32, #tpu.memory_space<vmem>> -> memref<1x200x64xf32, #tpu.memory_space<vmem>>
        %get3A_724 = tpu.memref_squeeze %get3A_723 : memref<1x200x64xf32, #tpu.memory_space<vmem>> -> memref<200x64xf32, #tpu.memory_space<vmem>>
        %get3A_725 = arith.index_cast %scan3A_656 : i32 to index
        %get3A_726 = arith.constant 48 : index
        %get3A_727 = tpu.vector_load %get3A_724[%get3A_725, %get3A_726] {strides = array<i32>} : memref<200x64xf32, #tpu.memory_space<vmem>>, vector<1x16xf32>,
        %get3A_728 = vector.shape_cast %get3A_727 : vector<1x16xf32> to vector<16xf32>
        %get3A_729 = arith.index_cast %scan3A_656 : i32 to index
        %get3A_730 = arith.constant 48 : index
        %get3A_731 = tpu.vector_load %arg7[%get3A_729, %get3A_730] {strides = array<i32>} : memref<200x64xf32, #tpu.memory_space<vmem>>, vector<1x16xf32>,
        %get3A_732 = vector.shape_cast %get3A_731 : vector<1x16xf32> to vector<16xf32>
        %add3A_733 = arith.addf %get3A_728, %get3A_732 : vector<16xf32>
        %swap3A_734 = arith.constant 0 : i32
        %swap3A_735 = arith.constant 0 : i32
        %swap3A_736 = tpu.memref_slice %arg8[%scan3A_525, %swap3A_734, %swap3A_735] : memref<7x200x64xf32, #tpu.memory_space<vmem>> -> memref<1x200x64xf32, #tpu.memory_space<vmem>>
        %swap3A_737 = tpu.memref_squeeze %swap3A_736 : memref<1x200x64xf32, #tpu.memory_space<vmem>> -> memref<200x64xf32, #tpu.memory_space<vmem>>
        %swap3A_738 = arith.index_cast %scan3A_656 : i32 to index
        %swap3A_739 = arith.constant 48 : index
        %swap3A_740 = tpu.vector_load %swap3A_737[%swap3A_738, %swap3A_739] {strides = array<i32>} : memref<200x64xf32, #tpu.memory_space<vmem>>, vector<1x16xf32>,
        %swap3A_741 = vector.shape_cast %swap3A_740 : vector<1x16xf32> to vector<16xf32>
        %swap3A_742 = vector.shape_cast %add3A_733 : vector<16xf32> to vector<1x16xf32>
        tpu.vector_store %swap3A_737[%swap3A_738, %swap3A_739], %swap3A_742 {strides = array<i32>} : memref<200x64xf32, #tpu.memory_space<vmem>>, vector<1x16xf32>,
        %scan3A_743 = arith.constant 1 : i32
        %scan3A_744 = arith.addi %scan3A_656, %scan3A_743 : i32
        %get3A_745 = arith.constant 0 : i32
        %get3A_746 = arith.constant 0 : i32
        %get3A_747 = tpu.memref_slice %arg8[%scan3A_525, %get3A_745, %get3A_746] : memref<7x200x64xf32, #tpu.memory_space<vmem>> -> memref<1x200x64xf32, #tpu.memory_space<vmem>>
        %get3A_748 = tpu.memref_squeeze %get3A_747 : memref<1x200x64xf32, #tpu.memory_space<vmem>> -> memref<200x64xf32, #tpu.memory_space<vmem>>
        %get3A_749 = arith.index_cast %scan3A_744 : i32 to index
        %get3A_750 = arith.constant 0 : index
        %get3A_751 = tpu.vector_load %get3A_748[%get3A_749, %get3A_750] {strides = array<i32>} : memref<200x64xf32, #tpu.memory_space<vmem>>, vector<1x16xf32>,
        %get3A_752 = vector.shape_cast %get3A_751 : vector<1x16xf32> to vector<16xf32>
        %get3A_753 = arith.index_cast %scan3A_744 : i32 to index
        %get3A_754 = arith.constant 0 : index
        %get3A_755 = tpu.vector_load %arg7[%get3A_753, %get3A_754] {strides = array<i32>} : memref<200x64xf32, #tpu.memory_space<vmem>>, vector<1x16xf32>,
        %get3A_756 = vector.shape_cast %get3A_755 : vector<1x16xf32> to vector<16xf32>
        %add3A_757 = arith.addf %get3A_752, %get3A_756 : vector<16xf32>
        %swap3A_758 = arith.constant 0 : i32
        %swap3A_759 = arith.constant 0 : i32
        %swap3A_760 = tpu.memref_slice %arg8[%scan3A_525, %swap3A_758, %swap3A_759] : memref<7x200x64xf32, #tpu.memory_space<vmem>> -> memref<1x200x64xf32, #tpu.memory_space<vmem>>
        %swap3A_761 = tpu.memref_squeeze %swap3A_760 : memref<1x200x64xf32, #tpu.memory_space<vmem>> -> memref<200x64xf32, #tpu.memory_space<vmem>>
        %swap3A_762 = arith.index_cast %scan3A_744 : i32 to index
        %swap3A_763 = arith.constant 0 : index
        %swap3A_764 = tpu.vector_load %swap3A_761[%swap3A_762, %swap3A_763] {strides = array<i32>} : memref<200x64xf32, #tpu.memory_space<vmem>>, vector<1x16xf32>,
        %swap3A_765 = vector.shape_cast %swap3A_764 : vector<1x16xf32> to vector<16xf32>
        %swap3A_766 = vector.shape_cast %add3A_757 : vector<16xf32> to vector<1x16xf32>
        tpu.vector_store %swap3A_761[%swap3A_762, %swap3A_763], %swap3A_766 {strides = array<i32>} : memref<200x64xf32, #tpu.memory_space<vmem>>, vector<1x16xf32>,
        %get3A_767 = arith.constant 0 : i32
        %get3A_768 = arith.constant 0 : i32
        %get3A_769 = tpu.memref_slice %arg8[%scan3A_525, %get3A_767, %get3A_768] : memref<7x200x64xf32, #tpu.memory_space<vmem>> -> memref<1x200x64xf32, #tpu.memory_space<vmem>>
        %get3A_770 = tpu.memref_squeeze %get3A_769 : memref<1x200x64xf32, #tpu.memory_space<vmem>> -> memref<200x64xf32, #tpu.memory_space<vmem>>
        %get3A_771 = arith.index_cast %scan3A_744 : i32 to index
        %get3A_772 = arith.constant 16 : index
        %get3A_773 = tpu.vector_load %get3A_770[%get3A_771, %get3A_772] {strides = array<i32>} : memref<200x64xf32, #tpu.memory_space<vmem>>, vector<1x16xf32>,
        %get3A_774 = vector.shape_cast %get3A_773 : vector<1x16xf32> to vector<16xf32>
        %get3A_775 = arith.index_cast %scan3A_744 : i32 to index
        %get3A_776 = arith.constant 16 : index
        %get3A_777 = tpu.vector_load %arg7[%get3A_775, %get3A_776] {strides = array<i32>} : memref<200x64xf32, #tpu.memory_space<vmem>>, vector<1x16xf32>,
        %get3A_778 = vector.shape_cast %get3A_777 : vector<1x16xf32> to vector<16xf32>
        %add3A_779 = arith.addf %get3A_774, %get3A_778 : vector<16xf32>
        %swap3A_780 = arith.constant 0 : i32
        %swap3A_781 = arith.constant 0 : i32
        %swap3A_782 = tpu.memref_slice %arg8[%scan3A_525, %swap3A_780, %swap3A_781] : memref<7x200x64xf32, #tpu.memory_space<vmem>> -> memref<1x200x64xf32, #tpu.memory_space<vmem>>
        %swap3A_783 = tpu.memref_squeeze %swap3A_782 : memref<1x200x64xf32, #tpu.memory_space<vmem>> -> memref<200x64xf32, #tpu.memory_space<vmem>>
        %swap3A_784 = arith.index_cast %scan3A_744 : i32 to index
        %swap3A_785 = arith.constant 16 : index
        %swap3A_786 = tpu.vector_load %swap3A_783[%swap3A_784, %swap3A_785] {strides = array<i32>} : memref<200x64xf32, #tpu.memory_space<vmem>>, vector<1x16xf32>,
        %swap3A_787 = vector.shape_cast %swap3A_786 : vector<1x16xf32> to vector<16xf32>
        %swap3A_788 = vector.shape_cast %add3A_779 : vector<16xf32> to vector<1x16xf32>
        tpu.vector_store %swap3A_783[%swap3A_784, %swap3A_785], %swap3A_788 {strides = array<i32>} : memref<200x64xf32, #tpu.memory_space<vmem>>, vector<1x16xf32>,
        %get3A_789 = arith.constant 0 : i32
        %get3A_790 = arith.constant 0 : i32
        %get3A_791 = tpu.memref_slice %arg8[%scan3A_525, %get3A_789, %get3A_790] : memref<7x200x64xf32, #tpu.memory_space<vmem>> -> memref<1x200x64xf32, #tpu.memory_space<vmem>>
        %get3A_792 = tpu.memref_squeeze %get3A_791 : memref<1x200x64xf32, #tpu.memory_space<vmem>> -> memref<200x64xf32, #tpu.memory_space<vmem>>
        %get3A_793 = arith.index_cast %scan3A_744 : i32 to index
        %get3A_794 = arith.constant 32 : index
        %get3A_795 = tpu.vector_load %get3A_792[%get3A_793, %get3A_794] {strides = array<i32>} : memref<200x64xf32, #tpu.memory_space<vmem>>, vector<1x16xf32>,
        %get3A_796 = vector.shape_cast %get3A_795 : vector<1x16xf32> to vector<16xf32>
        %get3A_797 = arith.index_cast %scan3A_744 : i32 to index
        %get3A_798 = arith.constant 32 : index
        %get3A_799 = tpu.vector_load %arg7[%get3A_797, %get3A_798] {strides = array<i32>} : memref<200x64xf32, #tpu.memory_space<vmem>>, vector<1x16xf32>,
        %get3A_800 = vector.shape_cast %get3A_799 : vector<1x16xf32> to vector<16xf32>
        %add3A_801 = arith.addf %get3A_796, %get3A_800 : vector<16xf32>
        %swap3A_802 = arith.constant 0 : i32
        %swap3A_803 = arith.constant 0 : i32
        %swap3A_804 = tpu.memref_slice %arg8[%scan3A_525, %swap3A_802, %swap3A_803] : memref<7x200x64xf32, #tpu.memory_space<vmem>> -> memref<1x200x64xf32, #tpu.memory_space<vmem>>
        %swap3A_805 = tpu.memref_squeeze %swap3A_804 : memref<1x200x64xf32, #tpu.memory_space<vmem>> -> memref<200x64xf32, #tpu.memory_space<vmem>>
        %swap3A_806 = arith.index_cast %scan3A_744 : i32 to index
        %swap3A_807 = arith.constant 32 : index
        %swap3A_808 = tpu.vector_load %swap3A_805[%swap3A_806, %swap3A_807] {strides = array<i32>} : memref<200x64xf32, #tpu.memory_space<vmem>>, vector<1x16xf32>,
        %swap3A_809 = vector.shape_cast %swap3A_808 : vector<1x16xf32> to vector<16xf32>
        %swap3A_810 = vector.shape_cast %add3A_801 : vector<16xf32> to vector<1x16xf32>
        tpu.vector_store %swap3A_805[%swap3A_806, %swap3A_807], %swap3A_810 {strides = array<i32>} : memref<200x64xf32, #tpu.memory_space<vmem>>, vector<1x16xf32>,
        %get3A_811 = arith.constant 0 : i32
        %get3A_812 = arith.constant 0 : i32
        %get3A_813 = tpu.memref_slice %arg8[%scan3A_525, %get3A_811, %get3A_812] : memref<7x200x64xf32, #tpu.memory_space<vmem>> -> memref<1x200x64xf32, #tpu.memory_space<vmem>>
        %get3A_814 = tpu.memref_squeeze %get3A_813 : memref<1x200x64xf32, #tpu.memory_space<vmem>> -> memref<200x64xf32, #tpu.memory_space<vmem>>
        %get3A_815 = arith.index_cast %scan3A_744 : i32 to index
        %get3A_816 = arith.constant 48 : index
        %get3A_817 = tpu.vector_load %get3A_814[%get3A_815, %get3A_816] {strides = array<i32>} : memref<200x64xf32, #tpu.memory_space<vmem>>, vector<1x16xf32>,
        %get3A_818 = vector.shape_cast %get3A_817 : vector<1x16xf32> to vector<16xf32>
        %get3A_819 = arith.index_cast %scan3A_744 : i32 to index
        %get3A_820 = arith.constant 48 : index
        %get3A_821 = tpu.vector_load %arg7[%get3A_819, %get3A_820] {strides = array<i32>} : memref<200x64xf32, #tpu.memory_space<vmem>>, vector<1x16xf32>,
        %get3A_822 = vector.shape_cast %get3A_821 : vector<1x16xf32> to vector<16xf32>
        %add3A_823 = arith.addf %get3A_818, %get3A_822 : vector<16xf32>
        %swap3A_824 = arith.constant 0 : i32
        %swap3A_825 = arith.constant 0 : i32
        %swap3A_826 = tpu.memref_slice %arg8[%scan3A_525, %swap3A_824, %swap3A_825] : memref<7x200x64xf32, #tpu.memory_space<vmem>> -> memref<1x200x64xf32, #tpu.memory_space<vmem>>
        %swap3A_827 = tpu.memref_squeeze %swap3A_826 : memref<1x200x64xf32, #tpu.memory_space<vmem>> -> memref<200x64xf32, #tpu.memory_space<vmem>>
        %swap3A_828 = arith.index_cast %scan3A_744 : i32 to index
        %swap3A_829 = arith.constant 48 : index
        %swap3A_830 = tpu.vector_load %swap3A_827[%swap3A_828, %swap3A_829] {strides = array<i32>} : memref<200x64xf32, #tpu.memory_space<vmem>>, vector<1x16xf32>,
        %swap3A_831 = vector.shape_cast %swap3A_830 : vector<1x16xf32> to vector<16xf32>
        %swap3A_832 = vector.shape_cast %add3A_823 : vector<16xf32> to vector<1x16xf32>
        tpu.vector_store %swap3A_827[%swap3A_828, %swap3A_829], %swap3A_832 {strides = array<i32>} : memref<200x64xf32, #tpu.memory_space<vmem>>, vector<1x16xf32>,
        %scan3A_833 = arith.constant 2 : i32
        %scan3A_834 = arith.addi %scan3A_656, %scan3A_833 : i32
        %get3A_835 = arith.constant 0 : i32
        %get3A_836 = arith.constant 0 : i32
        %get3A_837 = tpu.memref_slice %arg8[%scan3A_525, %get3A_835, %get3A_836] : memref<7x200x64xf32, #tpu.memory_space<vmem>> -> memref<1x200x64xf32, #tpu.memory_space<vmem>>
        %get3A_838 = tpu.memref_squeeze %get3A_837 : memref<1x200x64xf32, #tpu.memory_space<vmem>> -> memref<200x64xf32, #tpu.memory_space<vmem>>
        %get3A_839 = arith.index_cast %scan3A_834 : i32 to index
        %get3A_840 = arith.constant 0 : index
        %get3A_841 = tpu.vector_load %get3A_838[%get3A_839, %get3A_840] {strides = array<i32>} : memref<200x64xf32, #tpu.memory_space<vmem>>, vector<1x16xf32>,
        %get3A_842 = vector.shape_cast %get3A_841 : vector<1x16xf32> to vector<16xf32>
        %get3A_843 = arith.index_cast %scan3A_834 : i32 to index
        %get3A_844 = arith.constant 0 : index
        %get3A_845 = tpu.vector_load %arg7[%get3A_843, %get3A_844] {strides = array<i32>} : memref<200x64xf32, #tpu.memory_space<vmem>>, vector<1x16xf32>,
        %get3A_846 = vector.shape_cast %get3A_845 : vector<1x16xf32> to vector<16xf32>
        %add3A_847 = arith.addf %get3A_842, %get3A_846 : vector<16xf32>
        %swap3A_848 = arith.constant 0 : i32
        %swap3A_849 = arith.constant 0 : i32
        %swap3A_850 = tpu.memref_slice %arg8[%scan3A_525, %swap3A_848, %swap3A_849] : memref<7x200x64xf32, #tpu.memory_space<vmem>> -> memref<1x200x64xf32, #tpu.memory_space<vmem>>
        %swap3A_851 = tpu.memref_squeeze %swap3A_850 : memref<1x200x64xf32, #tpu.memory_space<vmem>> -> memref<200x64xf32, #tpu.memory_space<vmem>>
        %swap3A_852 = arith.index_cast %scan3A_834 : i32 to index
        %swap3A_853 = arith.constant 0 : index
        %swap3A_854 = tpu.vector_load %swap3A_851[%swap3A_852, %swap3A_853] {strides = array<i32>} : memref<200x64xf32, #tpu.memory_space<vmem>>, vector<1x16xf32>,
        %swap3A_855 = vector.shape_cast %swap3A_854 : vector<1x16xf32> to vector<16xf32>
        %swap3A_856 = vector.shape_cast %add3A_847 : vector<16xf32> to vector<1x16xf32>
        tpu.vector_store %swap3A_851[%swap3A_852, %swap3A_853], %swap3A_856 {strides = array<i32>} : memref<200x64xf32, #tpu.memory_space<vmem>>, vector<1x16xf32>,
        %get3A_857 = arith.constant 0 : i32
        %get3A_858 = arith.constant 0 : i32
        %get3A_859 = tpu.memref_slice %arg8[%scan3A_525, %get3A_857, %get3A_858] : memref<7x200x64xf32, #tpu.memory_space<vmem>> -> memref<1x200x64xf32, #tpu.memory_space<vmem>>
        %get3A_860 = tpu.memref_squeeze %get3A_859 : memref<1x200x64xf32, #tpu.memory_space<vmem>> -> memref<200x64xf32, #tpu.memory_space<vmem>>
        %get3A_861 = arith.index_cast %scan3A_834 : i32 to index
        %get3A_862 = arith.constant 16 : index
        %get3A_863 = tpu.vector_load %get3A_860[%get3A_861, %get3A_862] {strides = array<i32>} : memref<200x64xf32, #tpu.memory_space<vmem>>, vector<1x16xf32>,
        %get3A_864 = vector.shape_cast %get3A_863 : vector<1x16xf32> to vector<16xf32>
        %get3A_865 = arith.index_cast %scan3A_834 : i32 to index
        %get3A_866 = arith.constant 16 : index
        %get3A_867 = tpu.vector_load %arg7[%get3A_865, %get3A_866] {strides = array<i32>} : memref<200x64xf32, #tpu.memory_space<vmem>>, vector<1x16xf32>,
        %get3A_868 = vector.shape_cast %get3A_867 : vector<1x16xf32> to vector<16xf32>
        %add3A_869 = arith.addf %get3A_864, %get3A_868 : vector<16xf32>
        %swap3A_870 = arith.constant 0 : i32
        %swap3A_871 = arith.constant 0 : i32
        %swap3A_872 = tpu.memref_slice %arg8[%scan3A_525, %swap3A_870, %swap3A_871] : memref<7x200x64xf32, #tpu.memory_space<vmem>> -> memref<1x200x64xf32, #tpu.memory_space<vmem>>
        %swap3A_873 = tpu.memref_squeeze %swap3A_872 : memref<1x200x64xf32, #tpu.memory_space<vmem>> -> memref<200x64xf32, #tpu.memory_space<vmem>>
        %swap3A_874 = arith.index_cast %scan3A_834 : i32 to index
        %swap3A_875 = arith.constant 16 : index
        %swap3A_876 = tpu.vector_load %swap3A_873[%swap3A_874, %swap3A_875] {strides = array<i32>} : memref<200x64xf32, #tpu.memory_space<vmem>>, vector<1x16xf32>,
        %swap3A_877 = vector.shape_cast %swap3A_876 : vector<1x16xf32> to vector<16xf32>
        %swap3A_878 = vector.shape_cast %add3A_869 : vector<16xf32> to vector<1x16xf32>
        tpu.vector_store %swap3A_873[%swap3A_874, %swap3A_875], %swap3A_878 {strides = array<i32>} : memref<200x64xf32, #tpu.memory_space<vmem>>, vector<1x16xf32>,
        %get3A_879 = arith.constant 0 : i32
        %get3A_880 = arith.constant 0 : i32
        %get3A_881 = tpu.memref_slice %arg8[%scan3A_525, %get3A_879, %get3A_880] : memref<7x200x64xf32, #tpu.memory_space<vmem>> -> memref<1x200x64xf32, #tpu.memory_space<vmem>>
        %get3A_882 = tpu.memref_squeeze %get3A_881 : memref<1x200x64xf32, #tpu.memory_space<vmem>> -> memref<200x64xf32, #tpu.memory_space<vmem>>
        %get3A_883 = arith.index_cast %scan3A_834 : i32 to index
        %get3A_884 = arith.constant 32 : index
        %get3A_885 = tpu.vector_load %get3A_882[%get3A_883, %get3A_884] {strides = array<i32>} : memref<200x64xf32, #tpu.memory_space<vmem>>, vector<1x16xf32>,
        %get3A_886 = vector.shape_cast %get3A_885 : vector<1x16xf32> to vector<16xf32>
        %get3A_887 = arith.index_cast %scan3A_834 : i32 to index
        %get3A_888 = arith.constant 32 : index
        %get3A_889 = tpu.vector_load %arg7[%get3A_887, %get3A_888] {strides = array<i32>} : memref<200x64xf32, #tpu.memory_space<vmem>>, vector<1x16xf32>,
        %get3A_890 = vector.shape_cast %get3A_889 : vector<1x16xf32> to vector<16xf32>
        %add3A_891 = arith.addf %get3A_886, %get3A_890 : vector<16xf32>
        %swap3A_892 = arith.constant 0 : i32
        %swap3A_893 = arith.constant 0 : i32
        %swap3A_894 = tpu.memref_slice %arg8[%scan3A_525, %swap3A_892, %swap3A_893] : memref<7x200x64xf32, #tpu.memory_space<vmem>> -> memref<1x200x64xf32, #tpu.memory_space<vmem>>
        %swap3A_895 = tpu.memref_squeeze %swap3A_894 : memref<1x200x64xf32, #tpu.memory_space<vmem>> -> memref<200x64xf32, #tpu.memory_space<vmem>>
        %swap3A_896 = arith.index_cast %scan3A_834 : i32 to index
        %swap3A_897 = arith.constant 32 : index
        %swap3A_898 = tpu.vector_load %swap3A_895[%swap3A_896, %swap3A_897] {strides = array<i32>} : memref<200x64xf32, #tpu.memory_space<vmem>>, vector<1x16xf32>,
        %swap3A_899 = vector.shape_cast %swap3A_898 : vector<1x16xf32> to vector<16xf32>
        %swap3A_900 = vector.shape_cast %add3A_891 : vector<16xf32> to vector<1x16xf32>
        tpu.vector_store %swap3A_895[%swap3A_896, %swap3A_897], %swap3A_900 {strides = array<i32>} : memref<200x64xf32, #tpu.memory_space<vmem>>, vector<1x16xf32>,
        %get3A_901 = arith.constant 0 : i32
        %get3A_902 = arith.constant 0 : i32
        %get3A_903 = tpu.memref_slice %arg8[%scan3A_525, %get3A_901, %get3A_902] : memref<7x200x64xf32, #tpu.memory_space<vmem>> -> memref<1x200x64xf32, #tpu.memory_space<vmem>>
        %get3A_904 = tpu.memref_squeeze %get3A_903 : memref<1x200x64xf32, #tpu.memory_space<vmem>> -> memref<200x64xf32, #tpu.memory_space<vmem>>
        %get3A_905 = arith.index_cast %scan3A_834 : i32 to index
        %get3A_906 = arith.constant 48 : index
        %get3A_907 = tpu.vector_load %get3A_904[%get3A_905, %get3A_906] {strides = array<i32>} : memref<200x64xf32, #tpu.memory_space<vmem>>, vector<1x16xf32>,
        %get3A_908 = vector.shape_cast %get3A_907 : vector<1x16xf32> to vector<16xf32>
        %get3A_909 = arith.index_cast %scan3A_834 : i32 to index
        %get3A_910 = arith.constant 48 : index
        %get3A_911 = tpu.vector_load %arg7[%get3A_909, %get3A_910] {strides = array<i32>} : memref<200x64xf32, #tpu.memory_space<vmem>>, vector<1x16xf32>,
        %get3A_912 = vector.shape_cast %get3A_911 : vector<1x16xf32> to vector<16xf32>
        %add3A_913 = arith.addf %get3A_908, %get3A_912 : vector<16xf32>
        %swap3A_914 = arith.constant 0 : i32
        %swap3A_915 = arith.constant 0 : i32
        %swap3A_916 = tpu.memref_slice %arg8[%scan3A_525, %swap3A_914, %swap3A_915] : memref<7x200x64xf32, #tpu.memory_space<vmem>> -> memref<1x200x64xf32, #tpu.memory_space<vmem>>
        %swap3A_917 = tpu.memref_squeeze %swap3A_916 : memref<1x200x64xf32, #tpu.memory_space<vmem>> -> memref<200x64xf32, #tpu.memory_space<vmem>>
        %swap3A_918 = arith.index_cast %scan3A_834 : i32 to index
        %swap3A_919 = arith.constant 48 : index
        %swap3A_920 = tpu.vector_load %swap3A_917[%swap3A_918, %swap3A_919] {strides = array<i32>} : memref<200x64xf32, #tpu.memory_space<vmem>>, vector<1x16xf32>,
        %swap3A_921 = vector.shape_cast %swap3A_920 : vector<1x16xf32> to vector<16xf32>
        %swap3A_922 = vector.shape_cast %add3A_913 : vector<16xf32> to vector<1x16xf32>
        tpu.vector_store %swap3A_917[%swap3A_918, %swap3A_919], %swap3A_922 {strides = array<i32>} : memref<200x64xf32, #tpu.memory_space<vmem>>, vector<1x16xf32>,
        %scan3A_923 = arith.constant 3 : i32
        %scan3A_924 = arith.addi %scan3A_656, %scan3A_923 : i32
        %get3A_925 = arith.constant 0 : i32
        %get3A_926 = arith.constant 0 : i32
        %get3A_927 = tpu.memref_slice %arg8[%scan3A_525, %get3A_925, %get3A_926] : memref<7x200x64xf32, #tpu.memory_space<vmem>> -> memref<1x200x64xf32, #tpu.memory_space<vmem>>
        %get3A_928 = tpu.memref_squeeze %get3A_927 : memref<1x200x64xf32, #tpu.memory_space<vmem>> -> memref<200x64xf32, #tpu.memory_space<vmem>>
        %get3A_929 = arith.index_cast %scan3A_924 : i32 to index
        %get3A_930 = arith.constant 0 : index
        %get3A_931 = tpu.vector_load %get3A_928[%get3A_929, %get3A_930] {strides = array<i32>} : memref<200x64xf32, #tpu.memory_space<vmem>>, vector<1x16xf32>,
        %get3A_932 = vector.shape_cast %get3A_931 : vector<1x16xf32> to vector<16xf32>
        %get3A_933 = arith.index_cast %scan3A_924 : i32 to index
        %get3A_934 = arith.constant 0 : index
        %get3A_935 = tpu.vector_load %arg7[%get3A_933, %get3A_934] {strides = array<i32>} : memref<200x64xf32, #tpu.memory_space<vmem>>, vector<1x16xf32>,
        %get3A_936 = vector.shape_cast %get3A_935 : vector<1x16xf32> to vector<16xf32>
        %add3A_937 = arith.addf %get3A_932, %get3A_936 : vector<16xf32>
        %swap3A_938 = arith.constant 0 : i32
        %swap3A_939 = arith.constant 0 : i32
        %swap3A_940 = tpu.memref_slice %arg8[%scan3A_525, %swap3A_938, %swap3A_939] : memref<7x200x64xf32, #tpu.memory_space<vmem>> -> memref<1x200x64xf32, #tpu.memory_space<vmem>>
        %swap3A_941 = tpu.memref_squeeze %swap3A_940 : memref<1x200x64xf32, #tpu.memory_space<vmem>> -> memref<200x64xf32, #tpu.memory_space<vmem>>
        %swap3A_942 = arith.index_cast %scan3A_924 : i32 to index
        %swap3A_943 = arith.constant 0 : index
        %swap3A_944 = tpu.vector_load %swap3A_941[%swap3A_942, %swap3A_943] {strides = array<i32>} : memref<200x64xf32, #tpu.memory_space<vmem>>, vector<1x16xf32>,
        %swap3A_945 = vector.shape_cast %swap3A_944 : vector<1x16xf32> to vector<16xf32>
        %swap3A_946 = vector.shape_cast %add3A_937 : vector<16xf32> to vector<1x16xf32>
        tpu.vector_store %swap3A_941[%swap3A_942, %swap3A_943], %swap3A_946 {strides = array<i32>} : memref<200x64xf32, #tpu.memory_space<vmem>>, vector<1x16xf32>,
        %get3A_947 = arith.constant 0 : i32
        %get3A_948 = arith.constant 0 : i32
        %get3A_949 = tpu.memref_slice %arg8[%scan3A_525, %get3A_947, %get3A_948] : memref<7x200x64xf32, #tpu.memory_space<vmem>> -> memref<1x200x64xf32, #tpu.memory_space<vmem>>
        %get3A_950 = tpu.memref_squeeze %get3A_949 : memref<1x200x64xf32, #tpu.memory_space<vmem>> -> memref<200x64xf32, #tpu.memory_space<vmem>>
        %get3A_951 = arith.index_cast %scan3A_924 : i32 to index
        %get3A_952 = arith.constant 16 : index
        %get3A_953 = tpu.vector_load %get3A_950[%get3A_951, %get3A_952] {strides = array<i32>} : memref<200x64xf32, #tpu.memory_space<vmem>>, vector<1x16xf32>,
        %get3A_954 = vector.shape_cast %get3A_953 : vector<1x16xf32> to vector<16xf32>
        %get3A_955 = arith.index_cast %scan3A_924 : i32 to index
        %get3A_956 = arith.constant 16 : index
        %get3A_957 = tpu.vector_load %arg7[%get3A_955, %get3A_956] {strides = array<i32>} : memref<200x64xf32, #tpu.memory_space<vmem>>, vector<1x16xf32>,
        %get3A_958 = vector.shape_cast %get3A_957 : vector<1x16xf32> to vector<16xf32>
        %add3A_959 = arith.addf %get3A_954, %get3A_958 : vector<16xf32>
        %swap3A_960 = arith.constant 0 : i32
        %swap3A_961 = arith.constant 0 : i32
        %swap3A_962 = tpu.memref_slice %arg8[%scan3A_525, %swap3A_960, %swap3A_961] : memref<7x200x64xf32, #tpu.memory_space<vmem>> -> memref<1x200x64xf32, #tpu.memory_space<vmem>>
        %swap3A_963 = tpu.memref_squeeze %swap3A_962 : memref<1x200x64xf32, #tpu.memory_space<vmem>> -> memref<200x64xf32, #tpu.memory_space<vmem>>
        %swap3A_964 = arith.index_cast %scan3A_924 : i32 to index
        %swap3A_965 = arith.constant 16 : index
        %swap3A_966 = tpu.vector_load %swap3A_963[%swap3A_964, %swap3A_965] {strides = array<i32>} : memref<200x64xf32, #tpu.memory_space<vmem>>, vector<1x16xf32>,
        %swap3A_967 = vector.shape_cast %swap3A_966 : vector<1x16xf32> to vector<16xf32>
        %swap3A_968 = vector.shape_cast %add3A_959 : vector<16xf32> to vector<1x16xf32>
        tpu.vector_store %swap3A_963[%swap3A_964, %swap3A_965], %swap3A_968 {strides = array<i32>} : memref<200x64xf32, #tpu.memory_space<vmem>>, vector<1x16xf32>,
        %get3A_969 = arith.constant 0 : i32
        %get3A_970 = arith.constant 0 : i32
        %get3A_971 = tpu.memref_slice %arg8[%scan3A_525, %get3A_969, %get3A_970] : memref<7x200x64xf32, #tpu.memory_space<vmem>> -> memref<1x200x64xf32, #tpu.memory_space<vmem>>
        %get3A_972 = tpu.memref_squeeze %get3A_971 : memref<1x200x64xf32, #tpu.memory_space<vmem>> -> memref<200x64xf32, #tpu.memory_space<vmem>>
        %get3A_973 = arith.index_cast %scan3A_924 : i32 to index
        %get3A_974 = arith.constant 32 : index
        %get3A_975 = tpu.vector_load %get3A_972[%get3A_973, %get3A_974] {strides = array<i32>} : memref<200x64xf32, #tpu.memory_space<vmem>>, vector<1x16xf32>,
        %get3A_976 = vector.shape_cast %get3A_975 : vector<1x16xf32> to vector<16xf32>
        %get3A_977 = arith.index_cast %scan3A_924 : i32 to index
        %get3A_978 = arith.constant 32 : index
        %get3A_979 = tpu.vector_load %arg7[%get3A_977, %get3A_978] {strides = array<i32>} : memref<200x64xf32, #tpu.memory_space<vmem>>, vector<1x16xf32>,
        %get3A_980 = vector.shape_cast %get3A_979 : vector<1x16xf32> to vector<16xf32>
        %add3A_981 = arith.addf %get3A_976, %get3A_980 : vector<16xf32>
        %swap3A_982 = arith.constant 0 : i32
        %swap3A_983 = arith.constant 0 : i32
        %swap3A_984 = tpu.memref_slice %arg8[%scan3A_525, %swap3A_982, %swap3A_983] : memref<7x200x64xf32, #tpu.memory_space<vmem>> -> memref<1x200x64xf32, #tpu.memory_space<vmem>>
        %swap3A_985 = tpu.memref_squeeze %swap3A_984 : memref<1x200x64xf32, #tpu.memory_space<vmem>> -> memref<200x64xf32, #tpu.memory_space<vmem>>
        %swap3A_986 = arith.index_cast %scan3A_924 : i32 to index
        %swap3A_987 = arith.constant 32 : index
        %swap3A_988 = tpu.vector_load %swap3A_985[%swap3A_986, %swap3A_987] {strides = array<i32>} : memref<200x64xf32, #tpu.memory_space<vmem>>, vector<1x16xf32>,
        %swap3A_989 = vector.shape_cast %swap3A_988 : vector<1x16xf32> to vector<16xf32>
        %swap3A_990 = vector.shape_cast %add3A_981 : vector<16xf32> to vector<1x16xf32>
        tpu.vector_store %swap3A_985[%swap3A_986, %swap3A_987], %swap3A_990 {strides = array<i32>} : memref<200x64xf32, #tpu.memory_space<vmem>>, vector<1x16xf32>,
        %get3A_991 = arith.constant 0 : i32
        %get3A_992 = arith.constant 0 : i32
        %get3A_993 = tpu.memref_slice %arg8[%scan3A_525, %get3A_991, %get3A_992] : memref<7x200x64xf32, #tpu.memory_space<vmem>> -> memref<1x200x64xf32, #tpu.memory_space<vmem>>
        %get3A_994 = tpu.memref_squeeze %get3A_993 : memref<1x200x64xf32, #tpu.memory_space<vmem>> -> memref<200x64xf32, #tpu.memory_space<vmem>>
        %get3A_995 = arith.index_cast %scan3A_924 : i32 to index
        %get3A_996 = arith.constant 48 : index
        %get3A_997 = tpu.vector_load %get3A_994[%get3A_995, %get3A_996] {strides = array<i32>} : memref<200x64xf32, #tpu.memory_space<vmem>>, vector<1x16xf32>,
        %get3A_998 = vector.shape_cast %get3A_997 : vector<1x16xf32> to vector<16xf32>
        %get3A_999 = arith.index_cast %scan3A_924 : i32 to index
        %get3A_1000 = arith.constant 48 : index
        %get3A_1001 = tpu.vector_load %arg7[%get3A_999, %get3A_1000] {strides = array<i32>} : memref<200x64xf32, #tpu.memory_space<vmem>>, vector<1x16xf32>,
        %get3A_1002 = vector.shape_cast %get3A_1001 : vector<1x16xf32> to vector<16xf32>
        %add3A_1003 = arith.addf %get3A_998, %get3A_1002 : vector<16xf32>
        %swap3A_1004 = arith.constant 0 : i32
        %swap3A_1005 = arith.constant 0 : i32
        %swap3A_1006 = tpu.memref_slice %arg8[%scan3A_525, %swap3A_1004, %swap3A_1005] : memref<7x200x64xf32, #tpu.memory_space<vmem>> -> memref<1x200x64xf32, #tpu.memory_space<vmem>>
        %swap3A_1007 = tpu.memref_squeeze %swap3A_1006 : memref<1x200x64xf32, #tpu.memory_space<vmem>> -> memref<200x64xf32, #tpu.memory_space<vmem>>
        %swap3A_1008 = arith.index_cast %scan3A_924 : i32 to index
        %swap3A_1009 = arith.constant 48 : index
        %swap3A_1010 = tpu.vector_load %swap3A_1007[%swap3A_1008, %swap3A_1009] {strides = array<i32>} : memref<200x64xf32, #tpu.memory_space<vmem>>, vector<1x16xf32>,
        %swap3A_1011 = vector.shape_cast %swap3A_1010 : vector<1x16xf32> to vector<16xf32>
        %swap3A_1012 = vector.shape_cast %add3A_1003 : vector<16xf32> to vector<1x16xf32>
        tpu.vector_store %swap3A_1007[%swap3A_1008, %swap3A_1009], %swap3A_1012 {strides = array<i32>} : memref<200x64xf32, #tpu.memory_space<vmem>>, vector<1x16xf32>,
      }
      %scan3A_530 = arith.constant 200 : i32
      %add3A_531 = arith.addi %mul3A_2, %add3A_503 : i32
      %dma_start3A_532 = arith.constant 4 : i32
      %dma_start3A_533 = arith.constant 4 : i32
      %dma_start3A_534 = arith.constant 0 : i32
      %dma_start3A_535 = arith.constant 0 : i32
      %dma_start3A_536 = tpu.memref_slice %arg8[%dma_start3A_532, %dma_start3A_534, %dma_start3A_535] : memref<7x200x64xf32, #tpu.memory_space<vmem>> -> memref<1x200x64xf32, #tpu.memory_space<vmem>>
      %dma_start3A_537 = tpu.memref_squeeze %dma_start3A_536 : memref<1x200x64xf32, #tpu.memory_space<vmem>> -> memref<200x64xf32, #tpu.memory_space<vmem>>
      %dma_start3A_538 = arith.constant 0 : i32
      %dma_start3A_539 = arith.constant 0 : i32
      %dma_start3A_540 = tpu.memref_slice %arg5[%add3A_531, %dma_start3A_538, %dma_start3A_539] : memref<4096x200x64xf32, #tpu.memory_space<hbm>> -> memref<1x200x64xf32, #tpu.memory_space<hbm>>
      %dma_start3A_541 = tpu.memref_squeeze %dma_start3A_540 : memref<1x200x64xf32, #tpu.memory_space<hbm>> -> memref<200x64xf32, #tpu.memory_space<hbm>>
      %dma_start3A_542 = tpu.memref_slice %arg10[%dma_start3A_533] : memref<7x!tpu.dma_semaphore, #tpu.memory_space<semaphore_mem>> -> memref<1x!tpu.dma_semaphore, #tpu.memory_space<semaphore_mem>>
      %dma_start3A_543 = tpu.memref_squeeze %dma_start3A_542 : memref<1x!tpu.dma_semaphore, #tpu.memory_space<semaphore_mem>> -> memref<!tpu.dma_semaphore, #tpu.memory_space<semaphore_mem>>
      %dma_start3A_544 = arith.constant 0 : i32
      %dma_start3A_545 = arith.constant 0 : i32
      %dma_start3A_546 = tpu.memref_slice %arg5[%add3A_531, %dma_start3A_544, %dma_start3A_545] : memref<4096x200x64xf32, #tpu.memory_space<hbm>> -> memref<1x200x64xf32, #tpu.memory_space<hbm>>
      %dma_start3A_547 = tpu.memref_squeeze %dma_start3A_546 : memref<1x200x64xf32, #tpu.memory_space<hbm>> -> memref<200x64xf32, #tpu.memory_space<hbm>>
      %dma_start3A_548 = arith.constant 0 : i32
      %dma_start3A_549 = arith.constant 0 : i32
      %dma_start3A_550 = tpu.memref_slice %arg8[%dma_start3A_532, %dma_start3A_548, %dma_start3A_549] : memref<7x200x64xf32, #tpu.memory_space<vmem>> -> memref<1x200x64xf32, #tpu.memory_space<vmem>>
      %dma_start3A_551 = tpu.memref_squeeze %dma_start3A_550 : memref<1x200x64xf32, #tpu.memory_space<vmem>> -> memref<200x64xf32, #tpu.memory_space<vmem>>
      tpu.enqueue_dma source(%dma_start3A_551 : memref<200x64xf32, #tpu.memory_space<vmem>>) target(%dma_start3A_547 : memref<200x64xf32, #tpu.memory_space<hbm>>) target_semaphore(%dma_start3A_543 : memref<!tpu.dma_semaphore, #tpu.memory_space<semaphore_mem>>)
      %mul3A_552 = arith.constant 7 : i32
      %mul3A_553 = arith.muli %scan3A_294, %mul3A_552 : i32
      %add3A_554 = arith.constant 5 : i32
      %add3A_555 = arith.addi %mul3A_553, %add3A_554 : i32
      %lt3A_556 = arith.constant 124 : i32
      %lt3A_557 = arith.cmpi slt, %add3A_555, %lt3A_556 : i32
      %convert_element_type3A_558 = arith.extui %lt3A_557 : i1 to i32
      %cond3A_559 = arith.constant 0 : i32
      %cond3A_560 = arith.cmpi ne, %convert_element_type3A_558, %cond3A_559 : i32
      scf.if %cond3A_560 {
        %ge3A = arith.constant 3 : i32
        %ge3A_656 = arith.cmpi sge, %add3A_555, %ge3A : i32
        %convert_element_type3A_657 = arith.extui %ge3A_656 : i1 to i32
        %cond3A_658 = arith.constant 0 : i32
        %cond3A_659 = arith.cmpi ne, %convert_element_type3A_657, %cond3A_658 : i32
        scf.if %cond3A_659 {
          %dma_wait3A_676 = arith.constant 2 : i32
          %dma_wait3A_677 = arith.constant 2 : i32
          %dma_wait3A_678 = arith.constant 0 : i32
          %dma_wait3A_679 = arith.constant 0 : i32
          %dma_wait3A_680 = tpu.memref_slice %arg8[%dma_wait3A_676, %dma_wait3A_678, %dma_wait3A_679] : memref<7x200x64xf32, #tpu.memory_space<vmem>> -> memref<1x200x64xf32, #tpu.memory_space<vmem>>
          %dma_wait3A_681 = tpu.memref_squeeze %dma_wait3A_680 : memref<1x200x64xf32, #tpu.memory_space<vmem>> -> memref<200x64xf32, #tpu.memory_space<vmem>>
          %dma_wait3A_682 = arith.constant 0 : i32
          %dma_wait3A_683 = arith.constant 0 : i32
          %dma_wait3A_684 = tpu.memref_slice %arg5[%mul3A_2, %dma_wait3A_682, %dma_wait3A_683] : memref<4096x200x64xf32, #tpu.memory_space<hbm>> -> memref<1x200x64xf32, #tpu.memory_space<hbm>>
          %dma_wait3A_685 = tpu.memref_squeeze %dma_wait3A_684 : memref<1x200x64xf32, #tpu.memory_space<hbm>> -> memref<200x64xf32, #tpu.memory_space<hbm>>
          %dma_wait3A_686 = tpu.memref_slice %arg10[%dma_wait3A_677] : memref<7x!tpu.dma_semaphore, #tpu.memory_space<semaphore_mem>> -> memref<1x!tpu.dma_semaphore, #tpu.memory_space<semaphore_mem>>
          %dma_wait3A_687 = tpu.memref_squeeze %dma_wait3A_686 : memref<1x!tpu.dma_semaphore, #tpu.memory_space<semaphore_mem>> -> memref<!tpu.dma_semaphore, #tpu.memory_space<semaphore_mem>>
          %dma_wait3A_688 = arith.constant 0 : i32
          %dma_wait3A_689 = arith.constant 0 : i32
          %dma_wait3A_690 = tpu.memref_slice %arg5[%mul3A_2, %dma_wait3A_688, %dma_wait3A_689] : memref<4096x200x64xf32, #tpu.memory_space<hbm>> -> memref<1x200x64xf32, #tpu.memory_space<hbm>>
          %dma_wait3A_691 = tpu.memref_squeeze %dma_wait3A_690 : memref<1x200x64xf32, #tpu.memory_space<hbm>> -> memref<200x64xf32, #tpu.memory_space<hbm>>
          %dma_wait3A_692 = arith.constant 0 : i32
          %dma_wait3A_693 = arith.constant 0 : i32
          %dma_wait3A_694 = tpu.memref_slice %arg8[%dma_wait3A_676, %dma_wait3A_692, %dma_wait3A_693] : memref<7x200x64xf32, #tpu.memory_space<vmem>> -> memref<1x200x64xf32, #tpu.memory_space<vmem>>
          %dma_wait3A_695 = tpu.memref_squeeze %dma_wait3A_694 : memref<1x200x64xf32, #tpu.memory_space<vmem>> -> memref<200x64xf32, #tpu.memory_space<vmem>>
          tpu.wait_dma2 semaphore(%dma_wait3A_687 : memref<!tpu.dma_semaphore, #tpu.memory_space<semaphore_mem>>) src(%dma_wait3A_695 : memref<200x64xf32, #tpu.memory_space<vmem>>) dst(%dma_wait3A_691 : memref<200x64xf32, #tpu.memory_space<hbm>>)
        } else {
        }
        %add3A_660 = arith.constant 4 : i32
        %add3A_661 = arith.addi %add3A_555, %add3A_660 : i32
        %dma_start3A_662 = arith.constant 2 : i32
        %dma_start3A_663 = arith.constant 2 : i32
        %dma_start3A_664 = arith.constant 0 : i32
        %dma_start3A_665 = arith.constant 0 : i32
        %dma_start3A_666 = tpu.memref_slice %arg8[%dma_start3A_662, %dma_start3A_664, %dma_start3A_665] : memref<7x200x64xf32, #tpu.memory_space<vmem>> -> memref<1x200x64xf32, #tpu.memory_space<vmem>>
        %dma_start3A_667 = tpu.memref_squeeze %dma_start3A_666 : memref<1x200x64xf32, #tpu.memory_space<vmem>> -> memref<200x64xf32, #tpu.memory_space<vmem>>
        %dma_start3A_668 = arith.constant 0 : i32
        %dma_start3A_669 = tpu.memref_slice %arg6[%add3A_661, %dma_start3A_668] : memref<128x200xi32, #tpu.memory_space<vmem>> -> memref<1x200xi32, #tpu.memory_space<vmem>>
        %dma_start3A_670 = tpu.memref_squeeze %dma_start3A_669 : memref<1x200xi32, #tpu.memory_space<vmem>> -> memref<200xi32, #tpu.memory_space<vmem>>
        %dma_start3A_671 = arith.constant 0 : i32
        %dma_start3A_672 = arith.constant 0 : i32
        %dma_start3A_673 = tpu.memref_slice %arg3[%dma_start3A_671, %dma_start3A_672] : memref<1000000x64xf32, #tpu.memory_space<hbm>> -> memref<1000000x64xf32, #tpu.memory_space<hbm>>
        %dma_start3A_674 = tpu.memref_slice %arg9[%dma_start3A_663] : memref<7x!tpu.dma_semaphore, #tpu.memory_space<semaphore_mem>> -> memref<1x!tpu.dma_semaphore, #tpu.memory_space<semaphore_mem>>
        %dma_start3A_675 = tpu.memref_squeeze %dma_start3A_674 : memref<1x!tpu.dma_semaphore, #tpu.memory_space<semaphore_mem>> -> memref<!tpu.dma_semaphore, #tpu.memory_space<semaphore_mem>>
        tpu.enqueue_indirect_dma source(%dma_start3A_673 : memref<1000000x64xf32, #tpu.memory_space<hbm>>) target(%dma_start3A_667 : memref<200x64xf32, #tpu.memory_space<vmem>>) offsets(%dma_start3A_670 : memref<200xi32, #tpu.memory_space<vmem>>) semaphore(%dma_start3A_675 : memref<!tpu.dma_semaphore, #tpu.memory_space<semaphore_mem>>)
      } else {
      }
      %dma_wait3A_561 = arith.constant 0 : i32
      %dma_wait3A_562 = arith.constant 5 : i32
      %dma_wait3A_563 = arith.constant 5 : i32
      %dma_wait3A_564 = arith.constant 0 : i32
      %dma_wait3A_565 = arith.constant 0 : i32
      %dma_wait3A_566 = tpu.memref_slice %arg8[%dma_wait3A_562, %dma_wait3A_564, %dma_wait3A_565] : memref<7x200x64xf32, #tpu.memory_space<vmem>> -> memref<1x200x64xf32, #tpu.memory_space<vmem>>
      %dma_wait3A_567 = tpu.memref_squeeze %dma_wait3A_566 : memref<1x200x64xf32, #tpu.memory_space<vmem>> -> memref<200x64xf32, #tpu.memory_space<vmem>>
      %dma_wait3A_568 = arith.constant 0 : i32
      %dma_wait3A_569 = tpu.memref_slice %arg6[%dma_wait3A_561, %dma_wait3A_568] : memref<128x200xi32, #tpu.memory_space<vmem>> -> memref<1x200xi32, #tpu.memory_space<vmem>>
      %dma_wait3A_570 = tpu.memref_squeeze %dma_wait3A_569 : memref<1x200xi32, #tpu.memory_space<vmem>> -> memref<200xi32, #tpu.memory_space<vmem>>
      %dma_wait3A_571 = arith.constant 0 : i32
      %dma_wait3A_572 = arith.constant 0 : i32
      %dma_wait3A_573 = tpu.memref_slice %arg3[%dma_wait3A_571, %dma_wait3A_572] : memref<1000000x64xf32, #tpu.memory_space<hbm>> -> memref<1000000x64xf32, #tpu.memory_space<hbm>>
      %dma_wait3A_574 = tpu.memref_slice %arg9[%dma_wait3A_563] : memref<7x!tpu.dma_semaphore, #tpu.memory_space<semaphore_mem>> -> memref<1x!tpu.dma_semaphore, #tpu.memory_space<semaphore_mem>>
      %dma_wait3A_575 = tpu.memref_squeeze %dma_wait3A_574 : memref<1x!tpu.dma_semaphore, #tpu.memory_space<semaphore_mem>> -> memref<!tpu.dma_semaphore, #tpu.memory_space<semaphore_mem>>
      tpu.wait_indirect_dma semaphore(%dma_wait3A_575 : memref<!tpu.dma_semaphore, #tpu.memory_space<semaphore_mem>>) src(%dma_wait3A_573 : memref<1000000x64xf32, #tpu.memory_space<hbm>>) dst(%dma_wait3A_567 : memref<200x64xf32, #tpu.memory_space<vmem>>)
      %scan3A_576 = arith.constant 0 : i32
      %scan3A_577 = arith.constant 5 : i32
      %scan3A_578 = arith.constant 0 : i32
      %scan3A_579 = arith.constant 200 : i32
      %scan3A_580 = arith.addi %scan3A_578, %scan3A_579 : i32
      %scan3A_581 = arith.constant 4 : i32
      scf.for %scan3A_656 = %scan3A_578 to %scan3A_580 step %scan3A_581  : i32 {
        %get3A = arith.constant 0 : i32
        %get3A_657 = arith.constant 0 : i32
        %get3A_658 = tpu.memref_slice %arg8[%scan3A_577, %get3A, %get3A_657] : memref<7x200x64xf32, #tpu.memory_space<vmem>> -> memref<1x200x64xf32, #tpu.memory_space<vmem>>
        %get3A_659 = tpu.memref_squeeze %get3A_658 : memref<1x200x64xf32, #tpu.memory_space<vmem>> -> memref<200x64xf32, #tpu.memory_space<vmem>>
        %get3A_660 = arith.index_cast %scan3A_656 : i32 to index
        %get3A_661 = arith.constant 0 : index
        %get3A_662 = tpu.vector_load %get3A_659[%get3A_660, %get3A_661] {strides = array<i32>} : memref<200x64xf32, #tpu.memory_space<vmem>>, vector<1x16xf32>,
        %get3A_663 = vector.shape_cast %get3A_662 : vector<1x16xf32> to vector<16xf32>
        %get3A_664 = arith.index_cast %scan3A_656 : i32 to index
        %get3A_665 = arith.constant 0 : index
        %get3A_666 = tpu.vector_load %arg7[%get3A_664, %get3A_665] {strides = array<i32>} : memref<200x64xf32, #tpu.memory_space<vmem>>, vector<1x16xf32>,
        %get3A_667 = vector.shape_cast %get3A_666 : vector<1x16xf32> to vector<16xf32>
        %add3A_668 = arith.addf %get3A_663, %get3A_667 : vector<16xf32>
        %swap3A = arith.constant 0 : i32
        %swap3A_669 = arith.constant 0 : i32
        %swap3A_670 = tpu.memref_slice %arg8[%scan3A_577, %swap3A, %swap3A_669] : memref<7x200x64xf32, #tpu.memory_space<vmem>> -> memref<1x200x64xf32, #tpu.memory_space<vmem>>
        %swap3A_671 = tpu.memref_squeeze %swap3A_670 : memref<1x200x64xf32, #tpu.memory_space<vmem>> -> memref<200x64xf32, #tpu.memory_space<vmem>>
        %swap3A_672 = arith.index_cast %scan3A_656 : i32 to index
        %swap3A_673 = arith.constant 0 : index
        %swap3A_674 = tpu.vector_load %swap3A_671[%swap3A_672, %swap3A_673] {strides = array<i32>} : memref<200x64xf32, #tpu.memory_space<vmem>>, vector<1x16xf32>,
        %swap3A_675 = vector.shape_cast %swap3A_674 : vector<1x16xf32> to vector<16xf32>
        %swap3A_676 = vector.shape_cast %add3A_668 : vector<16xf32> to vector<1x16xf32>
        tpu.vector_store %swap3A_671[%swap3A_672, %swap3A_673], %swap3A_676 {strides = array<i32>} : memref<200x64xf32, #tpu.memory_space<vmem>>, vector<1x16xf32>,
        %get3A_677 = arith.constant 0 : i32
        %get3A_678 = arith.constant 0 : i32
        %get3A_679 = tpu.memref_slice %arg8[%scan3A_577, %get3A_677, %get3A_678] : memref<7x200x64xf32, #tpu.memory_space<vmem>> -> memref<1x200x64xf32, #tpu.memory_space<vmem>>
        %get3A_680 = tpu.memref_squeeze %get3A_679 : memref<1x200x64xf32, #tpu.memory_space<vmem>> -> memref<200x64xf32, #tpu.memory_space<vmem>>
        %get3A_681 = arith.index_cast %scan3A_656 : i32 to index
        %get3A_682 = arith.constant 16 : index
        %get3A_683 = tpu.vector_load %get3A_680[%get3A_681, %get3A_682] {strides = array<i32>} : memref<200x64xf32, #tpu.memory_space<vmem>>, vector<1x16xf32>,
        %get3A_684 = vector.shape_cast %get3A_683 : vector<1x16xf32> to vector<16xf32>
        %get3A_685 = arith.index_cast %scan3A_656 : i32 to index
        %get3A_686 = arith.constant 16 : index
        %get3A_687 = tpu.vector_load %arg7[%get3A_685, %get3A_686] {strides = array<i32>} : memref<200x64xf32, #tpu.memory_space<vmem>>, vector<1x16xf32>,
        %get3A_688 = vector.shape_cast %get3A_687 : vector<1x16xf32> to vector<16xf32>
        %add3A_689 = arith.addf %get3A_684, %get3A_688 : vector<16xf32>
        %swap3A_690 = arith.constant 0 : i32
        %swap3A_691 = arith.constant 0 : i32
        %swap3A_692 = tpu.memref_slice %arg8[%scan3A_577, %swap3A_690, %swap3A_691] : memref<7x200x64xf32, #tpu.memory_space<vmem>> -> memref<1x200x64xf32, #tpu.memory_space<vmem>>
        %swap3A_693 = tpu.memref_squeeze %swap3A_692 : memref<1x200x64xf32, #tpu.memory_space<vmem>> -> memref<200x64xf32, #tpu.memory_space<vmem>>
        %swap3A_694 = arith.index_cast %scan3A_656 : i32 to index
        %swap3A_695 = arith.constant 16 : index
        %swap3A_696 = tpu.vector_load %swap3A_693[%swap3A_694, %swap3A_695] {strides = array<i32>} : memref<200x64xf32, #tpu.memory_space<vmem>>, vector<1x16xf32>,
        %swap3A_697 = vector.shape_cast %swap3A_696 : vector<1x16xf32> to vector<16xf32>
        %swap3A_698 = vector.shape_cast %add3A_689 : vector<16xf32> to vector<1x16xf32>
        tpu.vector_store %swap3A_693[%swap3A_694, %swap3A_695], %swap3A_698 {strides = array<i32>} : memref<200x64xf32, #tpu.memory_space<vmem>>, vector<1x16xf32>,
        %get3A_699 = arith.constant 0 : i32
        %get3A_700 = arith.constant 0 : i32
        %get3A_701 = tpu.memref_slice %arg8[%scan3A_577, %get3A_699, %get3A_700] : memref<7x200x64xf32, #tpu.memory_space<vmem>> -> memref<1x200x64xf32, #tpu.memory_space<vmem>>
        %get3A_702 = tpu.memref_squeeze %get3A_701 : memref<1x200x64xf32, #tpu.memory_space<vmem>> -> memref<200x64xf32, #tpu.memory_space<vmem>>
        %get3A_703 = arith.index_cast %scan3A_656 : i32 to index
        %get3A_704 = arith.constant 32 : index
        %get3A_705 = tpu.vector_load %get3A_702[%get3A_703, %get3A_704] {strides = array<i32>} : memref<200x64xf32, #tpu.memory_space<vmem>>, vector<1x16xf32>,
        %get3A_706 = vector.shape_cast %get3A_705 : vector<1x16xf32> to vector<16xf32>
        %get3A_707 = arith.index_cast %scan3A_656 : i32 to index
        %get3A_708 = arith.constant 32 : index
        %get3A_709 = tpu.vector_load %arg7[%get3A_707, %get3A_708] {strides = array<i32>} : memref<200x64xf32, #tpu.memory_space<vmem>>, vector<1x16xf32>,
        %get3A_710 = vector.shape_cast %get3A_709 : vector<1x16xf32> to vector<16xf32>
        %add3A_711 = arith.addf %get3A_706, %get3A_710 : vector<16xf32>
        %swap3A_712 = arith.constant 0 : i32
        %swap3A_713 = arith.constant 0 : i32
        %swap3A_714 = tpu.memref_slice %arg8[%scan3A_577, %swap3A_712, %swap3A_713] : memref<7x200x64xf32, #tpu.memory_space<vmem>> -> memref<1x200x64xf32, #tpu.memory_space<vmem>>
        %swap3A_715 = tpu.memref_squeeze %swap3A_714 : memref<1x200x64xf32, #tpu.memory_space<vmem>> -> memref<200x64xf32, #tpu.memory_space<vmem>>
        %swap3A_716 = arith.index_cast %scan3A_656 : i32 to index
        %swap3A_717 = arith.constant 32 : index
        %swap3A_718 = tpu.vector_load %swap3A_715[%swap3A_716, %swap3A_717] {strides = array<i32>} : memref<200x64xf32, #tpu.memory_space<vmem>>, vector<1x16xf32>,
        %swap3A_719 = vector.shape_cast %swap3A_718 : vector<1x16xf32> to vector<16xf32>
        %swap3A_720 = vector.shape_cast %add3A_711 : vector<16xf32> to vector<1x16xf32>
        tpu.vector_store %swap3A_715[%swap3A_716, %swap3A_717], %swap3A_720 {strides = array<i32>} : memref<200x64xf32, #tpu.memory_space<vmem>>, vector<1x16xf32>,
        %get3A_721 = arith.constant 0 : i32
        %get3A_722 = arith.constant 0 : i32
        %get3A_723 = tpu.memref_slice %arg8[%scan3A_577, %get3A_721, %get3A_722] : memref<7x200x64xf32, #tpu.memory_space<vmem>> -> memref<1x200x64xf32, #tpu.memory_space<vmem>>
        %get3A_724 = tpu.memref_squeeze %get3A_723 : memref<1x200x64xf32, #tpu.memory_space<vmem>> -> memref<200x64xf32, #tpu.memory_space<vmem>>
        %get3A_725 = arith.index_cast %scan3A_656 : i32 to index
        %get3A_726 = arith.constant 48 : index
        %get3A_727 = tpu.vector_load %get3A_724[%get3A_725, %get3A_726] {strides = array<i32>} : memref<200x64xf32, #tpu.memory_space<vmem>>, vector<1x16xf32>,
        %get3A_728 = vector.shape_cast %get3A_727 : vector<1x16xf32> to vector<16xf32>
        %get3A_729 = arith.index_cast %scan3A_656 : i32 to index
        %get3A_730 = arith.constant 48 : index
        %get3A_731 = tpu.vector_load %arg7[%get3A_729, %get3A_730] {strides = array<i32>} : memref<200x64xf32, #tpu.memory_space<vmem>>, vector<1x16xf32>,
        %get3A_732 = vector.shape_cast %get3A_731 : vector<1x16xf32> to vector<16xf32>
        %add3A_733 = arith.addf %get3A_728, %get3A_732 : vector<16xf32>
        %swap3A_734 = arith.constant 0 : i32
        %swap3A_735 = arith.constant 0 : i32
        %swap3A_736 = tpu.memref_slice %arg8[%scan3A_577, %swap3A_734, %swap3A_735] : memref<7x200x64xf32, #tpu.memory_space<vmem>> -> memref<1x200x64xf32, #tpu.memory_space<vmem>>
        %swap3A_737 = tpu.memref_squeeze %swap3A_736 : memref<1x200x64xf32, #tpu.memory_space<vmem>> -> memref<200x64xf32, #tpu.memory_space<vmem>>
        %swap3A_738 = arith.index_cast %scan3A_656 : i32 to index
        %swap3A_739 = arith.constant 48 : index
        %swap3A_740 = tpu.vector_load %swap3A_737[%swap3A_738, %swap3A_739] {strides = array<i32>} : memref<200x64xf32, #tpu.memory_space<vmem>>, vector<1x16xf32>,
        %swap3A_741 = vector.shape_cast %swap3A_740 : vector<1x16xf32> to vector<16xf32>
        %swap3A_742 = vector.shape_cast %add3A_733 : vector<16xf32> to vector<1x16xf32>
        tpu.vector_store %swap3A_737[%swap3A_738, %swap3A_739], %swap3A_742 {strides = array<i32>} : memref<200x64xf32, #tpu.memory_space<vmem>>, vector<1x16xf32>,
        %scan3A_743 = arith.constant 1 : i32
        %scan3A_744 = arith.addi %scan3A_656, %scan3A_743 : i32
        %get3A_745 = arith.constant 0 : i32
        %get3A_746 = arith.constant 0 : i32
        %get3A_747 = tpu.memref_slice %arg8[%scan3A_577, %get3A_745, %get3A_746] : memref<7x200x64xf32, #tpu.memory_space<vmem>> -> memref<1x200x64xf32, #tpu.memory_space<vmem>>
        %get3A_748 = tpu.memref_squeeze %get3A_747 : memref<1x200x64xf32, #tpu.memory_space<vmem>> -> memref<200x64xf32, #tpu.memory_space<vmem>>
        %get3A_749 = arith.index_cast %scan3A_744 : i32 to index
        %get3A_750 = arith.constant 0 : index
        %get3A_751 = tpu.vector_load %get3A_748[%get3A_749, %get3A_750] {strides = array<i32>} : memref<200x64xf32, #tpu.memory_space<vmem>>, vector<1x16xf32>,
        %get3A_752 = vector.shape_cast %get3A_751 : vector<1x16xf32> to vector<16xf32>
        %get3A_753 = arith.index_cast %scan3A_744 : i32 to index
        %get3A_754 = arith.constant 0 : index
        %get3A_755 = tpu.vector_load %arg7[%get3A_753, %get3A_754] {strides = array<i32>} : memref<200x64xf32, #tpu.memory_space<vmem>>, vector<1x16xf32>,
        %get3A_756 = vector.shape_cast %get3A_755 : vector<1x16xf32> to vector<16xf32>
        %add3A_757 = arith.addf %get3A_752, %get3A_756 : vector<16xf32>
        %swap3A_758 = arith.constant 0 : i32
        %swap3A_759 = arith.constant 0 : i32
        %swap3A_760 = tpu.memref_slice %arg8[%scan3A_577, %swap3A_758, %swap3A_759] : memref<7x200x64xf32, #tpu.memory_space<vmem>> -> memref<1x200x64xf32, #tpu.memory_space<vmem>>
        %swap3A_761 = tpu.memref_squeeze %swap3A_760 : memref<1x200x64xf32, #tpu.memory_space<vmem>> -> memref<200x64xf32, #tpu.memory_space<vmem>>
        %swap3A_762 = arith.index_cast %scan3A_744 : i32 to index
        %swap3A_763 = arith.constant 0 : index
        %swap3A_764 = tpu.vector_load %swap3A_761[%swap3A_762, %swap3A_763] {strides = array<i32>} : memref<200x64xf32, #tpu.memory_space<vmem>>, vector<1x16xf32>,
        %swap3A_765 = vector.shape_cast %swap3A_764 : vector<1x16xf32> to vector<16xf32>
        %swap3A_766 = vector.shape_cast %add3A_757 : vector<16xf32> to vector<1x16xf32>
        tpu.vector_store %swap3A_761[%swap3A_762, %swap3A_763], %swap3A_766 {strides = array<i32>} : memref<200x64xf32, #tpu.memory_space<vmem>>, vector<1x16xf32>,
        %get3A_767 = arith.constant 0 : i32
        %get3A_768 = arith.constant 0 : i32
        %get3A_769 = tpu.memref_slice %arg8[%scan3A_577, %get3A_767, %get3A_768] : memref<7x200x64xf32, #tpu.memory_space<vmem>> -> memref<1x200x64xf32, #tpu.memory_space<vmem>>
        %get3A_770 = tpu.memref_squeeze %get3A_769 : memref<1x200x64xf32, #tpu.memory_space<vmem>> -> memref<200x64xf32, #tpu.memory_space<vmem>>
        %get3A_771 = arith.index_cast %scan3A_744 : i32 to index
        %get3A_772 = arith.constant 16 : index
        %get3A_773 = tpu.vector_load %get3A_770[%get3A_771, %get3A_772] {strides = array<i32>} : memref<200x64xf32, #tpu.memory_space<vmem>>, vector<1x16xf32>,
        %get3A_774 = vector.shape_cast %get3A_773 : vector<1x16xf32> to vector<16xf32>
        %get3A_775 = arith.index_cast %scan3A_744 : i32 to index
        %get3A_776 = arith.constant 16 : index
        %get3A_777 = tpu.vector_load %arg7[%get3A_775, %get3A_776] {strides = array<i32>} : memref<200x64xf32, #tpu.memory_space<vmem>>, vector<1x16xf32>,
        %get3A_778 = vector.shape_cast %get3A_777 : vector<1x16xf32> to vector<16xf32>
        %add3A_779 = arith.addf %get3A_774, %get3A_778 : vector<16xf32>
        %swap3A_780 = arith.constant 0 : i32
        %swap3A_781 = arith.constant 0 : i32
        %swap3A_782 = tpu.memref_slice %arg8[%scan3A_577, %swap3A_780, %swap3A_781] : memref<7x200x64xf32, #tpu.memory_space<vmem>> -> memref<1x200x64xf32, #tpu.memory_space<vmem>>
        %swap3A_783 = tpu.memref_squeeze %swap3A_782 : memref<1x200x64xf32, #tpu.memory_space<vmem>> -> memref<200x64xf32, #tpu.memory_space<vmem>>
        %swap3A_784 = arith.index_cast %scan3A_744 : i32 to index
        %swap3A_785 = arith.constant 16 : index
        %swap3A_786 = tpu.vector_load %swap3A_783[%swap3A_784, %swap3A_785] {strides = array<i32>} : memref<200x64xf32, #tpu.memory_space<vmem>>, vector<1x16xf32>,
        %swap3A_787 = vector.shape_cast %swap3A_786 : vector<1x16xf32> to vector<16xf32>
        %swap3A_788 = vector.shape_cast %add3A_779 : vector<16xf32> to vector<1x16xf32>
        tpu.vector_store %swap3A_783[%swap3A_784, %swap3A_785], %swap3A_788 {strides = array<i32>} : memref<200x64xf32, #tpu.memory_space<vmem>>, vector<1x16xf32>,
        %get3A_789 = arith.constant 0 : i32
        %get3A_790 = arith.constant 0 : i32
        %get3A_791 = tpu.memref_slice %arg8[%scan3A_577, %get3A_789, %get3A_790] : memref<7x200x64xf32, #tpu.memory_space<vmem>> -> memref<1x200x64xf32, #tpu.memory_space<vmem>>
        %get3A_792 = tpu.memref_squeeze %get3A_791 : memref<1x200x64xf32, #tpu.memory_space<vmem>> -> memref<200x64xf32, #tpu.memory_space<vmem>>
        %get3A_793 = arith.index_cast %scan3A_744 : i32 to index
        %get3A_794 = arith.constant 32 : index
        %get3A_795 = tpu.vector_load %get3A_792[%get3A_793, %get3A_794] {strides = array<i32>} : memref<200x64xf32, #tpu.memory_space<vmem>>, vector<1x16xf32>,
        %get3A_796 = vector.shape_cast %get3A_795 : vector<1x16xf32> to vector<16xf32>
        %get3A_797 = arith.index_cast %scan3A_744 : i32 to index
        %get3A_798 = arith.constant 32 : index
        %get3A_799 = tpu.vector_load %arg7[%get3A_797, %get3A_798] {strides = array<i32>} : memref<200x64xf32, #tpu.memory_space<vmem>>, vector<1x16xf32>,
        %get3A_800 = vector.shape_cast %get3A_799 : vector<1x16xf32> to vector<16xf32>
        %add3A_801 = arith.addf %get3A_796, %get3A_800 : vector<16xf32>
        %swap3A_802 = arith.constant 0 : i32
        %swap3A_803 = arith.constant 0 : i32
        %swap3A_804 = tpu.memref_slice %arg8[%scan3A_577, %swap3A_802, %swap3A_803] : memref<7x200x64xf32, #tpu.memory_space<vmem>> -> memref<1x200x64xf32, #tpu.memory_space<vmem>>
        %swap3A_805 = tpu.memref_squeeze %swap3A_804 : memref<1x200x64xf32, #tpu.memory_space<vmem>> -> memref<200x64xf32, #tpu.memory_space<vmem>>
        %swap3A_806 = arith.index_cast %scan3A_744 : i32 to index
        %swap3A_807 = arith.constant 32 : index
        %swap3A_808 = tpu.vector_load %swap3A_805[%swap3A_806, %swap3A_807] {strides = array<i32>} : memref<200x64xf32, #tpu.memory_space<vmem>>, vector<1x16xf32>,
        %swap3A_809 = vector.shape_cast %swap3A_808 : vector<1x16xf32> to vector<16xf32>
        %swap3A_810 = vector.shape_cast %add3A_801 : vector<16xf32> to vector<1x16xf32>
        tpu.vector_store %swap3A_805[%swap3A_806, %swap3A_807], %swap3A_810 {strides = array<i32>} : memref<200x64xf32, #tpu.memory_space<vmem>>, vector<1x16xf32>,
        %get3A_811 = arith.constant 0 : i32
        %get3A_812 = arith.constant 0 : i32
        %get3A_813 = tpu.memref_slice %arg8[%scan3A_577, %get3A_811, %get3A_812] : memref<7x200x64xf32, #tpu.memory_space<vmem>> -> memref<1x200x64xf32, #tpu.memory_space<vmem>>
        %get3A_814 = tpu.memref_squeeze %get3A_813 : memref<1x200x64xf32, #tpu.memory_space<vmem>> -> memref<200x64xf32, #tpu.memory_space<vmem>>
        %get3A_815 = arith.index_cast %scan3A_744 : i32 to index
        %get3A_816 = arith.constant 48 : index
        %get3A_817 = tpu.vector_load %get3A_814[%get3A_815, %get3A_816] {strides = array<i32>} : memref<200x64xf32, #tpu.memory_space<vmem>>, vector<1x16xf32>,
        %get3A_818 = vector.shape_cast %get3A_817 : vector<1x16xf32> to vector<16xf32>
        %get3A_819 = arith.index_cast %scan3A_744 : i32 to index
        %get3A_820 = arith.constant 48 : index
        %get3A_821 = tpu.vector_load %arg7[%get3A_819, %get3A_820] {strides = array<i32>} : memref<200x64xf32, #tpu.memory_space<vmem>>, vector<1x16xf32>,
        %get3A_822 = vector.shape_cast %get3A_821 : vector<1x16xf32> to vector<16xf32>
        %add3A_823 = arith.addf %get3A_818, %get3A_822 : vector<16xf32>
        %swap3A_824 = arith.constant 0 : i32
        %swap3A_825 = arith.constant 0 : i32
        %swap3A_826 = tpu.memref_slice %arg8[%scan3A_577, %swap3A_824, %swap3A_825] : memref<7x200x64xf32, #tpu.memory_space<vmem>> -> memref<1x200x64xf32, #tpu.memory_space<vmem>>
        %swap3A_827 = tpu.memref_squeeze %swap3A_826 : memref<1x200x64xf32, #tpu.memory_space<vmem>> -> memref<200x64xf32, #tpu.memory_space<vmem>>
        %swap3A_828 = arith.index_cast %scan3A_744 : i32 to index
        %swap3A_829 = arith.constant 48 : index
        %swap3A_830 = tpu.vector_load %swap3A_827[%swap3A_828, %swap3A_829] {strides = array<i32>} : memref<200x64xf32, #tpu.memory_space<vmem>>, vector<1x16xf32>,
        %swap3A_831 = vector.shape_cast %swap3A_830 : vector<1x16xf32> to vector<16xf32>
        %swap3A_832 = vector.shape_cast %add3A_823 : vector<16xf32> to vector<1x16xf32>
        tpu.vector_store %swap3A_827[%swap3A_828, %swap3A_829], %swap3A_832 {strides = array<i32>} : memref<200x64xf32, #tpu.memory_space<vmem>>, vector<1x16xf32>,
        %scan3A_833 = arith.constant 2 : i32
        %scan3A_834 = arith.addi %scan3A_656, %scan3A_833 : i32
        %get3A_835 = arith.constant 0 : i32
        %get3A_836 = arith.constant 0 : i32
        %get3A_837 = tpu.memref_slice %arg8[%scan3A_577, %get3A_835, %get3A_836] : memref<7x200x64xf32, #tpu.memory_space<vmem>> -> memref<1x200x64xf32, #tpu.memory_space<vmem>>
        %get3A_838 = tpu.memref_squeeze %get3A_837 : memref<1x200x64xf32, #tpu.memory_space<vmem>> -> memref<200x64xf32, #tpu.memory_space<vmem>>
        %get3A_839 = arith.index_cast %scan3A_834 : i32 to index
        %get3A_840 = arith.constant 0 : index
        %get3A_841 = tpu.vector_load %get3A_838[%get3A_839, %get3A_840] {strides = array<i32>} : memref<200x64xf32, #tpu.memory_space<vmem>>, vector<1x16xf32>,
        %get3A_842 = vector.shape_cast %get3A_841 : vector<1x16xf32> to vector<16xf32>
        %get3A_843 = arith.index_cast %scan3A_834 : i32 to index
        %get3A_844 = arith.constant 0 : index
        %get3A_845 = tpu.vector_load %arg7[%get3A_843, %get3A_844] {strides = array<i32>} : memref<200x64xf32, #tpu.memory_space<vmem>>, vector<1x16xf32>,
        %get3A_846 = vector.shape_cast %get3A_845 : vector<1x16xf32> to vector<16xf32>
        %add3A_847 = arith.addf %get3A_842, %get3A_846 : vector<16xf32>
        %swap3A_848 = arith.constant 0 : i32
        %swap3A_849 = arith.constant 0 : i32
        %swap3A_850 = tpu.memref_slice %arg8[%scan3A_577, %swap3A_848, %swap3A_849] : memref<7x200x64xf32, #tpu.memory_space<vmem>> -> memref<1x200x64xf32, #tpu.memory_space<vmem>>
        %swap3A_851 = tpu.memref_squeeze %swap3A_850 : memref<1x200x64xf32, #tpu.memory_space<vmem>> -> memref<200x64xf32, #tpu.memory_space<vmem>>
        %swap3A_852 = arith.index_cast %scan3A_834 : i32 to index
        %swap3A_853 = arith.constant 0 : index
        %swap3A_854 = tpu.vector_load %swap3A_851[%swap3A_852, %swap3A_853] {strides = array<i32>} : memref<200x64xf32, #tpu.memory_space<vmem>>, vector<1x16xf32>,
        %swap3A_855 = vector.shape_cast %swap3A_854 : vector<1x16xf32> to vector<16xf32>
        %swap3A_856 = vector.shape_cast %add3A_847 : vector<16xf32> to vector<1x16xf32>
        tpu.vector_store %swap3A_851[%swap3A_852, %swap3A_853], %swap3A_856 {strides = array<i32>} : memref<200x64xf32, #tpu.memory_space<vmem>>, vector<1x16xf32>,
        %get3A_857 = arith.constant 0 : i32
        %get3A_858 = arith.constant 0 : i32
        %get3A_859 = tpu.memref_slice %arg8[%scan3A_577, %get3A_857, %get3A_858] : memref<7x200x64xf32, #tpu.memory_space<vmem>> -> memref<1x200x64xf32, #tpu.memory_space<vmem>>
        %get3A_860 = tpu.memref_squeeze %get3A_859 : memref<1x200x64xf32, #tpu.memory_space<vmem>> -> memref<200x64xf32, #tpu.memory_space<vmem>>
        %get3A_861 = arith.index_cast %scan3A_834 : i32 to index
        %get3A_862 = arith.constant 16 : index
        %get3A_863 = tpu.vector_load %get3A_860[%get3A_861, %get3A_862] {strides = array<i32>} : memref<200x64xf32, #tpu.memory_space<vmem>>, vector<1x16xf32>,
        %get3A_864 = vector.shape_cast %get3A_863 : vector<1x16xf32> to vector<16xf32>
        %get3A_865 = arith.index_cast %scan3A_834 : i32 to index
        %get3A_866 = arith.constant 16 : index
        %get3A_867 = tpu.vector_load %arg7[%get3A_865, %get3A_866] {strides = array<i32>} : memref<200x64xf32, #tpu.memory_space<vmem>>, vector<1x16xf32>,
        %get3A_868 = vector.shape_cast %get3A_867 : vector<1x16xf32> to vector<16xf32>
        %add3A_869 = arith.addf %get3A_864, %get3A_868 : vector<16xf32>
        %swap3A_870 = arith.constant 0 : i32
        %swap3A_871 = arith.constant 0 : i32
        %swap3A_872 = tpu.memref_slice %arg8[%scan3A_577, %swap3A_870, %swap3A_871] : memref<7x200x64xf32, #tpu.memory_space<vmem>> -> memref<1x200x64xf32, #tpu.memory_space<vmem>>
        %swap3A_873 = tpu.memref_squeeze %swap3A_872 : memref<1x200x64xf32, #tpu.memory_space<vmem>> -> memref<200x64xf32, #tpu.memory_space<vmem>>
        %swap3A_874 = arith.index_cast %scan3A_834 : i32 to index
        %swap3A_875 = arith.constant 16 : index
        %swap3A_876 = tpu.vector_load %swap3A_873[%swap3A_874, %swap3A_875] {strides = array<i32>} : memref<200x64xf32, #tpu.memory_space<vmem>>, vector<1x16xf32>,
        %swap3A_877 = vector.shape_cast %swap3A_876 : vector<1x16xf32> to vector<16xf32>
        %swap3A_878 = vector.shape_cast %add3A_869 : vector<16xf32> to vector<1x16xf32>
        tpu.vector_store %swap3A_873[%swap3A_874, %swap3A_875], %swap3A_878 {strides = array<i32>} : memref<200x64xf32, #tpu.memory_space<vmem>>, vector<1x16xf32>,
        %get3A_879 = arith.constant 0 : i32
        %get3A_880 = arith.constant 0 : i32
        %get3A_881 = tpu.memref_slice %arg8[%scan3A_577, %get3A_879, %get3A_880] : memref<7x200x64xf32, #tpu.memory_space<vmem>> -> memref<1x200x64xf32, #tpu.memory_space<vmem>>
        %get3A_882 = tpu.memref_squeeze %get3A_881 : memref<1x200x64xf32, #tpu.memory_space<vmem>> -> memref<200x64xf32, #tpu.memory_space<vmem>>
        %get3A_883 = arith.index_cast %scan3A_834 : i32 to index
        %get3A_884 = arith.constant 32 : index
        %get3A_885 = tpu.vector_load %get3A_882[%get3A_883, %get3A_884] {strides = array<i32>} : memref<200x64xf32, #tpu.memory_space<vmem>>, vector<1x16xf32>,
        %get3A_886 = vector.shape_cast %get3A_885 : vector<1x16xf32> to vector<16xf32>
        %get3A_887 = arith.index_cast %scan3A_834 : i32 to index
        %get3A_888 = arith.constant 32 : index
        %get3A_889 = tpu.vector_load %arg7[%get3A_887, %get3A_888] {strides = array<i32>} : memref<200x64xf32, #tpu.memory_space<vmem>>, vector<1x16xf32>,
        %get3A_890 = vector.shape_cast %get3A_889 : vector<1x16xf32> to vector<16xf32>
        %add3A_891 = arith.addf %get3A_886, %get3A_890 : vector<16xf32>
        %swap3A_892 = arith.constant 0 : i32
        %swap3A_893 = arith.constant 0 : i32
        %swap3A_894 = tpu.memref_slice %arg8[%scan3A_577, %swap3A_892, %swap3A_893] : memref<7x200x64xf32, #tpu.memory_space<vmem>> -> memref<1x200x64xf32, #tpu.memory_space<vmem>>
        %swap3A_895 = tpu.memref_squeeze %swap3A_894 : memref<1x200x64xf32, #tpu.memory_space<vmem>> -> memref<200x64xf32, #tpu.memory_space<vmem>>
        %swap3A_896 = arith.index_cast %scan3A_834 : i32 to index
        %swap3A_897 = arith.constant 32 : index
        %swap3A_898 = tpu.vector_load %swap3A_895[%swap3A_896, %swap3A_897] {strides = array<i32>} : memref<200x64xf32, #tpu.memory_space<vmem>>, vector<1x16xf32>,
        %swap3A_899 = vector.shape_cast %swap3A_898 : vector<1x16xf32> to vector<16xf32>
        %swap3A_900 = vector.shape_cast %add3A_891 : vector<16xf32> to vector<1x16xf32>
        tpu.vector_store %swap3A_895[%swap3A_896, %swap3A_897], %swap3A_900 {strides = array<i32>} : memref<200x64xf32, #tpu.memory_space<vmem>>, vector<1x16xf32>,
        %get3A_901 = arith.constant 0 : i32
        %get3A_902 = arith.constant 0 : i32
        %get3A_903 = tpu.memref_slice %arg8[%scan3A_577, %get3A_901, %get3A_902] : memref<7x200x64xf32, #tpu.memory_space<vmem>> -> memref<1x200x64xf32, #tpu.memory_space<vmem>>
        %get3A_904 = tpu.memref_squeeze %get3A_903 : memref<1x200x64xf32, #tpu.memory_space<vmem>> -> memref<200x64xf32, #tpu.memory_space<vmem>>
        %get3A_905 = arith.index_cast %scan3A_834 : i32 to index
        %get3A_906 = arith.constant 48 : index
        %get3A_907 = tpu.vector_load %get3A_904[%get3A_905, %get3A_906] {strides = array<i32>} : memref<200x64xf32, #tpu.memory_space<vmem>>, vector<1x16xf32>,
        %get3A_908 = vector.shape_cast %get3A_907 : vector<1x16xf32> to vector<16xf32>
        %get3A_909 = arith.index_cast %scan3A_834 : i32 to index
        %get3A_910 = arith.constant 48 : index
        %get3A_911 = tpu.vector_load %arg7[%get3A_909, %get3A_910] {strides = array<i32>} : memref<200x64xf32, #tpu.memory_space<vmem>>, vector<1x16xf32>,
        %get3A_912 = vector.shape_cast %get3A_911 : vector<1x16xf32> to vector<16xf32>
        %add3A_913 = arith.addf %get3A_908, %get3A_912 : vector<16xf32>
        %swap3A_914 = arith.constant 0 : i32
        %swap3A_915 = arith.constant 0 : i32
        %swap3A_916 = tpu.memref_slice %arg8[%scan3A_577, %swap3A_914, %swap3A_915] : memref<7x200x64xf32, #tpu.memory_space<vmem>> -> memref<1x200x64xf32, #tpu.memory_space<vmem>>
        %swap3A_917 = tpu.memref_squeeze %swap3A_916 : memref<1x200x64xf32, #tpu.memory_space<vmem>> -> memref<200x64xf32, #tpu.memory_space<vmem>>
        %swap3A_918 = arith.index_cast %scan3A_834 : i32 to index
        %swap3A_919 = arith.constant 48 : index
        %swap3A_920 = tpu.vector_load %swap3A_917[%swap3A_918, %swap3A_919] {strides = array<i32>} : memref<200x64xf32, #tpu.memory_space<vmem>>, vector<1x16xf32>,
        %swap3A_921 = vector.shape_cast %swap3A_920 : vector<1x16xf32> to vector<16xf32>
        %swap3A_922 = vector.shape_cast %add3A_913 : vector<16xf32> to vector<1x16xf32>
        tpu.vector_store %swap3A_917[%swap3A_918, %swap3A_919], %swap3A_922 {strides = array<i32>} : memref<200x64xf32, #tpu.memory_space<vmem>>, vector<1x16xf32>,
        %scan3A_923 = arith.constant 3 : i32
        %scan3A_924 = arith.addi %scan3A_656, %scan3A_923 : i32
        %get3A_925 = arith.constant 0 : i32
        %get3A_926 = arith.constant 0 : i32
        %get3A_927 = tpu.memref_slice %arg8[%scan3A_577, %get3A_925, %get3A_926] : memref<7x200x64xf32, #tpu.memory_space<vmem>> -> memref<1x200x64xf32, #tpu.memory_space<vmem>>
        %get3A_928 = tpu.memref_squeeze %get3A_927 : memref<1x200x64xf32, #tpu.memory_space<vmem>> -> memref<200x64xf32, #tpu.memory_space<vmem>>
        %get3A_929 = arith.index_cast %scan3A_924 : i32 to index
        %get3A_930 = arith.constant 0 : index
        %get3A_931 = tpu.vector_load %get3A_928[%get3A_929, %get3A_930] {strides = array<i32>} : memref<200x64xf32, #tpu.memory_space<vmem>>, vector<1x16xf32>,
        %get3A_932 = vector.shape_cast %get3A_931 : vector<1x16xf32> to vector<16xf32>
        %get3A_933 = arith.index_cast %scan3A_924 : i32 to index
        %get3A_934 = arith.constant 0 : index
        %get3A_935 = tpu.vector_load %arg7[%get3A_933, %get3A_934] {strides = array<i32>} : memref<200x64xf32, #tpu.memory_space<vmem>>, vector<1x16xf32>,
        %get3A_936 = vector.shape_cast %get3A_935 : vector<1x16xf32> to vector<16xf32>
        %add3A_937 = arith.addf %get3A_932, %get3A_936 : vector<16xf32>
        %swap3A_938 = arith.constant 0 : i32
        %swap3A_939 = arith.constant 0 : i32
        %swap3A_940 = tpu.memref_slice %arg8[%scan3A_577, %swap3A_938, %swap3A_939] : memref<7x200x64xf32, #tpu.memory_space<vmem>> -> memref<1x200x64xf32, #tpu.memory_space<vmem>>
        %swap3A_941 = tpu.memref_squeeze %swap3A_940 : memref<1x200x64xf32, #tpu.memory_space<vmem>> -> memref<200x64xf32, #tpu.memory_space<vmem>>
        %swap3A_942 = arith.index_cast %scan3A_924 : i32 to index
        %swap3A_943 = arith.constant 0 : index
        %swap3A_944 = tpu.vector_load %swap3A_941[%swap3A_942, %swap3A_943] {strides = array<i32>} : memref<200x64xf32, #tpu.memory_space<vmem>>, vector<1x16xf32>,
        %swap3A_945 = vector.shape_cast %swap3A_944 : vector<1x16xf32> to vector<16xf32>
        %swap3A_946 = vector.shape_cast %add3A_937 : vector<16xf32> to vector<1x16xf32>
        tpu.vector_store %swap3A_941[%swap3A_942, %swap3A_943], %swap3A_946 {strides = array<i32>} : memref<200x64xf32, #tpu.memory_space<vmem>>, vector<1x16xf32>,
        %get3A_947 = arith.constant 0 : i32
        %get3A_948 = arith.constant 0 : i32
        %get3A_949 = tpu.memref_slice %arg8[%scan3A_577, %get3A_947, %get3A_948] : memref<7x200x64xf32, #tpu.memory_space<vmem>> -> memref<1x200x64xf32, #tpu.memory_space<vmem>>
        %get3A_950 = tpu.memref_squeeze %get3A_949 : memref<1x200x64xf32, #tpu.memory_space<vmem>> -> memref<200x64xf32, #tpu.memory_space<vmem>>
        %get3A_951 = arith.index_cast %scan3A_924 : i32 to index
        %get3A_952 = arith.constant 16 : index
        %get3A_953 = tpu.vector_load %get3A_950[%get3A_951, %get3A_952] {strides = array<i32>} : memref<200x64xf32, #tpu.memory_space<vmem>>, vector<1x16xf32>,
        %get3A_954 = vector.shape_cast %get3A_953 : vector<1x16xf32> to vector<16xf32>
        %get3A_955 = arith.index_cast %scan3A_924 : i32 to index
        %get3A_956 = arith.constant 16 : index
        %get3A_957 = tpu.vector_load %arg7[%get3A_955, %get3A_956] {strides = array<i32>} : memref<200x64xf32, #tpu.memory_space<vmem>>, vector<1x16xf32>,
        %get3A_958 = vector.shape_cast %get3A_957 : vector<1x16xf32> to vector<16xf32>
        %add3A_959 = arith.addf %get3A_954, %get3A_958 : vector<16xf32>
        %swap3A_960 = arith.constant 0 : i32
        %swap3A_961 = arith.constant 0 : i32
        %swap3A_962 = tpu.memref_slice %arg8[%scan3A_577, %swap3A_960, %swap3A_961] : memref<7x200x64xf32, #tpu.memory_space<vmem>> -> memref<1x200x64xf32, #tpu.memory_space<vmem>>
        %swap3A_963 = tpu.memref_squeeze %swap3A_962 : memref<1x200x64xf32, #tpu.memory_space<vmem>> -> memref<200x64xf32, #tpu.memory_space<vmem>>
        %swap3A_964 = arith.index_cast %scan3A_924 : i32 to index
        %swap3A_965 = arith.constant 16 : index
        %swap3A_966 = tpu.vector_load %swap3A_963[%swap3A_964, %swap3A_965] {strides = array<i32>} : memref<200x64xf32, #tpu.memory_space<vmem>>, vector<1x16xf32>,
        %swap3A_967 = vector.shape_cast %swap3A_966 : vector<1x16xf32> to vector<16xf32>
        %swap3A_968 = vector.shape_cast %add3A_959 : vector<16xf32> to vector<1x16xf32>
        tpu.vector_store %swap3A_963[%swap3A_964, %swap3A_965], %swap3A_968 {strides = array<i32>} : memref<200x64xf32, #tpu.memory_space<vmem>>, vector<1x16xf32>,
        %get3A_969 = arith.constant 0 : i32
        %get3A_970 = arith.constant 0 : i32
        %get3A_971 = tpu.memref_slice %arg8[%scan3A_577, %get3A_969, %get3A_970] : memref<7x200x64xf32, #tpu.memory_space<vmem>> -> memref<1x200x64xf32, #tpu.memory_space<vmem>>
        %get3A_972 = tpu.memref_squeeze %get3A_971 : memref<1x200x64xf32, #tpu.memory_space<vmem>> -> memref<200x64xf32, #tpu.memory_space<vmem>>
        %get3A_973 = arith.index_cast %scan3A_924 : i32 to index
        %get3A_974 = arith.constant 32 : index
        %get3A_975 = tpu.vector_load %get3A_972[%get3A_973, %get3A_974] {strides = array<i32>} : memref<200x64xf32, #tpu.memory_space<vmem>>, vector<1x16xf32>,
        %get3A_976 = vector.shape_cast %get3A_975 : vector<1x16xf32> to vector<16xf32>
        %get3A_977 = arith.index_cast %scan3A_924 : i32 to index
        %get3A_978 = arith.constant 32 : index
        %get3A_979 = tpu.vector_load %arg7[%get3A_977, %get3A_978] {strides = array<i32>} : memref<200x64xf32, #tpu.memory_space<vmem>>, vector<1x16xf32>,
        %get3A_980 = vector.shape_cast %get3A_979 : vector<1x16xf32> to vector<16xf32>
        %add3A_981 = arith.addf %get3A_976, %get3A_980 : vector<16xf32>
        %swap3A_982 = arith.constant 0 : i32
        %swap3A_983 = arith.constant 0 : i32
        %swap3A_984 = tpu.memref_slice %arg8[%scan3A_577, %swap3A_982, %swap3A_983] : memref<7x200x64xf32, #tpu.memory_space<vmem>> -> memref<1x200x64xf32, #tpu.memory_space<vmem>>
        %swap3A_985 = tpu.memref_squeeze %swap3A_984 : memref<1x200x64xf32, #tpu.memory_space<vmem>> -> memref<200x64xf32, #tpu.memory_space<vmem>>
        %swap3A_986 = arith.index_cast %scan3A_924 : i32 to index
        %swap3A_987 = arith.constant 32 : index
        %swap3A_988 = tpu.vector_load %swap3A_985[%swap3A_986, %swap3A_987] {strides = array<i32>} : memref<200x64xf32, #tpu.memory_space<vmem>>, vector<1x16xf32>,
        %swap3A_989 = vector.shape_cast %swap3A_988 : vector<1x16xf32> to vector<16xf32>
        %swap3A_990 = vector.shape_cast %add3A_981 : vector<16xf32> to vector<1x16xf32>
        tpu.vector_store %swap3A_985[%swap3A_986, %swap3A_987], %swap3A_990 {strides = array<i32>} : memref<200x64xf32, #tpu.memory_space<vmem>>, vector<1x16xf32>,
        %get3A_991 = arith.constant 0 : i32
        %get3A_992 = arith.constant 0 : i32
        %get3A_993 = tpu.memref_slice %arg8[%scan3A_577, %get3A_991, %get3A_992] : memref<7x200x64xf32, #tpu.memory_space<vmem>> -> memref<1x200x64xf32, #tpu.memory_space<vmem>>
        %get3A_994 = tpu.memref_squeeze %get3A_993 : memref<1x200x64xf32, #tpu.memory_space<vmem>> -> memref<200x64xf32, #tpu.memory_space<vmem>>
        %get3A_995 = arith.index_cast %scan3A_924 : i32 to index
        %get3A_996 = arith.constant 48 : index
        %get3A_997 = tpu.vector_load %get3A_994[%get3A_995, %get3A_996] {strides = array<i32>} : memref<200x64xf32, #tpu.memory_space<vmem>>, vector<1x16xf32>,
        %get3A_998 = vector.shape_cast %get3A_997 : vector<1x16xf32> to vector<16xf32>
        %get3A_999 = arith.index_cast %scan3A_924 : i32 to index
        %get3A_1000 = arith.constant 48 : index
        %get3A_1001 = tpu.vector_load %arg7[%get3A_999, %get3A_1000] {strides = array<i32>} : memref<200x64xf32, #tpu.memory_space<vmem>>, vector<1x16xf32>,
        %get3A_1002 = vector.shape_cast %get3A_1001 : vector<1x16xf32> to vector<16xf32>
        %add3A_1003 = arith.addf %get3A_998, %get3A_1002 : vector<16xf32>
        %swap3A_1004 = arith.constant 0 : i32
        %swap3A_1005 = arith.constant 0 : i32
        %swap3A_1006 = tpu.memref_slice %arg8[%scan3A_577, %swap3A_1004, %swap3A_1005] : memref<7x200x64xf32, #tpu.memory_space<vmem>> -> memref<1x200x64xf32, #tpu.memory_space<vmem>>
        %swap3A_1007 = tpu.memref_squeeze %swap3A_1006 : memref<1x200x64xf32, #tpu.memory_space<vmem>> -> memref<200x64xf32, #tpu.memory_space<vmem>>
        %swap3A_1008 = arith.index_cast %scan3A_924 : i32 to index
        %swap3A_1009 = arith.constant 48 : index
        %swap3A_1010 = tpu.vector_load %swap3A_1007[%swap3A_1008, %swap3A_1009] {strides = array<i32>} : memref<200x64xf32, #tpu.memory_space<vmem>>, vector<1x16xf32>,
        %swap3A_1011 = vector.shape_cast %swap3A_1010 : vector<1x16xf32> to vector<16xf32>
        %swap3A_1012 = vector.shape_cast %add3A_1003 : vector<16xf32> to vector<1x16xf32>
        tpu.vector_store %swap3A_1007[%swap3A_1008, %swap3A_1009], %swap3A_1012 {strides = array<i32>} : memref<200x64xf32, #tpu.memory_space<vmem>>, vector<1x16xf32>,
      }
      %scan3A_582 = arith.constant 200 : i32
      %add3A_583 = arith.addi %mul3A_2, %add3A_555 : i32
      %dma_start3A_584 = arith.constant 5 : i32
      %dma_start3A_585 = arith.constant 5 : i32
      %dma_start3A_586 = arith.constant 0 : i32
      %dma_start3A_587 = arith.constant 0 : i32
      %dma_start3A_588 = tpu.memref_slice %arg8[%dma_start3A_584, %dma_start3A_586, %dma_start3A_587] : memref<7x200x64xf32, #tpu.memory_space<vmem>> -> memref<1x200x64xf32, #tpu.memory_space<vmem>>
      %dma_start3A_589 = tpu.memref_squeeze %dma_start3A_588 : memref<1x200x64xf32, #tpu.memory_space<vmem>> -> memref<200x64xf32, #tpu.memory_space<vmem>>
      %dma_start3A_590 = arith.constant 0 : i32
      %dma_start3A_591 = arith.constant 0 : i32
      %dma_start3A_592 = tpu.memref_slice %arg5[%add3A_583, %dma_start3A_590, %dma_start3A_591] : memref<4096x200x64xf32, #tpu.memory_space<hbm>> -> memref<1x200x64xf32, #tpu.memory_space<hbm>>
      %dma_start3A_593 = tpu.memref_squeeze %dma_start3A_592 : memref<1x200x64xf32, #tpu.memory_space<hbm>> -> memref<200x64xf32, #tpu.memory_space<hbm>>
      %dma_start3A_594 = tpu.memref_slice %arg10[%dma_start3A_585] : memref<7x!tpu.dma_semaphore, #tpu.memory_space<semaphore_mem>> -> memref<1x!tpu.dma_semaphore, #tpu.memory_space<semaphore_mem>>
      %dma_start3A_595 = tpu.memref_squeeze %dma_start3A_594 : memref<1x!tpu.dma_semaphore, #tpu.memory_space<semaphore_mem>> -> memref<!tpu.dma_semaphore, #tpu.memory_space<semaphore_mem>>
      %dma_start3A_596 = arith.constant 0 : i32
      %dma_start3A_597 = arith.constant 0 : i32
      %dma_start3A_598 = tpu.memref_slice %arg5[%add3A_583, %dma_start3A_596, %dma_start3A_597] : memref<4096x200x64xf32, #tpu.memory_space<hbm>> -> memref<1x200x64xf32, #tpu.memory_space<hbm>>
      %dma_start3A_599 = tpu.memref_squeeze %dma_start3A_598 : memref<1x200x64xf32, #tpu.memory_space<hbm>> -> memref<200x64xf32, #tpu.memory_space<hbm>>
      %dma_start3A_600 = arith.constant 0 : i32
      %dma_start3A_601 = arith.constant 0 : i32
      %dma_start3A_602 = tpu.memref_slice %arg8[%dma_start3A_584, %dma_start3A_600, %dma_start3A_601] : memref<7x200x64xf32, #tpu.memory_space<vmem>> -> memref<1x200x64xf32, #tpu.memory_space<vmem>>
      %dma_start3A_603 = tpu.memref_squeeze %dma_start3A_602 : memref<1x200x64xf32, #tpu.memory_space<vmem>> -> memref<200x64xf32, #tpu.memory_space<vmem>>
      tpu.enqueue_dma source(%dma_start3A_603 : memref<200x64xf32, #tpu.memory_space<vmem>>) target(%dma_start3A_599 : memref<200x64xf32, #tpu.memory_space<hbm>>) target_semaphore(%dma_start3A_595 : memref<!tpu.dma_semaphore, #tpu.memory_space<semaphore_mem>>)
      %mul3A_604 = arith.constant 7 : i32
      %mul3A_605 = arith.muli %scan3A_294, %mul3A_604 : i32
      %add3A_606 = arith.constant 6 : i32
      %add3A_607 = arith.addi %mul3A_605, %add3A_606 : i32
      %lt3A_608 = arith.constant 124 : i32
      %lt3A_609 = arith.cmpi slt, %add3A_607, %lt3A_608 : i32
      %convert_element_type3A_610 = arith.extui %lt3A_609 : i1 to i32
      %cond3A_611 = arith.constant 0 : i32
      %cond3A_612 = arith.cmpi ne, %convert_element_type3A_610, %cond3A_611 : i32
      scf.if %cond3A_612 {
        %ge3A = arith.constant 3 : i32
        %ge3A_656 = arith.cmpi sge, %add3A_607, %ge3A : i32
        %convert_element_type3A_657 = arith.extui %ge3A_656 : i1 to i32
        %cond3A_658 = arith.constant 0 : i32
        %cond3A_659 = arith.cmpi ne, %convert_element_type3A_657, %cond3A_658 : i32
        scf.if %cond3A_659 {
          %dma_wait3A_676 = arith.constant 3 : i32
          %dma_wait3A_677 = arith.constant 3 : i32
          %dma_wait3A_678 = arith.constant 0 : i32
          %dma_wait3A_679 = arith.constant 0 : i32
          %dma_wait3A_680 = tpu.memref_slice %arg8[%dma_wait3A_676, %dma_wait3A_678, %dma_wait3A_679] : memref<7x200x64xf32, #tpu.memory_space<vmem>> -> memref<1x200x64xf32, #tpu.memory_space<vmem>>
          %dma_wait3A_681 = tpu.memref_squeeze %dma_wait3A_680 : memref<1x200x64xf32, #tpu.memory_space<vmem>> -> memref<200x64xf32, #tpu.memory_space<vmem>>
          %dma_wait3A_682 = arith.constant 0 : i32
          %dma_wait3A_683 = arith.constant 0 : i32
          %dma_wait3A_684 = tpu.memref_slice %arg5[%mul3A_2, %dma_wait3A_682, %dma_wait3A_683] : memref<4096x200x64xf32, #tpu.memory_space<hbm>> -> memref<1x200x64xf32, #tpu.memory_space<hbm>>
          %dma_wait3A_685 = tpu.memref_squeeze %dma_wait3A_684 : memref<1x200x64xf32, #tpu.memory_space<hbm>> -> memref<200x64xf32, #tpu.memory_space<hbm>>
          %dma_wait3A_686 = tpu.memref_slice %arg10[%dma_wait3A_677] : memref<7x!tpu.dma_semaphore, #tpu.memory_space<semaphore_mem>> -> memref<1x!tpu.dma_semaphore, #tpu.memory_space<semaphore_mem>>
          %dma_wait3A_687 = tpu.memref_squeeze %dma_wait3A_686 : memref<1x!tpu.dma_semaphore, #tpu.memory_space<semaphore_mem>> -> memref<!tpu.dma_semaphore, #tpu.memory_space<semaphore_mem>>
          %dma_wait3A_688 = arith.constant 0 : i32
          %dma_wait3A_689 = arith.constant 0 : i32
          %dma_wait3A_690 = tpu.memref_slice %arg5[%mul3A_2, %dma_wait3A_688, %dma_wait3A_689] : memref<4096x200x64xf32, #tpu.memory_space<hbm>> -> memref<1x200x64xf32, #tpu.memory_space<hbm>>
          %dma_wait3A_691 = tpu.memref_squeeze %dma_wait3A_690 : memref<1x200x64xf32, #tpu.memory_space<hbm>> -> memref<200x64xf32, #tpu.memory_space<hbm>>
          %dma_wait3A_692 = arith.constant 0 : i32
          %dma_wait3A_693 = arith.constant 0 : i32
          %dma_wait3A_694 = tpu.memref_slice %arg8[%dma_wait3A_676, %dma_wait3A_692, %dma_wait3A_693] : memref<7x200x64xf32, #tpu.memory_space<vmem>> -> memref<1x200x64xf32, #tpu.memory_space<vmem>>
          %dma_wait3A_695 = tpu.memref_squeeze %dma_wait3A_694 : memref<1x200x64xf32, #tpu.memory_space<vmem>> -> memref<200x64xf32, #tpu.memory_space<vmem>>
          tpu.wait_dma2 semaphore(%dma_wait3A_687 : memref<!tpu.dma_semaphore, #tpu.memory_space<semaphore_mem>>) src(%dma_wait3A_695 : memref<200x64xf32, #tpu.memory_space<vmem>>) dst(%dma_wait3A_691 : memref<200x64xf32, #tpu.memory_space<hbm>>)
        } else {
        }
        %add3A_660 = arith.constant 4 : i32
        %add3A_661 = arith.addi %add3A_607, %add3A_660 : i32
        %dma_start3A_662 = arith.constant 3 : i32
        %dma_start3A_663 = arith.constant 3 : i32
        %dma_start3A_664 = arith.constant 0 : i32
        %dma_start3A_665 = arith.constant 0 : i32
        %dma_start3A_666 = tpu.memref_slice %arg8[%dma_start3A_662, %dma_start3A_664, %dma_start3A_665] : memref<7x200x64xf32, #tpu.memory_space<vmem>> -> memref<1x200x64xf32, #tpu.memory_space<vmem>>
        %dma_start3A_667 = tpu.memref_squeeze %dma_start3A_666 : memref<1x200x64xf32, #tpu.memory_space<vmem>> -> memref<200x64xf32, #tpu.memory_space<vmem>>
        %dma_start3A_668 = arith.constant 0 : i32
        %dma_start3A_669 = tpu.memref_slice %arg6[%add3A_661, %dma_start3A_668] : memref<128x200xi32, #tpu.memory_space<vmem>> -> memref<1x200xi32, #tpu.memory_space<vmem>>
        %dma_start3A_670 = tpu.memref_squeeze %dma_start3A_669 : memref<1x200xi32, #tpu.memory_space<vmem>> -> memref<200xi32, #tpu.memory_space<vmem>>
        %dma_start3A_671 = arith.constant 0 : i32
        %dma_start3A_672 = arith.constant 0 : i32
        %dma_start3A_673 = tpu.memref_slice %arg3[%dma_start3A_671, %dma_start3A_672] : memref<1000000x64xf32, #tpu.memory_space<hbm>> -> memref<1000000x64xf32, #tpu.memory_space<hbm>>
        %dma_start3A_674 = tpu.memref_slice %arg9[%dma_start3A_663] : memref<7x!tpu.dma_semaphore, #tpu.memory_space<semaphore_mem>> -> memref<1x!tpu.dma_semaphore, #tpu.memory_space<semaphore_mem>>
        %dma_start3A_675 = tpu.memref_squeeze %dma_start3A_674 : memref<1x!tpu.dma_semaphore, #tpu.memory_space<semaphore_mem>> -> memref<!tpu.dma_semaphore, #tpu.memory_space<semaphore_mem>>
        tpu.enqueue_indirect_dma source(%dma_start3A_673 : memref<1000000x64xf32, #tpu.memory_space<hbm>>) target(%dma_start3A_667 : memref<200x64xf32, #tpu.memory_space<vmem>>) offsets(%dma_start3A_670 : memref<200xi32, #tpu.memory_space<vmem>>) semaphore(%dma_start3A_675 : memref<!tpu.dma_semaphore, #tpu.memory_space<semaphore_mem>>)
      } else {
      }
      %dma_wait3A_613 = arith.constant 0 : i32
      %dma_wait3A_614 = arith.constant 6 : i32
      %dma_wait3A_615 = arith.constant 6 : i32
      %dma_wait3A_616 = arith.constant 0 : i32
      %dma_wait3A_617 = arith.constant 0 : i32
      %dma_wait3A_618 = tpu.memref_slice %arg8[%dma_wait3A_614, %dma_wait3A_616, %dma_wait3A_617] : memref<7x200x64xf32, #tpu.memory_space<vmem>> -> memref<1x200x64xf32, #tpu.memory_space<vmem>>
      %dma_wait3A_619 = tpu.memref_squeeze %dma_wait3A_618 : memref<1x200x64xf32, #tpu.memory_space<vmem>> -> memref<200x64xf32, #tpu.memory_space<vmem>>
      %dma_wait3A_620 = arith.constant 0 : i32
      %dma_wait3A_621 = tpu.memref_slice %arg6[%dma_wait3A_613, %dma_wait3A_620] : memref<128x200xi32, #tpu.memory_space<vmem>> -> memref<1x200xi32, #tpu.memory_space<vmem>>
      %dma_wait3A_622 = tpu.memref_squeeze %dma_wait3A_621 : memref<1x200xi32, #tpu.memory_space<vmem>> -> memref<200xi32, #tpu.memory_space<vmem>>
      %dma_wait3A_623 = arith.constant 0 : i32
      %dma_wait3A_624 = arith.constant 0 : i32
      %dma_wait3A_625 = tpu.memref_slice %arg3[%dma_wait3A_623, %dma_wait3A_624] : memref<1000000x64xf32, #tpu.memory_space<hbm>> -> memref<1000000x64xf32, #tpu.memory_space<hbm>>
      %dma_wait3A_626 = tpu.memref_slice %arg9[%dma_wait3A_615] : memref<7x!tpu.dma_semaphore, #tpu.memory_space<semaphore_mem>> -> memref<1x!tpu.dma_semaphore, #tpu.memory_space<semaphore_mem>>
      %dma_wait3A_627 = tpu.memref_squeeze %dma_wait3A_626 : memref<1x!tpu.dma_semaphore, #tpu.memory_space<semaphore_mem>> -> memref<!tpu.dma_semaphore, #tpu.memory_space<semaphore_mem>>
      tpu.wait_indirect_dma semaphore(%dma_wait3A_627 : memref<!tpu.dma_semaphore, #tpu.memory_space<semaphore_mem>>) src(%dma_wait3A_625 : memref<1000000x64xf32, #tpu.memory_space<hbm>>) dst(%dma_wait3A_619 : memref<200x64xf32, #tpu.memory_space<vmem>>)
      %scan3A_628 = arith.constant 0 : i32
      %scan3A_629 = arith.constant 6 : i32
      %scan3A_630 = arith.constant 0 : i32
      %scan3A_631 = arith.constant 200 : i32
      %scan3A_632 = arith.addi %scan3A_630, %scan3A_631 : i32
      %scan3A_633 = arith.constant 4 : i32
      scf.for %scan3A_656 = %scan3A_630 to %scan3A_632 step %scan3A_633  : i32 {
        %get3A = arith.constant 0 : i32
        %get3A_657 = arith.constant 0 : i32
        %get3A_658 = tpu.memref_slice %arg8[%scan3A_629, %get3A, %get3A_657] : memref<7x200x64xf32, #tpu.memory_space<vmem>> -> memref<1x200x64xf32, #tpu.memory_space<vmem>>
        %get3A_659 = tpu.memref_squeeze %get3A_658 : memref<1x200x64xf32, #tpu.memory_space<vmem>> -> memref<200x64xf32, #tpu.memory_space<vmem>>
        %get3A_660 = arith.index_cast %scan3A_656 : i32 to index
        %get3A_661 = arith.constant 0 : index
        %get3A_662 = tpu.vector_load %get3A_659[%get3A_660, %get3A_661] {strides = array<i32>} : memref<200x64xf32, #tpu.memory_space<vmem>>, vector<1x16xf32>,
        %get3A_663 = vector.shape_cast %get3A_662 : vector<1x16xf32> to vector<16xf32>
        %get3A_664 = arith.index_cast %scan3A_656 : i32 to index
        %get3A_665 = arith.constant 0 : index
        %get3A_666 = tpu.vector_load %arg7[%get3A_664, %get3A_665] {strides = array<i32>} : memref<200x64xf32, #tpu.memory_space<vmem>>, vector<1x16xf32>,
        %get3A_667 = vector.shape_cast %get3A_666 : vector<1x16xf32> to vector<16xf32>
        %add3A_668 = arith.addf %get3A_663, %get3A_667 : vector<16xf32>
        %swap3A = arith.constant 0 : i32
        %swap3A_669 = arith.constant 0 : i32
        %swap3A_670 = tpu.memref_slice %arg8[%scan3A_629, %swap3A, %swap3A_669] : memref<7x200x64xf32, #tpu.memory_space<vmem>> -> memref<1x200x64xf32, #tpu.memory_space<vmem>>
        %swap3A_671 = tpu.memref_squeeze %swap3A_670 : memref<1x200x64xf32, #tpu.memory_space<vmem>> -> memref<200x64xf32, #tpu.memory_space<vmem>>
        %swap3A_672 = arith.index_cast %scan3A_656 : i32 to index
        %swap3A_673 = arith.constant 0 : index
        %swap3A_674 = tpu.vector_load %swap3A_671[%swap3A_672, %swap3A_673] {strides = array<i32>} : memref<200x64xf32, #tpu.memory_space<vmem>>, vector<1x16xf32>,
        %swap3A_675 = vector.shape_cast %swap3A_674 : vector<1x16xf32> to vector<16xf32>
        %swap3A_676 = vector.shape_cast %add3A_668 : vector<16xf32> to vector<1x16xf32>
        tpu.vector_store %swap3A_671[%swap3A_672, %swap3A_673], %swap3A_676 {strides = array<i32>} : memref<200x64xf32, #tpu.memory_space<vmem>>, vector<1x16xf32>,
        %get3A_677 = arith.constant 0 : i32
        %get3A_678 = arith.constant 0 : i32
        %get3A_679 = tpu.memref_slice %arg8[%scan3A_629, %get3A_677, %get3A_678] : memref<7x200x64xf32, #tpu.memory_space<vmem>> -> memref<1x200x64xf32, #tpu.memory_space<vmem>>
        %get3A_680 = tpu.memref_squeeze %get3A_679 : memref<1x200x64xf32, #tpu.memory_space<vmem>> -> memref<200x64xf32, #tpu.memory_space<vmem>>
        %get3A_681 = arith.index_cast %scan3A_656 : i32 to index
        %get3A_682 = arith.constant 16 : index
        %get3A_683 = tpu.vector_load %get3A_680[%get3A_681, %get3A_682] {strides = array<i32>} : memref<200x64xf32, #tpu.memory_space<vmem>>, vector<1x16xf32>,
        %get3A_684 = vector.shape_cast %get3A_683 : vector<1x16xf32> to vector<16xf32>
        %get3A_685 = arith.index_cast %scan3A_656 : i32 to index
        %get3A_686 = arith.constant 16 : index
        %get3A_687 = tpu.vector_load %arg7[%get3A_685, %get3A_686] {strides = array<i32>} : memref<200x64xf32, #tpu.memory_space<vmem>>, vector<1x16xf32>,
        %get3A_688 = vector.shape_cast %get3A_687 : vector<1x16xf32> to vector<16xf32>
        %add3A_689 = arith.addf %get3A_684, %get3A_688 : vector<16xf32>
        %swap3A_690 = arith.constant 0 : i32
        %swap3A_691 = arith.constant 0 : i32
        %swap3A_692 = tpu.memref_slice %arg8[%scan3A_629, %swap3A_690, %swap3A_691] : memref<7x200x64xf32, #tpu.memory_space<vmem>> -> memref<1x200x64xf32, #tpu.memory_space<vmem>>
        %swap3A_693 = tpu.memref_squeeze %swap3A_692 : memref<1x200x64xf32, #tpu.memory_space<vmem>> -> memref<200x64xf32, #tpu.memory_space<vmem>>
        %swap3A_694 = arith.index_cast %scan3A_656 : i32 to index
        %swap3A_695 = arith.constant 16 : index
        %swap3A_696 = tpu.vector_load %swap3A_693[%swap3A_694, %swap3A_695] {strides = array<i32>} : memref<200x64xf32, #tpu.memory_space<vmem>>, vector<1x16xf32>,
        %swap3A_697 = vector.shape_cast %swap3A_696 : vector<1x16xf32> to vector<16xf32>
        %swap3A_698 = vector.shape_cast %add3A_689 : vector<16xf32> to vector<1x16xf32>
        tpu.vector_store %swap3A_693[%swap3A_694, %swap3A_695], %swap3A_698 {strides = array<i32>} : memref<200x64xf32, #tpu.memory_space<vmem>>, vector<1x16xf32>,
        %get3A_699 = arith.constant 0 : i32
        %get3A_700 = arith.constant 0 : i32
        %get3A_701 = tpu.memref_slice %arg8[%scan3A_629, %get3A_699, %get3A_700] : memref<7x200x64xf32, #tpu.memory_space<vmem>> -> memref<1x200x64xf32, #tpu.memory_space<vmem>>
        %get3A_702 = tpu.memref_squeeze %get3A_701 : memref<1x200x64xf32, #tpu.memory_space<vmem>> -> memref<200x64xf32, #tpu.memory_space<vmem>>
        %get3A_703 = arith.index_cast %scan3A_656 : i32 to index
        %get3A_704 = arith.constant 32 : index
        %get3A_705 = tpu.vector_load %get3A_702[%get3A_703, %get3A_704] {strides = array<i32>} : memref<200x64xf32, #tpu.memory_space<vmem>>, vector<1x16xf32>,
        %get3A_706 = vector.shape_cast %get3A_705 : vector<1x16xf32> to vector<16xf32>
        %get3A_707 = arith.index_cast %scan3A_656 : i32 to index
        %get3A_708 = arith.constant 32 : index
        %get3A_709 = tpu.vector_load %arg7[%get3A_707, %get3A_708] {strides = array<i32>} : memref<200x64xf32, #tpu.memory_space<vmem>>, vector<1x16xf32>,
        %get3A_710 = vector.shape_cast %get3A_709 : vector<1x16xf32> to vector<16xf32>
        %add3A_711 = arith.addf %get3A_706, %get3A_710 : vector<16xf32>
        %swap3A_712 = arith.constant 0 : i32
        %swap3A_713 = arith.constant 0 : i32
        %swap3A_714 = tpu.memref_slice %arg8[%scan3A_629, %swap3A_712, %swap3A_713] : memref<7x200x64xf32, #tpu.memory_space<vmem>> -> memref<1x200x64xf32, #tpu.memory_space<vmem>>
        %swap3A_715 = tpu.memref_squeeze %swap3A_714 : memref<1x200x64xf32, #tpu.memory_space<vmem>> -> memref<200x64xf32, #tpu.memory_space<vmem>>
        %swap3A_716 = arith.index_cast %scan3A_656 : i32 to index
        %swap3A_717 = arith.constant 32 : index
        %swap3A_718 = tpu.vector_load %swap3A_715[%swap3A_716, %swap3A_717] {strides = array<i32>} : memref<200x64xf32, #tpu.memory_space<vmem>>, vector<1x16xf32>,
        %swap3A_719 = vector.shape_cast %swap3A_718 : vector<1x16xf32> to vector<16xf32>
        %swap3A_720 = vector.shape_cast %add3A_711 : vector<16xf32> to vector<1x16xf32>
        tpu.vector_store %swap3A_715[%swap3A_716, %swap3A_717], %swap3A_720 {strides = array<i32>} : memref<200x64xf32, #tpu.memory_space<vmem>>, vector<1x16xf32>,
        %get3A_721 = arith.constant 0 : i32
        %get3A_722 = arith.constant 0 : i32
        %get3A_723 = tpu.memref_slice %arg8[%scan3A_629, %get3A_721, %get3A_722] : memref<7x200x64xf32, #tpu.memory_space<vmem>> -> memref<1x200x64xf32, #tpu.memory_space<vmem>>
        %get3A_724 = tpu.memref_squeeze %get3A_723 : memref<1x200x64xf32, #tpu.memory_space<vmem>> -> memref<200x64xf32, #tpu.memory_space<vmem>>
        %get3A_725 = arith.index_cast %scan3A_656 : i32 to index
        %get3A_726 = arith.constant 48 : index
        %get3A_727 = tpu.vector_load %get3A_724[%get3A_725, %get3A_726] {strides = array<i32>} : memref<200x64xf32, #tpu.memory_space<vmem>>, vector<1x16xf32>,
        %get3A_728 = vector.shape_cast %get3A_727 : vector<1x16xf32> to vector<16xf32>
        %get3A_729 = arith.index_cast %scan3A_656 : i32 to index
        %get3A_730 = arith.constant 48 : index
        %get3A_731 = tpu.vector_load %arg7[%get3A_729, %get3A_730] {strides = array<i32>} : memref<200x64xf32, #tpu.memory_space<vmem>>, vector<1x16xf32>,
        %get3A_732 = vector.shape_cast %get3A_731 : vector<1x16xf32> to vector<16xf32>
        %add3A_733 = arith.addf %get3A_728, %get3A_732 : vector<16xf32>
        %swap3A_734 = arith.constant 0 : i32
        %swap3A_735 = arith.constant 0 : i32
        %swap3A_736 = tpu.memref_slice %arg8[%scan3A_629, %swap3A_734, %swap3A_735] : memref<7x200x64xf32, #tpu.memory_space<vmem>> -> memref<1x200x64xf32, #tpu.memory_space<vmem>>
        %swap3A_737 = tpu.memref_squeeze %swap3A_736 : memref<1x200x64xf32, #tpu.memory_space<vmem>> -> memref<200x64xf32, #tpu.memory_space<vmem>>
        %swap3A_738 = arith.index_cast %scan3A_656 : i32 to index
        %swap3A_739 = arith.constant 48 : index
        %swap3A_740 = tpu.vector_load %swap3A_737[%swap3A_738, %swap3A_739] {strides = array<i32>} : memref<200x64xf32, #tpu.memory_space<vmem>>, vector<1x16xf32>,
        %swap3A_741 = vector.shape_cast %swap3A_740 : vector<1x16xf32> to vector<16xf32>
        %swap3A_742 = vector.shape_cast %add3A_733 : vector<16xf32> to vector<1x16xf32>
        tpu.vector_store %swap3A_737[%swap3A_738, %swap3A_739], %swap3A_742 {strides = array<i32>} : memref<200x64xf32, #tpu.memory_space<vmem>>, vector<1x16xf32>,
        %scan3A_743 = arith.constant 1 : i32
        %scan3A_744 = arith.addi %scan3A_656, %scan3A_743 : i32
        %get3A_745 = arith.constant 0 : i32
        %get3A_746 = arith.constant 0 : i32
        %get3A_747 = tpu.memref_slice %arg8[%scan3A_629, %get3A_745, %get3A_746] : memref<7x200x64xf32, #tpu.memory_space<vmem>> -> memref<1x200x64xf32, #tpu.memory_space<vmem>>
        %get3A_748 = tpu.memref_squeeze %get3A_747 : memref<1x200x64xf32, #tpu.memory_space<vmem>> -> memref<200x64xf32, #tpu.memory_space<vmem>>
        %get3A_749 = arith.index_cast %scan3A_744 : i32 to index
        %get3A_750 = arith.constant 0 : index
        %get3A_751 = tpu.vector_load %get3A_748[%get3A_749, %get3A_750] {strides = array<i32>} : memref<200x64xf32, #tpu.memory_space<vmem>>, vector<1x16xf32>,
        %get3A_752 = vector.shape_cast %get3A_751 : vector<1x16xf32> to vector<16xf32>
        %get3A_753 = arith.index_cast %scan3A_744 : i32 to index
        %get3A_754 = arith.constant 0 : index
        %get3A_755 = tpu.vector_load %arg7[%get3A_753, %get3A_754] {strides = array<i32>} : memref<200x64xf32, #tpu.memory_space<vmem>>, vector<1x16xf32>,
        %get3A_756 = vector.shape_cast %get3A_755 : vector<1x16xf32> to vector<16xf32>
        %add3A_757 = arith.addf %get3A_752, %get3A_756 : vector<16xf32>
        %swap3A_758 = arith.constant 0 : i32
        %swap3A_759 = arith.constant 0 : i32
        %swap3A_760 = tpu.memref_slice %arg8[%scan3A_629, %swap3A_758, %swap3A_759] : memref<7x200x64xf32, #tpu.memory_space<vmem>> -> memref<1x200x64xf32, #tpu.memory_space<vmem>>
        %swap3A_761 = tpu.memref_squeeze %swap3A_760 : memref<1x200x64xf32, #tpu.memory_space<vmem>> -> memref<200x64xf32, #tpu.memory_space<vmem>>
        %swap3A_762 = arith.index_cast %scan3A_744 : i32 to index
        %swap3A_763 = arith.constant 0 : index
        %swap3A_764 = tpu.vector_load %swap3A_761[%swap3A_762, %swap3A_763] {strides = array<i32>} : memref<200x64xf32, #tpu.memory_space<vmem>>, vector<1x16xf32>,
        %swap3A_765 = vector.shape_cast %swap3A_764 : vector<1x16xf32> to vector<16xf32>
        %swap3A_766 = vector.shape_cast %add3A_757 : vector<16xf32> to vector<1x16xf32>
        tpu.vector_store %swap3A_761[%swap3A_762, %swap3A_763], %swap3A_766 {strides = array<i32>} : memref<200x64xf32, #tpu.memory_space<vmem>>, vector<1x16xf32>,
        %get3A_767 = arith.constant 0 : i32
        %get3A_768 = arith.constant 0 : i32
        %get3A_769 = tpu.memref_slice %arg8[%scan3A_629, %get3A_767, %get3A_768] : memref<7x200x64xf32, #tpu.memory_space<vmem>> -> memref<1x200x64xf32, #tpu.memory_space<vmem>>
        %get3A_770 = tpu.memref_squeeze %get3A_769 : memref<1x200x64xf32, #tpu.memory_space<vmem>> -> memref<200x64xf32, #tpu.memory_space<vmem>>
        %get3A_771 = arith.index_cast %scan3A_744 : i32 to index
        %get3A_772 = arith.constant 16 : index
        %get3A_773 = tpu.vector_load %get3A_770[%get3A_771, %get3A_772] {strides = array<i32>} : memref<200x64xf32, #tpu.memory_space<vmem>>, vector<1x16xf32>,
        %get3A_774 = vector.shape_cast %get3A_773 : vector<1x16xf32> to vector<16xf32>
        %get3A_775 = arith.index_cast %scan3A_744 : i32 to index
        %get3A_776 = arith.constant 16 : index
        %get3A_777 = tpu.vector_load %arg7[%get3A_775, %get3A_776] {strides = array<i32>} : memref<200x64xf32, #tpu.memory_space<vmem>>, vector<1x16xf32>,
        %get3A_778 = vector.shape_cast %get3A_777 : vector<1x16xf32> to vector<16xf32>
        %add3A_779 = arith.addf %get3A_774, %get3A_778 : vector<16xf32>
        %swap3A_780 = arith.constant 0 : i32
        %swap3A_781 = arith.constant 0 : i32
        %swap3A_782 = tpu.memref_slice %arg8[%scan3A_629, %swap3A_780, %swap3A_781] : memref<7x200x64xf32, #tpu.memory_space<vmem>> -> memref<1x200x64xf32, #tpu.memory_space<vmem>>
        %swap3A_783 = tpu.memref_squeeze %swap3A_782 : memref<1x200x64xf32, #tpu.memory_space<vmem>> -> memref<200x64xf32, #tpu.memory_space<vmem>>
        %swap3A_784 = arith.index_cast %scan3A_744 : i32 to index
        %swap3A_785 = arith.constant 16 : index
        %swap3A_786 = tpu.vector_load %swap3A_783[%swap3A_784, %swap3A_785] {strides = array<i32>} : memref<200x64xf32, #tpu.memory_space<vmem>>, vector<1x16xf32>,
        %swap3A_787 = vector.shape_cast %swap3A_786 : vector<1x16xf32> to vector<16xf32>
        %swap3A_788 = vector.shape_cast %add3A_779 : vector<16xf32> to vector<1x16xf32>
        tpu.vector_store %swap3A_783[%swap3A_784, %swap3A_785], %swap3A_788 {strides = array<i32>} : memref<200x64xf32, #tpu.memory_space<vmem>>, vector<1x16xf32>,
        %get3A_789 = arith.constant 0 : i32
        %get3A_790 = arith.constant 0 : i32
        %get3A_791 = tpu.memref_slice %arg8[%scan3A_629, %get3A_789, %get3A_790] : memref<7x200x64xf32, #tpu.memory_space<vmem>> -> memref<1x200x64xf32, #tpu.memory_space<vmem>>
        %get3A_792 = tpu.memref_squeeze %get3A_791 : memref<1x200x64xf32, #tpu.memory_space<vmem>> -> memref<200x64xf32, #tpu.memory_space<vmem>>
        %get3A_793 = arith.index_cast %scan3A_744 : i32 to index
        %get3A_794 = arith.constant 32 : index
        %get3A_795 = tpu.vector_load %get3A_792[%get3A_793, %get3A_794] {strides = array<i32>} : memref<200x64xf32, #tpu.memory_space<vmem>>, vector<1x16xf32>,
        %get3A_796 = vector.shape_cast %get3A_795 : vector<1x16xf32> to vector<16xf32>
        %get3A_797 = arith.index_cast %scan3A_744 : i32 to index
        %get3A_798 = arith.constant 32 : index
        %get3A_799 = tpu.vector_load %arg7[%get3A_797, %get3A_798] {strides = array<i32>} : memref<200x64xf32, #tpu.memory_space<vmem>>, vector<1x16xf32>,
        %get3A_800 = vector.shape_cast %get3A_799 : vector<1x16xf32> to vector<16xf32>
        %add3A_801 = arith.addf %get3A_796, %get3A_800 : vector<16xf32>
        %swap3A_802 = arith.constant 0 : i32
        %swap3A_803 = arith.constant 0 : i32
        %swap3A_804 = tpu.memref_slice %arg8[%scan3A_629, %swap3A_802, %swap3A_803] : memref<7x200x64xf32, #tpu.memory_space<vmem>> -> memref<1x200x64xf32, #tpu.memory_space<vmem>>
        %swap3A_805 = tpu.memref_squeeze %swap3A_804 : memref<1x200x64xf32, #tpu.memory_space<vmem>> -> memref<200x64xf32, #tpu.memory_space<vmem>>
        %swap3A_806 = arith.index_cast %scan3A_744 : i32 to index
        %swap3A_807 = arith.constant 32 : index
        %swap3A_808 = tpu.vector_load %swap3A_805[%swap3A_806, %swap3A_807] {strides = array<i32>} : memref<200x64xf32, #tpu.memory_space<vmem>>, vector<1x16xf32>,
        %swap3A_809 = vector.shape_cast %swap3A_808 : vector<1x16xf32> to vector<16xf32>
        %swap3A_810 = vector.shape_cast %add3A_801 : vector<16xf32> to vector<1x16xf32>
        tpu.vector_store %swap3A_805[%swap3A_806, %swap3A_807], %swap3A_810 {strides = array<i32>} : memref<200x64xf32, #tpu.memory_space<vmem>>, vector<1x16xf32>,
        %get3A_811 = arith.constant 0 : i32
        %get3A_812 = arith.constant 0 : i32
        %get3A_813 = tpu.memref_slice %arg8[%scan3A_629, %get3A_811, %get3A_812] : memref<7x200x64xf32, #tpu.memory_space<vmem>> -> memref<1x200x64xf32, #tpu.memory_space<vmem>>
        %get3A_814 = tpu.memref_squeeze %get3A_813 : memref<1x200x64xf32, #tpu.memory_space<vmem>> -> memref<200x64xf32, #tpu.memory_space<vmem>>
        %get3A_815 = arith.index_cast %scan3A_744 : i32 to index
        %get3A_816 = arith.constant 48 : index
        %get3A_817 = tpu.vector_load %get3A_814[%get3A_815, %get3A_816] {strides = array<i32>} : memref<200x64xf32, #tpu.memory_space<vmem>>, vector<1x16xf32>,
        %get3A_818 = vector.shape_cast %get3A_817 : vector<1x16xf32> to vector<16xf32>
        %get3A_819 = arith.index_cast %scan3A_744 : i32 to index
        %get3A_820 = arith.constant 48 : index
        %get3A_821 = tpu.vector_load %arg7[%get3A_819, %get3A_820] {strides = array<i32>} : memref<200x64xf32, #tpu.memory_space<vmem>>, vector<1x16xf32>,
        %get3A_822 = vector.shape_cast %get3A_821 : vector<1x16xf32> to vector<16xf32>
        %add3A_823 = arith.addf %get3A_818, %get3A_822 : vector<16xf32>
        %swap3A_824 = arith.constant 0 : i32
        %swap3A_825 = arith.constant 0 : i32
        %swap3A_826 = tpu.memref_slice %arg8[%scan3A_629, %swap3A_824, %swap3A_825] : memref<7x200x64xf32, #tpu.memory_space<vmem>> -> memref<1x200x64xf32, #tpu.memory_space<vmem>>
        %swap3A_827 = tpu.memref_squeeze %swap3A_826 : memref<1x200x64xf32, #tpu.memory_space<vmem>> -> memref<200x64xf32, #tpu.memory_space<vmem>>
        %swap3A_828 = arith.index_cast %scan3A_744 : i32 to index
        %swap3A_829 = arith.constant 48 : index
        %swap3A_830 = tpu.vector_load %swap3A_827[%swap3A_828, %swap3A_829] {strides = array<i32>} : memref<200x64xf32, #tpu.memory_space<vmem>>, vector<1x16xf32>,
        %swap3A_831 = vector.shape_cast %swap3A_830 : vector<1x16xf32> to vector<16xf32>
        %swap3A_832 = vector.shape_cast %add3A_823 : vector<16xf32> to vector<1x16xf32>
        tpu.vector_store %swap3A_827[%swap3A_828, %swap3A_829], %swap3A_832 {strides = array<i32>} : memref<200x64xf32, #tpu.memory_space<vmem>>, vector<1x16xf32>,
        %scan3A_833 = arith.constant 2 : i32
        %scan3A_834 = arith.addi %scan3A_656, %scan3A_833 : i32
        %get3A_835 = arith.constant 0 : i32
        %get3A_836 = arith.constant 0 : i32
        %get3A_837 = tpu.memref_slice %arg8[%scan3A_629, %get3A_835, %get3A_836] : memref<7x200x64xf32, #tpu.memory_space<vmem>> -> memref<1x200x64xf32, #tpu.memory_space<vmem>>
        %get3A_838 = tpu.memref_squeeze %get3A_837 : memref<1x200x64xf32, #tpu.memory_space<vmem>> -> memref<200x64xf32, #tpu.memory_space<vmem>>
        %get3A_839 = arith.index_cast %scan3A_834 : i32 to index
        %get3A_840 = arith.constant 0 : index
        %get3A_841 = tpu.vector_load %get3A_838[%get3A_839, %get3A_840] {strides = array<i32>} : memref<200x64xf32, #tpu.memory_space<vmem>>, vector<1x16xf32>,
        %get3A_842 = vector.shape_cast %get3A_841 : vector<1x16xf32> to vector<16xf32>
        %get3A_843 = arith.index_cast %scan3A_834 : i32 to index
        %get3A_844 = arith.constant 0 : index
        %get3A_845 = tpu.vector_load %arg7[%get3A_843, %get3A_844] {strides = array<i32>} : memref<200x64xf32, #tpu.memory_space<vmem>>, vector<1x16xf32>,
        %get3A_846 = vector.shape_cast %get3A_845 : vector<1x16xf32> to vector<16xf32>
        %add3A_847 = arith.addf %get3A_842, %get3A_846 : vector<16xf32>
        %swap3A_848 = arith.constant 0 : i32
        %swap3A_849 = arith.constant 0 : i32
        %swap3A_850 = tpu.memref_slice %arg8[%scan3A_629, %swap3A_848, %swap3A_849] : memref<7x200x64xf32, #tpu.memory_space<vmem>> -> memref<1x200x64xf32, #tpu.memory_space<vmem>>
        %swap3A_851 = tpu.memref_squeeze %swap3A_850 : memref<1x200x64xf32, #tpu.memory_space<vmem>> -> memref<200x64xf32, #tpu.memory_space<vmem>>
        %swap3A_852 = arith.index_cast %scan3A_834 : i32 to index
        %swap3A_853 = arith.constant 0 : index
        %swap3A_854 = tpu.vector_load %swap3A_851[%swap3A_852, %swap3A_853] {strides = array<i32>} : memref<200x64xf32, #tpu.memory_space<vmem>>, vector<1x16xf32>,
        %swap3A_855 = vector.shape_cast %swap3A_854 : vector<1x16xf32> to vector<16xf32>
        %swap3A_856 = vector.shape_cast %add3A_847 : vector<16xf32> to vector<1x16xf32>
        tpu.vector_store %swap3A_851[%swap3A_852, %swap3A_853], %swap3A_856 {strides = array<i32>} : memref<200x64xf32, #tpu.memory_space<vmem>>, vector<1x16xf32>,
        %get3A_857 = arith.constant 0 : i32
        %get3A_858 = arith.constant 0 : i32
        %get3A_859 = tpu.memref_slice %arg8[%scan3A_629, %get3A_857, %get3A_858] : memref<7x200x64xf32, #tpu.memory_space<vmem>> -> memref<1x200x64xf32, #tpu.memory_space<vmem>>
        %get3A_860 = tpu.memref_squeeze %get3A_859 : memref<1x200x64xf32, #tpu.memory_space<vmem>> -> memref<200x64xf32, #tpu.memory_space<vmem>>
        %get3A_861 = arith.index_cast %scan3A_834 : i32 to index
        %get3A_862 = arith.constant 16 : index
        %get3A_863 = tpu.vector_load %get3A_860[%get3A_861, %get3A_862] {strides = array<i32>} : memref<200x64xf32, #tpu.memory_space<vmem>>, vector<1x16xf32>,
        %get3A_864 = vector.shape_cast %get3A_863 : vector<1x16xf32> to vector<16xf32>
        %get3A_865 = arith.index_cast %scan3A_834 : i32 to index
        %get3A_866 = arith.constant 16 : index
        %get3A_867 = tpu.vector_load %arg7[%get3A_865, %get3A_866] {strides = array<i32>} : memref<200x64xf32, #tpu.memory_space<vmem>>, vector<1x16xf32>,
        %get3A_868 = vector.shape_cast %get3A_867 : vector<1x16xf32> to vector<16xf32>
        %add3A_869 = arith.addf %get3A_864, %get3A_868 : vector<16xf32>
        %swap3A_870 = arith.constant 0 : i32
        %swap3A_871 = arith.constant 0 : i32
        %swap3A_872 = tpu.memref_slice %arg8[%scan3A_629, %swap3A_870, %swap3A_871] : memref<7x200x64xf32, #tpu.memory_space<vmem>> -> memref<1x200x64xf32, #tpu.memory_space<vmem>>
        %swap3A_873 = tpu.memref_squeeze %swap3A_872 : memref<1x200x64xf32, #tpu.memory_space<vmem>> -> memref<200x64xf32, #tpu.memory_space<vmem>>
        %swap3A_874 = arith.index_cast %scan3A_834 : i32 to index
        %swap3A_875 = arith.constant 16 : index
        %swap3A_876 = tpu.vector_load %swap3A_873[%swap3A_874, %swap3A_875] {strides = array<i32>} : memref<200x64xf32, #tpu.memory_space<vmem>>, vector<1x16xf32>,
        %swap3A_877 = vector.shape_cast %swap3A_876 : vector<1x16xf32> to vector<16xf32>
        %swap3A_878 = vector.shape_cast %add3A_869 : vector<16xf32> to vector<1x16xf32>
        tpu.vector_store %swap3A_873[%swap3A_874, %swap3A_875], %swap3A_878 {strides = array<i32>} : memref<200x64xf32, #tpu.memory_space<vmem>>, vector<1x16xf32>,
        %get3A_879 = arith.constant 0 : i32
        %get3A_880 = arith.constant 0 : i32
        %get3A_881 = tpu.memref_slice %arg8[%scan3A_629, %get3A_879, %get3A_880] : memref<7x200x64xf32, #tpu.memory_space<vmem>> -> memref<1x200x64xf32, #tpu.memory_space<vmem>>
        %get3A_882 = tpu.memref_squeeze %get3A_881 : memref<1x200x64xf32, #tpu.memory_space<vmem>> -> memref<200x64xf32, #tpu.memory_space<vmem>>
        %get3A_883 = arith.index_cast %scan3A_834 : i32 to index
        %get3A_884 = arith.constant 32 : index
        %get3A_885 = tpu.vector_load %get3A_882[%get3A_883, %get3A_884] {strides = array<i32>} : memref<200x64xf32, #tpu.memory_space<vmem>>, vector<1x16xf32>,
        %get3A_886 = vector.shape_cast %get3A_885 : vector<1x16xf32> to vector<16xf32>
        %get3A_887 = arith.index_cast %scan3A_834 : i32 to index
        %get3A_888 = arith.constant 32 : index
        %get3A_889 = tpu.vector_load %arg7[%get3A_887, %get3A_888] {strides = array<i32>} : memref<200x64xf32, #tpu.memory_space<vmem>>, vector<1x16xf32>,
        %get3A_890 = vector.shape_cast %get3A_889 : vector<1x16xf32> to vector<16xf32>
        %add3A_891 = arith.addf %get3A_886, %get3A_890 : vector<16xf32>
        %swap3A_892 = arith.constant 0 : i32
        %swap3A_893 = arith.constant 0 : i32
        %swap3A_894 = tpu.memref_slice %arg8[%scan3A_629, %swap3A_892, %swap3A_893] : memref<7x200x64xf32, #tpu.memory_space<vmem>> -> memref<1x200x64xf32, #tpu.memory_space<vmem>>
        %swap3A_895 = tpu.memref_squeeze %swap3A_894 : memref<1x200x64xf32, #tpu.memory_space<vmem>> -> memref<200x64xf32, #tpu.memory_space<vmem>>
        %swap3A_896 = arith.index_cast %scan3A_834 : i32 to index
        %swap3A_897 = arith.constant 32 : index
        %swap3A_898 = tpu.vector_load %swap3A_895[%swap3A_896, %swap3A_897] {strides = array<i32>} : memref<200x64xf32, #tpu.memory_space<vmem>>, vector<1x16xf32>,
        %swap3A_899 = vector.shape_cast %swap3A_898 : vector<1x16xf32> to vector<16xf32>
        %swap3A_900 = vector.shape_cast %add3A_891 : vector<16xf32> to vector<1x16xf32>
        tpu.vector_store %swap3A_895[%swap3A_896, %swap3A_897], %swap3A_900 {strides = array<i32>} : memref<200x64xf32, #tpu.memory_space<vmem>>, vector<1x16xf32>,
        %get3A_901 = arith.constant 0 : i32
        %get3A_902 = arith.constant 0 : i32
        %get3A_903 = tpu.memref_slice %arg8[%scan3A_629, %get3A_901, %get3A_902] : memref<7x200x64xf32, #tpu.memory_space<vmem>> -> memref<1x200x64xf32, #tpu.memory_space<vmem>>
        %get3A_904 = tpu.memref_squeeze %get3A_903 : memref<1x200x64xf32, #tpu.memory_space<vmem>> -> memref<200x64xf32, #tpu.memory_space<vmem>>
        %get3A_905 = arith.index_cast %scan3A_834 : i32 to index
        %get3A_906 = arith.constant 48 : index
        %get3A_907 = tpu.vector_load %get3A_904[%get3A_905, %get3A_906] {strides = array<i32>} : memref<200x64xf32, #tpu.memory_space<vmem>>, vector<1x16xf32>,
        %get3A_908 = vector.shape_cast %get3A_907 : vector<1x16xf32> to vector<16xf32>
        %get3A_909 = arith.index_cast %scan3A_834 : i32 to index
        %get3A_910 = arith.constant 48 : index
        %get3A_911 = tpu.vector_load %arg7[%get3A_909, %get3A_910] {strides = array<i32>} : memref<200x64xf32, #tpu.memory_space<vmem>>, vector<1x16xf32>,
        %get3A_912 = vector.shape_cast %get3A_911 : vector<1x16xf32> to vector<16xf32>
        %add3A_913 = arith.addf %get3A_908, %get3A_912 : vector<16xf32>
        %swap3A_914 = arith.constant 0 : i32
        %swap3A_915 = arith.constant 0 : i32
        %swap3A_916 = tpu.memref_slice %arg8[%scan3A_629, %swap3A_914, %swap3A_915] : memref<7x200x64xf32, #tpu.memory_space<vmem>> -> memref<1x200x64xf32, #tpu.memory_space<vmem>>
        %swap3A_917 = tpu.memref_squeeze %swap3A_916 : memref<1x200x64xf32, #tpu.memory_space<vmem>> -> memref<200x64xf32, #tpu.memory_space<vmem>>
        %swap3A_918 = arith.index_cast %scan3A_834 : i32 to index
        %swap3A_919 = arith.constant 48 : index
        %swap3A_920 = tpu.vector_load %swap3A_917[%swap3A_918, %swap3A_919] {strides = array<i32>} : memref<200x64xf32, #tpu.memory_space<vmem>>, vector<1x16xf32>,
        %swap3A_921 = vector.shape_cast %swap3A_920 : vector<1x16xf32> to vector<16xf32>
        %swap3A_922 = vector.shape_cast %add3A_913 : vector<16xf32> to vector<1x16xf32>
        tpu.vector_store %swap3A_917[%swap3A_918, %swap3A_919], %swap3A_922 {strides = array<i32>} : memref<200x64xf32, #tpu.memory_space<vmem>>, vector<1x16xf32>,
        %scan3A_923 = arith.constant 3 : i32
        %scan3A_924 = arith.addi %scan3A_656, %scan3A_923 : i32
        %get3A_925 = arith.constant 0 : i32
        %get3A_926 = arith.constant 0 : i32
        %get3A_927 = tpu.memref_slice %arg8[%scan3A_629, %get3A_925, %get3A_926] : memref<7x200x64xf32, #tpu.memory_space<vmem>> -> memref<1x200x64xf32, #tpu.memory_space<vmem>>
        %get3A_928 = tpu.memref_squeeze %get3A_927 : memref<1x200x64xf32, #tpu.memory_space<vmem>> -> memref<200x64xf32, #tpu.memory_space<vmem>>
        %get3A_929 = arith.index_cast %scan3A_924 : i32 to index
        %get3A_930 = arith.constant 0 : index
        %get3A_931 = tpu.vector_load %get3A_928[%get3A_929, %get3A_930] {strides = array<i32>} : memref<200x64xf32, #tpu.memory_space<vmem>>, vector<1x16xf32>,
        %get3A_932 = vector.shape_cast %get3A_931 : vector<1x16xf32> to vector<16xf32>
        %get3A_933 = arith.index_cast %scan3A_924 : i32 to index
        %get3A_934 = arith.constant 0 : index
        %get3A_935 = tpu.vector_load %arg7[%get3A_933, %get3A_934] {strides = array<i32>} : memref<200x64xf32, #tpu.memory_space<vmem>>, vector<1x16xf32>,
        %get3A_936 = vector.shape_cast %get3A_935 : vector<1x16xf32> to vector<16xf32>
        %add3A_937 = arith.addf %get3A_932, %get3A_936 : vector<16xf32>
        %swap3A_938 = arith.constant 0 : i32
        %swap3A_939 = arith.constant 0 : i32
        %swap3A_940 = tpu.memref_slice %arg8[%scan3A_629, %swap3A_938, %swap3A_939] : memref<7x200x64xf32, #tpu.memory_space<vmem>> -> memref<1x200x64xf32, #tpu.memory_space<vmem>>
        %swap3A_941 = tpu.memref_squeeze %swap3A_940 : memref<1x200x64xf32, #tpu.memory_space<vmem>> -> memref<200x64xf32, #tpu.memory_space<vmem>>
        %swap3A_942 = arith.index_cast %scan3A_924 : i32 to index
        %swap3A_943 = arith.constant 0 : index
        %swap3A_944 = tpu.vector_load %swap3A_941[%swap3A_942, %swap3A_943] {strides = array<i32>} : memref<200x64xf32, #tpu.memory_space<vmem>>, vector<1x16xf32>,
        %swap3A_945 = vector.shape_cast %swap3A_944 : vector<1x16xf32> to vector<16xf32>
        %swap3A_946 = vector.shape_cast %add3A_937 : vector<16xf32> to vector<1x16xf32>
        tpu.vector_store %swap3A_941[%swap3A_942, %swap3A_943], %swap3A_946 {strides = array<i32>} : memref<200x64xf32, #tpu.memory_space<vmem>>, vector<1x16xf32>,
        %get3A_947 = arith.constant 0 : i32
        %get3A_948 = arith.constant 0 : i32
        %get3A_949 = tpu.memref_slice %arg8[%scan3A_629, %get3A_947, %get3A_948] : memref<7x200x64xf32, #tpu.memory_space<vmem>> -> memref<1x200x64xf32, #tpu.memory_space<vmem>>
        %get3A_950 = tpu.memref_squeeze %get3A_949 : memref<1x200x64xf32, #tpu.memory_space<vmem>> -> memref<200x64xf32, #tpu.memory_space<vmem>>
        %get3A_951 = arith.index_cast %scan3A_924 : i32 to index
        %get3A_952 = arith.constant 16 : index
        %get3A_953 = tpu.vector_load %get3A_950[%get3A_951, %get3A_952] {strides = array<i32>} : memref<200x64xf32, #tpu.memory_space<vmem>>, vector<1x16xf32>,
        %get3A_954 = vector.shape_cast %get3A_953 : vector<1x16xf32> to vector<16xf32>
        %get3A_955 = arith.index_cast %scan3A_924 : i32 to index
        %get3A_956 = arith.constant 16 : index
        %get3A_957 = tpu.vector_load %arg7[%get3A_955, %get3A_956] {strides = array<i32>} : memref<200x64xf32, #tpu.memory_space<vmem>>, vector<1x16xf32>,
        %get3A_958 = vector.shape_cast %get3A_957 : vector<1x16xf32> to vector<16xf32>
        %add3A_959 = arith.addf %get3A_954, %get3A_958 : vector<16xf32>
        %swap3A_960 = arith.constant 0 : i32
        %swap3A_961 = arith.constant 0 : i32
        %swap3A_962 = tpu.memref_slice %arg8[%scan3A_629, %swap3A_960, %swap3A_961] : memref<7x200x64xf32, #tpu.memory_space<vmem>> -> memref<1x200x64xf32, #tpu.memory_space<vmem>>
        %swap3A_963 = tpu.memref_squeeze %swap3A_962 : memref<1x200x64xf32, #tpu.memory_space<vmem>> -> memref<200x64xf32, #tpu.memory_space<vmem>>
        %swap3A_964 = arith.index_cast %scan3A_924 : i32 to index
        %swap3A_965 = arith.constant 16 : index
        %swap3A_966 = tpu.vector_load %swap3A_963[%swap3A_964, %swap3A_965] {strides = array<i32>} : memref<200x64xf32, #tpu.memory_space<vmem>>, vector<1x16xf32>,
        %swap3A_967 = vector.shape_cast %swap3A_966 : vector<1x16xf32> to vector<16xf32>
        %swap3A_968 = vector.shape_cast %add3A_959 : vector<16xf32> to vector<1x16xf32>
        tpu.vector_store %swap3A_963[%swap3A_964, %swap3A_965], %swap3A_968 {strides = array<i32>} : memref<200x64xf32, #tpu.memory_space<vmem>>, vector<1x16xf32>,
        %get3A_969 = arith.constant 0 : i32
        %get3A_970 = arith.constant 0 : i32
        %get3A_971 = tpu.memref_slice %arg8[%scan3A_629, %get3A_969, %get3A_970] : memref<7x200x64xf32, #tpu.memory_space<vmem>> -> memref<1x200x64xf32, #tpu.memory_space<vmem>>
        %get3A_972 = tpu.memref_squeeze %get3A_971 : memref<1x200x64xf32, #tpu.memory_space<vmem>> -> memref<200x64xf32, #tpu.memory_space<vmem>>
        %get3A_973 = arith.index_cast %scan3A_924 : i32 to index
        %get3A_974 = arith.constant 32 : index
        %get3A_975 = tpu.vector_load %get3A_972[%get3A_973, %get3A_974] {strides = array<i32>} : memref<200x64xf32, #tpu.memory_space<vmem>>, vector<1x16xf32>,
        %get3A_976 = vector.shape_cast %get3A_975 : vector<1x16xf32> to vector<16xf32>
        %get3A_977 = arith.index_cast %scan3A_924 : i32 to index
        %get3A_978 = arith.constant 32 : index
        %get3A_979 = tpu.vector_load %arg7[%get3A_977, %get3A_978] {strides = array<i32>} : memref<200x64xf32, #tpu.memory_space<vmem>>, vector<1x16xf32>,
        %get3A_980 = vector.shape_cast %get3A_979 : vector<1x16xf32> to vector<16xf32>
        %add3A_981 = arith.addf %get3A_976, %get3A_980 : vector<16xf32>
        %swap3A_982 = arith.constant 0 : i32
        %swap3A_983 = arith.constant 0 : i32
        %swap3A_984 = tpu.memref_slice %arg8[%scan3A_629, %swap3A_982, %swap3A_983] : memref<7x200x64xf32, #tpu.memory_space<vmem>> -> memref<1x200x64xf32, #tpu.memory_space<vmem>>
        %swap3A_985 = tpu.memref_squeeze %swap3A_984 : memref<1x200x64xf32, #tpu.memory_space<vmem>> -> memref<200x64xf32, #tpu.memory_space<vmem>>
        %swap3A_986 = arith.index_cast %scan3A_924 : i32 to index
        %swap3A_987 = arith.constant 32 : index
        %swap3A_988 = tpu.vector_load %swap3A_985[%swap3A_986, %swap3A_987] {strides = array<i32>} : memref<200x64xf32, #tpu.memory_space<vmem>>, vector<1x16xf32>,
        %swap3A_989 = vector.shape_cast %swap3A_988 : vector<1x16xf32> to vector<16xf32>
        %swap3A_990 = vector.shape_cast %add3A_981 : vector<16xf32> to vector<1x16xf32>
        tpu.vector_store %swap3A_985[%swap3A_986, %swap3A_987], %swap3A_990 {strides = array<i32>} : memref<200x64xf32, #tpu.memory_space<vmem>>, vector<1x16xf32>,
        %get3A_991 = arith.constant 0 : i32
        %get3A_992 = arith.constant 0 : i32
        %get3A_993 = tpu.memref_slice %arg8[%scan3A_629, %get3A_991, %get3A_992] : memref<7x200x64xf32, #tpu.memory_space<vmem>> -> memref<1x200x64xf32, #tpu.memory_space<vmem>>
        %get3A_994 = tpu.memref_squeeze %get3A_993 : memref<1x200x64xf32, #tpu.memory_space<vmem>> -> memref<200x64xf32, #tpu.memory_space<vmem>>
        %get3A_995 = arith.index_cast %scan3A_924 : i32 to index
        %get3A_996 = arith.constant 48 : index
        %get3A_997 = tpu.vector_load %get3A_994[%get3A_995, %get3A_996] {strides = array<i32>} : memref<200x64xf32, #tpu.memory_space<vmem>>, vector<1x16xf32>,
        %get3A_998 = vector.shape_cast %get3A_997 : vector<1x16xf32> to vector<16xf32>
        %get3A_999 = arith.index_cast %scan3A_924 : i32 to index
        %get3A_1000 = arith.constant 48 : index
        %get3A_1001 = tpu.vector_load %arg7[%get3A_999, %get3A_1000] {strides = array<i32>} : memref<200x64xf32, #tpu.memory_space<vmem>>, vector<1x16xf32>,
        %get3A_1002 = vector.shape_cast %get3A_1001 : vector<1x16xf32> to vector<16xf32>
        %add3A_1003 = arith.addf %get3A_998, %get3A_1002 : vector<16xf32>
        %swap3A_1004 = arith.constant 0 : i32
        %swap3A_1005 = arith.constant 0 : i32
        %swap3A_1006 = tpu.memref_slice %arg8[%scan3A_629, %swap3A_1004, %swap3A_1005] : memref<7x200x64xf32, #tpu.memory_space<vmem>> -> memref<1x200x64xf32, #tpu.memory_space<vmem>>
        %swap3A_1007 = tpu.memref_squeeze %swap3A_1006 : memref<1x200x64xf32, #tpu.memory_space<vmem>> -> memref<200x64xf32, #tpu.memory_space<vmem>>
        %swap3A_1008 = arith.index_cast %scan3A_924 : i32 to index
        %swap3A_1009 = arith.constant 48 : index
        %swap3A_1010 = tpu.vector_load %swap3A_1007[%swap3A_1008, %swap3A_1009] {strides = array<i32>} : memref<200x64xf32, #tpu.memory_space<vmem>>, vector<1x16xf32>,
        %swap3A_1011 = vector.shape_cast %swap3A_1010 : vector<1x16xf32> to vector<16xf32>
        %swap3A_1012 = vector.shape_cast %add3A_1003 : vector<16xf32> to vector<1x16xf32>
        tpu.vector_store %swap3A_1007[%swap3A_1008, %swap3A_1009], %swap3A_1012 {strides = array<i32>} : memref<200x64xf32, #tpu.memory_space<vmem>>, vector<1x16xf32>,
      }
      %scan3A_634 = arith.constant 200 : i32
      %add3A_635 = arith.addi %mul3A_2, %add3A_607 : i32
      %dma_start3A_636 = arith.constant 6 : i32
      %dma_start3A_637 = arith.constant 6 : i32
      %dma_start3A_638 = arith.constant 0 : i32
      %dma_start3A_639 = arith.constant 0 : i32
      %dma_start3A_640 = tpu.memref_slice %arg8[%dma_start3A_636, %dma_start3A_638, %dma_start3A_639] : memref<7x200x64xf32, #tpu.memory_space<vmem>> -> memref<1x200x64xf32, #tpu.memory_space<vmem>>
      %dma_start3A_641 = tpu.memref_squeeze %dma_start3A_640 : memref<1x200x64xf32, #tpu.memory_space<vmem>> -> memref<200x64xf32, #tpu.memory_space<vmem>>
      %dma_start3A_642 = arith.constant 0 : i32
      %dma_start3A_643 = arith.constant 0 : i32
      %dma_start3A_644 = tpu.memref_slice %arg5[%add3A_635, %dma_start3A_642, %dma_start3A_643] : memref<4096x200x64xf32, #tpu.memory_space<hbm>> -> memref<1x200x64xf32, #tpu.memory_space<hbm>>
      %dma_start3A_645 = tpu.memref_squeeze %dma_start3A_644 : memref<1x200x64xf32, #tpu.memory_space<hbm>> -> memref<200x64xf32, #tpu.memory_space<hbm>>
      %dma_start3A_646 = tpu.memref_slice %arg10[%dma_start3A_637] : memref<7x!tpu.dma_semaphore, #tpu.memory_space<semaphore_mem>> -> memref<1x!tpu.dma_semaphore, #tpu.memory_space<semaphore_mem>>
      %dma_start3A_647 = tpu.memref_squeeze %dma_start3A_646 : memref<1x!tpu.dma_semaphore, #tpu.memory_space<semaphore_mem>> -> memref<!tpu.dma_semaphore, #tpu.memory_space<semaphore_mem>>
      %dma_start3A_648 = arith.constant 0 : i32
      %dma_start3A_649 = arith.constant 0 : i32
      %dma_start3A_650 = tpu.memref_slice %arg5[%add3A_635, %dma_start3A_648, %dma_start3A_649] : memref<4096x200x64xf32, #tpu.memory_space<hbm>> -> memref<1x200x64xf32, #tpu.memory_space<hbm>>
      %dma_start3A_651 = tpu.memref_squeeze %dma_start3A_650 : memref<1x200x64xf32, #tpu.memory_space<hbm>> -> memref<200x64xf32, #tpu.memory_space<hbm>>
      %dma_start3A_652 = arith.constant 0 : i32
      %dma_start3A_653 = arith.constant 0 : i32
      %dma_start3A_654 = tpu.memref_slice %arg8[%dma_start3A_636, %dma_start3A_652, %dma_start3A_653] : memref<7x200x64xf32, #tpu.memory_space<vmem>> -> memref<1x200x64xf32, #tpu.memory_space<vmem>>
      %dma_start3A_655 = tpu.memref_squeeze %dma_start3A_654 : memref<1x200x64xf32, #tpu.memory_space<vmem>> -> memref<200x64xf32, #tpu.memory_space<vmem>>
      tpu.enqueue_dma source(%dma_start3A_655 : memref<200x64xf32, #tpu.memory_space<vmem>>) target(%dma_start3A_651 : memref<200x64xf32, #tpu.memory_space<hbm>>) target_semaphore(%dma_start3A_647 : memref<!tpu.dma_semaphore, #tpu.memory_space<semaphore_mem>>)
    }
    %scan3A_66 = arith.constant 18 : i32
    %dma_wait3A = arith.constant 0 : i32
    %dma_wait3A_67 = arith.constant 0 : i32
    %dma_wait3A_68 = arith.constant 0 : i32
    %dma_wait3A_69 = arith.constant 0 : i32
    %dma_wait3A_70 = arith.constant 0 : i32
    %dma_wait3A_71 = tpu.memref_slice %arg8[%dma_wait3A_67, %dma_wait3A_69, %dma_wait3A_70] : memref<7x200x64xf32, #tpu.memory_space<vmem>> -> memref<1x200x64xf32, #tpu.memory_space<vmem>>
    %dma_wait3A_72 = tpu.memref_squeeze %dma_wait3A_71 : memref<1x200x64xf32, #tpu.memory_space<vmem>> -> memref<200x64xf32, #tpu.memory_space<vmem>>
    %dma_wait3A_73 = arith.constant 0 : i32
    %dma_wait3A_74 = tpu.memref_slice %arg6[%dma_wait3A, %dma_wait3A_73] : memref<128x200xi32, #tpu.memory_space<vmem>> -> memref<1x200xi32, #tpu.memory_space<vmem>>
    %dma_wait3A_75 = tpu.memref_squeeze %dma_wait3A_74 : memref<1x200xi32, #tpu.memory_space<vmem>> -> memref<200xi32, #tpu.memory_space<vmem>>
    %dma_wait3A_76 = arith.constant 0 : i32
    %dma_wait3A_77 = arith.constant 0 : i32
    %dma_wait3A_78 = tpu.memref_slice %arg3[%dma_wait3A_76, %dma_wait3A_77] : memref<1000000x64xf32, #tpu.memory_space<hbm>> -> memref<1000000x64xf32, #tpu.memory_space<hbm>>
    %dma_wait3A_79 = tpu.memref_slice %arg9[%dma_wait3A_68] : memref<7x!tpu.dma_semaphore, #tpu.memory_space<semaphore_mem>> -> memref<1x!tpu.dma_semaphore, #tpu.memory_space<semaphore_mem>>
    %dma_wait3A_80 = tpu.memref_squeeze %dma_wait3A_79 : memref<1x!tpu.dma_semaphore, #tpu.memory_space<semaphore_mem>> -> memref<!tpu.dma_semaphore, #tpu.memory_space<semaphore_mem>>
    tpu.wait_indirect_dma semaphore(%dma_wait3A_80 : memref<!tpu.dma_semaphore, #tpu.memory_space<semaphore_mem>>) src(%dma_wait3A_78 : memref<1000000x64xf32, #tpu.memory_space<hbm>>) dst(%dma_wait3A_72 : memref<200x64xf32, #tpu.memory_space<vmem>>)
    %scan3A_81 = arith.constant 0 : i32
    %scan3A_82 = arith.constant 0 : i32
    %scan3A_83 = arith.constant 0 : i32
    %scan3A_84 = arith.constant 200 : i32
    %scan3A_85 = arith.addi %scan3A_83, %scan3A_84 : i32
    %scan3A_86 = arith.constant 4 : i32
    scf.for %scan3A_294 = %scan3A_83 to %scan3A_85 step %scan3A_86  : i32 {
      %get3A = arith.constant 0 : i32
      %get3A_295 = arith.constant 0 : i32
      %get3A_296 = tpu.memref_slice %arg8[%scan3A_82, %get3A, %get3A_295] : memref<7x200x64xf32, #tpu.memory_space<vmem>> -> memref<1x200x64xf32, #tpu.memory_space<vmem>>
      %get3A_297 = tpu.memref_squeeze %get3A_296 : memref<1x200x64xf32, #tpu.memory_space<vmem>> -> memref<200x64xf32, #tpu.memory_space<vmem>>
      %get3A_298 = arith.index_cast %scan3A_294 : i32 to index
      %get3A_299 = arith.constant 0 : index
      %get3A_300 = tpu.vector_load %get3A_297[%get3A_298, %get3A_299] {strides = array<i32>} : memref<200x64xf32, #tpu.memory_space<vmem>>, vector<1x16xf32>,
      %get3A_301 = vector.shape_cast %get3A_300 : vector<1x16xf32> to vector<16xf32>
      %get3A_302 = arith.index_cast %scan3A_294 : i32 to index
      %get3A_303 = arith.constant 0 : index
      %get3A_304 = tpu.vector_load %arg7[%get3A_302, %get3A_303] {strides = array<i32>} : memref<200x64xf32, #tpu.memory_space<vmem>>, vector<1x16xf32>,
      %get3A_305 = vector.shape_cast %get3A_304 : vector<1x16xf32> to vector<16xf32>
      %add3A_306 = arith.addf %get3A_301, %get3A_305 : vector<16xf32>
      %swap3A = arith.constant 0 : i32
      %swap3A_307 = arith.constant 0 : i32
      %swap3A_308 = tpu.memref_slice %arg8[%scan3A_82, %swap3A, %swap3A_307] : memref<7x200x64xf32, #tpu.memory_space<vmem>> -> memref<1x200x64xf32, #tpu.memory_space<vmem>>
      %swap3A_309 = tpu.memref_squeeze %swap3A_308 : memref<1x200x64xf32, #tpu.memory_space<vmem>> -> memref<200x64xf32, #tpu.memory_space<vmem>>
      %swap3A_310 = arith.index_cast %scan3A_294 : i32 to index
      %swap3A_311 = arith.constant 0 : index
      %swap3A_312 = tpu.vector_load %swap3A_309[%swap3A_310, %swap3A_311] {strides = array<i32>} : memref<200x64xf32, #tpu.memory_space<vmem>>, vector<1x16xf32>,
      %swap3A_313 = vector.shape_cast %swap3A_312 : vector<1x16xf32> to vector<16xf32>
      %swap3A_314 = vector.shape_cast %add3A_306 : vector<16xf32> to vector<1x16xf32>
      tpu.vector_store %swap3A_309[%swap3A_310, %swap3A_311], %swap3A_314 {strides = array<i32>} : memref<200x64xf32, #tpu.memory_space<vmem>>, vector<1x16xf32>,
      %get3A_315 = arith.constant 0 : i32
      %get3A_316 = arith.constant 0 : i32
      %get3A_317 = tpu.memref_slice %arg8[%scan3A_82, %get3A_315, %get3A_316] : memref<7x200x64xf32, #tpu.memory_space<vmem>> -> memref<1x200x64xf32, #tpu.memory_space<vmem>>
      %get3A_318 = tpu.memref_squeeze %get3A_317 : memref<1x200x64xf32, #tpu.memory_space<vmem>> -> memref<200x64xf32, #tpu.memory_space<vmem>>
      %get3A_319 = arith.index_cast %scan3A_294 : i32 to index
      %get3A_320 = arith.constant 16 : index
      %get3A_321 = tpu.vector_load %get3A_318[%get3A_319, %get3A_320] {strides = array<i32>} : memref<200x64xf32, #tpu.memory_space<vmem>>, vector<1x16xf32>,
      %get3A_322 = vector.shape_cast %get3A_321 : vector<1x16xf32> to vector<16xf32>
      %get3A_323 = arith.index_cast %scan3A_294 : i32 to index
      %get3A_324 = arith.constant 16 : index
      %get3A_325 = tpu.vector_load %arg7[%get3A_323, %get3A_324] {strides = array<i32>} : memref<200x64xf32, #tpu.memory_space<vmem>>, vector<1x16xf32>,
      %get3A_326 = vector.shape_cast %get3A_325 : vector<1x16xf32> to vector<16xf32>
      %add3A_327 = arith.addf %get3A_322, %get3A_326 : vector<16xf32>
      %swap3A_328 = arith.constant 0 : i32
      %swap3A_329 = arith.constant 0 : i32
      %swap3A_330 = tpu.memref_slice %arg8[%scan3A_82, %swap3A_328, %swap3A_329] : memref<7x200x64xf32, #tpu.memory_space<vmem>> -> memref<1x200x64xf32, #tpu.memory_space<vmem>>
      %swap3A_331 = tpu.memref_squeeze %swap3A_330 : memref<1x200x64xf32, #tpu.memory_space<vmem>> -> memref<200x64xf32, #tpu.memory_space<vmem>>
      %swap3A_332 = arith.index_cast %scan3A_294 : i32 to index
      %swap3A_333 = arith.constant 16 : index
      %swap3A_334 = tpu.vector_load %swap3A_331[%swap3A_332, %swap3A_333] {strides = array<i32>} : memref<200x64xf32, #tpu.memory_space<vmem>>, vector<1x16xf32>,
      %swap3A_335 = vector.shape_cast %swap3A_334 : vector<1x16xf32> to vector<16xf32>
      %swap3A_336 = vector.shape_cast %add3A_327 : vector<16xf32> to vector<1x16xf32>
      tpu.vector_store %swap3A_331[%swap3A_332, %swap3A_333], %swap3A_336 {strides = array<i32>} : memref<200x64xf32, #tpu.memory_space<vmem>>, vector<1x16xf32>,
      %get3A_337 = arith.constant 0 : i32
      %get3A_338 = arith.constant 0 : i32
      %get3A_339 = tpu.memref_slice %arg8[%scan3A_82, %get3A_337, %get3A_338] : memref<7x200x64xf32, #tpu.memory_space<vmem>> -> memref<1x200x64xf32, #tpu.memory_space<vmem>>
      %get3A_340 = tpu.memref_squeeze %get3A_339 : memref<1x200x64xf32, #tpu.memory_space<vmem>> -> memref<200x64xf32, #tpu.memory_space<vmem>>
      %get3A_341 = arith.index_cast %scan3A_294 : i32 to index
      %get3A_342 = arith.constant 32 : index
      %get3A_343 = tpu.vector_load %get3A_340[%get3A_341, %get3A_342] {strides = array<i32>} : memref<200x64xf32, #tpu.memory_space<vmem>>, vector<1x16xf32>,
      %get3A_344 = vector.shape_cast %get3A_343 : vector<1x16xf32> to vector<16xf32>
      %get3A_345 = arith.index_cast %scan3A_294 : i32 to index
      %get3A_346 = arith.constant 32 : index
      %get3A_347 = tpu.vector_load %arg7[%get3A_345, %get3A_346] {strides = array<i32>} : memref<200x64xf32, #tpu.memory_space<vmem>>, vector<1x16xf32>,
      %get3A_348 = vector.shape_cast %get3A_347 : vector<1x16xf32> to vector<16xf32>
      %add3A_349 = arith.addf %get3A_344, %get3A_348 : vector<16xf32>
      %swap3A_350 = arith.constant 0 : i32
      %swap3A_351 = arith.constant 0 : i32
      %swap3A_352 = tpu.memref_slice %arg8[%scan3A_82, %swap3A_350, %swap3A_351] : memref<7x200x64xf32, #tpu.memory_space<vmem>> -> memref<1x200x64xf32, #tpu.memory_space<vmem>>
      %swap3A_353 = tpu.memref_squeeze %swap3A_352 : memref<1x200x64xf32, #tpu.memory_space<vmem>> -> memref<200x64xf32, #tpu.memory_space<vmem>>
      %swap3A_354 = arith.index_cast %scan3A_294 : i32 to index
      %swap3A_355 = arith.constant 32 : index
      %swap3A_356 = tpu.vector_load %swap3A_353[%swap3A_354, %swap3A_355] {strides = array<i32>} : memref<200x64xf32, #tpu.memory_space<vmem>>, vector<1x16xf32>,
      %swap3A_357 = vector.shape_cast %swap3A_356 : vector<1x16xf32> to vector<16xf32>
      %swap3A_358 = vector.shape_cast %add3A_349 : vector<16xf32> to vector<1x16xf32>
      tpu.vector_store %swap3A_353[%swap3A_354, %swap3A_355], %swap3A_358 {strides = array<i32>} : memref<200x64xf32, #tpu.memory_space<vmem>>, vector<1x16xf32>,
      %get3A_359 = arith.constant 0 : i32
      %get3A_360 = arith.constant 0 : i32
      %get3A_361 = tpu.memref_slice %arg8[%scan3A_82, %get3A_359, %get3A_360] : memref<7x200x64xf32, #tpu.memory_space<vmem>> -> memref<1x200x64xf32, #tpu.memory_space<vmem>>
      %get3A_362 = tpu.memref_squeeze %get3A_361 : memref<1x200x64xf32, #tpu.memory_space<vmem>> -> memref<200x64xf32, #tpu.memory_space<vmem>>
      %get3A_363 = arith.index_cast %scan3A_294 : i32 to index
      %get3A_364 = arith.constant 48 : index
      %get3A_365 = tpu.vector_load %get3A_362[%get3A_363, %get3A_364] {strides = array<i32>} : memref<200x64xf32, #tpu.memory_space<vmem>>, vector<1x16xf32>,
      %get3A_366 = vector.shape_cast %get3A_365 : vector<1x16xf32> to vector<16xf32>
      %get3A_367 = arith.index_cast %scan3A_294 : i32 to index
      %get3A_368 = arith.constant 48 : index
      %get3A_369 = tpu.vector_load %arg7[%get3A_367, %get3A_368] {strides = array<i32>} : memref<200x64xf32, #tpu.memory_space<vmem>>, vector<1x16xf32>,
      %get3A_370 = vector.shape_cast %get3A_369 : vector<1x16xf32> to vector<16xf32>
      %add3A_371 = arith.addf %get3A_366, %get3A_370 : vector<16xf32>
      %swap3A_372 = arith.constant 0 : i32
      %swap3A_373 = arith.constant 0 : i32
      %swap3A_374 = tpu.memref_slice %arg8[%scan3A_82, %swap3A_372, %swap3A_373] : memref<7x200x64xf32, #tpu.memory_space<vmem>> -> memref<1x200x64xf32, #tpu.memory_space<vmem>>
      %swap3A_375 = tpu.memref_squeeze %swap3A_374 : memref<1x200x64xf32, #tpu.memory_space<vmem>> -> memref<200x64xf32, #tpu.memory_space<vmem>>
      %swap3A_376 = arith.index_cast %scan3A_294 : i32 to index
      %swap3A_377 = arith.constant 48 : index
      %swap3A_378 = tpu.vector_load %swap3A_375[%swap3A_376, %swap3A_377] {strides = array<i32>} : memref<200x64xf32, #tpu.memory_space<vmem>>, vector<1x16xf32>,
      %swap3A_379 = vector.shape_cast %swap3A_378 : vector<1x16xf32> to vector<16xf32>
      %swap3A_380 = vector.shape_cast %add3A_371 : vector<16xf32> to vector<1x16xf32>
      tpu.vector_store %swap3A_375[%swap3A_376, %swap3A_377], %swap3A_380 {strides = array<i32>} : memref<200x64xf32, #tpu.memory_space<vmem>>, vector<1x16xf32>,
      %scan3A_381 = arith.constant 1 : i32
      %scan3A_382 = arith.addi %scan3A_294, %scan3A_381 : i32
      %get3A_383 = arith.constant 0 : i32
      %get3A_384 = arith.constant 0 : i32
      %get3A_385 = tpu.memref_slice %arg8[%scan3A_82, %get3A_383, %get3A_384] : memref<7x200x64xf32, #tpu.memory_space<vmem>> -> memref<1x200x64xf32, #tpu.memory_space<vmem>>
      %get3A_386 = tpu.memref_squeeze %get3A_385 : memref<1x200x64xf32, #tpu.memory_space<vmem>> -> memref<200x64xf32, #tpu.memory_space<vmem>>
      %get3A_387 = arith.index_cast %scan3A_382 : i32 to index
      %get3A_388 = arith.constant 0 : index
      %get3A_389 = tpu.vector_load %get3A_386[%get3A_387, %get3A_388] {strides = array<i32>} : memref<200x64xf32, #tpu.memory_space<vmem>>, vector<1x16xf32>,
      %get3A_390 = vector.shape_cast %get3A_389 : vector<1x16xf32> to vector<16xf32>
      %get3A_391 = arith.index_cast %scan3A_382 : i32 to index
      %get3A_392 = arith.constant 0 : index
      %get3A_393 = tpu.vector_load %arg7[%get3A_391, %get3A_392] {strides = array<i32>} : memref<200x64xf32, #tpu.memory_space<vmem>>, vector<1x16xf32>,
      %get3A_394 = vector.shape_cast %get3A_393 : vector<1x16xf32> to vector<16xf32>
      %add3A_395 = arith.addf %get3A_390, %get3A_394 : vector<16xf32>
      %swap3A_396 = arith.constant 0 : i32
      %swap3A_397 = arith.constant 0 : i32
      %swap3A_398 = tpu.memref_slice %arg8[%scan3A_82, %swap3A_396, %swap3A_397] : memref<7x200x64xf32, #tpu.memory_space<vmem>> -> memref<1x200x64xf32, #tpu.memory_space<vmem>>
      %swap3A_399 = tpu.memref_squeeze %swap3A_398 : memref<1x200x64xf32, #tpu.memory_space<vmem>> -> memref<200x64xf32, #tpu.memory_space<vmem>>
      %swap3A_400 = arith.index_cast %scan3A_382 : i32 to index
      %swap3A_401 = arith.constant 0 : index
      %swap3A_402 = tpu.vector_load %swap3A_399[%swap3A_400, %swap3A_401] {strides = array<i32>} : memref<200x64xf32, #tpu.memory_space<vmem>>, vector<1x16xf32>,
      %swap3A_403 = vector.shape_cast %swap3A_402 : vector<1x16xf32> to vector<16xf32>
      %swap3A_404 = vector.shape_cast %add3A_395 : vector<16xf32> to vector<1x16xf32>
      tpu.vector_store %swap3A_399[%swap3A_400, %swap3A_401], %swap3A_404 {strides = array<i32>} : memref<200x64xf32, #tpu.memory_space<vmem>>, vector<1x16xf32>,
      %get3A_405 = arith.constant 0 : i32
      %get3A_406 = arith.constant 0 : i32
      %get3A_407 = tpu.memref_slice %arg8[%scan3A_82, %get3A_405, %get3A_406] : memref<7x200x64xf32, #tpu.memory_space<vmem>> -> memref<1x200x64xf32, #tpu.memory_space<vmem>>
      %get3A_408 = tpu.memref_squeeze %get3A_407 : memref<1x200x64xf32, #tpu.memory_space<vmem>> -> memref<200x64xf32, #tpu.memory_space<vmem>>
      %get3A_409 = arith.index_cast %scan3A_382 : i32 to index
      %get3A_410 = arith.constant 16 : index
      %get3A_411 = tpu.vector_load %get3A_408[%get3A_409, %get3A_410] {strides = array<i32>} : memref<200x64xf32, #tpu.memory_space<vmem>>, vector<1x16xf32>,
      %get3A_412 = vector.shape_cast %get3A_411 : vector<1x16xf32> to vector<16xf32>
      %get3A_413 = arith.index_cast %scan3A_382 : i32 to index
      %get3A_414 = arith.constant 16 : index
      %get3A_415 = tpu.vector_load %arg7[%get3A_413, %get3A_414] {strides = array<i32>} : memref<200x64xf32, #tpu.memory_space<vmem>>, vector<1x16xf32>,
      %get3A_416 = vector.shape_cast %get3A_415 : vector<1x16xf32> to vector<16xf32>
      %add3A_417 = arith.addf %get3A_412, %get3A_416 : vector<16xf32>
      %swap3A_418 = arith.constant 0 : i32
      %swap3A_419 = arith.constant 0 : i32
      %swap3A_420 = tpu.memref_slice %arg8[%scan3A_82, %swap3A_418, %swap3A_419] : memref<7x200x64xf32, #tpu.memory_space<vmem>> -> memref<1x200x64xf32, #tpu.memory_space<vmem>>
      %swap3A_421 = tpu.memref_squeeze %swap3A_420 : memref<1x200x64xf32, #tpu.memory_space<vmem>> -> memref<200x64xf32, #tpu.memory_space<vmem>>
      %swap3A_422 = arith.index_cast %scan3A_382 : i32 to index
      %swap3A_423 = arith.constant 16 : index
      %swap3A_424 = tpu.vector_load %swap3A_421[%swap3A_422, %swap3A_423] {strides = array<i32>} : memref<200x64xf32, #tpu.memory_space<vmem>>, vector<1x16xf32>,
      %swap3A_425 = vector.shape_cast %swap3A_424 : vector<1x16xf32> to vector<16xf32>
      %swap3A_426 = vector.shape_cast %add3A_417 : vector<16xf32> to vector<1x16xf32>
      tpu.vector_store %swap3A_421[%swap3A_422, %swap3A_423], %swap3A_426 {strides = array<i32>} : memref<200x64xf32, #tpu.memory_space<vmem>>, vector<1x16xf32>,
      %get3A_427 = arith.constant 0 : i32
      %get3A_428 = arith.constant 0 : i32
      %get3A_429 = tpu.memref_slice %arg8[%scan3A_82, %get3A_427, %get3A_428] : memref<7x200x64xf32, #tpu.memory_space<vmem>> -> memref<1x200x64xf32, #tpu.memory_space<vmem>>
      %get3A_430 = tpu.memref_squeeze %get3A_429 : memref<1x200x64xf32, #tpu.memory_space<vmem>> -> memref<200x64xf32, #tpu.memory_space<vmem>>
      %get3A_431 = arith.index_cast %scan3A_382 : i32 to index
      %get3A_432 = arith.constant 32 : index
      %get3A_433 = tpu.vector_load %get3A_430[%get3A_431, %get3A_432] {strides = array<i32>} : memref<200x64xf32, #tpu.memory_space<vmem>>, vector<1x16xf32>,
      %get3A_434 = vector.shape_cast %get3A_433 : vector<1x16xf32> to vector<16xf32>
      %get3A_435 = arith.index_cast %scan3A_382 : i32 to index
      %get3A_436 = arith.constant 32 : index
      %get3A_437 = tpu.vector_load %arg7[%get3A_435, %get3A_436] {strides = array<i32>} : memref<200x64xf32, #tpu.memory_space<vmem>>, vector<1x16xf32>,
      %get3A_438 = vector.shape_cast %get3A_437 : vector<1x16xf32> to vector<16xf32>
      %add3A_439 = arith.addf %get3A_434, %get3A_438 : vector<16xf32>
      %swap3A_440 = arith.constant 0 : i32
      %swap3A_441 = arith.constant 0 : i32
      %swap3A_442 = tpu.memref_slice %arg8[%scan3A_82, %swap3A_440, %swap3A_441] : memref<7x200x64xf32, #tpu.memory_space<vmem>> -> memref<1x200x64xf32, #tpu.memory_space<vmem>>
      %swap3A_443 = tpu.memref_squeeze %swap3A_442 : memref<1x200x64xf32, #tpu.memory_space<vmem>> -> memref<200x64xf32, #tpu.memory_space<vmem>>
      %swap3A_444 = arith.index_cast %scan3A_382 : i32 to index
      %swap3A_445 = arith.constant 32 : index
      %swap3A_446 = tpu.vector_load %swap3A_443[%swap3A_444, %swap3A_445] {strides = array<i32>} : memref<200x64xf32, #tpu.memory_space<vmem>>, vector<1x16xf32>,
      %swap3A_447 = vector.shape_cast %swap3A_446 : vector<1x16xf32> to vector<16xf32>
      %swap3A_448 = vector.shape_cast %add3A_439 : vector<16xf32> to vector<1x16xf32>
      tpu.vector_store %swap3A_443[%swap3A_444, %swap3A_445], %swap3A_448 {strides = array<i32>} : memref<200x64xf32, #tpu.memory_space<vmem>>, vector<1x16xf32>,
      %get3A_449 = arith.constant 0 : i32
      %get3A_450 = arith.constant 0 : i32
      %get3A_451 = tpu.memref_slice %arg8[%scan3A_82, %get3A_449, %get3A_450] : memref<7x200x64xf32, #tpu.memory_space<vmem>> -> memref<1x200x64xf32, #tpu.memory_space<vmem>>
      %get3A_452 = tpu.memref_squeeze %get3A_451 : memref<1x200x64xf32, #tpu.memory_space<vmem>> -> memref<200x64xf32, #tpu.memory_space<vmem>>
      %get3A_453 = arith.index_cast %scan3A_382 : i32 to index
      %get3A_454 = arith.constant 48 : index
      %get3A_455 = tpu.vector_load %get3A_452[%get3A_453, %get3A_454] {strides = array<i32>} : memref<200x64xf32, #tpu.memory_space<vmem>>, vector<1x16xf32>,
      %get3A_456 = vector.shape_cast %get3A_455 : vector<1x16xf32> to vector<16xf32>
      %get3A_457 = arith.index_cast %scan3A_382 : i32 to index
      %get3A_458 = arith.constant 48 : index
      %get3A_459 = tpu.vector_load %arg7[%get3A_457, %get3A_458] {strides = array<i32>} : memref<200x64xf32, #tpu.memory_space<vmem>>, vector<1x16xf32>,
      %get3A_460 = vector.shape_cast %get3A_459 : vector<1x16xf32> to vector<16xf32>
      %add3A_461 = arith.addf %get3A_456, %get3A_460 : vector<16xf32>
      %swap3A_462 = arith.constant 0 : i32
      %swap3A_463 = arith.constant 0 : i32
      %swap3A_464 = tpu.memref_slice %arg8[%scan3A_82, %swap3A_462, %swap3A_463] : memref<7x200x64xf32, #tpu.memory_space<vmem>> -> memref<1x200x64xf32, #tpu.memory_space<vmem>>
      %swap3A_465 = tpu.memref_squeeze %swap3A_464 : memref<1x200x64xf32, #tpu.memory_space<vmem>> -> memref<200x64xf32, #tpu.memory_space<vmem>>
      %swap3A_466 = arith.index_cast %scan3A_382 : i32 to index
      %swap3A_467 = arith.constant 48 : index
      %swap3A_468 = tpu.vector_load %swap3A_465[%swap3A_466, %swap3A_467] {strides = array<i32>} : memref<200x64xf32, #tpu.memory_space<vmem>>, vector<1x16xf32>,
      %swap3A_469 = vector.shape_cast %swap3A_468 : vector<1x16xf32> to vector<16xf32>
      %swap3A_470 = vector.shape_cast %add3A_461 : vector<16xf32> to vector<1x16xf32>
      tpu.vector_store %swap3A_465[%swap3A_466, %swap3A_467], %swap3A_470 {strides = array<i32>} : memref<200x64xf32, #tpu.memory_space<vmem>>, vector<1x16xf32>,
      %scan3A_471 = arith.constant 2 : i32
      %scan3A_472 = arith.addi %scan3A_294, %scan3A_471 : i32
      %get3A_473 = arith.constant 0 : i32
      %get3A_474 = arith.constant 0 : i32
      %get3A_475 = tpu.memref_slice %arg8[%scan3A_82, %get3A_473, %get3A_474] : memref<7x200x64xf32, #tpu.memory_space<vmem>> -> memref<1x200x64xf32, #tpu.memory_space<vmem>>
      %get3A_476 = tpu.memref_squeeze %get3A_475 : memref<1x200x64xf32, #tpu.memory_space<vmem>> -> memref<200x64xf32, #tpu.memory_space<vmem>>
      %get3A_477 = arith.index_cast %scan3A_472 : i32 to index
      %get3A_478 = arith.constant 0 : index
      %get3A_479 = tpu.vector_load %get3A_476[%get3A_477, %get3A_478] {strides = array<i32>} : memref<200x64xf32, #tpu.memory_space<vmem>>, vector<1x16xf32>,
      %get3A_480 = vector.shape_cast %get3A_479 : vector<1x16xf32> to vector<16xf32>
      %get3A_481 = arith.index_cast %scan3A_472 : i32 to index
      %get3A_482 = arith.constant 0 : index
      %get3A_483 = tpu.vector_load %arg7[%get3A_481, %get3A_482] {strides = array<i32>} : memref<200x64xf32, #tpu.memory_space<vmem>>, vector<1x16xf32>,
      %get3A_484 = vector.shape_cast %get3A_483 : vector<1x16xf32> to vector<16xf32>
      %add3A_485 = arith.addf %get3A_480, %get3A_484 : vector<16xf32>
      %swap3A_486 = arith.constant 0 : i32
      %swap3A_487 = arith.constant 0 : i32
      %swap3A_488 = tpu.memref_slice %arg8[%scan3A_82, %swap3A_486, %swap3A_487] : memref<7x200x64xf32, #tpu.memory_space<vmem>> -> memref<1x200x64xf32, #tpu.memory_space<vmem>>
      %swap3A_489 = tpu.memref_squeeze %swap3A_488 : memref<1x200x64xf32, #tpu.memory_space<vmem>> -> memref<200x64xf32, #tpu.memory_space<vmem>>
      %swap3A_490 = arith.index_cast %scan3A_472 : i32 to index
      %swap3A_491 = arith.constant 0 : index
      %swap3A_492 = tpu.vector_load %swap3A_489[%swap3A_490, %swap3A_491] {strides = array<i32>} : memref<200x64xf32, #tpu.memory_space<vmem>>, vector<1x16xf32>,
      %swap3A_493 = vector.shape_cast %swap3A_492 : vector<1x16xf32> to vector<16xf32>
      %swap3A_494 = vector.shape_cast %add3A_485 : vector<16xf32> to vector<1x16xf32>
      tpu.vector_store %swap3A_489[%swap3A_490, %swap3A_491], %swap3A_494 {strides = array<i32>} : memref<200x64xf32, #tpu.memory_space<vmem>>, vector<1x16xf32>,
      %get3A_495 = arith.constant 0 : i32
      %get3A_496 = arith.constant 0 : i32
      %get3A_497 = tpu.memref_slice %arg8[%scan3A_82, %get3A_495, %get3A_496] : memref<7x200x64xf32, #tpu.memory_space<vmem>> -> memref<1x200x64xf32, #tpu.memory_space<vmem>>
      %get3A_498 = tpu.memref_squeeze %get3A_497 : memref<1x200x64xf32, #tpu.memory_space<vmem>> -> memref<200x64xf32, #tpu.memory_space<vmem>>
      %get3A_499 = arith.index_cast %scan3A_472 : i32 to index
      %get3A_500 = arith.constant 16 : index
      %get3A_501 = tpu.vector_load %get3A_498[%get3A_499, %get3A_500] {strides = array<i32>} : memref<200x64xf32, #tpu.memory_space<vmem>>, vector<1x16xf32>,
      %get3A_502 = vector.shape_cast %get3A_501 : vector<1x16xf32> to vector<16xf32>
      %get3A_503 = arith.index_cast %scan3A_472 : i32 to index
      %get3A_504 = arith.constant 16 : index
      %get3A_505 = tpu.vector_load %arg7[%get3A_503, %get3A_504] {strides = array<i32>} : memref<200x64xf32, #tpu.memory_space<vmem>>, vector<1x16xf32>,
      %get3A_506 = vector.shape_cast %get3A_505 : vector<1x16xf32> to vector<16xf32>
      %add3A_507 = arith.addf %get3A_502, %get3A_506 : vector<16xf32>
      %swap3A_508 = arith.constant 0 : i32
      %swap3A_509 = arith.constant 0 : i32
      %swap3A_510 = tpu.memref_slice %arg8[%scan3A_82, %swap3A_508, %swap3A_509] : memref<7x200x64xf32, #tpu.memory_space<vmem>> -> memref<1x200x64xf32, #tpu.memory_space<vmem>>
      %swap3A_511 = tpu.memref_squeeze %swap3A_510 : memref<1x200x64xf32, #tpu.memory_space<vmem>> -> memref<200x64xf32, #tpu.memory_space<vmem>>
      %swap3A_512 = arith.index_cast %scan3A_472 : i32 to index
      %swap3A_513 = arith.constant 16 : index
      %swap3A_514 = tpu.vector_load %swap3A_511[%swap3A_512, %swap3A_513] {strides = array<i32>} : memref<200x64xf32, #tpu.memory_space<vmem>>, vector<1x16xf32>,
      %swap3A_515 = vector.shape_cast %swap3A_514 : vector<1x16xf32> to vector<16xf32>
      %swap3A_516 = vector.shape_cast %add3A_507 : vector<16xf32> to vector<1x16xf32>
      tpu.vector_store %swap3A_511[%swap3A_512, %swap3A_513], %swap3A_516 {strides = array<i32>} : memref<200x64xf32, #tpu.memory_space<vmem>>, vector<1x16xf32>,
      %get3A_517 = arith.constant 0 : i32
      %get3A_518 = arith.constant 0 : i32
      %get3A_519 = tpu.memref_slice %arg8[%scan3A_82, %get3A_517, %get3A_518] : memref<7x200x64xf32, #tpu.memory_space<vmem>> -> memref<1x200x64xf32, #tpu.memory_space<vmem>>
      %get3A_520 = tpu.memref_squeeze %get3A_519 : memref<1x200x64xf32, #tpu.memory_space<vmem>> -> memref<200x64xf32, #tpu.memory_space<vmem>>
      %get3A_521 = arith.index_cast %scan3A_472 : i32 to index
      %get3A_522 = arith.constant 32 : index
      %get3A_523 = tpu.vector_load %get3A_520[%get3A_521, %get3A_522] {strides = array<i32>} : memref<200x64xf32, #tpu.memory_space<vmem>>, vector<1x16xf32>,
      %get3A_524 = vector.shape_cast %get3A_523 : vector<1x16xf32> to vector<16xf32>
      %get3A_525 = arith.index_cast %scan3A_472 : i32 to index
      %get3A_526 = arith.constant 32 : index
      %get3A_527 = tpu.vector_load %arg7[%get3A_525, %get3A_526] {strides = array<i32>} : memref<200x64xf32, #tpu.memory_space<vmem>>, vector<1x16xf32>,
      %get3A_528 = vector.shape_cast %get3A_527 : vector<1x16xf32> to vector<16xf32>
      %add3A_529 = arith.addf %get3A_524, %get3A_528 : vector<16xf32>
      %swap3A_530 = arith.constant 0 : i32
      %swap3A_531 = arith.constant 0 : i32
      %swap3A_532 = tpu.memref_slice %arg8[%scan3A_82, %swap3A_530, %swap3A_531] : memref<7x200x64xf32, #tpu.memory_space<vmem>> -> memref<1x200x64xf32, #tpu.memory_space<vmem>>
      %swap3A_533 = tpu.memref_squeeze %swap3A_532 : memref<1x200x64xf32, #tpu.memory_space<vmem>> -> memref<200x64xf32, #tpu.memory_space<vmem>>
      %swap3A_534 = arith.index_cast %scan3A_472 : i32 to index
      %swap3A_535 = arith.constant 32 : index
      %swap3A_536 = tpu.vector_load %swap3A_533[%swap3A_534, %swap3A_535] {strides = array<i32>} : memref<200x64xf32, #tpu.memory_space<vmem>>, vector<1x16xf32>,
      %swap3A_537 = vector.shape_cast %swap3A_536 : vector<1x16xf32> to vector<16xf32>
      %swap3A_538 = vector.shape_cast %add3A_529 : vector<16xf32> to vector<1x16xf32>
      tpu.vector_store %swap3A_533[%swap3A_534, %swap3A_535], %swap3A_538 {strides = array<i32>} : memref<200x64xf32, #tpu.memory_space<vmem>>, vector<1x16xf32>,
      %get3A_539 = arith.constant 0 : i32
      %get3A_540 = arith.constant 0 : i32
      %get3A_541 = tpu.memref_slice %arg8[%scan3A_82, %get3A_539, %get3A_540] : memref<7x200x64xf32, #tpu.memory_space<vmem>> -> memref<1x200x64xf32, #tpu.memory_space<vmem>>
      %get3A_542 = tpu.memref_squeeze %get3A_541 : memref<1x200x64xf32, #tpu.memory_space<vmem>> -> memref<200x64xf32, #tpu.memory_space<vmem>>
      %get3A_543 = arith.index_cast %scan3A_472 : i32 to index
      %get3A_544 = arith.constant 48 : index
      %get3A_545 = tpu.vector_load %get3A_542[%get3A_543, %get3A_544] {strides = array<i32>} : memref<200x64xf32, #tpu.memory_space<vmem>>, vector<1x16xf32>,
      %get3A_546 = vector.shape_cast %get3A_545 : vector<1x16xf32> to vector<16xf32>
      %get3A_547 = arith.index_cast %scan3A_472 : i32 to index
      %get3A_548 = arith.constant 48 : index
      %get3A_549 = tpu.vector_load %arg7[%get3A_547, %get3A_548] {strides = array<i32>} : memref<200x64xf32, #tpu.memory_space<vmem>>, vector<1x16xf32>,
      %get3A_550 = vector.shape_cast %get3A_549 : vector<1x16xf32> to vector<16xf32>
      %add3A_551 = arith.addf %get3A_546, %get3A_550 : vector<16xf32>
      %swap3A_552 = arith.constant 0 : i32
      %swap3A_553 = arith.constant 0 : i32
      %swap3A_554 = tpu.memref_slice %arg8[%scan3A_82, %swap3A_552, %swap3A_553] : memref<7x200x64xf32, #tpu.memory_space<vmem>> -> memref<1x200x64xf32, #tpu.memory_space<vmem>>
      %swap3A_555 = tpu.memref_squeeze %swap3A_554 : memref<1x200x64xf32, #tpu.memory_space<vmem>> -> memref<200x64xf32, #tpu.memory_space<vmem>>
      %swap3A_556 = arith.index_cast %scan3A_472 : i32 to index
      %swap3A_557 = arith.constant 48 : index
      %swap3A_558 = tpu.vector_load %swap3A_555[%swap3A_556, %swap3A_557] {strides = array<i32>} : memref<200x64xf32, #tpu.memory_space<vmem>>, vector<1x16xf32>,
      %swap3A_559 = vector.shape_cast %swap3A_558 : vector<1x16xf32> to vector<16xf32>
      %swap3A_560 = vector.shape_cast %add3A_551 : vector<16xf32> to vector<1x16xf32>
      tpu.vector_store %swap3A_555[%swap3A_556, %swap3A_557], %swap3A_560 {strides = array<i32>} : memref<200x64xf32, #tpu.memory_space<vmem>>, vector<1x16xf32>,
      %scan3A_561 = arith.constant 3 : i32
      %scan3A_562 = arith.addi %scan3A_294, %scan3A_561 : i32
      %get3A_563 = arith.constant 0 : i32
      %get3A_564 = arith.constant 0 : i32
      %get3A_565 = tpu.memref_slice %arg8[%scan3A_82, %get3A_563, %get3A_564] : memref<7x200x64xf32, #tpu.memory_space<vmem>> -> memref<1x200x64xf32, #tpu.memory_space<vmem>>
      %get3A_566 = tpu.memref_squeeze %get3A_565 : memref<1x200x64xf32, #tpu.memory_space<vmem>> -> memref<200x64xf32, #tpu.memory_space<vmem>>
      %get3A_567 = arith.index_cast %scan3A_562 : i32 to index
      %get3A_568 = arith.constant 0 : index
      %get3A_569 = tpu.vector_load %get3A_566[%get3A_567, %get3A_568] {strides = array<i32>} : memref<200x64xf32, #tpu.memory_space<vmem>>, vector<1x16xf32>,
      %get3A_570 = vector.shape_cast %get3A_569 : vector<1x16xf32> to vector<16xf32>
      %get3A_571 = arith.index_cast %scan3A_562 : i32 to index
      %get3A_572 = arith.constant 0 : index
      %get3A_573 = tpu.vector_load %arg7[%get3A_571, %get3A_572] {strides = array<i32>} : memref<200x64xf32, #tpu.memory_space<vmem>>, vector<1x16xf32>,
      %get3A_574 = vector.shape_cast %get3A_573 : vector<1x16xf32> to vector<16xf32>
      %add3A_575 = arith.addf %get3A_570, %get3A_574 : vector<16xf32>
      %swap3A_576 = arith.constant 0 : i32
      %swap3A_577 = arith.constant 0 : i32
      %swap3A_578 = tpu.memref_slice %arg8[%scan3A_82, %swap3A_576, %swap3A_577] : memref<7x200x64xf32, #tpu.memory_space<vmem>> -> memref<1x200x64xf32, #tpu.memory_space<vmem>>
      %swap3A_579 = tpu.memref_squeeze %swap3A_578 : memref<1x200x64xf32, #tpu.memory_space<vmem>> -> memref<200x64xf32, #tpu.memory_space<vmem>>
      %swap3A_580 = arith.index_cast %scan3A_562 : i32 to index
      %swap3A_581 = arith.constant 0 : index
      %swap3A_582 = tpu.vector_load %swap3A_579[%swap3A_580, %swap3A_581] {strides = array<i32>} : memref<200x64xf32, #tpu.memory_space<vmem>>, vector<1x16xf32>,
      %swap3A_583 = vector.shape_cast %swap3A_582 : vector<1x16xf32> to vector<16xf32>
      %swap3A_584 = vector.shape_cast %add3A_575 : vector<16xf32> to vector<1x16xf32>
      tpu.vector_store %swap3A_579[%swap3A_580, %swap3A_581], %swap3A_584 {strides = array<i32>} : memref<200x64xf32, #tpu.memory_space<vmem>>, vector<1x16xf32>,
      %get3A_585 = arith.constant 0 : i32
      %get3A_586 = arith.constant 0 : i32
      %get3A_587 = tpu.memref_slice %arg8[%scan3A_82, %get3A_585, %get3A_586] : memref<7x200x64xf32, #tpu.memory_space<vmem>> -> memref<1x200x64xf32, #tpu.memory_space<vmem>>
      %get3A_588 = tpu.memref_squeeze %get3A_587 : memref<1x200x64xf32, #tpu.memory_space<vmem>> -> memref<200x64xf32, #tpu.memory_space<vmem>>
      %get3A_589 = arith.index_cast %scan3A_562 : i32 to index
      %get3A_590 = arith.constant 16 : index
      %get3A_591 = tpu.vector_load %get3A_588[%get3A_589, %get3A_590] {strides = array<i32>} : memref<200x64xf32, #tpu.memory_space<vmem>>, vector<1x16xf32>,
      %get3A_592 = vector.shape_cast %get3A_591 : vector<1x16xf32> to vector<16xf32>
      %get3A_593 = arith.index_cast %scan3A_562 : i32 to index
      %get3A_594 = arith.constant 16 : index
      %get3A_595 = tpu.vector_load %arg7[%get3A_593, %get3A_594] {strides = array<i32>} : memref<200x64xf32, #tpu.memory_space<vmem>>, vector<1x16xf32>,
      %get3A_596 = vector.shape_cast %get3A_595 : vector<1x16xf32> to vector<16xf32>
      %add3A_597 = arith.addf %get3A_592, %get3A_596 : vector<16xf32>
      %swap3A_598 = arith.constant 0 : i32
      %swap3A_599 = arith.constant 0 : i32
      %swap3A_600 = tpu.memref_slice %arg8[%scan3A_82, %swap3A_598, %swap3A_599] : memref<7x200x64xf32, #tpu.memory_space<vmem>> -> memref<1x200x64xf32, #tpu.memory_space<vmem>>
      %swap3A_601 = tpu.memref_squeeze %swap3A_600 : memref<1x200x64xf32, #tpu.memory_space<vmem>> -> memref<200x64xf32, #tpu.memory_space<vmem>>
      %swap3A_602 = arith.index_cast %scan3A_562 : i32 to index
      %swap3A_603 = arith.constant 16 : index
      %swap3A_604 = tpu.vector_load %swap3A_601[%swap3A_602, %swap3A_603] {strides = array<i32>} : memref<200x64xf32, #tpu.memory_space<vmem>>, vector<1x16xf32>,
      %swap3A_605 = vector.shape_cast %swap3A_604 : vector<1x16xf32> to vector<16xf32>
      %swap3A_606 = vector.shape_cast %add3A_597 : vector<16xf32> to vector<1x16xf32>
      tpu.vector_store %swap3A_601[%swap3A_602, %swap3A_603], %swap3A_606 {strides = array<i32>} : memref<200x64xf32, #tpu.memory_space<vmem>>, vector<1x16xf32>,
      %get3A_607 = arith.constant 0 : i32
      %get3A_608 = arith.constant 0 : i32
      %get3A_609 = tpu.memref_slice %arg8[%scan3A_82, %get3A_607, %get3A_608] : memref<7x200x64xf32, #tpu.memory_space<vmem>> -> memref<1x200x64xf32, #tpu.memory_space<vmem>>
      %get3A_610 = tpu.memref_squeeze %get3A_609 : memref<1x200x64xf32, #tpu.memory_space<vmem>> -> memref<200x64xf32, #tpu.memory_space<vmem>>
      %get3A_611 = arith.index_cast %scan3A_562 : i32 to index
      %get3A_612 = arith.constant 32 : index
      %get3A_613 = tpu.vector_load %get3A_610[%get3A_611, %get3A_612] {strides = array<i32>} : memref<200x64xf32, #tpu.memory_space<vmem>>, vector<1x16xf32>,
      %get3A_614 = vector.shape_cast %get3A_613 : vector<1x16xf32> to vector<16xf32>
      %get3A_615 = arith.index_cast %scan3A_562 : i32 to index
      %get3A_616 = arith.constant 32 : index
      %get3A_617 = tpu.vector_load %arg7[%get3A_615, %get3A_616] {strides = array<i32>} : memref<200x64xf32, #tpu.memory_space<vmem>>, vector<1x16xf32>,
      %get3A_618 = vector.shape_cast %get3A_617 : vector<1x16xf32> to vector<16xf32>
      %add3A_619 = arith.addf %get3A_614, %get3A_618 : vector<16xf32>
      %swap3A_620 = arith.constant 0 : i32
      %swap3A_621 = arith.constant 0 : i32
      %swap3A_622 = tpu.memref_slice %arg8[%scan3A_82, %swap3A_620, %swap3A_621] : memref<7x200x64xf32, #tpu.memory_space<vmem>> -> memref<1x200x64xf32, #tpu.memory_space<vmem>>
      %swap3A_623 = tpu.memref_squeeze %swap3A_622 : memref<1x200x64xf32, #tpu.memory_space<vmem>> -> memref<200x64xf32, #tpu.memory_space<vmem>>
      %swap3A_624 = arith.index_cast %scan3A_562 : i32 to index
      %swap3A_625 = arith.constant 32 : index
      %swap3A_626 = tpu.vector_load %swap3A_623[%swap3A_624, %swap3A_625] {strides = array<i32>} : memref<200x64xf32, #tpu.memory_space<vmem>>, vector<1x16xf32>,
      %swap3A_627 = vector.shape_cast %swap3A_626 : vector<1x16xf32> to vector<16xf32>
      %swap3A_628 = vector.shape_cast %add3A_619 : vector<16xf32> to vector<1x16xf32>
      tpu.vector_store %swap3A_623[%swap3A_624, %swap3A_625], %swap3A_628 {strides = array<i32>} : memref<200x64xf32, #tpu.memory_space<vmem>>, vector<1x16xf32>,
      %get3A_629 = arith.constant 0 : i32
      %get3A_630 = arith.constant 0 : i32
      %get3A_631 = tpu.memref_slice %arg8[%scan3A_82, %get3A_629, %get3A_630] : memref<7x200x64xf32, #tpu.memory_space<vmem>> -> memref<1x200x64xf32, #tpu.memory_space<vmem>>
      %get3A_632 = tpu.memref_squeeze %get3A_631 : memref<1x200x64xf32, #tpu.memory_space<vmem>> -> memref<200x64xf32, #tpu.memory_space<vmem>>
      %get3A_633 = arith.index_cast %scan3A_562 : i32 to index
      %get3A_634 = arith.constant 48 : index
      %get3A_635 = tpu.vector_load %get3A_632[%get3A_633, %get3A_634] {strides = array<i32>} : memref<200x64xf32, #tpu.memory_space<vmem>>, vector<1x16xf32>,
      %get3A_636 = vector.shape_cast %get3A_635 : vector<1x16xf32> to vector<16xf32>
      %get3A_637 = arith.index_cast %scan3A_562 : i32 to index
      %get3A_638 = arith.constant 48 : index
      %get3A_639 = tpu.vector_load %arg7[%get3A_637, %get3A_638] {strides = array<i32>} : memref<200x64xf32, #tpu.memory_space<vmem>>, vector<1x16xf32>,
      %get3A_640 = vector.shape_cast %get3A_639 : vector<1x16xf32> to vector<16xf32>
      %add3A_641 = arith.addf %get3A_636, %get3A_640 : vector<16xf32>
      %swap3A_642 = arith.constant 0 : i32
      %swap3A_643 = arith.constant 0 : i32
      %swap3A_644 = tpu.memref_slice %arg8[%scan3A_82, %swap3A_642, %swap3A_643] : memref<7x200x64xf32, #tpu.memory_space<vmem>> -> memref<1x200x64xf32, #tpu.memory_space<vmem>>
      %swap3A_645 = tpu.memref_squeeze %swap3A_644 : memref<1x200x64xf32, #tpu.memory_space<vmem>> -> memref<200x64xf32, #tpu.memory_space<vmem>>
      %swap3A_646 = arith.index_cast %scan3A_562 : i32 to index
      %swap3A_647 = arith.constant 48 : index
      %swap3A_648 = tpu.vector_load %swap3A_645[%swap3A_646, %swap3A_647] {strides = array<i32>} : memref<200x64xf32, #tpu.memory_space<vmem>>, vector<1x16xf32>,
      %swap3A_649 = vector.shape_cast %swap3A_648 : vector<1x16xf32> to vector<16xf32>
      %swap3A_650 = vector.shape_cast %add3A_641 : vector<16xf32> to vector<1x16xf32>
      tpu.vector_store %swap3A_645[%swap3A_646, %swap3A_647], %swap3A_650 {strides = array<i32>} : memref<200x64xf32, #tpu.memory_space<vmem>>, vector<1x16xf32>,
    }
    %scan3A_87 = arith.constant 200 : i32
    %add3A_88 = arith.constant 126 : i32
    %add3A_89 = arith.addi %mul3A_2, %add3A_88 : i32
    %dma_start3A_90 = arith.constant 0 : i32
    %dma_start3A_91 = arith.constant 0 : i32
    %dma_start3A_92 = arith.constant 0 : i32
    %dma_start3A_93 = arith.constant 0 : i32
    %dma_start3A_94 = tpu.memref_slice %arg8[%dma_start3A_90, %dma_start3A_92, %dma_start3A_93] : memref<7x200x64xf32, #tpu.memory_space<vmem>> -> memref<1x200x64xf32, #tpu.memory_space<vmem>>
    %dma_start3A_95 = tpu.memref_squeeze %dma_start3A_94 : memref<1x200x64xf32, #tpu.memory_space<vmem>> -> memref<200x64xf32, #tpu.memory_space<vmem>>
    %dma_start3A_96 = arith.constant 0 : i32
    %dma_start3A_97 = arith.constant 0 : i32
    %dma_start3A_98 = tpu.memref_slice %arg5[%add3A_89, %dma_start3A_96, %dma_start3A_97] : memref<4096x200x64xf32, #tpu.memory_space<hbm>> -> memref<1x200x64xf32, #tpu.memory_space<hbm>>
    %dma_start3A_99 = tpu.memref_squeeze %dma_start3A_98 : memref<1x200x64xf32, #tpu.memory_space<hbm>> -> memref<200x64xf32, #tpu.memory_space<hbm>>
    %dma_start3A_100 = tpu.memref_slice %arg10[%dma_start3A_91] : memref<7x!tpu.dma_semaphore, #tpu.memory_space<semaphore_mem>> -> memref<1x!tpu.dma_semaphore, #tpu.memory_space<semaphore_mem>>
    %dma_start3A_101 = tpu.memref_squeeze %dma_start3A_100 : memref<1x!tpu.dma_semaphore, #tpu.memory_space<semaphore_mem>> -> memref<!tpu.dma_semaphore, #tpu.memory_space<semaphore_mem>>
    %dma_start3A_102 = arith.constant 0 : i32
    %dma_start3A_103 = arith.constant 0 : i32
    %dma_start3A_104 = tpu.memref_slice %arg5[%add3A_89, %dma_start3A_102, %dma_start3A_103] : memref<4096x200x64xf32, #tpu.memory_space<hbm>> -> memref<1x200x64xf32, #tpu.memory_space<hbm>>
    %dma_start3A_105 = tpu.memref_squeeze %dma_start3A_104 : memref<1x200x64xf32, #tpu.memory_space<hbm>> -> memref<200x64xf32, #tpu.memory_space<hbm>>
    %dma_start3A_106 = arith.constant 0 : i32
    %dma_start3A_107 = arith.constant 0 : i32
    %dma_start3A_108 = tpu.memref_slice %arg8[%dma_start3A_90, %dma_start3A_106, %dma_start3A_107] : memref<7x200x64xf32, #tpu.memory_space<vmem>> -> memref<1x200x64xf32, #tpu.memory_space<vmem>>
    %dma_start3A_109 = tpu.memref_squeeze %dma_start3A_108 : memref<1x200x64xf32, #tpu.memory_space<vmem>> -> memref<200x64xf32, #tpu.memory_space<vmem>>
    tpu.enqueue_dma source(%dma_start3A_109 : memref<200x64xf32, #tpu.memory_space<vmem>>) target(%dma_start3A_105 : memref<200x64xf32, #tpu.memory_space<hbm>>) target_semaphore(%dma_start3A_101 : memref<!tpu.dma_semaphore, #tpu.memory_space<semaphore_mem>>)
    %dma_wait3A_110 = arith.constant 0 : i32
    %dma_wait3A_111 = arith.constant 1 : i32
    %dma_wait3A_112 = arith.constant 1 : i32
    %dma_wait3A_113 = arith.constant 0 : i32
    %dma_wait3A_114 = arith.constant 0 : i32
    %dma_wait3A_115 = tpu.memref_slice %arg8[%dma_wait3A_111, %dma_wait3A_113, %dma_wait3A_114] : memref<7x200x64xf32, #tpu.memory_space<vmem>> -> memref<1x200x64xf32, #tpu.memory_space<vmem>>
    %dma_wait3A_116 = tpu.memref_squeeze %dma_wait3A_115 : memref<1x200x64xf32, #tpu.memory_space<vmem>> -> memref<200x64xf32, #tpu.memory_space<vmem>>
    %dma_wait3A_117 = arith.constant 0 : i32
    %dma_wait3A_118 = tpu.memref_slice %arg6[%dma_wait3A_110, %dma_wait3A_117] : memref<128x200xi32, #tpu.memory_space<vmem>> -> memref<1x200xi32, #tpu.memory_space<vmem>>
    %dma_wait3A_119 = tpu.memref_squeeze %dma_wait3A_118 : memref<1x200xi32, #tpu.memory_space<vmem>> -> memref<200xi32, #tpu.memory_space<vmem>>
    %dma_wait3A_120 = arith.constant 0 : i32
    %dma_wait3A_121 = arith.constant 0 : i32
    %dma_wait3A_122 = tpu.memref_slice %arg3[%dma_wait3A_120, %dma_wait3A_121] : memref<1000000x64xf32, #tpu.memory_space<hbm>> -> memref<1000000x64xf32, #tpu.memory_space<hbm>>
    %dma_wait3A_123 = tpu.memref_slice %arg9[%dma_wait3A_112] : memref<7x!tpu.dma_semaphore, #tpu.memory_space<semaphore_mem>> -> memref<1x!tpu.dma_semaphore, #tpu.memory_space<semaphore_mem>>
    %dma_wait3A_124 = tpu.memref_squeeze %dma_wait3A_123 : memref<1x!tpu.dma_semaphore, #tpu.memory_space<semaphore_mem>> -> memref<!tpu.dma_semaphore, #tpu.memory_space<semaphore_mem>>
    tpu.wait_indirect_dma semaphore(%dma_wait3A_124 : memref<!tpu.dma_semaphore, #tpu.memory_space<semaphore_mem>>) src(%dma_wait3A_122 : memref<1000000x64xf32, #tpu.memory_space<hbm>>) dst(%dma_wait3A_116 : memref<200x64xf32, #tpu.memory_space<vmem>>)
    %scan3A_125 = arith.constant 0 : i32
    %scan3A_126 = arith.constant 1 : i32
    %scan3A_127 = arith.constant 0 : i32
    %scan3A_128 = arith.constant 200 : i32
    %scan3A_129 = arith.addi %scan3A_127, %scan3A_128 : i32
    %scan3A_130 = arith.constant 4 : i32
    scf.for %scan3A_294 = %scan3A_127 to %scan3A_129 step %scan3A_130  : i32 {
      %get3A = arith.constant 0 : i32
      %get3A_295 = arith.constant 0 : i32
      %get3A_296 = tpu.memref_slice %arg8[%scan3A_126, %get3A, %get3A_295] : memref<7x200x64xf32, #tpu.memory_space<vmem>> -> memref<1x200x64xf32, #tpu.memory_space<vmem>>
      %get3A_297 = tpu.memref_squeeze %get3A_296 : memref<1x200x64xf32, #tpu.memory_space<vmem>> -> memref<200x64xf32, #tpu.memory_space<vmem>>
      %get3A_298 = arith.index_cast %scan3A_294 : i32 to index
      %get3A_299 = arith.constant 0 : index
      %get3A_300 = tpu.vector_load %get3A_297[%get3A_298, %get3A_299] {strides = array<i32>} : memref<200x64xf32, #tpu.memory_space<vmem>>, vector<1x16xf32>,
      %get3A_301 = vector.shape_cast %get3A_300 : vector<1x16xf32> to vector<16xf32>
      %get3A_302 = arith.index_cast %scan3A_294 : i32 to index
      %get3A_303 = arith.constant 0 : index
      %get3A_304 = tpu.vector_load %arg7[%get3A_302, %get3A_303] {strides = array<i32>} : memref<200x64xf32, #tpu.memory_space<vmem>>, vector<1x16xf32>,
      %get3A_305 = vector.shape_cast %get3A_304 : vector<1x16xf32> to vector<16xf32>
      %add3A_306 = arith.addf %get3A_301, %get3A_305 : vector<16xf32>
      %swap3A = arith.constant 0 : i32
      %swap3A_307 = arith.constant 0 : i32
      %swap3A_308 = tpu.memref_slice %arg8[%scan3A_126, %swap3A, %swap3A_307] : memref<7x200x64xf32, #tpu.memory_space<vmem>> -> memref<1x200x64xf32, #tpu.memory_space<vmem>>
      %swap3A_309 = tpu.memref_squeeze %swap3A_308 : memref<1x200x64xf32, #tpu.memory_space<vmem>> -> memref<200x64xf32, #tpu.memory_space<vmem>>
      %swap3A_310 = arith.index_cast %scan3A_294 : i32 to index
      %swap3A_311 = arith.constant 0 : index
      %swap3A_312 = tpu.vector_load %swap3A_309[%swap3A_310, %swap3A_311] {strides = array<i32>} : memref<200x64xf32, #tpu.memory_space<vmem>>, vector<1x16xf32>,
      %swap3A_313 = vector.shape_cast %swap3A_312 : vector<1x16xf32> to vector<16xf32>
      %swap3A_314 = vector.shape_cast %add3A_306 : vector<16xf32> to vector<1x16xf32>
      tpu.vector_store %swap3A_309[%swap3A_310, %swap3A_311], %swap3A_314 {strides = array<i32>} : memref<200x64xf32, #tpu.memory_space<vmem>>, vector<1x16xf32>,
      %get3A_315 = arith.constant 0 : i32
      %get3A_316 = arith.constant 0 : i32
      %get3A_317 = tpu.memref_slice %arg8[%scan3A_126, %get3A_315, %get3A_316] : memref<7x200x64xf32, #tpu.memory_space<vmem>> -> memref<1x200x64xf32, #tpu.memory_space<vmem>>
      %get3A_318 = tpu.memref_squeeze %get3A_317 : memref<1x200x64xf32, #tpu.memory_space<vmem>> -> memref<200x64xf32, #tpu.memory_space<vmem>>
      %get3A_319 = arith.index_cast %scan3A_294 : i32 to index
      %get3A_320 = arith.constant 16 : index
      %get3A_321 = tpu.vector_load %get3A_318[%get3A_319, %get3A_320] {strides = array<i32>} : memref<200x64xf32, #tpu.memory_space<vmem>>, vector<1x16xf32>,
      %get3A_322 = vector.shape_cast %get3A_321 : vector<1x16xf32> to vector<16xf32>
      %get3A_323 = arith.index_cast %scan3A_294 : i32 to index
      %get3A_324 = arith.constant 16 : index
      %get3A_325 = tpu.vector_load %arg7[%get3A_323, %get3A_324] {strides = array<i32>} : memref<200x64xf32, #tpu.memory_space<vmem>>, vector<1x16xf32>,
      %get3A_326 = vector.shape_cast %get3A_325 : vector<1x16xf32> to vector<16xf32>
      %add3A_327 = arith.addf %get3A_322, %get3A_326 : vector<16xf32>
      %swap3A_328 = arith.constant 0 : i32
      %swap3A_329 = arith.constant 0 : i32
      %swap3A_330 = tpu.memref_slice %arg8[%scan3A_126, %swap3A_328, %swap3A_329] : memref<7x200x64xf32, #tpu.memory_space<vmem>> -> memref<1x200x64xf32, #tpu.memory_space<vmem>>
      %swap3A_331 = tpu.memref_squeeze %swap3A_330 : memref<1x200x64xf32, #tpu.memory_space<vmem>> -> memref<200x64xf32, #tpu.memory_space<vmem>>
      %swap3A_332 = arith.index_cast %scan3A_294 : i32 to index
      %swap3A_333 = arith.constant 16 : index
      %swap3A_334 = tpu.vector_load %swap3A_331[%swap3A_332, %swap3A_333] {strides = array<i32>} : memref<200x64xf32, #tpu.memory_space<vmem>>, vector<1x16xf32>,
      %swap3A_335 = vector.shape_cast %swap3A_334 : vector<1x16xf32> to vector<16xf32>
      %swap3A_336 = vector.shape_cast %add3A_327 : vector<16xf32> to vector<1x16xf32>
      tpu.vector_store %swap3A_331[%swap3A_332, %swap3A_333], %swap3A_336 {strides = array<i32>} : memref<200x64xf32, #tpu.memory_space<vmem>>, vector<1x16xf32>,
      %get3A_337 = arith.constant 0 : i32
      %get3A_338 = arith.constant 0 : i32
      %get3A_339 = tpu.memref_slice %arg8[%scan3A_126, %get3A_337, %get3A_338] : memref<7x200x64xf32, #tpu.memory_space<vmem>> -> memref<1x200x64xf32, #tpu.memory_space<vmem>>
      %get3A_340 = tpu.memref_squeeze %get3A_339 : memref<1x200x64xf32, #tpu.memory_space<vmem>> -> memref<200x64xf32, #tpu.memory_space<vmem>>
      %get3A_341 = arith.index_cast %scan3A_294 : i32 to index
      %get3A_342 = arith.constant 32 : index
      %get3A_343 = tpu.vector_load %get3A_340[%get3A_341, %get3A_342] {strides = array<i32>} : memref<200x64xf32, #tpu.memory_space<vmem>>, vector<1x16xf32>,
      %get3A_344 = vector.shape_cast %get3A_343 : vector<1x16xf32> to vector<16xf32>
      %get3A_345 = arith.index_cast %scan3A_294 : i32 to index
      %get3A_346 = arith.constant 32 : index
      %get3A_347 = tpu.vector_load %arg7[%get3A_345, %get3A_346] {strides = array<i32>} : memref<200x64xf32, #tpu.memory_space<vmem>>, vector<1x16xf32>,
      %get3A_348 = vector.shape_cast %get3A_347 : vector<1x16xf32> to vector<16xf32>
      %add3A_349 = arith.addf %get3A_344, %get3A_348 : vector<16xf32>
      %swap3A_350 = arith.constant 0 : i32
      %swap3A_351 = arith.constant 0 : i32
      %swap3A_352 = tpu.memref_slice %arg8[%scan3A_126, %swap3A_350, %swap3A_351] : memref<7x200x64xf32, #tpu.memory_space<vmem>> -> memref<1x200x64xf32, #tpu.memory_space<vmem>>
      %swap3A_353 = tpu.memref_squeeze %swap3A_352 : memref<1x200x64xf32, #tpu.memory_space<vmem>> -> memref<200x64xf32, #tpu.memory_space<vmem>>
      %swap3A_354 = arith.index_cast %scan3A_294 : i32 to index
      %swap3A_355 = arith.constant 32 : index
      %swap3A_356 = tpu.vector_load %swap3A_353[%swap3A_354, %swap3A_355] {strides = array<i32>} : memref<200x64xf32, #tpu.memory_space<vmem>>, vector<1x16xf32>,
      %swap3A_357 = vector.shape_cast %swap3A_356 : vector<1x16xf32> to vector<16xf32>
      %swap3A_358 = vector.shape_cast %add3A_349 : vector<16xf32> to vector<1x16xf32>
      tpu.vector_store %swap3A_353[%swap3A_354, %swap3A_355], %swap3A_358 {strides = array<i32>} : memref<200x64xf32, #tpu.memory_space<vmem>>, vector<1x16xf32>,
      %get3A_359 = arith.constant 0 : i32
      %get3A_360 = arith.constant 0 : i32
      %get3A_361 = tpu.memref_slice %arg8[%scan3A_126, %get3A_359, %get3A_360] : memref<7x200x64xf32, #tpu.memory_space<vmem>> -> memref<1x200x64xf32, #tpu.memory_space<vmem>>
      %get3A_362 = tpu.memref_squeeze %get3A_361 : memref<1x200x64xf32, #tpu.memory_space<vmem>> -> memref<200x64xf32, #tpu.memory_space<vmem>>
      %get3A_363 = arith.index_cast %scan3A_294 : i32 to index
      %get3A_364 = arith.constant 48 : index
      %get3A_365 = tpu.vector_load %get3A_362[%get3A_363, %get3A_364] {strides = array<i32>} : memref<200x64xf32, #tpu.memory_space<vmem>>, vector<1x16xf32>,
      %get3A_366 = vector.shape_cast %get3A_365 : vector<1x16xf32> to vector<16xf32>
      %get3A_367 = arith.index_cast %scan3A_294 : i32 to index
      %get3A_368 = arith.constant 48 : index
      %get3A_369 = tpu.vector_load %arg7[%get3A_367, %get3A_368] {strides = array<i32>} : memref<200x64xf32, #tpu.memory_space<vmem>>, vector<1x16xf32>,
      %get3A_370 = vector.shape_cast %get3A_369 : vector<1x16xf32> to vector<16xf32>
      %add3A_371 = arith.addf %get3A_366, %get3A_370 : vector<16xf32>
      %swap3A_372 = arith.constant 0 : i32
      %swap3A_373 = arith.constant 0 : i32
      %swap3A_374 = tpu.memref_slice %arg8[%scan3A_126, %swap3A_372, %swap3A_373] : memref<7x200x64xf32, #tpu.memory_space<vmem>> -> memref<1x200x64xf32, #tpu.memory_space<vmem>>
      %swap3A_375 = tpu.memref_squeeze %swap3A_374 : memref<1x200x64xf32, #tpu.memory_space<vmem>> -> memref<200x64xf32, #tpu.memory_space<vmem>>
      %swap3A_376 = arith.index_cast %scan3A_294 : i32 to index
      %swap3A_377 = arith.constant 48 : index
      %swap3A_378 = tpu.vector_load %swap3A_375[%swap3A_376, %swap3A_377] {strides = array<i32>} : memref<200x64xf32, #tpu.memory_space<vmem>>, vector<1x16xf32>,
      %swap3A_379 = vector.shape_cast %swap3A_378 : vector<1x16xf32> to vector<16xf32>
      %swap3A_380 = vector.shape_cast %add3A_371 : vector<16xf32> to vector<1x16xf32>
      tpu.vector_store %swap3A_375[%swap3A_376, %swap3A_377], %swap3A_380 {strides = array<i32>} : memref<200x64xf32, #tpu.memory_space<vmem>>, vector<1x16xf32>,
      %scan3A_381 = arith.constant 1 : i32
      %scan3A_382 = arith.addi %scan3A_294, %scan3A_381 : i32
      %get3A_383 = arith.constant 0 : i32
      %get3A_384 = arith.constant 0 : i32
      %get3A_385 = tpu.memref_slice %arg8[%scan3A_126, %get3A_383, %get3A_384] : memref<7x200x64xf32, #tpu.memory_space<vmem>> -> memref<1x200x64xf32, #tpu.memory_space<vmem>>
      %get3A_386 = tpu.memref_squeeze %get3A_385 : memref<1x200x64xf32, #tpu.memory_space<vmem>> -> memref<200x64xf32, #tpu.memory_space<vmem>>
      %get3A_387 = arith.index_cast %scan3A_382 : i32 to index
      %get3A_388 = arith.constant 0 : index
      %get3A_389 = tpu.vector_load %get3A_386[%get3A_387, %get3A_388] {strides = array<i32>} : memref<200x64xf32, #tpu.memory_space<vmem>>, vector<1x16xf32>,
      %get3A_390 = vector.shape_cast %get3A_389 : vector<1x16xf32> to vector<16xf32>
      %get3A_391 = arith.index_cast %scan3A_382 : i32 to index
      %get3A_392 = arith.constant 0 : index
      %get3A_393 = tpu.vector_load %arg7[%get3A_391, %get3A_392] {strides = array<i32>} : memref<200x64xf32, #tpu.memory_space<vmem>>, vector<1x16xf32>,
      %get3A_394 = vector.shape_cast %get3A_393 : vector<1x16xf32> to vector<16xf32>
      %add3A_395 = arith.addf %get3A_390, %get3A_394 : vector<16xf32>
      %swap3A_396 = arith.constant 0 : i32
      %swap3A_397 = arith.constant 0 : i32
      %swap3A_398 = tpu.memref_slice %arg8[%scan3A_126, %swap3A_396, %swap3A_397] : memref<7x200x64xf32, #tpu.memory_space<vmem>> -> memref<1x200x64xf32, #tpu.memory_space<vmem>>
      %swap3A_399 = tpu.memref_squeeze %swap3A_398 : memref<1x200x64xf32, #tpu.memory_space<vmem>> -> memref<200x64xf32, #tpu.memory_space<vmem>>
      %swap3A_400 = arith.index_cast %scan3A_382 : i32 to index
      %swap3A_401 = arith.constant 0 : index
      %swap3A_402 = tpu.vector_load %swap3A_399[%swap3A_400, %swap3A_401] {strides = array<i32>} : memref<200x64xf32, #tpu.memory_space<vmem>>, vector<1x16xf32>,
      %swap3A_403 = vector.shape_cast %swap3A_402 : vector<1x16xf32> to vector<16xf32>
      %swap3A_404 = vector.shape_cast %add3A_395 : vector<16xf32> to vector<1x16xf32>
      tpu.vector_store %swap3A_399[%swap3A_400, %swap3A_401], %swap3A_404 {strides = array<i32>} : memref<200x64xf32, #tpu.memory_space<vmem>>, vector<1x16xf32>,
      %get3A_405 = arith.constant 0 : i32
      %get3A_406 = arith.constant 0 : i32
      %get3A_407 = tpu.memref_slice %arg8[%scan3A_126, %get3A_405, %get3A_406] : memref<7x200x64xf32, #tpu.memory_space<vmem>> -> memref<1x200x64xf32, #tpu.memory_space<vmem>>
      %get3A_408 = tpu.memref_squeeze %get3A_407 : memref<1x200x64xf32, #tpu.memory_space<vmem>> -> memref<200x64xf32, #tpu.memory_space<vmem>>
      %get3A_409 = arith.index_cast %scan3A_382 : i32 to index
      %get3A_410 = arith.constant 16 : index
      %get3A_411 = tpu.vector_load %get3A_408[%get3A_409, %get3A_410] {strides = array<i32>} : memref<200x64xf32, #tpu.memory_space<vmem>>, vector<1x16xf32>,
      %get3A_412 = vector.shape_cast %get3A_411 : vector<1x16xf32> to vector<16xf32>
      %get3A_413 = arith.index_cast %scan3A_382 : i32 to index
      %get3A_414 = arith.constant 16 : index
      %get3A_415 = tpu.vector_load %arg7[%get3A_413, %get3A_414] {strides = array<i32>} : memref<200x64xf32, #tpu.memory_space<vmem>>, vector<1x16xf32>,
      %get3A_416 = vector.shape_cast %get3A_415 : vector<1x16xf32> to vector<16xf32>
      %add3A_417 = arith.addf %get3A_412, %get3A_416 : vector<16xf32>
      %swap3A_418 = arith.constant 0 : i32
      %swap3A_419 = arith.constant 0 : i32
      %swap3A_420 = tpu.memref_slice %arg8[%scan3A_126, %swap3A_418, %swap3A_419] : memref<7x200x64xf32, #tpu.memory_space<vmem>> -> memref<1x200x64xf32, #tpu.memory_space<vmem>>
      %swap3A_421 = tpu.memref_squeeze %swap3A_420 : memref<1x200x64xf32, #tpu.memory_space<vmem>> -> memref<200x64xf32, #tpu.memory_space<vmem>>
      %swap3A_422 = arith.index_cast %scan3A_382 : i32 to index
      %swap3A_423 = arith.constant 16 : index
      %swap3A_424 = tpu.vector_load %swap3A_421[%swap3A_422, %swap3A_423] {strides = array<i32>} : memref<200x64xf32, #tpu.memory_space<vmem>>, vector<1x16xf32>,
      %swap3A_425 = vector.shape_cast %swap3A_424 : vector<1x16xf32> to vector<16xf32>
      %swap3A_426 = vector.shape_cast %add3A_417 : vector<16xf32> to vector<1x16xf32>
      tpu.vector_store %swap3A_421[%swap3A_422, %swap3A_423], %swap3A_426 {strides = array<i32>} : memref<200x64xf32, #tpu.memory_space<vmem>>, vector<1x16xf32>,
      %get3A_427 = arith.constant 0 : i32
      %get3A_428 = arith.constant 0 : i32
      %get3A_429 = tpu.memref_slice %arg8[%scan3A_126, %get3A_427, %get3A_428] : memref<7x200x64xf32, #tpu.memory_space<vmem>> -> memref<1x200x64xf32, #tpu.memory_space<vmem>>
      %get3A_430 = tpu.memref_squeeze %get3A_429 : memref<1x200x64xf32, #tpu.memory_space<vmem>> -> memref<200x64xf32, #tpu.memory_space<vmem>>
      %get3A_431 = arith.index_cast %scan3A_382 : i32 to index
      %get3A_432 = arith.constant 32 : index
      %get3A_433 = tpu.vector_load %get3A_430[%get3A_431, %get3A_432] {strides = array<i32>} : memref<200x64xf32, #tpu.memory_space<vmem>>, vector<1x16xf32>,
      %get3A_434 = vector.shape_cast %get3A_433 : vector<1x16xf32> to vector<16xf32>
      %get3A_435 = arith.index_cast %scan3A_382 : i32 to index
      %get3A_436 = arith.constant 32 : index
      %get3A_437 = tpu.vector_load %arg7[%get3A_435, %get3A_436] {strides = array<i32>} : memref<200x64xf32, #tpu.memory_space<vmem>>, vector<1x16xf32>,
      %get3A_438 = vector.shape_cast %get3A_437 : vector<1x16xf32> to vector<16xf32>
      %add3A_439 = arith.addf %get3A_434, %get3A_438 : vector<16xf32>
      %swap3A_440 = arith.constant 0 : i32
      %swap3A_441 = arith.constant 0 : i32
      %swap3A_442 = tpu.memref_slice %arg8[%scan3A_126, %swap3A_440, %swap3A_441] : memref<7x200x64xf32, #tpu.memory_space<vmem>> -> memref<1x200x64xf32, #tpu.memory_space<vmem>>
      %swap3A_443 = tpu.memref_squeeze %swap3A_442 : memref<1x200x64xf32, #tpu.memory_space<vmem>> -> memref<200x64xf32, #tpu.memory_space<vmem>>
      %swap3A_444 = arith.index_cast %scan3A_382 : i32 to index
      %swap3A_445 = arith.constant 32 : index
      %swap3A_446 = tpu.vector_load %swap3A_443[%swap3A_444, %swap3A_445] {strides = array<i32>} : memref<200x64xf32, #tpu.memory_space<vmem>>, vector<1x16xf32>,
      %swap3A_447 = vector.shape_cast %swap3A_446 : vector<1x16xf32> to vector<16xf32>
      %swap3A_448 = vector.shape_cast %add3A_439 : vector<16xf32> to vector<1x16xf32>
      tpu.vector_store %swap3A_443[%swap3A_444, %swap3A_445], %swap3A_448 {strides = array<i32>} : memref<200x64xf32, #tpu.memory_space<vmem>>, vector<1x16xf32>,
      %get3A_449 = arith.constant 0 : i32
      %get3A_450 = arith.constant 0 : i32
      %get3A_451 = tpu.memref_slice %arg8[%scan3A_126, %get3A_449, %get3A_450] : memref<7x200x64xf32, #tpu.memory_space<vmem>> -> memref<1x200x64xf32, #tpu.memory_space<vmem>>
      %get3A_452 = tpu.memref_squeeze %get3A_451 : memref<1x200x64xf32, #tpu.memory_space<vmem>> -> memref<200x64xf32, #tpu.memory_space<vmem>>
      %get3A_453 = arith.index_cast %scan3A_382 : i32 to index
      %get3A_454 = arith.constant 48 : index
      %get3A_455 = tpu.vector_load %get3A_452[%get3A_453, %get3A_454] {strides = array<i32>} : memref<200x64xf32, #tpu.memory_space<vmem>>, vector<1x16xf32>,
      %get3A_456 = vector.shape_cast %get3A_455 : vector<1x16xf32> to vector<16xf32>
      %get3A_457 = arith.index_cast %scan3A_382 : i32 to index
      %get3A_458 = arith.constant 48 : index
      %get3A_459 = tpu.vector_load %arg7[%get3A_457, %get3A_458] {strides = array<i32>} : memref<200x64xf32, #tpu.memory_space<vmem>>, vector<1x16xf32>,
      %get3A_460 = vector.shape_cast %get3A_459 : vector<1x16xf32> to vector<16xf32>
      %add3A_461 = arith.addf %get3A_456, %get3A_460 : vector<16xf32>
      %swap3A_462 = arith.constant 0 : i32
      %swap3A_463 = arith.constant 0 : i32
      %swap3A_464 = tpu.memref_slice %arg8[%scan3A_126, %swap3A_462, %swap3A_463] : memref<7x200x64xf32, #tpu.memory_space<vmem>> -> memref<1x200x64xf32, #tpu.memory_space<vmem>>
      %swap3A_465 = tpu.memref_squeeze %swap3A_464 : memref<1x200x64xf32, #tpu.memory_space<vmem>> -> memref<200x64xf32, #tpu.memory_space<vmem>>
      %swap3A_466 = arith.index_cast %scan3A_382 : i32 to index
      %swap3A_467 = arith.constant 48 : index
      %swap3A_468 = tpu.vector_load %swap3A_465[%swap3A_466, %swap3A_467] {strides = array<i32>} : memref<200x64xf32, #tpu.memory_space<vmem>>, vector<1x16xf32>,
      %swap3A_469 = vector.shape_cast %swap3A_468 : vector<1x16xf32> to vector<16xf32>
      %swap3A_470 = vector.shape_cast %add3A_461 : vector<16xf32> to vector<1x16xf32>
      tpu.vector_store %swap3A_465[%swap3A_466, %swap3A_467], %swap3A_470 {strides = array<i32>} : memref<200x64xf32, #tpu.memory_space<vmem>>, vector<1x16xf32>,
      %scan3A_471 = arith.constant 2 : i32
      %scan3A_472 = arith.addi %scan3A_294, %scan3A_471 : i32
      %get3A_473 = arith.constant 0 : i32
      %get3A_474 = arith.constant 0 : i32
      %get3A_475 = tpu.memref_slice %arg8[%scan3A_126, %get3A_473, %get3A_474] : memref<7x200x64xf32, #tpu.memory_space<vmem>> -> memref<1x200x64xf32, #tpu.memory_space<vmem>>
      %get3A_476 = tpu.memref_squeeze %get3A_475 : memref<1x200x64xf32, #tpu.memory_space<vmem>> -> memref<200x64xf32, #tpu.memory_space<vmem>>
      %get3A_477 = arith.index_cast %scan3A_472 : i32 to index
      %get3A_478 = arith.constant 0 : index
      %get3A_479 = tpu.vector_load %get3A_476[%get3A_477, %get3A_478] {strides = array<i32>} : memref<200x64xf32, #tpu.memory_space<vmem>>, vector<1x16xf32>,
      %get3A_480 = vector.shape_cast %get3A_479 : vector<1x16xf32> to vector<16xf32>
      %get3A_481 = arith.index_cast %scan3A_472 : i32 to index
      %get3A_482 = arith.constant 0 : index
      %get3A_483 = tpu.vector_load %arg7[%get3A_481, %get3A_482] {strides = array<i32>} : memref<200x64xf32, #tpu.memory_space<vmem>>, vector<1x16xf32>,
      %get3A_484 = vector.shape_cast %get3A_483 : vector<1x16xf32> to vector<16xf32>
      %add3A_485 = arith.addf %get3A_480, %get3A_484 : vector<16xf32>
      %swap3A_486 = arith.constant 0 : i32
      %swap3A_487 = arith.constant 0 : i32
      %swap3A_488 = tpu.memref_slice %arg8[%scan3A_126, %swap3A_486, %swap3A_487] : memref<7x200x64xf32, #tpu.memory_space<vmem>> -> memref<1x200x64xf32, #tpu.memory_space<vmem>>
      %swap3A_489 = tpu.memref_squeeze %swap3A_488 : memref<1x200x64xf32, #tpu.memory_space<vmem>> -> memref<200x64xf32, #tpu.memory_space<vmem>>
      %swap3A_490 = arith.index_cast %scan3A_472 : i32 to index
      %swap3A_491 = arith.constant 0 : index
      %swap3A_492 = tpu.vector_load %swap3A_489[%swap3A_490, %swap3A_491] {strides = array<i32>} : memref<200x64xf32, #tpu.memory_space<vmem>>, vector<1x16xf32>,
      %swap3A_493 = vector.shape_cast %swap3A_492 : vector<1x16xf32> to vector<16xf32>
      %swap3A_494 = vector.shape_cast %add3A_485 : vector<16xf32> to vector<1x16xf32>
      tpu.vector_store %swap3A_489[%swap3A_490, %swap3A_491], %swap3A_494 {strides = array<i32>} : memref<200x64xf32, #tpu.memory_space<vmem>>, vector<1x16xf32>,
      %get3A_495 = arith.constant 0 : i32
      %get3A_496 = arith.constant 0 : i32
      %get3A_497 = tpu.memref_slice %arg8[%scan3A_126, %get3A_495, %get3A_496] : memref<7x200x64xf32, #tpu.memory_space<vmem>> -> memref<1x200x64xf32, #tpu.memory_space<vmem>>
      %get3A_498 = tpu.memref_squeeze %get3A_497 : memref<1x200x64xf32, #tpu.memory_space<vmem>> -> memref<200x64xf32, #tpu.memory_space<vmem>>
      %get3A_499 = arith.index_cast %scan3A_472 : i32 to index
      %get3A_500 = arith.constant 16 : index
      %get3A_501 = tpu.vector_load %get3A_498[%get3A_499, %get3A_500] {strides = array<i32>} : memref<200x64xf32, #tpu.memory_space<vmem>>, vector<1x16xf32>,
      %get3A_502 = vector.shape_cast %get3A_501 : vector<1x16xf32> to vector<16xf32>
      %get3A_503 = arith.index_cast %scan3A_472 : i32 to index
      %get3A_504 = arith.constant 16 : index
      %get3A_505 = tpu.vector_load %arg7[%get3A_503, %get3A_504] {strides = array<i32>} : memref<200x64xf32, #tpu.memory_space<vmem>>, vector<1x16xf32>,
      %get3A_506 = vector.shape_cast %get3A_505 : vector<1x16xf32> to vector<16xf32>
      %add3A_507 = arith.addf %get3A_502, %get3A_506 : vector<16xf32>
      %swap3A_508 = arith.constant 0 : i32
      %swap3A_509 = arith.constant 0 : i32
      %swap3A_510 = tpu.memref_slice %arg8[%scan3A_126, %swap3A_508, %swap3A_509] : memref<7x200x64xf32, #tpu.memory_space<vmem>> -> memref<1x200x64xf32, #tpu.memory_space<vmem>>
      %swap3A_511 = tpu.memref_squeeze %swap3A_510 : memref<1x200x64xf32, #tpu.memory_space<vmem>> -> memref<200x64xf32, #tpu.memory_space<vmem>>
      %swap3A_512 = arith.index_cast %scan3A_472 : i32 to index
      %swap3A_513 = arith.constant 16 : index
      %swap3A_514 = tpu.vector_load %swap3A_511[%swap3A_512, %swap3A_513] {strides = array<i32>} : memref<200x64xf32, #tpu.memory_space<vmem>>, vector<1x16xf32>,
      %swap3A_515 = vector.shape_cast %swap3A_514 : vector<1x16xf32> to vector<16xf32>
      %swap3A_516 = vector.shape_cast %add3A_507 : vector<16xf32> to vector<1x16xf32>
      tpu.vector_store %swap3A_511[%swap3A_512, %swap3A_513], %swap3A_516 {strides = array<i32>} : memref<200x64xf32, #tpu.memory_space<vmem>>, vector<1x16xf32>,
      %get3A_517 = arith.constant 0 : i32
      %get3A_518 = arith.constant 0 : i32
      %get3A_519 = tpu.memref_slice %arg8[%scan3A_126, %get3A_517, %get3A_518] : memref<7x200x64xf32, #tpu.memory_space<vmem>> -> memref<1x200x64xf32, #tpu.memory_space<vmem>>
      %get3A_520 = tpu.memref_squeeze %get3A_519 : memref<1x200x64xf32, #tpu.memory_space<vmem>> -> memref<200x64xf32, #tpu.memory_space<vmem>>
      %get3A_521 = arith.index_cast %scan3A_472 : i32 to index
      %get3A_522 = arith.constant 32 : index
      %get3A_523 = tpu.vector_load %get3A_520[%get3A_521, %get3A_522] {strides = array<i32>} : memref<200x64xf32, #tpu.memory_space<vmem>>, vector<1x16xf32>,
      %get3A_524 = vector.shape_cast %get3A_523 : vector<1x16xf32> to vector<16xf32>
      %get3A_525 = arith.index_cast %scan3A_472 : i32 to index
      %get3A_526 = arith.constant 32 : index
      %get3A_527 = tpu.vector_load %arg7[%get3A_525, %get3A_526] {strides = array<i32>} : memref<200x64xf32, #tpu.memory_space<vmem>>, vector<1x16xf32>,
      %get3A_528 = vector.shape_cast %get3A_527 : vector<1x16xf32> to vector<16xf32>
      %add3A_529 = arith.addf %get3A_524, %get3A_528 : vector<16xf32>
      %swap3A_530 = arith.constant 0 : i32
      %swap3A_531 = arith.constant 0 : i32
      %swap3A_532 = tpu.memref_slice %arg8[%scan3A_126, %swap3A_530, %swap3A_531] : memref<7x200x64xf32, #tpu.memory_space<vmem>> -> memref<1x200x64xf32, #tpu.memory_space<vmem>>
      %swap3A_533 = tpu.memref_squeeze %swap3A_532 : memref<1x200x64xf32, #tpu.memory_space<vmem>> -> memref<200x64xf32, #tpu.memory_space<vmem>>
      %swap3A_534 = arith.index_cast %scan3A_472 : i32 to index
      %swap3A_535 = arith.constant 32 : index
      %swap3A_536 = tpu.vector_load %swap3A_533[%swap3A_534, %swap3A_535] {strides = array<i32>} : memref<200x64xf32, #tpu.memory_space<vmem>>, vector<1x16xf32>,
      %swap3A_537 = vector.shape_cast %swap3A_536 : vector<1x16xf32> to vector<16xf32>
      %swap3A_538 = vector.shape_cast %add3A_529 : vector<16xf32> to vector<1x16xf32>
      tpu.vector_store %swap3A_533[%swap3A_534, %swap3A_535], %swap3A_538 {strides = array<i32>} : memref<200x64xf32, #tpu.memory_space<vmem>>, vector<1x16xf32>,
      %get3A_539 = arith.constant 0 : i32
      %get3A_540 = arith.constant 0 : i32
      %get3A_541 = tpu.memref_slice %arg8[%scan3A_126, %get3A_539, %get3A_540] : memref<7x200x64xf32, #tpu.memory_space<vmem>> -> memref<1x200x64xf32, #tpu.memory_space<vmem>>
      %get3A_542 = tpu.memref_squeeze %get3A_541 : memref<1x200x64xf32, #tpu.memory_space<vmem>> -> memref<200x64xf32, #tpu.memory_space<vmem>>
      %get3A_543 = arith.index_cast %scan3A_472 : i32 to index
      %get3A_544 = arith.constant 48 : index
      %get3A_545 = tpu.vector_load %get3A_542[%get3A_543, %get3A_544] {strides = array<i32>} : memref<200x64xf32, #tpu.memory_space<vmem>>, vector<1x16xf32>,
      %get3A_546 = vector.shape_cast %get3A_545 : vector<1x16xf32> to vector<16xf32>
      %get3A_547 = arith.index_cast %scan3A_472 : i32 to index
      %get3A_548 = arith.constant 48 : index
      %get3A_549 = tpu.vector_load %arg7[%get3A_547, %get3A_548] {strides = array<i32>} : memref<200x64xf32, #tpu.memory_space<vmem>>, vector<1x16xf32>,
      %get3A_550 = vector.shape_cast %get3A_549 : vector<1x16xf32> to vector<16xf32>
      %add3A_551 = arith.addf %get3A_546, %get3A_550 : vector<16xf32>
      %swap3A_552 = arith.constant 0 : i32
      %swap3A_553 = arith.constant 0 : i32
      %swap3A_554 = tpu.memref_slice %arg8[%scan3A_126, %swap3A_552, %swap3A_553] : memref<7x200x64xf32, #tpu.memory_space<vmem>> -> memref<1x200x64xf32, #tpu.memory_space<vmem>>
      %swap3A_555 = tpu.memref_squeeze %swap3A_554 : memref<1x200x64xf32, #tpu.memory_space<vmem>> -> memref<200x64xf32, #tpu.memory_space<vmem>>
      %swap3A_556 = arith.index_cast %scan3A_472 : i32 to index
      %swap3A_557 = arith.constant 48 : index
      %swap3A_558 = tpu.vector_load %swap3A_555[%swap3A_556, %swap3A_557] {strides = array<i32>} : memref<200x64xf32, #tpu.memory_space<vmem>>, vector<1x16xf32>,
      %swap3A_559 = vector.shape_cast %swap3A_558 : vector<1x16xf32> to vector<16xf32>
      %swap3A_560 = vector.shape_cast %add3A_551 : vector<16xf32> to vector<1x16xf32>
      tpu.vector_store %swap3A_555[%swap3A_556, %swap3A_557], %swap3A_560 {strides = array<i32>} : memref<200x64xf32, #tpu.memory_space<vmem>>, vector<1x16xf32>,
      %scan3A_561 = arith.constant 3 : i32
      %scan3A_562 = arith.addi %scan3A_294, %scan3A_561 : i32
      %get3A_563 = arith.constant 0 : i32
      %get3A_564 = arith.constant 0 : i32
      %get3A_565 = tpu.memref_slice %arg8[%scan3A_126, %get3A_563, %get3A_564] : memref<7x200x64xf32, #tpu.memory_space<vmem>> -> memref<1x200x64xf32, #tpu.memory_space<vmem>>
      %get3A_566 = tpu.memref_squeeze %get3A_565 : memref<1x200x64xf32, #tpu.memory_space<vmem>> -> memref<200x64xf32, #tpu.memory_space<vmem>>
      %get3A_567 = arith.index_cast %scan3A_562 : i32 to index
      %get3A_568 = arith.constant 0 : index
      %get3A_569 = tpu.vector_load %get3A_566[%get3A_567, %get3A_568] {strides = array<i32>} : memref<200x64xf32, #tpu.memory_space<vmem>>, vector<1x16xf32>,
      %get3A_570 = vector.shape_cast %get3A_569 : vector<1x16xf32> to vector<16xf32>
      %get3A_571 = arith.index_cast %scan3A_562 : i32 to index
      %get3A_572 = arith.constant 0 : index
      %get3A_573 = tpu.vector_load %arg7[%get3A_571, %get3A_572] {strides = array<i32>} : memref<200x64xf32, #tpu.memory_space<vmem>>, vector<1x16xf32>,
      %get3A_574 = vector.shape_cast %get3A_573 : vector<1x16xf32> to vector<16xf32>
      %add3A_575 = arith.addf %get3A_570, %get3A_574 : vector<16xf32>
      %swap3A_576 = arith.constant 0 : i32
      %swap3A_577 = arith.constant 0 : i32
      %swap3A_578 = tpu.memref_slice %arg8[%scan3A_126, %swap3A_576, %swap3A_577] : memref<7x200x64xf32, #tpu.memory_space<vmem>> -> memref<1x200x64xf32, #tpu.memory_space<vmem>>
      %swap3A_579 = tpu.memref_squeeze %swap3A_578 : memref<1x200x64xf32, #tpu.memory_space<vmem>> -> memref<200x64xf32, #tpu.memory_space<vmem>>
      %swap3A_580 = arith.index_cast %scan3A_562 : i32 to index
      %swap3A_581 = arith.constant 0 : index
      %swap3A_582 = tpu.vector_load %swap3A_579[%swap3A_580, %swap3A_581] {strides = array<i32>} : memref<200x64xf32, #tpu.memory_space<vmem>>, vector<1x16xf32>,
      %swap3A_583 = vector.shape_cast %swap3A_582 : vector<1x16xf32> to vector<16xf32>
      %swap3A_584 = vector.shape_cast %add3A_575 : vector<16xf32> to vector<1x16xf32>
      tpu.vector_store %swap3A_579[%swap3A_580, %swap3A_581], %swap3A_584 {strides = array<i32>} : memref<200x64xf32, #tpu.memory_space<vmem>>, vector<1x16xf32>,
      %get3A_585 = arith.constant 0 : i32
      %get3A_586 = arith.constant 0 : i32
      %get3A_587 = tpu.memref_slice %arg8[%scan3A_126, %get3A_585, %get3A_586] : memref<7x200x64xf32, #tpu.memory_space<vmem>> -> memref<1x200x64xf32, #tpu.memory_space<vmem>>
      %get3A_588 = tpu.memref_squeeze %get3A_587 : memref<1x200x64xf32, #tpu.memory_space<vmem>> -> memref<200x64xf32, #tpu.memory_space<vmem>>
      %get3A_589 = arith.index_cast %scan3A_562 : i32 to index
      %get3A_590 = arith.constant 16 : index
      %get3A_591 = tpu.vector_load %get3A_588[%get3A_589, %get3A_590] {strides = array<i32>} : memref<200x64xf32, #tpu.memory_space<vmem>>, vector<1x16xf32>,
      %get3A_592 = vector.shape_cast %get3A_591 : vector<1x16xf32> to vector<16xf32>
      %get3A_593 = arith.index_cast %scan3A_562 : i32 to index
      %get3A_594 = arith.constant 16 : index
      %get3A_595 = tpu.vector_load %arg7[%get3A_593, %get3A_594] {strides = array<i32>} : memref<200x64xf32, #tpu.memory_space<vmem>>, vector<1x16xf32>,
      %get3A_596 = vector.shape_cast %get3A_595 : vector<1x16xf32> to vector<16xf32>
      %add3A_597 = arith.addf %get3A_592, %get3A_596 : vector<16xf32>
      %swap3A_598 = arith.constant 0 : i32
      %swap3A_599 = arith.constant 0 : i32
      %swap3A_600 = tpu.memref_slice %arg8[%scan3A_126, %swap3A_598, %swap3A_599] : memref<7x200x64xf32, #tpu.memory_space<vmem>> -> memref<1x200x64xf32, #tpu.memory_space<vmem>>
      %swap3A_601 = tpu.memref_squeeze %swap3A_600 : memref<1x200x64xf32, #tpu.memory_space<vmem>> -> memref<200x64xf32, #tpu.memory_space<vmem>>
      %swap3A_602 = arith.index_cast %scan3A_562 : i32 to index
      %swap3A_603 = arith.constant 16 : index
      %swap3A_604 = tpu.vector_load %swap3A_601[%swap3A_602, %swap3A_603] {strides = array<i32>} : memref<200x64xf32, #tpu.memory_space<vmem>>, vector<1x16xf32>,
      %swap3A_605 = vector.shape_cast %swap3A_604 : vector<1x16xf32> to vector<16xf32>
      %swap3A_606 = vector.shape_cast %add3A_597 : vector<16xf32> to vector<1x16xf32>
      tpu.vector_store %swap3A_601[%swap3A_602, %swap3A_603], %swap3A_606 {strides = array<i32>} : memref<200x64xf32, #tpu.memory_space<vmem>>, vector<1x16xf32>,
      %get3A_607 = arith.constant 0 : i32
      %get3A_608 = arith.constant 0 : i32
      %get3A_609 = tpu.memref_slice %arg8[%scan3A_126, %get3A_607, %get3A_608] : memref<7x200x64xf32, #tpu.memory_space<vmem>> -> memref<1x200x64xf32, #tpu.memory_space<vmem>>
      %get3A_610 = tpu.memref_squeeze %get3A_609 : memref<1x200x64xf32, #tpu.memory_space<vmem>> -> memref<200x64xf32, #tpu.memory_space<vmem>>
      %get3A_611 = arith.index_cast %scan3A_562 : i32 to index
      %get3A_612 = arith.constant 32 : index
      %get3A_613 = tpu.vector_load %get3A_610[%get3A_611, %get3A_612] {strides = array<i32>} : memref<200x64xf32, #tpu.memory_space<vmem>>, vector<1x16xf32>,
      %get3A_614 = vector.shape_cast %get3A_613 : vector<1x16xf32> to vector<16xf32>
      %get3A_615 = arith.index_cast %scan3A_562 : i32 to index
      %get3A_616 = arith.constant 32 : index
      %get3A_617 = tpu.vector_load %arg7[%get3A_615, %get3A_616] {strides = array<i32>} : memref<200x64xf32, #tpu.memory_space<vmem>>, vector<1x16xf32>,
      %get3A_618 = vector.shape_cast %get3A_617 : vector<1x16xf32> to vector<16xf32>
      %add3A_619 = arith.addf %get3A_614, %get3A_618 : vector<16xf32>
      %swap3A_620 = arith.constant 0 : i32
      %swap3A_621 = arith.constant 0 : i32
      %swap3A_622 = tpu.memref_slice %arg8[%scan3A_126, %swap3A_620, %swap3A_621] : memref<7x200x64xf32, #tpu.memory_space<vmem>> -> memref<1x200x64xf32, #tpu.memory_space<vmem>>
      %swap3A_623 = tpu.memref_squeeze %swap3A_622 : memref<1x200x64xf32, #tpu.memory_space<vmem>> -> memref<200x64xf32, #tpu.memory_space<vmem>>
      %swap3A_624 = arith.index_cast %scan3A_562 : i32 to index
      %swap3A_625 = arith.constant 32 : index
      %swap3A_626 = tpu.vector_load %swap3A_623[%swap3A_624, %swap3A_625] {strides = array<i32>} : memref<200x64xf32, #tpu.memory_space<vmem>>, vector<1x16xf32>,
      %swap3A_627 = vector.shape_cast %swap3A_626 : vector<1x16xf32> to vector<16xf32>
      %swap3A_628 = vector.shape_cast %add3A_619 : vector<16xf32> to vector<1x16xf32>
      tpu.vector_store %swap3A_623[%swap3A_624, %swap3A_625], %swap3A_628 {strides = array<i32>} : memref<200x64xf32, #tpu.memory_space<vmem>>, vector<1x16xf32>,
      %get3A_629 = arith.constant 0 : i32
      %get3A_630 = arith.constant 0 : i32
      %get3A_631 = tpu.memref_slice %arg8[%scan3A_126, %get3A_629, %get3A_630] : memref<7x200x64xf32, #tpu.memory_space<vmem>> -> memref<1x200x64xf32, #tpu.memory_space<vmem>>
      %get3A_632 = tpu.memref_squeeze %get3A_631 : memref<1x200x64xf32, #tpu.memory_space<vmem>> -> memref<200x64xf32, #tpu.memory_space<vmem>>
      %get3A_633 = arith.index_cast %scan3A_562 : i32 to index
      %get3A_634 = arith.constant 48 : index
      %get3A_635 = tpu.vector_load %get3A_632[%get3A_633, %get3A_634] {strides = array<i32>} : memref<200x64xf32, #tpu.memory_space<vmem>>, vector<1x16xf32>,
      %get3A_636 = vector.shape_cast %get3A_635 : vector<1x16xf32> to vector<16xf32>
      %get3A_637 = arith.index_cast %scan3A_562 : i32 to index
      %get3A_638 = arith.constant 48 : index
      %get3A_639 = tpu.vector_load %arg7[%get3A_637, %get3A_638] {strides = array<i32>} : memref<200x64xf32, #tpu.memory_space<vmem>>, vector<1x16xf32>,
      %get3A_640 = vector.shape_cast %get3A_639 : vector<1x16xf32> to vector<16xf32>
      %add3A_641 = arith.addf %get3A_636, %get3A_640 : vector<16xf32>
      %swap3A_642 = arith.constant 0 : i32
      %swap3A_643 = arith.constant 0 : i32
      %swap3A_644 = tpu.memref_slice %arg8[%scan3A_126, %swap3A_642, %swap3A_643] : memref<7x200x64xf32, #tpu.memory_space<vmem>> -> memref<1x200x64xf32, #tpu.memory_space<vmem>>
      %swap3A_645 = tpu.memref_squeeze %swap3A_644 : memref<1x200x64xf32, #tpu.memory_space<vmem>> -> memref<200x64xf32, #tpu.memory_space<vmem>>
      %swap3A_646 = arith.index_cast %scan3A_562 : i32 to index
      %swap3A_647 = arith.constant 48 : index
      %swap3A_648 = tpu.vector_load %swap3A_645[%swap3A_646, %swap3A_647] {strides = array<i32>} : memref<200x64xf32, #tpu.memory_space<vmem>>, vector<1x16xf32>,
      %swap3A_649 = vector.shape_cast %swap3A_648 : vector<1x16xf32> to vector<16xf32>
      %swap3A_650 = vector.shape_cast %add3A_641 : vector<16xf32> to vector<1x16xf32>
      tpu.vector_store %swap3A_645[%swap3A_646, %swap3A_647], %swap3A_650 {strides = array<i32>} : memref<200x64xf32, #tpu.memory_space<vmem>>, vector<1x16xf32>,
    }
    %scan3A_131 = arith.constant 200 : i32
    %add3A_132 = arith.constant 127 : i32
    %add3A_133 = arith.addi %mul3A_2, %add3A_132 : i32
    %dma_start3A_134 = arith.constant 1 : i32
    %dma_start3A_135 = arith.constant 1 : i32
    %dma_start3A_136 = arith.constant 0 : i32
    %dma_start3A_137 = arith.constant 0 : i32
    %dma_start3A_138 = tpu.memref_slice %arg8[%dma_start3A_134, %dma_start3A_136, %dma_start3A_137] : memref<7x200x64xf32, #tpu.memory_space<vmem>> -> memref<1x200x64xf32, #tpu.memory_space<vmem>>
    %dma_start3A_139 = tpu.memref_squeeze %dma_start3A_138 : memref<1x200x64xf32, #tpu.memory_space<vmem>> -> memref<200x64xf32, #tpu.memory_space<vmem>>
    %dma_start3A_140 = arith.constant 0 : i32
    %dma_start3A_141 = arith.constant 0 : i32
    %dma_start3A_142 = tpu.memref_slice %arg5[%add3A_133, %dma_start3A_140, %dma_start3A_141] : memref<4096x200x64xf32, #tpu.memory_space<hbm>> -> memref<1x200x64xf32, #tpu.memory_space<hbm>>
    %dma_start3A_143 = tpu.memref_squeeze %dma_start3A_142 : memref<1x200x64xf32, #tpu.memory_space<hbm>> -> memref<200x64xf32, #tpu.memory_space<hbm>>
    %dma_start3A_144 = tpu.memref_slice %arg10[%dma_start3A_135] : memref<7x!tpu.dma_semaphore, #tpu.memory_space<semaphore_mem>> -> memref<1x!tpu.dma_semaphore, #tpu.memory_space<semaphore_mem>>
    %dma_start3A_145 = tpu.memref_squeeze %dma_start3A_144 : memref<1x!tpu.dma_semaphore, #tpu.memory_space<semaphore_mem>> -> memref<!tpu.dma_semaphore, #tpu.memory_space<semaphore_mem>>
    %dma_start3A_146 = arith.constant 0 : i32
    %dma_start3A_147 = arith.constant 0 : i32
    %dma_start3A_148 = tpu.memref_slice %arg5[%add3A_133, %dma_start3A_146, %dma_start3A_147] : memref<4096x200x64xf32, #tpu.memory_space<hbm>> -> memref<1x200x64xf32, #tpu.memory_space<hbm>>
    %dma_start3A_149 = tpu.memref_squeeze %dma_start3A_148 : memref<1x200x64xf32, #tpu.memory_space<hbm>> -> memref<200x64xf32, #tpu.memory_space<hbm>>
    %dma_start3A_150 = arith.constant 0 : i32
    %dma_start3A_151 = arith.constant 0 : i32
    %dma_start3A_152 = tpu.memref_slice %arg8[%dma_start3A_134, %dma_start3A_150, %dma_start3A_151] : memref<7x200x64xf32, #tpu.memory_space<vmem>> -> memref<1x200x64xf32, #tpu.memory_space<vmem>>
    %dma_start3A_153 = tpu.memref_squeeze %dma_start3A_152 : memref<1x200x64xf32, #tpu.memory_space<vmem>> -> memref<200x64xf32, #tpu.memory_space<vmem>>
    tpu.enqueue_dma source(%dma_start3A_153 : memref<200x64xf32, #tpu.memory_space<vmem>>) target(%dma_start3A_149 : memref<200x64xf32, #tpu.memory_space<hbm>>) target_semaphore(%dma_start3A_145 : memref<!tpu.dma_semaphore, #tpu.memory_space<semaphore_mem>>)
    %dma_wait3A_154 = arith.constant 0 : i32
    %dma_wait3A_155 = arith.constant 0 : i32
    %dma_wait3A_156 = arith.constant 0 : i32
    %dma_wait3A_157 = arith.constant 0 : i32
    %dma_wait3A_158 = tpu.memref_slice %arg8[%dma_wait3A_154, %dma_wait3A_156, %dma_wait3A_157] : memref<7x200x64xf32, #tpu.memory_space<vmem>> -> memref<1x200x64xf32, #tpu.memory_space<vmem>>
    %dma_wait3A_159 = tpu.memref_squeeze %dma_wait3A_158 : memref<1x200x64xf32, #tpu.memory_space<vmem>> -> memref<200x64xf32, #tpu.memory_space<vmem>>
    %dma_wait3A_160 = arith.constant 0 : i32
    %dma_wait3A_161 = arith.constant 0 : i32
    %dma_wait3A_162 = tpu.memref_slice %arg5[%mul3A_2, %dma_wait3A_160, %dma_wait3A_161] : memref<4096x200x64xf32, #tpu.memory_space<hbm>> -> memref<1x200x64xf32, #tpu.memory_space<hbm>>
    %dma_wait3A_163 = tpu.memref_squeeze %dma_wait3A_162 : memref<1x200x64xf32, #tpu.memory_space<hbm>> -> memref<200x64xf32, #tpu.memory_space<hbm>>
    %dma_wait3A_164 = tpu.memref_slice %arg10[%dma_wait3A_155] : memref<7x!tpu.dma_semaphore, #tpu.memory_space<semaphore_mem>> -> memref<1x!tpu.dma_semaphore, #tpu.memory_space<semaphore_mem>>
    %dma_wait3A_165 = tpu.memref_squeeze %dma_wait3A_164 : memref<1x!tpu.dma_semaphore, #tpu.memory_space<semaphore_mem>> -> memref<!tpu.dma_semaphore, #tpu.memory_space<semaphore_mem>>
    %dma_wait3A_166 = arith.constant 0 : i32
    %dma_wait3A_167 = arith.constant 0 : i32
    %dma_wait3A_168 = tpu.memref_slice %arg5[%mul3A_2, %dma_wait3A_166, %dma_wait3A_167] : memref<4096x200x64xf32, #tpu.memory_space<hbm>> -> memref<1x200x64xf32, #tpu.memory_space<hbm>>
    %dma_wait3A_169 = tpu.memref_squeeze %dma_wait3A_168 : memref<1x200x64xf32, #tpu.memory_space<hbm>> -> memref<200x64xf32, #tpu.memory_space<hbm>>
    %dma_wait3A_170 = arith.constant 0 : i32
    %dma_wait3A_171 = arith.constant 0 : i32
    %dma_wait3A_172 = tpu.memref_slice %arg8[%dma_wait3A_154, %dma_wait3A_170, %dma_wait3A_171] : memref<7x200x64xf32, #tpu.memory_space<vmem>> -> memref<1x200x64xf32, #tpu.memory_space<vmem>>
    %dma_wait3A_173 = tpu.memref_squeeze %dma_wait3A_172 : memref<1x200x64xf32, #tpu.memory_space<vmem>> -> memref<200x64xf32, #tpu.memory_space<vmem>>
    tpu.wait_dma2 semaphore(%dma_wait3A_165 : memref<!tpu.dma_semaphore, #tpu.memory_space<semaphore_mem>>) src(%dma_wait3A_173 : memref<200x64xf32, #tpu.memory_space<vmem>>) dst(%dma_wait3A_169 : memref<200x64xf32, #tpu.memory_space<hbm>>)
    %dma_wait3A_174 = arith.constant 1 : i32
    %dma_wait3A_175 = arith.constant 1 : i32
    %dma_wait3A_176 = arith.constant 0 : i32
    %dma_wait3A_177 = arith.constant 0 : i32
    %dma_wait3A_178 = tpu.memref_slice %arg8[%dma_wait3A_174, %dma_wait3A_176, %dma_wait3A_177] : memref<7x200x64xf32, #tpu.memory_space<vmem>> -> memref<1x200x64xf32, #tpu.memory_space<vmem>>
    %dma_wait3A_179 = tpu.memref_squeeze %dma_wait3A_178 : memref<1x200x64xf32, #tpu.memory_space<vmem>> -> memref<200x64xf32, #tpu.memory_space<vmem>>
    %dma_wait3A_180 = arith.constant 0 : i32
    %dma_wait3A_181 = arith.constant 0 : i32
    %dma_wait3A_182 = tpu.memref_slice %arg5[%mul3A_2, %dma_wait3A_180, %dma_wait3A_181] : memref<4096x200x64xf32, #tpu.memory_space<hbm>> -> memref<1x200x64xf32, #tpu.memory_space<hbm>>
    %dma_wait3A_183 = tpu.memref_squeeze %dma_wait3A_182 : memref<1x200x64xf32, #tpu.memory_space<hbm>> -> memref<200x64xf32, #tpu.memory_space<hbm>>
    %dma_wait3A_184 = tpu.memref_slice %arg10[%dma_wait3A_175] : memref<7x!tpu.dma_semaphore, #tpu.memory_space<semaphore_mem>> -> memref<1x!tpu.dma_semaphore, #tpu.memory_space<semaphore_mem>>
    %dma_wait3A_185 = tpu.memref_squeeze %dma_wait3A_184 : memref<1x!tpu.dma_semaphore, #tpu.memory_space<semaphore_mem>> -> memref<!tpu.dma_semaphore, #tpu.memory_space<semaphore_mem>>
    %dma_wait3A_186 = arith.constant 0 : i32
    %dma_wait3A_187 = arith.constant 0 : i32
    %dma_wait3A_188 = tpu.memref_slice %arg5[%mul3A_2, %dma_wait3A_186, %dma_wait3A_187] : memref<4096x200x64xf32, #tpu.memory_space<hbm>> -> memref<1x200x64xf32, #tpu.memory_space<hbm>>
    %dma_wait3A_189 = tpu.memref_squeeze %dma_wait3A_188 : memref<1x200x64xf32, #tpu.memory_space<hbm>> -> memref<200x64xf32, #tpu.memory_space<hbm>>
    %dma_wait3A_190 = arith.constant 0 : i32
    %dma_wait3A_191 = arith.constant 0 : i32
    %dma_wait3A_192 = tpu.memref_slice %arg8[%dma_wait3A_174, %dma_wait3A_190, %dma_wait3A_191] : memref<7x200x64xf32, #tpu.memory_space<vmem>> -> memref<1x200x64xf32, #tpu.memory_space<vmem>>
    %dma_wait3A_193 = tpu.memref_squeeze %dma_wait3A_192 : memref<1x200x64xf32, #tpu.memory_space<vmem>> -> memref<200x64xf32, #tpu.memory_space<vmem>>
    tpu.wait_dma2 semaphore(%dma_wait3A_185 : memref<!tpu.dma_semaphore, #tpu.memory_space<semaphore_mem>>) src(%dma_wait3A_193 : memref<200x64xf32, #tpu.memory_space<vmem>>) dst(%dma_wait3A_189 : memref<200x64xf32, #tpu.memory_space<hbm>>)
    %dma_wait3A_194 = arith.constant 2 : i32
    %dma_wait3A_195 = arith.constant 2 : i32
    %dma_wait3A_196 = arith.constant 0 : i32
    %dma_wait3A_197 = arith.constant 0 : i32
    %dma_wait3A_198 = tpu.memref_slice %arg8[%dma_wait3A_194, %dma_wait3A_196, %dma_wait3A_197] : memref<7x200x64xf32, #tpu.memory_space<vmem>> -> memref<1x200x64xf32, #tpu.memory_space<vmem>>
    %dma_wait3A_199 = tpu.memref_squeeze %dma_wait3A_198 : memref<1x200x64xf32, #tpu.memory_space<vmem>> -> memref<200x64xf32, #tpu.memory_space<vmem>>
    %dma_wait3A_200 = arith.constant 0 : i32
    %dma_wait3A_201 = arith.constant 0 : i32
    %dma_wait3A_202 = tpu.memref_slice %arg5[%mul3A_2, %dma_wait3A_200, %dma_wait3A_201] : memref<4096x200x64xf32, #tpu.memory_space<hbm>> -> memref<1x200x64xf32, #tpu.memory_space<hbm>>
    %dma_wait3A_203 = tpu.memref_squeeze %dma_wait3A_202 : memref<1x200x64xf32, #tpu.memory_space<hbm>> -> memref<200x64xf32, #tpu.memory_space<hbm>>
    %dma_wait3A_204 = tpu.memref_slice %arg10[%dma_wait3A_195] : memref<7x!tpu.dma_semaphore, #tpu.memory_space<semaphore_mem>> -> memref<1x!tpu.dma_semaphore, #tpu.memory_space<semaphore_mem>>
    %dma_wait3A_205 = tpu.memref_squeeze %dma_wait3A_204 : memref<1x!tpu.dma_semaphore, #tpu.memory_space<semaphore_mem>> -> memref<!tpu.dma_semaphore, #tpu.memory_space<semaphore_mem>>
    %dma_wait3A_206 = arith.constant 0 : i32
    %dma_wait3A_207 = arith.constant 0 : i32
    %dma_wait3A_208 = tpu.memref_slice %arg5[%mul3A_2, %dma_wait3A_206, %dma_wait3A_207] : memref<4096x200x64xf32, #tpu.memory_space<hbm>> -> memref<1x200x64xf32, #tpu.memory_space<hbm>>
    %dma_wait3A_209 = tpu.memref_squeeze %dma_wait3A_208 : memref<1x200x64xf32, #tpu.memory_space<hbm>> -> memref<200x64xf32, #tpu.memory_space<hbm>>
    %dma_wait3A_210 = arith.constant 0 : i32
    %dma_wait3A_211 = arith.constant 0 : i32
    %dma_wait3A_212 = tpu.memref_slice %arg8[%dma_wait3A_194, %dma_wait3A_210, %dma_wait3A_211] : memref<7x200x64xf32, #tpu.memory_space<vmem>> -> memref<1x200x64xf32, #tpu.memory_space<vmem>>
    %dma_wait3A_213 = tpu.memref_squeeze %dma_wait3A_212 : memref<1x200x64xf32, #tpu.memory_space<vmem>> -> memref<200x64xf32, #tpu.memory_space<vmem>>
    tpu.wait_dma2 semaphore(%dma_wait3A_205 : memref<!tpu.dma_semaphore, #tpu.memory_space<semaphore_mem>>) src(%dma_wait3A_213 : memref<200x64xf32, #tpu.memory_space<vmem>>) dst(%dma_wait3A_209 : memref<200x64xf32, #tpu.memory_space<hbm>>)
    %dma_wait3A_214 = arith.constant 3 : i32
    %dma_wait3A_215 = arith.constant 3 : i32
    %dma_wait3A_216 = arith.constant 0 : i32
    %dma_wait3A_217 = arith.constant 0 : i32
    %dma_wait3A_218 = tpu.memref_slice %arg8[%dma_wait3A_214, %dma_wait3A_216, %dma_wait3A_217] : memref<7x200x64xf32, #tpu.memory_space<vmem>> -> memref<1x200x64xf32, #tpu.memory_space<vmem>>
    %dma_wait3A_219 = tpu.memref_squeeze %dma_wait3A_218 : memref<1x200x64xf32, #tpu.memory_space<vmem>> -> memref<200x64xf32, #tpu.memory_space<vmem>>
    %dma_wait3A_220 = arith.constant 0 : i32
    %dma_wait3A_221 = arith.constant 0 : i32
    %dma_wait3A_222 = tpu.memref_slice %arg5[%mul3A_2, %dma_wait3A_220, %dma_wait3A_221] : memref<4096x200x64xf32, #tpu.memory_space<hbm>> -> memref<1x200x64xf32, #tpu.memory_space<hbm>>
    %dma_wait3A_223 = tpu.memref_squeeze %dma_wait3A_222 : memref<1x200x64xf32, #tpu.memory_space<hbm>> -> memref<200x64xf32, #tpu.memory_space<hbm>>
    %dma_wait3A_224 = tpu.memref_slice %arg10[%dma_wait3A_215] : memref<7x!tpu.dma_semaphore, #tpu.memory_space<semaphore_mem>> -> memref<1x!tpu.dma_semaphore, #tpu.memory_space<semaphore_mem>>
    %dma_wait3A_225 = tpu.memref_squeeze %dma_wait3A_224 : memref<1x!tpu.dma_semaphore, #tpu.memory_space<semaphore_mem>> -> memref<!tpu.dma_semaphore, #tpu.memory_space<semaphore_mem>>
    %dma_wait3A_226 = arith.constant 0 : i32
    %dma_wait3A_227 = arith.constant 0 : i32
    %dma_wait3A_228 = tpu.memref_slice %arg5[%mul3A_2, %dma_wait3A_226, %dma_wait3A_227] : memref<4096x200x64xf32, #tpu.memory_space<hbm>> -> memref<1x200x64xf32, #tpu.memory_space<hbm>>
    %dma_wait3A_229 = tpu.memref_squeeze %dma_wait3A_228 : memref<1x200x64xf32, #tpu.memory_space<hbm>> -> memref<200x64xf32, #tpu.memory_space<hbm>>
    %dma_wait3A_230 = arith.constant 0 : i32
    %dma_wait3A_231 = arith.constant 0 : i32
    %dma_wait3A_232 = tpu.memref_slice %arg8[%dma_wait3A_214, %dma_wait3A_230, %dma_wait3A_231] : memref<7x200x64xf32, #tpu.memory_space<vmem>> -> memref<1x200x64xf32, #tpu.memory_space<vmem>>
    %dma_wait3A_233 = tpu.memref_squeeze %dma_wait3A_232 : memref<1x200x64xf32, #tpu.memory_space<vmem>> -> memref<200x64xf32, #tpu.memory_space<vmem>>
    tpu.wait_dma2 semaphore(%dma_wait3A_225 : memref<!tpu.dma_semaphore, #tpu.memory_space<semaphore_mem>>) src(%dma_wait3A_233 : memref<200x64xf32, #tpu.memory_space<vmem>>) dst(%dma_wait3A_229 : memref<200x64xf32, #tpu.memory_space<hbm>>)
    %dma_wait3A_234 = arith.constant 4 : i32
    %dma_wait3A_235 = arith.constant 4 : i32
    %dma_wait3A_236 = arith.constant 0 : i32
    %dma_wait3A_237 = arith.constant 0 : i32
    %dma_wait3A_238 = tpu.memref_slice %arg8[%dma_wait3A_234, %dma_wait3A_236, %dma_wait3A_237] : memref<7x200x64xf32, #tpu.memory_space<vmem>> -> memref<1x200x64xf32, #tpu.memory_space<vmem>>
    %dma_wait3A_239 = tpu.memref_squeeze %dma_wait3A_238 : memref<1x200x64xf32, #tpu.memory_space<vmem>> -> memref<200x64xf32, #tpu.memory_space<vmem>>
    %dma_wait3A_240 = arith.constant 0 : i32
    %dma_wait3A_241 = arith.constant 0 : i32
    %dma_wait3A_242 = tpu.memref_slice %arg5[%mul3A_2, %dma_wait3A_240, %dma_wait3A_241] : memref<4096x200x64xf32, #tpu.memory_space<hbm>> -> memref<1x200x64xf32, #tpu.memory_space<hbm>>
    %dma_wait3A_243 = tpu.memref_squeeze %dma_wait3A_242 : memref<1x200x64xf32, #tpu.memory_space<hbm>> -> memref<200x64xf32, #tpu.memory_space<hbm>>
    %dma_wait3A_244 = tpu.memref_slice %arg10[%dma_wait3A_235] : memref<7x!tpu.dma_semaphore, #tpu.memory_space<semaphore_mem>> -> memref<1x!tpu.dma_semaphore, #tpu.memory_space<semaphore_mem>>
    %dma_wait3A_245 = tpu.memref_squeeze %dma_wait3A_244 : memref<1x!tpu.dma_semaphore, #tpu.memory_space<semaphore_mem>> -> memref<!tpu.dma_semaphore, #tpu.memory_space<semaphore_mem>>
    %dma_wait3A_246 = arith.constant 0 : i32
    %dma_wait3A_247 = arith.constant 0 : i32
    %dma_wait3A_248 = tpu.memref_slice %arg5[%mul3A_2, %dma_wait3A_246, %dma_wait3A_247] : memref<4096x200x64xf32, #tpu.memory_space<hbm>> -> memref<1x200x64xf32, #tpu.memory_space<hbm>>
    %dma_wait3A_249 = tpu.memref_squeeze %dma_wait3A_248 : memref<1x200x64xf32, #tpu.memory_space<hbm>> -> memref<200x64xf32, #tpu.memory_space<hbm>>
    %dma_wait3A_250 = arith.constant 0 : i32
    %dma_wait3A_251 = arith.constant 0 : i32
    %dma_wait3A_252 = tpu.memref_slice %arg8[%dma_wait3A_234, %dma_wait3A_250, %dma_wait3A_251] : memref<7x200x64xf32, #tpu.memory_space<vmem>> -> memref<1x200x64xf32, #tpu.memory_space<vmem>>
    %dma_wait3A_253 = tpu.memref_squeeze %dma_wait3A_252 : memref<1x200x64xf32, #tpu.memory_space<vmem>> -> memref<200x64xf32, #tpu.memory_space<vmem>>
    tpu.wait_dma2 semaphore(%dma_wait3A_245 : memref<!tpu.dma_semaphore, #tpu.memory_space<semaphore_mem>>) src(%dma_wait3A_253 : memref<200x64xf32, #tpu.memory_space<vmem>>) dst(%dma_wait3A_249 : memref<200x64xf32, #tpu.memory_space<hbm>>)
    %dma_wait3A_254 = arith.constant 5 : i32
    %dma_wait3A_255 = arith.constant 5 : i32
    %dma_wait3A_256 = arith.constant 0 : i32
    %dma_wait3A_257 = arith.constant 0 : i32
    %dma_wait3A_258 = tpu.memref_slice %arg8[%dma_wait3A_254, %dma_wait3A_256, %dma_wait3A_257] : memref<7x200x64xf32, #tpu.memory_space<vmem>> -> memref<1x200x64xf32, #tpu.memory_space<vmem>>
    %dma_wait3A_259 = tpu.memref_squeeze %dma_wait3A_258 : memref<1x200x64xf32, #tpu.memory_space<vmem>> -> memref<200x64xf32, #tpu.memory_space<vmem>>
    %dma_wait3A_260 = arith.constant 0 : i32
    %dma_wait3A_261 = arith.constant 0 : i32
    %dma_wait3A_262 = tpu.memref_slice %arg5[%mul3A_2, %dma_wait3A_260, %dma_wait3A_261] : memref<4096x200x64xf32, #tpu.memory_space<hbm>> -> memref<1x200x64xf32, #tpu.memory_space<hbm>>
    %dma_wait3A_263 = tpu.memref_squeeze %dma_wait3A_262 : memref<1x200x64xf32, #tpu.memory_space<hbm>> -> memref<200x64xf32, #tpu.memory_space<hbm>>
    %dma_wait3A_264 = tpu.memref_slice %arg10[%dma_wait3A_255] : memref<7x!tpu.dma_semaphore, #tpu.memory_space<semaphore_mem>> -> memref<1x!tpu.dma_semaphore, #tpu.memory_space<semaphore_mem>>
    %dma_wait3A_265 = tpu.memref_squeeze %dma_wait3A_264 : memref<1x!tpu.dma_semaphore, #tpu.memory_space<semaphore_mem>> -> memref<!tpu.dma_semaphore, #tpu.memory_space<semaphore_mem>>
    %dma_wait3A_266 = arith.constant 0 : i32
    %dma_wait3A_267 = arith.constant 0 : i32
    %dma_wait3A_268 = tpu.memref_slice %arg5[%mul3A_2, %dma_wait3A_266, %dma_wait3A_267] : memref<4096x200x64xf32, #tpu.memory_space<hbm>> -> memref<1x200x64xf32, #tpu.memory_space<hbm>>
    %dma_wait3A_269 = tpu.memref_squeeze %dma_wait3A_268 : memref<1x200x64xf32, #tpu.memory_space<hbm>> -> memref<200x64xf32, #tpu.memory_space<hbm>>
    %dma_wait3A_270 = arith.constant 0 : i32
    %dma_wait3A_271 = arith.constant 0 : i32
    %dma_wait3A_272 = tpu.memref_slice %arg8[%dma_wait3A_254, %dma_wait3A_270, %dma_wait3A_271] : memref<7x200x64xf32, #tpu.memory_space<vmem>> -> memref<1x200x64xf32, #tpu.memory_space<vmem>>
    %dma_wait3A_273 = tpu.memref_squeeze %dma_wait3A_272 : memref<1x200x64xf32, #tpu.memory_space<vmem>> -> memref<200x64xf32, #tpu.memory_space<vmem>>
    tpu.wait_dma2 semaphore(%dma_wait3A_265 : memref<!tpu.dma_semaphore, #tpu.memory_space<semaphore_mem>>) src(%dma_wait3A_273 : memref<200x64xf32, #tpu.memory_space<vmem>>) dst(%dma_wait3A_269 : memref<200x64xf32, #tpu.memory_space<hbm>>)
    %dma_wait3A_274 = arith.constant 6 : i32
    %dma_wait3A_275 = arith.constant 6 : i32
    %dma_wait3A_276 = arith.constant 0 : i32
    %dma_wait3A_277 = arith.constant 0 : i32
    %dma_wait3A_278 = tpu.memref_slice %arg8[%dma_wait3A_274, %dma_wait3A_276, %dma_wait3A_277] : memref<7x200x64xf32, #tpu.memory_space<vmem>> -> memref<1x200x64xf32, #tpu.memory_space<vmem>>
    %dma_wait3A_279 = tpu.memref_squeeze %dma_wait3A_278 : memref<1x200x64xf32, #tpu.memory_space<vmem>> -> memref<200x64xf32, #tpu.memory_space<vmem>>
    %dma_wait3A_280 = arith.constant 0 : i32
    %dma_wait3A_281 = arith.constant 0 : i32
    %dma_wait3A_282 = tpu.memref_slice %arg5[%mul3A_2, %dma_wait3A_280, %dma_wait3A_281] : memref<4096x200x64xf32, #tpu.memory_space<hbm>> -> memref<1x200x64xf32, #tpu.memory_space<hbm>>
    %dma_wait3A_283 = tpu.memref_squeeze %dma_wait3A_282 : memref<1x200x64xf32, #tpu.memory_space<hbm>> -> memref<200x64xf32, #tpu.memory_space<hbm>>
    %dma_wait3A_284 = tpu.memref_slice %arg10[%dma_wait3A_275] : memref<7x!tpu.dma_semaphore, #tpu.memory_space<semaphore_mem>> -> memref<1x!tpu.dma_semaphore, #tpu.memory_space<semaphore_mem>>
    %dma_wait3A_285 = tpu.memref_squeeze %dma_wait3A_284 : memref<1x!tpu.dma_semaphore, #tpu.memory_space<semaphore_mem>> -> memref<!tpu.dma_semaphore, #tpu.memory_space<semaphore_mem>>
    %dma_wait3A_286 = arith.constant 0 : i32
    %dma_wait3A_287 = arith.constant 0 : i32
    %dma_wait3A_288 = tpu.memref_slice %arg5[%mul3A_2, %dma_wait3A_286, %dma_wait3A_287] : memref<4096x200x64xf32, #tpu.memory_space<hbm>> -> memref<1x200x64xf32, #tpu.memory_space<hbm>>
    %dma_wait3A_289 = tpu.memref_squeeze %dma_wait3A_288 : memref<1x200x64xf32, #tpu.memory_space<hbm>> -> memref<200x64xf32, #tpu.memory_space<hbm>>
    %dma_wait3A_290 = arith.constant 0 : i32
    %dma_wait3A_291 = arith.constant 0 : i32
    %dma_wait3A_292 = tpu.memref_slice %arg8[%dma_wait3A_274, %dma_wait3A_290, %dma_wait3A_291] : memref<7x200x64xf32, #tpu.memory_space<vmem>> -> memref<1x200x64xf32, #tpu.memory_space<vmem>>
    %dma_wait3A_293 = tpu.memref_squeeze %dma_wait3A_292 : memref<1x200x64xf32, #tpu.memory_space<vmem>> -> memref<200x64xf32, #tpu.memory_space<vmem>>
    tpu.wait_dma2 semaphore(%dma_wait3A_285 : memref<!tpu.dma_semaphore, #tpu.memory_space<semaphore_mem>>) src(%dma_wait3A_293 : memref<200x64xf32, #tpu.memory_space<vmem>>) dst(%dma_wait3A_289 : memref<200x64xf32, #tpu.memory_space<hbm>>)
    return
  }
}

</mosaic_0001>

<sc_bundles>
// kernel: kernel.3.cloned.1.call-start
scs
__scs_entry_jumppad:
0x0: {  	(pc) =	sbr.rel $0x88, $3  }
0x1: {  	(tag) =	ssettag $0x0;
	lr =	simm.s32 $0x1  }
0x2: {  	[smem:$0x3F9E] =	sst lr;
	_ =	strace $0xD0000000  }
0x3: {  	_ = 	snop  }
0x4: {  	_ = 	snop  }
0x5: {  	_ = 	snop  }
0x6: {  	_ = 	snop  }
0x7: {  	_ = 	snop  }
__scs_overlays_trampoline_lowered:
0x8: {  	[smem:$0x3FAD] =	sst s0  }
0x9: {  	[smem:$0x3FAE] =	sst s1  }
0xa: {  	[smem:$0x3FAF] =	sst s2  }
0xb: {  	[smem:$0x3FB0] =	sst s3  }
0xc: {  	[smem:$0x3FB1] =	sst s4  }
0xd: {  	[smem:$0x3FB2] =	sst s5  }
0xe: {  	[smem:$0x3FB3] =	sst s6  }
0xf: {  	[smem:$0x3FB4] =	sst s7  }
0x10: {  	[smem:$0x3FB5] =	sst s8  }
0x11: {  	[smem:$0x3FB6] =	sst s9;
	s0 =	simm.s32 @!p0 $0x0  }
0x12: {  	s1 =	sld [smem:$0x3F9C];
	s0 =	simm.s32 @p0 $0x1  }
0x13: {  	[smem:$0x3FB7] =	sst s0;
	s0 =	simm.s32 @!p1 $0x0  }
0x14: {  	s2 =	sld [smem:$0x3F9B];
	s0 =	simm.s32 @p1 $0x1  }
0x15: {  	[smem:$0x3FB8] =	sst s0;
	s0 =	simm.s32 @!p2 $0x0  }
0x16: {  	s3 =	sld [smem:$0x3FDB];
	s0 =	simm.s32 @p2 $0x1  }
0x17: {  	s4 =	simm.s32 $0x1BF5;
	[smem:$0x3FBA] =	sst s0  }
0x18: {  	s0 =	sld [smem:$0x3F9D];
	_ =	swait.ge [sflag:s4], $0x0  }
0x19: {  	s7 =	sld [smem:$0x3F9E]  }
0x1a: {  	s8 =	sadd.s32 $0xFFFFE003, lr  }
0x1b: {  	s9 =	sadd.s32 $0xFFFFFEF7, lr;
	s5 =	simm.s32 $0xFFFFFFFF;
	p2 =	slt.u32 s8, $0xFFFFF086  }
0x1c: {  	p1 =	slt.u32 s9, $0xF7A;
	s5 =	simm.s32 @!p2 $0x0  }
0x1d: {  	s5 =	simm.s32 @p1 $0x1;
	p0 =	seq.s32 s7, s2  }
0x1e: {  	s7 =	smul.u32 @!p0 $0xF7A, s2;
	p2 =	seq.s32 @!p0 s5, $0x0  }
0x1f: {  	s9 =	smul.u32 $0xF7A, s1;
	s8 =	simm.s32 @!p0 $0x1BF5;
	p2 =	por !p2, p0  }
0x20: {  	[sflag:s8] =	ssyncset.s32 @!p0 $0xFFFFF086;
	s6 =	sadd.s32 @!p0 s3, s7;
	s7 =	simm.s32 @!p0 $0x108  }
0x21: {  	s3 =	sadd.s32 s3, s9;
	s6 =	sadd.s32 @!p0 $0x88, s6;
	s7 =	simm.s32 @p2 $0x1082  }
0x22: {  	[simem:s7], [sflag:s8] =	dma.local @!p0 [hbm:s6], $0xF7A  }
0x23: {  	s9 =	sor.u32 $0xD0000000, s2;
	s6 =	simm.s32 $0x108;
	_ =	swait.ge @!p0 [sflag:s8], $0x0  }
0x24: {  	s3 =	sadd.s32 $0x88, s3;
	s6 =	simm.s32 @!p1 $0x1082;
	[sflag:s4] =	ssyncset.s32 $0xFFFFF086  }
0x25: {  	[simem:s6], [sflag:s4] =	dma.local [hbm:s3], $0xF7A  }
0x26: {  	[smem:$0x3F9E] =	sst s1;
	(tag) =	ssettag s2;
	_ =	strace s9  }
0x27: {  	s1 =	sld [smem:$0x3FAE]  }
0x28: {  	s2 =	sld [smem:$0x3FAF]  }
0x29: {  	s4 =	sld [smem:$0x3FB1]  }
0x2a: {  	p0 =	seq.s32 s5, $0x0;
	s5 =	sld [smem:$0x3FB2]  }
0x2b: {  	s6 =	sld [smem:$0x3FB3]  }
0x2c: {  	s7 =	sld [smem:$0x3FB4]  }
0x2d: {  	s3 =	simm.s32 $0x108;
	s8 =	sld [smem:$0x3FB5]  }
0x2e: {  	s3 =	simm.s32 @!p0 $0x1082;
	s9 =	sld [smem:$0x3FB6]  }
0x2f: {  	lr =	sadd.s32 s0, s3;
	s0 =	sld [smem:$0x3FAD]  }
0x30: {  	s3 =	sld [smem:$0x3FB0]  }
0x31: {  	[smem:$0x3FB9] =	sst s10  }
0x32: {  	s10 =	sld [smem:$0x3FB7];
	_ =	sdelay $0x3  }
0x33: {  	p0 =	seq.s32 s10, $0x1;
	s10 =	sld [smem:$0x3FB9];
	_ =	sdelay $0x3  }
0x34: {  	[smem:$0x3FB9] =	sst s10  }
0x35: {  	s10 =	sld [smem:$0x3FB8];
	_ =	sdelay $0x3  }
0x36: {  	p1 =	seq.s32 s10, $0x1;
	s10 =	sld [smem:$0x3FB9];
	_ =	sdelay $0x3  }
0x37: {  	[smem:$0x3FB9] =	sst s10  }
0x38: {  	s10 =	sld [smem:$0x3FBA]  }
0x39: {  	_ = 	snop;
	(pc) =	sbr.ind lr, $3  }
0x3a: {  	_ = 	snop  }
0x3b: {  	_ = 	snop  }
0x3c: {  	p2 =	seq.s32 s10, $0x1;
	s10 =	sld [smem:$0x3FB9]  }
0x3d: {  	_ =	shalt  }
0x3e: {  	_ =	shalt  }
0x3f: {  	_ =	shalt  }
0x40: {  	_ =	shalt  }
0x41: {  	_ =	shalt  }
0x42: {  	_ =	shalt  }
0x43: {  	_ =	shalt  }
0x44: {  	_ =	shalt  }
0x45: {  	_ =	shalt  }
0x46: {  	_ =	shalt  }
0x47: {  	_ =	shalt  }
0x48: {  	_ =	shalt  }
0x49: {  	_ =	shalt  }
0x4a: {  	_ =	shalt  }
0x4b: {  	_ =	shalt  }
0x4c: {  	_ =	shalt  }
0x4d: {  	_ =	shalt  }
0x4e: {  	_ =	shalt  }
0x4f: {  	_ =	shalt  }
0x50: {  	_ =	shalt  }
0x51: {  	_ =	shalt  }
0x52: {  	_ =	shalt  }
0x53: {  	_ =	shalt  }
0x54: {  	_ =	shalt  }
0x55: {  	_ =	shalt  }
0x56: {  	_ =	shalt  }
0x57: {  	_ =	shalt  }
0x58: {  	_ =	shalt  }
0x59: {  	_ =	shalt  }
0x5a: {  	_ =	shalt  }
0x5b: {  	_ =	shalt  }
0x5c: {  	_ =	shalt  }
0x5d: {  	_ =	shalt  }
0x5e: {  	_ =	shalt  }
0x5f: {  	_ =	shalt  }
0x60: {  	_ =	shalt  }
0x61: {  	_ =	shalt  }
0x62: {  	_ =	shalt  }
0x63: {  	_ =	shalt  }
0x64: {  	_ =	shalt  }
0x65: {  	_ =	shalt  }
0x66: {  	_ =	shalt  }
0x67: {  	_ =	shalt  }
0x68: {  	_ =	shalt  }
0x69: {  	_ =	shalt  }
0x6a: {  	_ =	shalt  }
0x6b: {  	_ =	shalt  }
0x6c: {  	_ =	shalt  }
0x6d: {  	_ =	shalt  }
0x6e: {  	_ =	shalt  }
0x6f: {  	_ =	shalt  }
0x70: {  	_ =	shalt  }
0x71: {  	_ =	shalt  }
0x72: {  	_ =	shalt  }
0x73: {  	_ =	shalt  }
0x74: {  	_ =	shalt  }
0x75: {  	_ =	shalt  }
0x76: {  	_ =	shalt  }
0x77: {  	_ =	shalt  }
0x78: {  	_ =	shalt  }
0x79: {  	_ =	shalt  }
0x7a: {  	_ =	shalt  }
0x7b: {  	_ =	shalt  }
0x7c: {  	_ =	shalt  }
0x7d: {  	_ =	shalt  }
0x7e: {  	_ =	shalt  }
0x7f: {  	_ =	shalt  }
0x80: {  	_ =	shalt  }
0x81: {  	_ =	shalt  }
0x82: {  	_ =	shalt  }
0x83: {  	_ =	shalt  }
0x84: {  	_ =	shalt  }
0x85: {  	_ =	shalt  }
0x86: {  	_ =	shalt  }
0x87: {  	_ =	shalt  }
.Lfunc_end0:
.L_simem_size_0:
called_computation.1_lowered:
.L_overlay_start_0:
0x88: {  	s2 =	sld [smem:$0x3FD9]  }
0x89: {  	s3 =	sld [smem:$0x3FFE];
	_ =	sdelay $0x1  }
0x8a: {  	s1 =	srdreg.scid  }
0x8b: {  	s0 =	sand.u32 $0x1, s1  }
0x8c: {  	s17 =	sshll.u32 s0, $0xA;
	s2 =	sadd.s32 s3, s2  }
0x8d: {  	s2 =	sadd.s32 s2, s17  }
0x8e: {  	[smem:$0x3FC5] =	sst s2  }
0x8f: {  	_ = 	snop  }
0x90: {  	s2 =	sld [smem:$0x3FD0];
	(tm) =	ssettm $0x1  }
0x91: {  	s18 =	sld [smem:$0x3FFB];
	_ =	sdelay $0x3  }
0x92: {  	_ =	strace s18  }
0x93: {  	s3 =	sld [smem:$0x3FFC];
	_ =	sdelay $0x3  }
0x94: {  	_ =	strace s3  }
0x95: {  	s3 =	sld [smem:$0x3FFD];
	_ =	sdelay $0x3  }
0x96: {  	_ =	strace s3  }
0x97: {  	_ =	strace $0x8FFFFFFF  }
0x98: {  	s19 =	sld [smem:$0x3FDB];
	_ =	sdelay $0x1  }
0x99: {  	s4 =	simm.s32 $_scs_section_size  }
0x9a: {  	s5 =	simm.s32 $_size__tile_overlayer_lowered;
	s6 =	simm.s32 $_tile_overlayer_lowered  }
0x9b: {  	s22 =	simm.s32 $0x1BFF;
	s21 =	sshll.u32 s6, $0x1;
	s3 =	sadd.s32 s4, s19  }
0x9c: {  	s7 =	simm.s32 $0x0;
	s20 =	sshll.u32 s5, $0x1;
	s5 =	sadd.s32 s21, s3  }
0x9d: {  	[timem:s7], [sflag:s22] =	dma.local [hbm:s5], s20  }
0x9e: {  	_ =	swait.ge [sflag:s22], s20  }
0x9f: {  	s4 =	ssub.s32 $0x0, s20;
	[sflag:s22] =	ssyncset.done $0x0  }
0xa0: {  	[sflag:s22] =	ssyncadd.s32 s4;
	_ =	sdelay $0x1  }
0xa1: {  	s23 =	simm.s32 $0x1B8B  }
0xa2: {  	_ =	swait.ge [sflag:s23], $0x1  }
0xa3: {  	[sflag:s23] =	ssyncset.done $0x0  }
0xa4: {  	s25 =	simm.s32 $0x1B8E;
	s24 =	sld [smem:$0x3FFE];
	[sflag:s23] =	ssyncadd.s32 $0xFFFFFFFF  }
0xa5: {  	s26 =	simm.s32 $execute0_lowered;
	[smem:$0x3FD2] =	sst s25  }
0xa6: {  	s5 =	sshll.u32 s26, $0x1;
	_ =	strace $0x80000046;
	[dreg:$0x1] =	wrdreg $0xFFFFFFFF  }
0xa7: {  	s28 =	simm.s32 $_size_execute0_lowered;
	s3 =	sadd.s32 s3, s5;
	[dreg:$0x0] =	wrdreg $0x0  }
0xa8: {  	s5 =	sshll.u32 s28, $0x1;
	[dreg:$0x2] =	wrdreg s3  }
0xa9: {  	[dreg:$0x3] =	wrdreg s5  }
0xaa: {  	[dreg:$0x4] =	wrdreg $0xC0  }
0xab: {  	_ =	task [dreg:s7], $0x5FFFF  }
0xac: {  	[dreg:$0x1] =	wrdreg $0xFFFFFFFF  }
0xad: {  	[dreg:$0x0] =	wrdreg $0x60  }
0xae: {  	[dreg:$0x2] =	wrdreg s24  }
0xaf: {  	[dreg:$0x3] =	wrdreg s2  }
0xb0: {  	[dreg:$0x4] =	wrdreg $0x9  }
0xb1: {  	_ =	task.clear_ibuf [dreg:s7], $0x5FFFF;
	_ =	strace $0x90000046  }
0xb2: {  	s29 =	simm.s32 $0x9;
	_ =	strace $0x80000048  }
0xb3: {  	_ =	swait.ge [sflag:s29], $0x1  }
0xb4: {  	[sflag:s29] =	ssyncadd.s32 $0xFFFFFFFF  }
0xb5: {  	_ =	strace $0x90000048  }
0xb6: {  	_ =	sfence  }
0xb7: {  	s30 =	sld [smem:$0x0];
	_ =	sdelay $0x2  }
0xb8: {  	s31 =	sshll.u32 s1, $0xD;
	s1 =	sshrl.u32 s1, $0x2  }
0xb9: {  	s3 =	sand.u32 $0x4000, s31;
	s1 =	sadd.s32 s1, s30  }
0xba: {  	s0 =	sor.u32 s3, s0;
	s1 =	sshll.u32 s1, $0x11  }
0xbb: {  	s0 =	sor.u32 s1, s0  }
0xbc: {  	s0 =	sadd.s32 $0x8F2B, s0  }
0xbd: {  	[sflag:s0] =	ssyncadd.remote.s32 $0x1  }
0xbe: {  	_ =	sfence.sel $0xFFFF  }
0xbf: {  	[dreg:$0x0] =	wrdreg $0xFFFFFFFF;
	(pc) =	sbr.abs _section_cstart, $3  }
0xc0: {  	[dreg:$0x1] =	wrdreg $0xFFFFFFFF  }
0xc1: {  	_ =	task.clear_ibuf [dreg:s7], $0x2FFFF;
	_ =	strace $0x9FFFFFFF  }
0xc2: {  	(tm) =	ssettm $0x7FFFFFFF  }
0xc3: {  	_ =	shalt  }
tec
execute0_lowered:
.L_overlay_start_1:
0x0: {  	(tag) =	ssettag $0x1  }
0x1: {  	s0 =	srdreg.scid;
	s1 =	rddreg [dreg:$0x0]  }
0x2: {  	s3 =	stileid.u32;
	s2 =	rddreg [dreg:$0x1];
	s19 =	simm.s32 $0xC8  }
0x3: {  	s20 =	simm.s32 $0x9600;
	s21 =	simm.s32 $0xC800;
	s28 =	simm.s32 $0x1  }
0x4: {  	s29 =	simm.s32 $0x19000;
	s30 =	simm.s32 $0x2;
	s31 =	simm.s32 $0x1C200  }
0x5: {  	s18 =	simm.s32 $0x4;
	s22 =	simm.s32 $0x9;
	s0 =	sand.u32 $0x1, s0  }
0x6: {  	s15 =	simm.s32 $0x0;
	s4 =	sshll.u32 s3, $0x8;
	s5 =	sshll.u32 s0, $0x7  }
0x7: {  	s3 =	simm.s32 $0x0;
	s0 =	ssub.s32 $0x2, s0;
	s4 =	sor.u32 s5, s4  }
0x8: {  	[smem:$0x7FF] =	sst s3;
	s7 =	sshrl.u32 s0, $0x1;
	s5 =	smul.u32 $0x19, s4  }
0x9: {  	_ =	strace $0x80000047;
	s0 =	ssub.s32 s0, s7;
	s24 =	smul.u32 $0x3200, s4  }
0xa: {  	s25 =	sor.u32 $0x1, s4;
	s9 =	sor.u32 $0x2, s4;
	s10 =	sor.u32 $0x3, s4  }
0xb: {  	s11 =	sor.u32 $0x4, s4;
	s12 =	sor.u32 $0x5, s4;
	s13 =	sor.u32 $0x6, s4  }
0xc: {  	[dreg:$0x5] =	wrdreg s25;
	s0 =	smax.u32 s0, $0x1;
	s6 =	sadd.s32 s5, s1  }
0xd: {  	s5 =	sadd.s32 $0xF43000, s1;
	s1 =	sadd.s32 $0x19C00, s1;
	[dreg:$0x8] =	wrdreg s0  }
0xe: {  	s7 =	simm.s32 $0x7;
	[dreg:$0x3] =	wrdreg s1;
	s1 =	sshrl.u32 s24, $0x3  }
0xf: {  	s0 =	simm.s32 $0x8;
	s6 =	sadd.s32 $0xC00, s6;
	s1 =	sadd.s32 s2, s1  }
0x10: {  	s24 =	simm.s32 $0x5;
	[dreg:$0x4] =	wrdreg s6;
	s26 =	sadd.s32 $0x31380, s1  }
0x11: {  	s6 =	simm.s32 $0x6;
	s1 =	sadd.s32 $0x319C0, s1;
	[dreg:$0x6] =	wrdreg s26  }
0x12: {  	[dreg:$0x7] =	wrdreg s1;
	s26 =	simm.s32 $0x15E00;
	s1 =	simm.s32 $0x3  }
.LBB2_1:
0x13: {  	[dreg:$0x9] =	wrdreg s15  }
0x14: {  	s8 =	rddreg [dreg:$0x4];
	s14 =	simm.s32 $0xF  }
0x15: {  	[tilespmem:s3], [sflag:$0xF] =	stream.linear.gather [hbm4b:s8+s3], $0x6400, $0x38;
	[tilespmem:$0x1F400] =	vst v63  }
0x16: {  	_ =	swait.ge [sflag:s14], $0x6400  }
0x17: {  	[sflag:s14] =	ssyncset.done $0x0  }
0x18: {  	s25 =	simm.s32 $0x6400;
	s23 =	rddreg [dreg:$0x3];
	[sflag:s14] =	ssyncadd.s32 $0xFFFF9C00  }
0x19: {  	[tilespmem:s25], [sflag:$0xF] =	stream.linear.gather [hbm4b:s23+s3], $0x3200, $0x38;
	[tilespmem:$0x1F400] =	vst v63  }
0x1a: {  	_ =	swait.ge [sflag:s14], $0x3200  }
0x1b: {  	[sflag:s14] =	ssyncset.done $0x0  }
0x1c: {  	[sflag:s14] =	ssyncadd.s32 $0xFFFFCE00  }
0x1d: {  	[tilespmem:s20], [sflag:$0x1] =	stream.indirect.gather [hbm4b:s5+s19], $0x40, s3, s19, $0xb8;
	[tilespmem:$0x1F400] =	vst v63  }
0x1e: {  	_ = 	snop  }
0x1f: {  	[tilespmem:s21], [sflag:$0x2] =	stream.indirect.gather [hbm4b:s5+s19], $0x40, s19, s19, $0xb8;
	[tilespmem:$0x1F400] =	vst v63  }
0x20: {  	s16 =	simm.s32 $0x190;
	s17 =	simm.s32 $0xFA00  }
0x21: {  	[tilespmem:s17], [sflag:$0x3] =	stream.indirect.gather [hbm4b:s5+s19], $0x40, s16, s19, $0xb8;
	[tilespmem:$0x1F400] =	vst v63  }
0x22: {  	s23 =	simm.s32 $0x258;
	s25 =	simm.s32 $0x12C00;
	s14 =	simm.s32 $0x0  }
0x23: {  	[tilespmem:s25], [sflag:$0x4] =	stream.indirect.gather [hbm4b:s5+s19], $0x40, s23, s19, $0xb8;
	[tilespmem:$0x1F400] =	vst v63  }
.LBB2_2:
0x24: {  	p0 =	seq.s32 s14, $0x0  }
0x25: {  	s15 =	smul.u32 $0x15E0, s14;
	s8 =	simm.s32 @!p0 $0xC  }
0x26: {  	_ =	swait.ge @!p0 [sflag:s8], $0x3200  }
0x27: {  	s17 =	sshra.s32 s15, $0x2;
	[sflag:s8] =	ssyncset.done @!p0 $0x0  }
0x28: {  	s25 =	sadd.s32 $0x320, s17;
	[sflag:s8] =	ssyncadd.s32 @!p0 $0xFFFFCE00  }
0x29: {  	[tilespmem:s26], [sflag:$0x5] =	stream.indirect.gather [hbm4b:s5+s19], $0x40, s25, s19, $0xb8;
	[tilespmem:$0x1F400] =	vst v63  }
0x2a: {  	_ =	swait.ge [sflag:s28], $0x3200  }
0x2b: {  	[sflag:s28] =	ssyncset.done $0x0  }
0x2c: {  	s16 =	simm.s32 $0x9680;
	[sflag:s28] =	ssyncadd.s32 $0xFFFFCE00  }
0x2d: {  	s23 =	simm.s32 $0x6480;
	v0 =	vld [tilespmem:s16+$0xFFFFFF80]  }
0x2e: {  	v1 =	vld [tilespmem:s23+$0xFFFFFF80];
	_ =	sdelay $0x4  }
0x2f: {  	v0 =	vadd.f32 v1, v0;
	_ =	sdelay $0x1  }
0x30: {  	[tilespmem:s16+$0xFFFFFF80] =	vst v0;
	v0 =	vld [tilespmem:s16+$0xFFFFFF90]  }
0x31: {  	v1 =	vld [tilespmem:s23+$0xFFFFFF90];
	_ =	sdelay $0x4  }
0x32: {  	v0 =	vadd.f32 v1, v0;
	_ =	sdelay $0x1  }
0x33: {  	[tilespmem:s16+$0xFFFFFF90] =	vst v0;
	v0 =	vld [tilespmem:s16+$0xFFFFFFA0]  }
0x34: {  	v1 =	vld [tilespmem:s23+$0xFFFFFFA0];
	_ =	sdelay $0x4  }
0x35: {  	v0 =	vadd.f32 v1, v0;
	_ =	sdelay $0x1  }
0x36: {  	[tilespmem:s16+$0xFFFFFFA0] =	vst v0;
	v0 =	vld [tilespmem:s16+$0xFFFFFFB0]  }
0x37: {  	v1 =	vld [tilespmem:s23+$0xFFFFFFB0];
	_ =	sdelay $0x4  }
0x38: {  	v0 =	vadd.f32 v1, v0;
	_ =	sdelay $0x1  }
0x39: {  	[tilespmem:s16+$0xFFFFFFB0] =	vst v0;
	v0 =	vld [tilespmem:s16+$0xFFFFFFC0]  }
0x3a: {  	v1 =	vld [tilespmem:s23+$0xFFFFFFC0];
	_ =	sdelay $0x4  }
0x3b: {  	v0 =	vadd.f32 v1, v0;
	_ =	sdelay $0x1  }
0x3c: {  	[tilespmem:s16+$0xFFFFFFC0] =	vst v0;
	v0 =	vld [tilespmem:s16+$0xFFFFFFD0]  }
0x3d: {  	v1 =	vld [tilespmem:s23+$0xFFFFFFD0];
	_ =	sdelay $0x4  }
0x3e: {  	v0 =	vadd.f32 v1, v0;
	_ =	sdelay $0x1  }
0x3f: {  	[tilespmem:s16+$0xFFFFFFD0] =	vst v0;
	v0 =	vld [tilespmem:s16+$0xFFFFFFE0]  }
0x40: {  	v1 =	vld [tilespmem:s23+$0xFFFFFFE0];
	_ =	sdelay $0x4  }
0x41: {  	v0 =	vadd.f32 v1, v0;
	_ =	sdelay $0x1  }
0x42: {  	[tilespmem:s16+$0xFFFFFFE0] =	vst v0;
	v0 =	vld [tilespmem:s16+$0xFFFFFFF0]  }
0x43: {  	v1 =	vld [tilespmem:s23+$0xFFFFFFF0];
	_ =	sdelay $0x4  }
0x44: {  	v0 =	vadd.f32 v1, v0;
	_ =	sdelay $0x1  }
0x45: {  	[tilespmem:s16+$0xFFFFFFF0] =	vst v0;
	v0 =	vld [tilespmem:s16+$0x0]  }
0x46: {  	v1 =	vld [tilespmem:s23+$0x0];
	_ =	sdelay $0x4  }
0x47: {  	v0 =	vadd.f32 v1, v0;
	_ =	sdelay $0x1  }
0x48: {  	[tilespmem:s16+$0x0] =	vst v0;
	v0 =	vld [tilespmem:s16+$0x10]  }
0x49: {  	v1 =	vld [tilespmem:s23+$0x10];
	_ =	sdelay $0x4  }
0x4a: {  	v0 =	vadd.f32 v1, v0;
	_ =	sdelay $0x1  }
0x4b: {  	[tilespmem:s16+$0x10] =	vst v0;
	v0 =	vld [tilespmem:s16+$0x20]  }
0x4c: {  	v1 =	vld [tilespmem:s23+$0x20];
	_ =	sdelay $0x4  }
0x4d: {  	v0 =	vadd.f32 v1, v0;
	_ =	sdelay $0x1  }
0x4e: {  	[tilespmem:s16+$0x20] =	vst v0;
	v0 =	vld [tilespmem:s16+$0x30]  }
0x4f: {  	v1 =	vld [tilespmem:s23+$0x30];
	_ =	sdelay $0x4  }
0x50: {  	v0 =	vadd.f32 v1, v0;
	_ =	sdelay $0x1  }
0x51: {  	[tilespmem:s16+$0x30] =	vst v0;
	v0 =	vld [tilespmem:s16+$0x40]  }
0x52: {  	v1 =	vld [tilespmem:s23+$0x40];
	_ =	sdelay $0x4  }
0x53: {  	v0 =	vadd.f32 v1, v0;
	_ =	sdelay $0x1  }
0x54: {  	[tilespmem:s16+$0x40] =	vst v0;
	v0 =	vld [tilespmem:s16+$0x50]  }
0x55: {  	v1 =	vld [tilespmem:s23+$0x50];
	_ =	sdelay $0x4  }
0x56: {  	v0 =	vadd.f32 v1, v0;
	_ =	sdelay $0x1  }
0x57: {  	[tilespmem:s16+$0x50] =	vst v0;
	v0 =	vld [tilespmem:s16+$0x60]  }
0x58: {  	v1 =	vld [tilespmem:s23+$0x60];
	_ =	sdelay $0x4  }
0x59: {  	v0 =	vadd.f32 v1, v0;
	_ =	sdelay $0x1  }
0x5a: {  	[tilespmem:s16+$0x60] =	vst v0;
	v0 =	vld [tilespmem:s16+$0x70]  }
0x5b: {  	v1 =	vld [tilespmem:s23+$0x70];
	_ =	sdelay $0x4  }
0x5c: {  	v0 =	vadd.f32 v1, v0  }
0x5d: {  	s15 =	smul.u32 $0x7, s14;
	s8 =	simm.s32 $0x9780;
	s25 =	simm.s32 $0x0  }
.LBB2_3:
0x5e: {  	v1 =	vld [tilespmem:s8+$0xFFFFFF80];
	[tilespmem:s16+$0x70] =	vst v0;
	s23 =	sadd.s32 $0x100, s23;
	s16 =	smov.u32 s8  }
0x5f: {  	s25 =	sadd.s32 $0x4, s25;
	v0 =	vld [tilespmem:s23+$0xFFFFFF80]  }
0x60: {  	p1 =	slt.u32 s25, $0xC4;
	_ =	sdelay $0x3  }
0x61: {  	v0 =	vadd.f32 v0, v1;
	_ =	sdelay $0x1  }
0x62: {  	[tilespmem:s8+$0xFFFFFF80] =	vst v0;
	v0 =	vld [tilespmem:s8+$0xFFFFFF90]  }
0x63: {  	v1 =	vld [tilespmem:s23+$0xFFFFFF90];
	_ =	sdelay $0x4  }
0x64: {  	v0 =	vadd.f32 v1, v0;
	_ =	sdelay $0x1  }
0x65: {  	[tilespmem:s8+$0xFFFFFF90] =	vst v0;
	v0 =	vld [tilespmem:s8+$0xFFFFFFA0]  }
0x66: {  	v1 =	vld [tilespmem:s23+$0xFFFFFFA0];
	_ =	sdelay $0x4  }
0x67: {  	v0 =	vadd.f32 v1, v0;
	_ =	sdelay $0x1  }
0x68: {  	[tilespmem:s8+$0xFFFFFFA0] =	vst v0;
	v0 =	vld [tilespmem:s8+$0xFFFFFFB0]  }
0x69: {  	v1 =	vld [tilespmem:s23+$0xFFFFFFB0];
	_ =	sdelay $0x4  }
0x6a: {  	v0 =	vadd.f32 v1, v0;
	_ =	sdelay $0x1  }
0x6b: {  	[tilespmem:s8+$0xFFFFFFB0] =	vst v0;
	v0 =	vld [tilespmem:s8+$0xFFFFFFC0]  }
0x6c: {  	v1 =	vld [tilespmem:s23+$0xFFFFFFC0];
	_ =	sdelay $0x4  }
0x6d: {  	v0 =	vadd.f32 v1, v0;
	_ =	sdelay $0x1  }
0x6e: {  	[tilespmem:s8+$0xFFFFFFC0] =	vst v0;
	v0 =	vld [tilespmem:s8+$0xFFFFFFD0]  }
0x6f: {  	v1 =	vld [tilespmem:s23+$0xFFFFFFD0];
	_ =	sdelay $0x4  }
0x70: {  	v0 =	vadd.f32 v1, v0;
	_ =	sdelay $0x1  }
0x71: {  	[tilespmem:s8+$0xFFFFFFD0] =	vst v0;
	v0 =	vld [tilespmem:s8+$0xFFFFFFE0]  }
0x72: {  	v1 =	vld [tilespmem:s23+$0xFFFFFFE0];
	_ =	sdelay $0x4  }
0x73: {  	v0 =	vadd.f32 v1, v0;
	_ =	sdelay $0x1  }
0x74: {  	[tilespmem:s8+$0xFFFFFFE0] =	vst v0;
	v0 =	vld [tilespmem:s8+$0xFFFFFFF0]  }
0x75: {  	v1 =	vld [tilespmem:s23+$0xFFFFFFF0];
	_ =	sdelay $0x4  }
0x76: {  	v0 =	vadd.f32 v1, v0;
	_ =	sdelay $0x1  }
0x77: {  	[tilespmem:s8+$0xFFFFFFF0] =	vst v0;
	v0 =	vld [tilespmem:s8+$0x0]  }
0x78: {  	v1 =	vld [tilespmem:s23+$0x0];
	_ =	sdelay $0x4  }
0x79: {  	v0 =	vadd.f32 v1, v0;
	_ =	sdelay $0x1  }
0x7a: {  	[tilespmem:s8+$0x0] =	vst v0;
	v0 =	vld [tilespmem:s8+$0x10]  }
0x7b: {  	v1 =	vld [tilespmem:s23+$0x10];
	_ =	sdelay $0x4  }
0x7c: {  	v0 =	vadd.f32 v1, v0;
	_ =	sdelay $0x1  }
0x7d: {  	[tilespmem:s8+$0x10] =	vst v0;
	v0 =	vld [tilespmem:s8+$0x20]  }
0x7e: {  	v1 =	vld [tilespmem:s23+$0x20];
	_ =	sdelay $0x4  }
0x7f: {  	v0 =	vadd.f32 v1, v0;
	_ =	sdelay $0x1  }
0x80: {  	[tilespmem:s8+$0x20] =	vst v0;
	v0 =	vld [tilespmem:s8+$0x30]  }
0x81: {  	v1 =	vld [tilespmem:s23+$0x30];
	_ =	sdelay $0x4  }
0x82: {  	v0 =	vadd.f32 v1, v0;
	_ =	sdelay $0x1  }
0x83: {  	[tilespmem:s8+$0x30] =	vst v0;
	v0 =	vld [tilespmem:s8+$0x40]  }
0x84: {  	v1 =	vld [tilespmem:s23+$0x40];
	_ =	sdelay $0x4  }
0x85: {  	v0 =	vadd.f32 v1, v0;
	_ =	sdelay $0x1  }
0x86: {  	[tilespmem:s8+$0x40] =	vst v0;
	v0 =	vld [tilespmem:s8+$0x50]  }
0x87: {  	v1 =	vld [tilespmem:s23+$0x50];
	_ =	sdelay $0x4  }
0x88: {  	v0 =	vadd.f32 v1, v0;
	_ =	sdelay $0x1  }
0x89: {  	[tilespmem:s8+$0x50] =	vst v0;
	v0 =	vld [tilespmem:s8+$0x60]  }
0x8a: {  	v1 =	vld [tilespmem:s23+$0x60];
	_ =	sdelay $0x4  }
0x8b: {  	v0 =	vadd.f32 v1, v0;
	_ =	sdelay $0x1  }
0x8c: {  	[tilespmem:s8+$0x60] =	vst v0;
	v0 =	vld [tilespmem:s8+$0x70]  }
0x8d: {  	v1 =	vld [tilespmem:s23+$0x70];
	_ =	sdelay $0x1  }
.Ltmp0:
0x8e: {  	(pc) =	sbr.rel @p1 .LBB2_3-.Ltmp0, $3  }
0x8f: {  	_ =	sdelay $0x1  }
0x90: {  	v0 =	vadd.f32 v1, v0  }
0x91: {  	s8 =	sadd.s32 $0x100, s8  }
0x92: {  	s8 =	sadd.s32 s4, s15  }
0x93: {  	s8 =	smul.u32 $0x640, s8;
	_ =	sdelay $0x1  }
0x94: {  	[tilespmem:s16+$0x70] =	vst v0;
	s8 =	sadd.s32 s2, s8  }
0x95: {  	[hbm4b:s8+s3] =	stream.linear.scatter [tilespmem:s20], [sflag:$0x8], $0x3200, $0x38;
	[tilespmem:$0x1F400] =	vst v63  }
0x96: {  	s8 =	simm.s32 @!p0 $0xD  }
0x97: {  	_ =	swait.ge @!p0 [sflag:s8], $0x3200  }
0x98: {  	[sflag:s8] =	ssyncset.done @!p0 $0x0  }
0x99: {  	s25 =	sadd.s32 $0x3E8, s17;
	[sflag:s8] =	ssyncadd.s32 @!p0 $0xFFFFCE00  }
0x9a: {  	[tilespmem:s29], [sflag:$0x6] =	stream.indirect.gather [hbm4b:s5+s19], $0x40, s25, s19, $0xb8;
	[tilespmem:$0x1F400] =	vst v63  }
0x9b: {  	_ =	swait.ge [sflag:s30], $0x3200  }
0x9c: {  	[sflag:s30] =	ssyncset.done $0x0  }
0x9d: {  	s16 =	simm.s32 $0xC8F0;
	[sflag:s30] =	ssyncadd.s32 $0xFFFFCE00  }
0x9e: {  	s23 =	simm.s32 $0x6480;
	v0 =	vld [tilespmem:s16+$0xFFFFFF10]  }
0x9f: {  	v1 =	vld [tilespmem:s23+$0xFFFFFF80];
	_ =	sdelay $0x4  }
0xa0: {  	v0 =	vadd.f32 v1, v0;
	_ =	sdelay $0x1  }
0xa1: {  	[tilespmem:s16+$0xFFFFFF10] =	vst v0;
	v0 =	vld [tilespmem:s16+$0xFFFFFF20]  }
0xa2: {  	v1 =	vld [tilespmem:s23+$0xFFFFFF90];
	_ =	sdelay $0x4  }
0xa3: {  	v0 =	vadd.f32 v1, v0;
	_ =	sdelay $0x1  }
0xa4: {  	[tilespmem:s16+$0xFFFFFF20] =	vst v0;
	v0 =	vld [tilespmem:s16+$0xFFFFFF30]  }
0xa5: {  	v1 =	vld [tilespmem:s23+$0xFFFFFFA0];
	_ =	sdelay $0x4  }
0xa6: {  	v0 =	vadd.f32 v1, v0;
	_ =	sdelay $0x1  }
0xa7: {  	[tilespmem:s16+$0xFFFFFF30] =	vst v0;
	v0 =	vld [tilespmem:s16+$0xFFFFFF40]  }
0xa8: {  	v1 =	vld [tilespmem:s23+$0xFFFFFFB0];
	_ =	sdelay $0x4  }
0xa9: {  	v0 =	vadd.f32 v1, v0;
	_ =	sdelay $0x1  }
0xaa: {  	[tilespmem:s16+$0xFFFFFF40] =	vst v0;
	v0 =	vld [tilespmem:s16+$0xFFFFFF50]  }
0xab: {  	v1 =	vld [tilespmem:s23+$0xFFFFFFC0];
	_ =	sdelay $0x4  }
0xac: {  	v0 =	vadd.f32 v1, v0;
	_ =	sdelay $0x1  }
0xad: {  	[tilespmem:s16+$0xFFFFFF50] =	vst v0;
	v0 =	vld [tilespmem:s16+$0xFFFFFF60]  }
0xae: {  	v1 =	vld [tilespmem:s23+$0xFFFFFFD0];
	_ =	sdelay $0x4  }
0xaf: {  	v0 =	vadd.f32 v1, v0;
	_ =	sdelay $0x1  }
0xb0: {  	[tilespmem:s16+$0xFFFFFF60] =	vst v0;
	v0 =	vld [tilespmem:s16+$0xFFFFFF70]  }
0xb1: {  	v1 =	vld [tilespmem:s23+$0xFFFFFFE0];
	_ =	sdelay $0x4  }
0xb2: {  	v0 =	vadd.f32 v1, v0;
	_ =	sdelay $0x1  }
0xb3: {  	[tilespmem:s16+$0xFFFFFF70] =	vst v0;
	v0 =	vld [tilespmem:s16+$0xFFFFFF80]  }
0xb4: {  	v1 =	vld [tilespmem:s23+$0xFFFFFFF0];
	_ =	sdelay $0x4  }
0xb5: {  	v0 =	vadd.f32 v1, v0;
	_ =	sdelay $0x1  }
0xb6: {  	[tilespmem:s16+$0xFFFFFF80] =	vst v0;
	v0 =	vld [tilespmem:s16+$0xFFFFFF90]  }
0xb7: {  	v1 =	vld [tilespmem:s23+$0x0];
	_ =	sdelay $0x4  }
0xb8: {  	v0 =	vadd.f32 v1, v0;
	_ =	sdelay $0x1  }
0xb9: {  	[tilespmem:s16+$0xFFFFFF90] =	vst v0;
	v0 =	vld [tilespmem:s16+$0xFFFFFFA0]  }
0xba: {  	v1 =	vld [tilespmem:s23+$0x10];
	_ =	sdelay $0x4  }
0xbb: {  	v0 =	vadd.f32 v1, v0;
	_ =	sdelay $0x1  }
0xbc: {  	[tilespmem:s16+$0xFFFFFFA0] =	vst v0;
	v0 =	vld [tilespmem:s16+$0xFFFFFFB0]  }
0xbd: {  	v1 =	vld [tilespmem:s23+$0x20];
	_ =	sdelay $0x4  }
0xbe: {  	v0 =	vadd.f32 v1, v0;
	_ =	sdelay $0x1  }
0xbf: {  	[tilespmem:s16+$0xFFFFFFB0] =	vst v0;
	v0 =	vld [tilespmem:s16+$0xFFFFFFC0]  }
0xc0: {  	v1 =	vld [tilespmem:s23+$0x30];
	_ =	sdelay $0x4  }
0xc1: {  	v0 =	vadd.f32 v1, v0;
	_ =	sdelay $0x1  }
0xc2: {  	[tilespmem:s16+$0xFFFFFFC0] =	vst v0;
	v0 =	vld [tilespmem:s16+$0xFFFFFFD0]  }
0xc3: {  	v1 =	vld [tilespmem:s23+$0x40];
	_ =	sdelay $0x4  }
0xc4: {  	v0 =	vadd.f32 v1, v0;
	_ =	sdelay $0x1  }
0xc5: {  	[tilespmem:s16+$0xFFFFFFD0] =	vst v0;
	v0 =	vld [tilespmem:s16+$0xFFFFFFE0]  }
0xc6: {  	v1 =	vld [tilespmem:s23+$0x50];
	_ =	sdelay $0x4  }
0xc7: {  	v0 =	vadd.f32 v1, v0;
	_ =	sdelay $0x1  }
0xc8: {  	[tilespmem:s16+$0xFFFFFFE0] =	vst v0;
	v0 =	vld [tilespmem:s16+$0xFFFFFFF0]  }
0xc9: {  	v1 =	vld [tilespmem:s23+$0x60];
	_ =	sdelay $0x4  }
0xca: {  	v0 =	vadd.f32 v1, v0;
	_ =	sdelay $0x1  }
0xcb: {  	[tilespmem:s16+$0xFFFFFFF0] =	vst v0;
	v0 =	vld [tilespmem:s16+$0x0]  }
0xcc: {  	v1 =	vld [tilespmem:s23+$0x70];
	_ =	sdelay $0x4  }
0xcd: {  	v0 =	vadd.f32 v1, v0  }
0xce: {  	s8 =	simm.s32 $0xC9F0;
	s25 =	simm.s32 $0x0  }
.LBB2_5:
0xcf: {  	v1 =	vld [tilespmem:s8+$0xFFFFFF10];
	[tilespmem:s16+$0x0] =	vst v0;
	s23 =	sadd.s32 $0x100, s23;
	s16 =	smov.u32 s8  }
0xd0: {  	s25 =	sadd.s32 $0x4, s25;
	v0 =	vld [tilespmem:s23+$0xFFFFFF80]  }
0xd1: {  	p1 =	slt.u32 s25, $0xC4;
	_ =	sdelay $0x3  }
0xd2: {  	v0 =	vadd.f32 v0, v1;
	_ =	sdelay $0x1  }
0xd3: {  	[tilespmem:s8+$0xFFFFFF10] =	vst v0;
	v0 =	vld [tilespmem:s8+$0xFFFFFF20]  }
0xd4: {  	v1 =	vld [tilespmem:s23+$0xFFFFFF90];
	_ =	sdelay $0x4  }
0xd5: {  	v0 =	vadd.f32 v1, v0;
	_ =	sdelay $0x1  }
0xd6: {  	[tilespmem:s8+$0xFFFFFF20] =	vst v0;
	v0 =	vld [tilespmem:s8+$0xFFFFFF30]  }
0xd7: {  	v1 =	vld [tilespmem:s23+$0xFFFFFFA0];
	_ =	sdelay $0x4  }
0xd8: {  	v0 =	vadd.f32 v1, v0;
	_ =	sdelay $0x1  }
0xd9: {  	[tilespmem:s8+$0xFFFFFF30] =	vst v0;
	v0 =	vld [tilespmem:s8+$0xFFFFFF40]  }
0xda: {  	v1 =	vld [tilespmem:s23+$0xFFFFFFB0];
	_ =	sdelay $0x4  }
0xdb: {  	v0 =	vadd.f32 v1, v0;
	_ =	sdelay $0x1  }
0xdc: {  	[tilespmem:s8+$0xFFFFFF40] =	vst v0;
	v0 =	vld [tilespmem:s8+$0xFFFFFF50]  }
0xdd: {  	v1 =	vld [tilespmem:s23+$0xFFFFFFC0];
	_ =	sdelay $0x4  }
0xde: {  	v0 =	vadd.f32 v1, v0;
	_ =	sdelay $0x1  }
0xdf: {  	[tilespmem:s8+$0xFFFFFF50] =	vst v0;
	v0 =	vld [tilespmem:s8+$0xFFFFFF60]  }
0xe0: {  	v1 =	vld [tilespmem:s23+$0xFFFFFFD0];
	_ =	sdelay $0x4  }
0xe1: {  	v0 =	vadd.f32 v1, v0;
	_ =	sdelay $0x1  }
0xe2: {  	[tilespmem:s8+$0xFFFFFF60] =	vst v0;
	v0 =	vld [tilespmem:s8+$0xFFFFFF70]  }
0xe3: {  	v1 =	vld [tilespmem:s23+$0xFFFFFFE0];
	_ =	sdelay $0x4  }
0xe4: {  	v0 =	vadd.f32 v1, v0;
	_ =	sdelay $0x1  }
0xe5: {  	[tilespmem:s8+$0xFFFFFF70] =	vst v0;
	v0 =	vld [tilespmem:s8+$0xFFFFFF80]  }
0xe6: {  	v1 =	vld [tilespmem:s23+$0xFFFFFFF0];
	_ =	sdelay $0x4  }
0xe7: {  	v0 =	vadd.f32 v1, v0;
	_ =	sdelay $0x1  }
0xe8: {  	[tilespmem:s8+$0xFFFFFF80] =	vst v0;
	v0 =	vld [tilespmem:s8+$0xFFFFFF90]  }
0xe9: {  	v1 =	vld [tilespmem:s23+$0x0];
	_ =	sdelay $0x4  }
0xea: {  	v0 =	vadd.f32 v1, v0;
	_ =	sdelay $0x1  }
0xeb: {  	[tilespmem:s8+$0xFFFFFF90] =	vst v0;
	v0 =	vld [tilespmem:s8+$0xFFFFFFA0]  }
0xec: {  	v1 =	vld [tilespmem:s23+$0x10];
	_ =	sdelay $0x4  }
0xed: {  	v0 =	vadd.f32 v1, v0;
	_ =	sdelay $0x1  }
0xee: {  	[tilespmem:s8+$0xFFFFFFA0] =	vst v0;
	v0 =	vld [tilespmem:s8+$0xFFFFFFB0]  }
0xef: {  	v1 =	vld [tilespmem:s23+$0x20];
	_ =	sdelay $0x4  }
0xf0: {  	v0 =	vadd.f32 v1, v0;
	_ =	sdelay $0x1  }
0xf1: {  	[tilespmem:s8+$0xFFFFFFB0] =	vst v0;
	v0 =	vld [tilespmem:s8+$0xFFFFFFC0]  }
0xf2: {  	v1 =	vld [tilespmem:s23+$0x30];
	_ =	sdelay $0x4  }
0xf3: {  	v0 =	vadd.f32 v1, v0;
	_ =	sdelay $0x1  }
0xf4: {  	[tilespmem:s8+$0xFFFFFFC0] =	vst v0;
	v0 =	vld [tilespmem:s8+$0xFFFFFFD0]  }
0xf5: {  	v1 =	vld [tilespmem:s23+$0x40];
	_ =	sdelay $0x4  }
0xf6: {  	v0 =	vadd.f32 v1, v0;
	_ =	sdelay $0x1  }
0xf7: {  	[tilespmem:s8+$0xFFFFFFD0] =	vst v0;
	v0 =	vld [tilespmem:s8+$0xFFFFFFE0]  }
0xf8: {  	v1 =	vld [tilespmem:s23+$0x50];
	_ =	sdelay $0x4  }
0xf9: {  	v0 =	vadd.f32 v1, v0;
	_ =	sdelay $0x1  }
0xfa: {  	[tilespmem:s8+$0xFFFFFFE0] =	vst v0;
	v0 =	vld [tilespmem:s8+$0xFFFFFFF0]  }
0xfb: {  	v1 =	vld [tilespmem:s23+$0x60];
	_ =	sdelay $0x4  }
0xfc: {  	v0 =	vadd.f32 v1, v0;
	_ =	sdelay $0x1  }
0xfd: {  	[tilespmem:s8+$0xFFFFFFF0] =	vst v0;
	v0 =	vld [tilespmem:s8+$0x0]  }
0xfe: {  	v1 =	vld [tilespmem:s23+$0x70];
	_ =	sdelay $0x1  }
.Ltmp1:
0xff: {  	(pc) =	sbr.rel @p1 .LBB2_5-.Ltmp1, $3  }
0x100: {  	_ =	sdelay $0x1  }
0x101: {  	v0 =	vadd.f32 v1, v0  }
0x102: {  	s8 =	sadd.s32 $0x100, s8  }
0x103: {  	s8 =	rddreg [dreg:$0x5]  }
0x104: {  	s8 =	sadd.s32 s15, s8  }
0x105: {  	s8 =	smul.u32 $0x640, s8;
	_ =	sdelay $0x1  }
0x106: {  	[tilespmem:s16+$0x0] =	vst v0;
	s8 =	sadd.s32 s2, s8  }
0x107: {  	[hbm4b:s8+s3] =	stream.linear.scatter [tilespmem:s21], [sflag:$0x9], $0x3200, $0x38;
	[tilespmem:$0x1F400] =	vst v63  }
0x108: {  	s8 =	simm.s32 @!p0 $0xE  }
0x109: {  	_ =	swait.ge @!p0 [sflag:s8], $0x3200  }
0x10a: {  	[sflag:s8] =	ssyncset.done @!p0 $0x0  }
0x10b: {  	s25 =	sadd.s32 $0x4B0, s17;
	[sflag:s8] =	ssyncadd.s32 @!p0 $0xFFFFCE00  }
0x10c: {  	[tilespmem:s31], [sflag:$0x7] =	stream.indirect.gather [hbm4b:s5+s19], $0x40, s25, s19, $0xb8;
	[tilespmem:$0x1F400] =	vst v63  }
0x10d: {  	_ =	swait.ge [sflag:s1], $0x3200  }
0x10e: {  	[sflag:s1] =	ssyncset.done $0x0  }
0x10f: {  	s8 =	simm.s32 $0x0;
	[sflag:s1] =	ssyncadd.s32 $0xFFFFCE00  }
0x110: {  	v8 =	vld [tilespmem:s8+$0x6400]  }
0x111: {  	v3 =	vld [tilespmem:s8+$0x64F0]  }
0x112: {  	v5 =	vld [tilespmem:s8+$0xFAF0]  }
0x113: {  	v0 =	vld [tilespmem:s8+$0x64E0]  }
0x114: {  	v1 =	vld [tilespmem:s8+$0xFAD0]  }
0x115: {  	v2 =	vld [tilespmem:s8+$0x64D0]  }
0x116: {  	v4 =	vld [tilespmem:s8+$0xFAC0]  }
0x117: {  	v9 =	vld [tilespmem:s8+$0x64B0]  }
0x118: {  	v11 =	vld [tilespmem:s8+$0xFAB0]  }
0x119: {  	v12 =	vld [tilespmem:s8+$0xFA00]  }
0x11a: {  	v6 =	vld [tilespmem:s8+$0x6490]  }
0x11b: {  	v10 =	vld [tilespmem:s8+$0xFA90]  }
0x11c: {  	v7 =	vld [tilespmem:s8+$0x6480]  }
0x11d: {  	v13 =	vld [tilespmem:s8+$0xFA80]  }
0x11e: {  	v14 =	vld [tilespmem:s8+$0xFA70]  }
0x11f: {  	v15 =	vld [tilespmem:s8+$0xFA50]  }
0x120: {  	v16 =	vld [tilespmem:s8+$0x6460]  }
0x121: {  	v17 =	vld [tilespmem:s8+$0x6450]  }
0x122: {  	v18 =	vld [tilespmem:s8+$0xFA60];
	v5 =	vadd.f32 v3, v5  }
0x123: {  	v19 =	vld [tilespmem:s8+$0x6440]  }
0x124: {  	[tilespmem:s8+$0xFAF0] =	vst v5;
	v5 =	vld [tilespmem:s8+$0x6470]  }
0x125: {  	v20 =	vld [tilespmem:s8+$0xFA40]  }
0x126: {  	v3 =	vld [tilespmem:s8+$0xFAA0];
	v13 =	vadd.f32 v7, v13  }
0x127: {  	v7 =	vld [tilespmem:s8+$0x6430]  }
0x128: {  	v12 =	vadd.f32 v8, v12;
	v8 =	vld [tilespmem:s8+$0x64A0];
	[tilespmem:s8+$0xFA80] =	vst v13;
	v13 =	vadd.f32 v6, v10  }
0x129: {  	v63 =	vadd.f32 v9, v11;
	v11 =	vld [tilespmem:s8+$0xFA10];
	v14 =	vadd.f32 v5, v14  }
0x12a: {  	v10 =	vld [tilespmem:s8+$0xFA30];
	[tilespmem:s8+$0xFA90] =	vst v13  }
0x12b: {  	v13 =	vld [tilespmem:s8+$0x64C0];
	[tilespmem:s8+$0xFA70] =	vst v14;
	v14 =	vadd.f32 v16, v18  }
0x12c: {  	v6 =	vld [tilespmem:s8+$0x6410];
	[tilespmem:s8+$0xFA00] =	vst v12  }
0x12d: {  	v12 =	vld [tilespmem:s8+$0xFAE0];
	[tilespmem:s8+$0xFA60] =	vst v14;
	v14 =	vadd.f32 v19, v20  }
0x12e: {  	s16 =	simm.s32 $0x0;
	s23 =	simm.s32 $0x400;
	v9 =	vadd.f32 v17, v15;
	[tilespmem:s8+$0xFAB0] =	vst v63;
	v5 =	vld [tilespmem:s8+$0x6420]  }
.LBB2_7:
0x12f: {  	s25 =	sshra.s32 s23, $0x2;
	s16 =	sadd.s32 $0x4, s16;
	v15 =	vld [tilespmem:s8+$0xFA20];
	v7 =	vadd.f32 v7, v10;
	[tilespmem:s8+$0xFA40] =	vst v14  }
0x130: {  	v1 =	vadd.f32 v2, v1;
	v14 =	vld [tilespmem:s25+$0x6400];
	p0 =	slt.u32 s16, $0xC4;
	v4 =	vadd.f32 v13, v4  }
0x131: {  	v10 =	vld [tilespmem:s25+$0x64F0];
	[tilespmem:s8+$0xFA30] =	vst v7;
	v3 =	vadd.f32 v8, v3  }
0x132: {  	v7 =	vld [tilespmem:s25+$0xFAF0];
	[tilespmem:s8+$0xFAC0] =	vst v4;
	v2 =	vadd.f32 v0, v12  }
0x133: {  	v0 =	vld [tilespmem:s25+$0x64E0];
	v6 =	vadd.f32 v6, v11;
	[tilespmem:s8+$0xFAD0] =	vst v1  }
0x134: {  	v1 =	vld [tilespmem:s25+$0xFAD0];
	[tilespmem:s8+$0xFAE0] =	vst v2  }
0x135: {  	v5 =	vadd.f32 v5, v15;
	v2 =	vld [tilespmem:s25+$0x64D0];
	[tilespmem:s8+$0xFA50] =	vst v9  }
0x136: {  	v4 =	vld [tilespmem:s25+$0xFAC0];
	[tilespmem:s8+$0xFA10] =	vst v6  }
0x137: {  	v9 =	vld [tilespmem:s25+$0x64B0];
	v6 =	vadd.f32 v10, v7;
	[tilespmem:s8+$0xFA20] =	vst v5  }
0x138: {  	v11 =	vld [tilespmem:s25+$0xFAB0];
	[tilespmem:s8+$0xFAA0] =	vst v3;
	s8 =	smov.u32 s25  }
0x139: {  	v3 =	vld [tilespmem:s8+$0xFAA0];
	[tilespmem:s8+$0xFAF0] =	vst v6  }
0x13a: {  	v8 =	vld [tilespmem:s8+$0xFA00]  }
0x13b: {  	v6 =	vld [tilespmem:s8+$0x6490]  }
0x13c: {  	v10 =	vld [tilespmem:s8+$0xFA90]  }
0x13d: {  	v5 =	vld [tilespmem:s8+$0x6480]  }
0x13e: {  	v7 =	vld [tilespmem:s8+$0xFA80]  }
0x13f: {  	v12 =	vld [tilespmem:s8+$0x6470]  }
0x140: {  	v13 =	vld [tilespmem:s8+$0xFA70]  }
0x141: {  	v15 =	vld [tilespmem:s8+$0xFA50]  }
0x142: {  	v16 =	vld [tilespmem:s8+$0x6460]  }
0x143: {  	v17 =	vld [tilespmem:s8+$0x6450]  }
0x144: {  	v18 =	vld [tilespmem:s8+$0xFA60]  }
0x145: {  	v19 =	vld [tilespmem:s8+$0x6440];
	v12 =	vadd.f32 v12, v13  }
0x146: {  	v20 =	vadd.f32 v5, v7;
	v13 =	vld [tilespmem:s8+$0xFA40]  }
0x147: {  	v5 =	vld [tilespmem:s8+$0x6420];
	[tilespmem:s8+$0xFA70] =	vst v12  }
0x148: {  	v12 =	vadd.f32 v6, v10;
	v7 =	vld [tilespmem:s8+$0x6430];
	[tilespmem:s8+$0xFA80] =	vst v20  }
0x149: {  	v10 =	vld [tilespmem:s8+$0xFA30];
	v16 =	vadd.f32 v16, v18  }
.Ltmp2:
0x14a: {  	v6 =	vld [tilespmem:s8+$0x6410];
	[tilespmem:s8+$0xFA90] =	vst v12;
	(pc) =	sbr.rel @p0 .LBB2_7-.Ltmp2, $4  }
0x14b: {  	v12 =	vadd.f32 v14, v8;
	v14 =	vadd.f32 v19, v13;
	[tilespmem:s8+$0xFA60] =	vst v16;
	v13 =	vld [tilespmem:s8+$0x64C0]  }
0x14c: {  	v16 =	vadd.f32 v9, v11;
	v8 =	vld [tilespmem:s8+$0x64A0]  }
0x14d: {  	[tilespmem:s8+$0xFA00] =	vst v12;
	v12 =	vld [tilespmem:s8+$0xFAE0]  }
0x14e: {  	s23 =	sadd.s32 $0x400, s23;
	v9 =	vadd.f32 v17, v15;
	v11 =	vld [tilespmem:s8+$0xFA10];
	[tilespmem:s8+$0xFAB0] =	vst v16  }
0x14f: {  	v7 =	vadd.f32 v7, v10;
	[tilespmem:s8+$0xFA40] =	vst v14  }
0x150: {  	v15 =	vld [tilespmem:s8+$0xFA20];
	v1 =	vadd.f32 v2, v1;
	[tilespmem:s8+$0xFA50] =	vst v9  }
0x151: {  	v4 =	vadd.f32 v13, v4;
	[tilespmem:s8+$0xFA30] =	vst v7  }
0x152: {  	[tilespmem:s8+$0xFAD0] =	vst v1;
	v2 =	vadd.f32 v8, v3  }
0x153: {  	[tilespmem:s8+$0xFAC0] =	vst v4;
	v0 =	vadd.f32 v0, v12  }
0x154: {  	s16 =	sadd.s32 s15, s9;
	v1 =	vadd.f32 v6, v11;
	[tilespmem:s8+$0xFAA0] =	vst v2  }
0x155: {  	s16 =	smul.u32 $0x640, s16;
	[tilespmem:s8+$0xFAE0] =	vst v0;
	v0 =	vadd.f32 v5, v15  }
0x156: {  	[tilespmem:s8+$0xFA10] =	vst v1  }
0x157: {  	s25 =	simm.s32 $0x0;
	s23 =	simm.s32 $0xFA00;
	s16 =	sadd.s32 s2, s16;
	[tilespmem:s8+$0xFA20] =	vst v0  }
0x158: {  	[hbm4b:s16+s25] =	stream.linear.scatter [tilespmem:s23], [sflag:$0xA], $0x3200, $0x38;
	[tilespmem:$0x1F400] =	vst v63  }
0x159: {  	_ =	swait.ge [sflag:s0], $0x3200  }
0x15a: {  	[sflag:s0] =	ssyncset.done $0x0  }
0x15b: {  	s25 =	sadd.s32 $0x578, s17;
	[sflag:s0] =	ssyncadd.s32 $0xFFFFCE00  }
0x15c: {  	[tilespmem:s20], [sflag:$0x1] =	stream.indirect.gather [hbm4b:s5+s19], $0x40, s25, s19, $0xb8;
	[tilespmem:$0x1F400] =	vst v63  }
0x15d: {  	_ =	swait.ge [sflag:s18], $0x3200  }
0x15e: {  	[sflag:s18] =	ssyncset.done $0x0  }
0x15f: {  	s8 =	simm.s32 $0x0;
	[sflag:s18] =	ssyncadd.s32 $0xFFFFCE00  }
0x160: {  	v8 =	vld [tilespmem:s8+$0x6400]  }
0x161: {  	v3 =	vld [tilespmem:s8+$0x64F0]  }
0x162: {  	v5 =	vld [tilespmem:s8+$0x12CF0]  }
0x163: {  	v0 =	vld [tilespmem:s8+$0x64E0]  }
0x164: {  	v1 =	vld [tilespmem:s8+$0x12CD0]  }
0x165: {  	v2 =	vld [tilespmem:s8+$0x64D0]  }
0x166: {  	v4 =	vld [tilespmem:s8+$0x12CC0]  }
0x167: {  	v9 =	vld [tilespmem:s8+$0x64B0]  }
0x168: {  	v11 =	vld [tilespmem:s8+$0x12CB0]  }
0x169: {  	v12 =	vld [tilespmem:s8+$0x12C00]  }
0x16a: {  	v6 =	vld [tilespmem:s8+$0x6490]  }
0x16b: {  	v10 =	vld [tilespmem:s8+$0x12C90]  }
0x16c: {  	v7 =	vld [tilespmem:s8+$0x6480]  }
0x16d: {  	v13 =	vld [tilespmem:s8+$0x12C80]  }
0x16e: {  	v14 =	vld [tilespmem:s8+$0x12C70]  }
0x16f: {  	v15 =	vld [tilespmem:s8+$0x12C50]  }
0x170: {  	v16 =	vld [tilespmem:s8+$0x6460]  }
0x171: {  	v17 =	vld [tilespmem:s8+$0x6450]  }
0x172: {  	v18 =	vld [tilespmem:s8+$0x12C60];
	v5 =	vadd.f32 v3, v5  }
0x173: {  	v19 =	vld [tilespmem:s8+$0x6440]  }
0x174: {  	[tilespmem:s8+$0x12CF0] =	vst v5;
	v5 =	vld [tilespmem:s8+$0x6470]  }
0x175: {  	v20 =	vld [tilespmem:s8+$0x12C40]  }
0x176: {  	v3 =	vld [tilespmem:s8+$0x12CA0];
	v13 =	vadd.f32 v7, v13  }
0x177: {  	v7 =	vld [tilespmem:s8+$0x6430]  }
0x178: {  	v12 =	vadd.f32 v8, v12;
	v8 =	vld [tilespmem:s8+$0x64A0];
	[tilespmem:s8+$0x12C80] =	vst v13;
	v13 =	vadd.f32 v6, v10  }
0x179: {  	v63 =	vadd.f32 v9, v11;
	v11 =	vld [tilespmem:s8+$0x12C10];
	v14 =	vadd.f32 v5, v14  }
0x17a: {  	v10 =	vld [tilespmem:s8+$0x12C30];
	[tilespmem:s8+$0x12C90] =	vst v13  }
0x17b: {  	v13 =	vld [tilespmem:s8+$0x64C0];
	[tilespmem:s8+$0x12C70] =	vst v14;
	v14 =	vadd.f32 v16, v18  }
0x17c: {  	v6 =	vld [tilespmem:s8+$0x6410];
	[tilespmem:s8+$0x12C00] =	vst v12  }
0x17d: {  	v12 =	vld [tilespmem:s8+$0x12CE0];
	[tilespmem:s8+$0x12C60] =	vst v14;
	v14 =	vadd.f32 v19, v20  }
0x17e: {  	s16 =	simm.s32 $0x0;
	s23 =	simm.s32 $0x400;
	v9 =	vadd.f32 v17, v15;
	[tilespmem:s8+$0x12CB0] =	vst v63;
	v5 =	vld [tilespmem:s8+$0x6420]  }
.LBB2_9:
0x17f: {  	s25 =	sshra.s32 s23, $0x2;
	s16 =	sadd.s32 $0x4, s16;
	v15 =	vld [tilespmem:s8+$0x12C20];
	v7 =	vadd.f32 v7, v10;
	[tilespmem:s8+$0x12C40] =	vst v14  }
0x180: {  	v1 =	vadd.f32 v2, v1;
	v14 =	vld [tilespmem:s25+$0x6400];
	p0 =	slt.u32 s16, $0xC4;
	v4 =	vadd.f32 v13, v4  }
0x181: {  	v10 =	vld [tilespmem:s25+$0x64F0];
	[tilespmem:s8+$0x12C30] =	vst v7;
	v3 =	vadd.f32 v8, v3  }
0x182: {  	v7 =	vld [tilespmem:s25+$0x12CF0];
	[tilespmem:s8+$0x12CC0] =	vst v4;
	v2 =	vadd.f32 v0, v12  }
0x183: {  	v0 =	vld [tilespmem:s25+$0x64E0];
	v6 =	vadd.f32 v6, v11;
	[tilespmem:s8+$0x12CD0] =	vst v1  }
0x184: {  	v1 =	vld [tilespmem:s25+$0x12CD0];
	[tilespmem:s8+$0x12CE0] =	vst v2  }
0x185: {  	v5 =	vadd.f32 v5, v15;
	v2 =	vld [tilespmem:s25+$0x64D0];
	[tilespmem:s8+$0x12C50] =	vst v9  }
0x186: {  	v4 =	vld [tilespmem:s25+$0x12CC0];
	[tilespmem:s8+$0x12C10] =	vst v6  }
0x187: {  	v9 =	vld [tilespmem:s25+$0x64B0];
	v6 =	vadd.f32 v10, v7;
	[tilespmem:s8+$0x12C20] =	vst v5  }
0x188: {  	v11 =	vld [tilespmem:s25+$0x12CB0];
	[tilespmem:s8+$0x12CA0] =	vst v3;
	s8 =	smov.u32 s25  }
0x189: {  	v3 =	vld [tilespmem:s8+$0x12CA0];
	[tilespmem:s8+$0x12CF0] =	vst v6  }
0x18a: {  	v8 =	vld [tilespmem:s8+$0x12C00]  }
0x18b: {  	v6 =	vld [tilespmem:s8+$0x6490]  }
0x18c: {  	v10 =	vld [tilespmem:s8+$0x12C90]  }
0x18d: {  	v5 =	vld [tilespmem:s8+$0x6480]  }
0x18e: {  	v7 =	vld [tilespmem:s8+$0x12C80]  }
0x18f: {  	v12 =	vld [tilespmem:s8+$0x6470]  }
0x190: {  	v13 =	vld [tilespmem:s8+$0x12C70]  }
0x191: {  	v15 =	vld [tilespmem:s8+$0x12C50]  }
0x192: {  	v16 =	vld [tilespmem:s8+$0x6460]  }
0x193: {  	v17 =	vld [tilespmem:s8+$0x6450]  }
0x194: {  	v18 =	vld [tilespmem:s8+$0x12C60]  }
0x195: {  	v19 =	vld [tilespmem:s8+$0x6440];
	v12 =	vadd.f32 v12, v13  }
0x196: {  	v20 =	vadd.f32 v5, v7;
	v13 =	vld [tilespmem:s8+$0x12C40]  }
0x197: {  	v5 =	vld [tilespmem:s8+$0x6420];
	[tilespmem:s8+$0x12C70] =	vst v12  }
0x198: {  	v12 =	vadd.f32 v6, v10;
	v7 =	vld [tilespmem:s8+$0x6430];
	[tilespmem:s8+$0x12C80] =	vst v20  }
0x199: {  	v10 =	vld [tilespmem:s8+$0x12C30];
	v16 =	vadd.f32 v16, v18  }
.Ltmp3:
0x19a: {  	v6 =	vld [tilespmem:s8+$0x6410];
	[tilespmem:s8+$0x12C90] =	vst v12;
	(pc) =	sbr.rel @p0 .LBB2_9-.Ltmp3, $4  }
0x19b: {  	v12 =	vadd.f32 v14, v8;
	v14 =	vadd.f32 v19, v13;
	[tilespmem:s8+$0x12C60] =	vst v16;
	v13 =	vld [tilespmem:s8+$0x64C0]  }
0x19c: {  	v16 =	vadd.f32 v9, v11;
	v8 =	vld [tilespmem:s8+$0x64A0]  }
0x19d: {  	[tilespmem:s8+$0x12C00] =	vst v12;
	v12 =	vld [tilespmem:s8+$0x12CE0]  }
0x19e: {  	s23 =	sadd.s32 $0x400, s23;
	v9 =	vadd.f32 v17, v15;
	v11 =	vld [tilespmem:s8+$0x12C10];
	[tilespmem:s8+$0x12CB0] =	vst v16  }
0x19f: {  	v7 =	vadd.f32 v7, v10;
	[tilespmem:s8+$0x12C40] =	vst v14  }
0x1a0: {  	v15 =	vld [tilespmem:s8+$0x12C20];
	v1 =	vadd.f32 v2, v1;
	[tilespmem:s8+$0x12C50] =	vst v9  }
0x1a1: {  	v4 =	vadd.f32 v13, v4;
	[tilespmem:s8+$0x12C30] =	vst v7  }
0x1a2: {  	[tilespmem:s8+$0x12CD0] =	vst v1;
	v2 =	vadd.f32 v8, v3  }
0x1a3: {  	[tilespmem:s8+$0x12CC0] =	vst v4;
	v0 =	vadd.f32 v0, v12  }
0x1a4: {  	s16 =	sadd.s32 s15, s10;
	v1 =	vadd.f32 v6, v11;
	[tilespmem:s8+$0x12CA0] =	vst v2  }
0x1a5: {  	s16 =	smul.u32 $0x640, s16;
	[tilespmem:s8+$0x12CE0] =	vst v0;
	v0 =	vadd.f32 v5, v15  }
0x1a6: {  	[tilespmem:s8+$0x12C10] =	vst v1  }
0x1a7: {  	s25 =	simm.s32 $0x0;
	s23 =	simm.s32 $0x12C00;
	s16 =	sadd.s32 s2, s16;
	[tilespmem:s8+$0x12C20] =	vst v0  }
0x1a8: {  	[hbm4b:s16+s25] =	stream.linear.scatter [tilespmem:s23], [sflag:$0xB], $0x3200, $0x38;
	[tilespmem:$0x1F400] =	vst v63  }
0x1a9: {  	_ =	swait.ge [sflag:s22], $0x3200  }
0x1aa: {  	[sflag:s22] =	ssyncset.done $0x0  }
0x1ab: {  	s25 =	sadd.s32 $0x640, s17;
	[sflag:s22] =	ssyncadd.s32 $0xFFFFCE00  }
0x1ac: {  	[tilespmem:s21], [sflag:$0x2] =	stream.indirect.gather [hbm4b:s5+s19], $0x40, s25, s19, $0xb8;
	[tilespmem:$0x1F400] =	vst v63  }
0x1ad: {  	_ =	swait.ge [sflag:s24], $0x3200  }
0x1ae: {  	[sflag:s24] =	ssyncset.done $0x0  }
0x1af: {  	s8 =	simm.s32 $0x0;
	[sflag:s24] =	ssyncadd.s32 $0xFFFFCE00  }
0x1b0: {  	v8 =	vld [tilespmem:s8+$0x6400]  }
0x1b1: {  	v3 =	vld [tilespmem:s8+$0x64F0]  }
0x1b2: {  	v5 =	vld [tilespmem:s8+$0x15EF0]  }
0x1b3: {  	v0 =	vld [tilespmem:s8+$0x64E0]  }
0x1b4: {  	v1 =	vld [tilespmem:s8+$0x15ED0]  }
0x1b5: {  	v2 =	vld [tilespmem:s8+$0x64D0]  }
0x1b6: {  	v4 =	vld [tilespmem:s8+$0x15EC0]  }
0x1b7: {  	v9 =	vld [tilespmem:s8+$0x64B0]  }
0x1b8: {  	v11 =	vld [tilespmem:s8+$0x15EB0]  }
0x1b9: {  	v12 =	vld [tilespmem:s8+$0x15E00]  }
0x1ba: {  	v6 =	vld [tilespmem:s8+$0x6490]  }
0x1bb: {  	v10 =	vld [tilespmem:s8+$0x15E90]  }
0x1bc: {  	v7 =	vld [tilespmem:s8+$0x6480]  }
0x1bd: {  	v13 =	vld [tilespmem:s8+$0x15E80]  }
0x1be: {  	v14 =	vld [tilespmem:s8+$0x15E70]  }
0x1bf: {  	v15 =	vld [tilespmem:s8+$0x15E50]  }
0x1c0: {  	v16 =	vld [tilespmem:s8+$0x6460]  }
0x1c1: {  	v17 =	vld [tilespmem:s8+$0x6450]  }
0x1c2: {  	v18 =	vld [tilespmem:s8+$0x15E60];
	v5 =	vadd.f32 v3, v5  }
0x1c3: {  	v19 =	vld [tilespmem:s8+$0x6440]  }
0x1c4: {  	[tilespmem:s8+$0x15EF0] =	vst v5;
	v5 =	vld [tilespmem:s8+$0x6470]  }
0x1c5: {  	v20 =	vld [tilespmem:s8+$0x15E40]  }
0x1c6: {  	v3 =	vld [tilespmem:s8+$0x15EA0];
	v13 =	vadd.f32 v7, v13  }
0x1c7: {  	v7 =	vld [tilespmem:s8+$0x6430]  }
0x1c8: {  	v12 =	vadd.f32 v8, v12;
	v8 =	vld [tilespmem:s8+$0x64A0];
	[tilespmem:s8+$0x15E80] =	vst v13;
	v13 =	vadd.f32 v6, v10  }
0x1c9: {  	v63 =	vadd.f32 v9, v11;
	v11 =	vld [tilespmem:s8+$0x15E10];
	v14 =	vadd.f32 v5, v14  }
0x1ca: {  	v10 =	vld [tilespmem:s8+$0x15E30];
	[tilespmem:s8+$0x15E90] =	vst v13  }
0x1cb: {  	v13 =	vld [tilespmem:s8+$0x64C0];
	[tilespmem:s8+$0x15E70] =	vst v14;
	v14 =	vadd.f32 v16, v18  }
0x1cc: {  	v6 =	vld [tilespmem:s8+$0x6410];
	[tilespmem:s8+$0x15E00] =	vst v12  }
0x1cd: {  	v12 =	vld [tilespmem:s8+$0x15EE0];
	[tilespmem:s8+$0x15E60] =	vst v14;
	v14 =	vadd.f32 v19, v20  }
0x1ce: {  	s16 =	simm.s32 $0x0;
	s23 =	simm.s32 $0x400;
	v9 =	vadd.f32 v17, v15;
	[tilespmem:s8+$0x15EB0] =	vst v63;
	v5 =	vld [tilespmem:s8+$0x6420]  }
.LBB2_11:
0x1cf: {  	s25 =	sshra.s32 s23, $0x2;
	s16 =	sadd.s32 $0x4, s16;
	v15 =	vld [tilespmem:s8+$0x15E20];
	v7 =	vadd.f32 v7, v10;
	[tilespmem:s8+$0x15E40] =	vst v14  }
0x1d0: {  	v1 =	vadd.f32 v2, v1;
	v14 =	vld [tilespmem:s25+$0x6400];
	p0 =	slt.u32 s16, $0xC4;
	v4 =	vadd.f32 v13, v4  }
0x1d1: {  	v10 =	vld [tilespmem:s25+$0x64F0];
	[tilespmem:s8+$0x15E30] =	vst v7;
	v3 =	vadd.f32 v8, v3  }
0x1d2: {  	v7 =	vld [tilespmem:s25+$0x15EF0];
	[tilespmem:s8+$0x15EC0] =	vst v4;
	v2 =	vadd.f32 v0, v12  }
0x1d3: {  	v0 =	vld [tilespmem:s25+$0x64E0];
	v6 =	vadd.f32 v6, v11;
	[tilespmem:s8+$0x15ED0] =	vst v1  }
0x1d4: {  	v1 =	vld [tilespmem:s25+$0x15ED0];
	[tilespmem:s8+$0x15EE0] =	vst v2  }
0x1d5: {  	v5 =	vadd.f32 v5, v15;
	v2 =	vld [tilespmem:s25+$0x64D0];
	[tilespmem:s8+$0x15E50] =	vst v9  }
0x1d6: {  	v4 =	vld [tilespmem:s25+$0x15EC0];
	[tilespmem:s8+$0x15E10] =	vst v6  }
0x1d7: {  	v9 =	vld [tilespmem:s25+$0x64B0];
	v6 =	vadd.f32 v10, v7;
	[tilespmem:s8+$0x15E20] =	vst v5  }
0x1d8: {  	v11 =	vld [tilespmem:s25+$0x15EB0];
	[tilespmem:s8+$0x15EA0] =	vst v3;
	s8 =	smov.u32 s25  }
0x1d9: {  	v3 =	vld [tilespmem:s8+$0x15EA0];
	[tilespmem:s8+$0x15EF0] =	vst v6  }
0x1da: {  	v8 =	vld [tilespmem:s8+$0x15E00]  }
0x1db: {  	v6 =	vld [tilespmem:s8+$0x6490]  }
0x1dc: {  	v10 =	vld [tilespmem:s8+$0x15E90]  }
0x1dd: {  	v5 =	vld [tilespmem:s8+$0x6480]  }
0x1de: {  	v7 =	vld [tilespmem:s8+$0x15E80]  }
0x1df: {  	v12 =	vld [tilespmem:s8+$0x6470]  }
0x1e0: {  	v13 =	vld [tilespmem:s8+$0x15E70]  }
0x1e1: {  	v15 =	vld [tilespmem:s8+$0x15E50]  }
0x1e2: {  	v16 =	vld [tilespmem:s8+$0x6460]  }
0x1e3: {  	v17 =	vld [tilespmem:s8+$0x6450]  }
0x1e4: {  	v18 =	vld [tilespmem:s8+$0x15E60]  }
0x1e5: {  	v19 =	vld [tilespmem:s8+$0x6440];
	v12 =	vadd.f32 v12, v13  }
0x1e6: {  	v20 =	vadd.f32 v5, v7;
	v13 =	vld [tilespmem:s8+$0x15E40]  }
0x1e7: {  	v5 =	vld [tilespmem:s8+$0x6420];
	[tilespmem:s8+$0x15E70] =	vst v12  }
0x1e8: {  	v12 =	vadd.f32 v6, v10;
	v7 =	vld [tilespmem:s8+$0x6430];
	[tilespmem:s8+$0x15E80] =	vst v20  }
0x1e9: {  	v10 =	vld [tilespmem:s8+$0x15E30];
	v16 =	vadd.f32 v16, v18  }
.Ltmp4:
0x1ea: {  	v6 =	vld [tilespmem:s8+$0x6410];
	[tilespmem:s8+$0x15E90] =	vst v12;
	(pc) =	sbr.rel @p0 .LBB2_11-.Ltmp4, $4  }
0x1eb: {  	v12 =	vadd.f32 v14, v8;
	v14 =	vadd.f32 v19, v13;
	[tilespmem:s8+$0x15E60] =	vst v16;
	v13 =	vld [tilespmem:s8+$0x64C0]  }
0x1ec: {  	v16 =	vadd.f32 v9, v11;
	v8 =	vld [tilespmem:s8+$0x64A0]  }
0x1ed: {  	[tilespmem:s8+$0x15E00] =	vst v12;
	v12 =	vld [tilespmem:s8+$0x15EE0]  }
0x1ee: {  	s23 =	sadd.s32 $0x400, s23;
	v9 =	vadd.f32 v17, v15;
	v11 =	vld [tilespmem:s8+$0x15E10];
	[tilespmem:s8+$0x15EB0] =	vst v16  }
0x1ef: {  	v7 =	vadd.f32 v7, v10;
	[tilespmem:s8+$0x15E40] =	vst v14  }
0x1f0: {  	v15 =	vld [tilespmem:s8+$0x15E20];
	v1 =	vadd.f32 v2, v1;
	[tilespmem:s8+$0x15E50] =	vst v9  }
0x1f1: {  	v4 =	vadd.f32 v13, v4;
	[tilespmem:s8+$0x15E30] =	vst v7  }
0x1f2: {  	[tilespmem:s8+$0x15ED0] =	vst v1;
	v2 =	vadd.f32 v8, v3  }
0x1f3: {  	[tilespmem:s8+$0x15EC0] =	vst v4;
	v0 =	vadd.f32 v0, v12  }
0x1f4: {  	s16 =	sadd.s32 s15, s11;
	v1 =	vadd.f32 v6, v11;
	[tilespmem:s8+$0x15EA0] =	vst v2  }
0x1f5: {  	s16 =	smul.u32 $0x640, s16;
	[tilespmem:s8+$0x15EE0] =	vst v0;
	v0 =	vadd.f32 v5, v15  }
0x1f6: {  	p0 =	seq.s32 s14, $0x11;
	[tilespmem:s8+$0x15E10] =	vst v1  }
0x1f7: {  	s25 =	sadd.s32 s2, s16;
	[tilespmem:s8+$0x15E20] =	vst v0;
	s8 =	simm.s32 @!p0 $0xA  }
0x1f8: {  	[hbm4b:s25+s3] =	stream.linear.scatter [tilespmem:s26], [sflag:$0xC], $0x3200, $0x38;
	[tilespmem:$0x1F400] =	vst v63  }
0x1f9: {  	_ =	swait.ge @!p0 [sflag:s8], $0x3200  }
0x1fa: {  	s23 =	simm.s32 @!p0 $0xFA00;
	[sflag:s8] =	ssyncset.done @!p0 $0x0  }
0x1fb: {  	s16 =	simm.s32 @!p0 $0xC8;
	[sflag:s8] =	ssyncadd.s32 @!p0 $0xFFFFCE00;
	s8 =	sadd.s32 @!p0 $0x708, s17  }
0x1fc: {  	[tilespmem:s23], [sflag:$0x3] =	stream.indirect.gather @!p0 [hbm4b:s5+s16], $0x40, s8, s16, $0xb8;
	[tilespmem:$0x1F400] =	vst v63  }
0x1fd: {  	_ =	swait.ge [sflag:s6], $0x3200  }
0x1fe: {  	[sflag:s6] =	ssyncset.done $0x0  }
0x1ff: {  	s8 =	simm.s32 $0x0;
	[sflag:s6] =	ssyncadd.s32 $0xFFFFCE00  }
0x200: {  	v8 =	vld [tilespmem:s8+$0x6400]  }
0x201: {  	v3 =	vld [tilespmem:s8+$0x64F0]  }
0x202: {  	v5 =	vld [tilespmem:s8+$0x190F0]  }
0x203: {  	v0 =	vld [tilespmem:s8+$0x64E0]  }
0x204: {  	v1 =	vld [tilespmem:s8+$0x190D0]  }
0x205: {  	v2 =	vld [tilespmem:s8+$0x64D0]  }
0x206: {  	v4 =	vld [tilespmem:s8+$0x190C0]  }
0x207: {  	v9 =	vld [tilespmem:s8+$0x64B0]  }
0x208: {  	v11 =	vld [tilespmem:s8+$0x190B0]  }
0x209: {  	v12 =	vld [tilespmem:s8+$0x19000]  }
0x20a: {  	v6 =	vld [tilespmem:s8+$0x6490]  }
0x20b: {  	v10 =	vld [tilespmem:s8+$0x19090]  }
0x20c: {  	v7 =	vld [tilespmem:s8+$0x6480]  }
0x20d: {  	v13 =	vld [tilespmem:s8+$0x19080]  }
0x20e: {  	v14 =	vld [tilespmem:s8+$0x19070]  }
0x20f: {  	v15 =	vld [tilespmem:s8+$0x19050]  }
0x210: {  	v16 =	vld [tilespmem:s8+$0x6460]  }
0x211: {  	v17 =	vld [tilespmem:s8+$0x6450]  }
0x212: {  	v18 =	vld [tilespmem:s8+$0x19060];
	v5 =	vadd.f32 v3, v5  }
0x213: {  	v19 =	vld [tilespmem:s8+$0x6440]  }
0x214: {  	[tilespmem:s8+$0x190F0] =	vst v5;
	v5 =	vld [tilespmem:s8+$0x6470]  }
0x215: {  	v20 =	vld [tilespmem:s8+$0x19040]  }
0x216: {  	v3 =	vld [tilespmem:s8+$0x190A0];
	v13 =	vadd.f32 v7, v13  }
0x217: {  	v7 =	vld [tilespmem:s8+$0x6430]  }
0x218: {  	v12 =	vadd.f32 v8, v12;
	v8 =	vld [tilespmem:s8+$0x64A0];
	[tilespmem:s8+$0x19080] =	vst v13;
	v13 =	vadd.f32 v6, v10  }
0x219: {  	v63 =	vadd.f32 v9, v11;
	v11 =	vld [tilespmem:s8+$0x19010];
	v14 =	vadd.f32 v5, v14  }
0x21a: {  	v10 =	vld [tilespmem:s8+$0x19030];
	[tilespmem:s8+$0x19090] =	vst v13  }
0x21b: {  	v13 =	vld [tilespmem:s8+$0x64C0];
	[tilespmem:s8+$0x19070] =	vst v14;
	v14 =	vadd.f32 v16, v18  }
0x21c: {  	v6 =	vld [tilespmem:s8+$0x6410];
	[tilespmem:s8+$0x19000] =	vst v12  }
0x21d: {  	v12 =	vld [tilespmem:s8+$0x190E0];
	[tilespmem:s8+$0x19060] =	vst v14;
	v14 =	vadd.f32 v19, v20  }
0x21e: {  	s16 =	simm.s32 $0x0;
	s23 =	simm.s32 $0x400;
	v9 =	vadd.f32 v17, v15;
	[tilespmem:s8+$0x190B0] =	vst v63;
	v5 =	vld [tilespmem:s8+$0x6420]  }
.LBB2_13:
0x21f: {  	s25 =	sshra.s32 s23, $0x2;
	s16 =	sadd.s32 $0x4, s16;
	v15 =	vld [tilespmem:s8+$0x19020];
	v7 =	vadd.f32 v7, v10;
	[tilespmem:s8+$0x19040] =	vst v14  }
0x220: {  	v1 =	vadd.f32 v2, v1;
	v14 =	vld [tilespmem:s25+$0x6400];
	p1 =	slt.u32 s16, $0xC4;
	v4 =	vadd.f32 v13, v4  }
0x221: {  	v10 =	vld [tilespmem:s25+$0x64F0];
	[tilespmem:s8+$0x19030] =	vst v7;
	v3 =	vadd.f32 v8, v3  }
0x222: {  	v7 =	vld [tilespmem:s25+$0x190F0];
	[tilespmem:s8+$0x190C0] =	vst v4;
	v2 =	vadd.f32 v0, v12  }
0x223: {  	v0 =	vld [tilespmem:s25+$0x64E0];
	v6 =	vadd.f32 v6, v11;
	[tilespmem:s8+$0x190D0] =	vst v1  }
0x224: {  	v1 =	vld [tilespmem:s25+$0x190D0];
	[tilespmem:s8+$0x190E0] =	vst v2  }
0x225: {  	v5 =	vadd.f32 v5, v15;
	v2 =	vld [tilespmem:s25+$0x64D0];
	[tilespmem:s8+$0x19050] =	vst v9  }
0x226: {  	v4 =	vld [tilespmem:s25+$0x190C0];
	[tilespmem:s8+$0x19010] =	vst v6  }
0x227: {  	v9 =	vld [tilespmem:s25+$0x64B0];
	v6 =	vadd.f32 v10, v7;
	[tilespmem:s8+$0x19020] =	vst v5  }
0x228: {  	v11 =	vld [tilespmem:s25+$0x190B0];
	[tilespmem:s8+$0x190A0] =	vst v3;
	s8 =	smov.u32 s25  }
0x229: {  	v3 =	vld [tilespmem:s8+$0x190A0];
	[tilespmem:s8+$0x190F0] =	vst v6  }
0x22a: {  	v8 =	vld [tilespmem:s8+$0x19000]  }
0x22b: {  	v6 =	vld [tilespmem:s8+$0x6490]  }
0x22c: {  	v10 =	vld [tilespmem:s8+$0x19090]  }
0x22d: {  	v5 =	vld [tilespmem:s8+$0x6480]  }
0x22e: {  	v7 =	vld [tilespmem:s8+$0x19080]  }
0x22f: {  	v12 =	vld [tilespmem:s8+$0x6470]  }
0x230: {  	v13 =	vld [tilespmem:s8+$0x19070]  }
0x231: {  	v15 =	vld [tilespmem:s8+$0x19050]  }
0x232: {  	v16 =	vld [tilespmem:s8+$0x6460]  }
0x233: {  	v17 =	vld [tilespmem:s8+$0x6450]  }
0x234: {  	v18 =	vld [tilespmem:s8+$0x19060]  }
0x235: {  	v19 =	vld [tilespmem:s8+$0x6440];
	v12 =	vadd.f32 v12, v13  }
0x236: {  	v20 =	vadd.f32 v5, v7;
	v13 =	vld [tilespmem:s8+$0x19040]  }
0x237: {  	v5 =	vld [tilespmem:s8+$0x6420];
	[tilespmem:s8+$0x19070] =	vst v12  }
0x238: {  	v12 =	vadd.f32 v6, v10;
	v7 =	vld [tilespmem:s8+$0x6430];
	[tilespmem:s8+$0x19080] =	vst v20  }
0x239: {  	v10 =	vld [tilespmem:s8+$0x19030];
	v16 =	vadd.f32 v16, v18  }
.Ltmp5:
0x23a: {  	v6 =	vld [tilespmem:s8+$0x6410];
	[tilespmem:s8+$0x19090] =	vst v12;
	(pc) =	sbr.rel @p1 .LBB2_13-.Ltmp5, $4  }
0x23b: {  	v12 =	vadd.f32 v14, v8;
	v14 =	vadd.f32 v19, v13;
	[tilespmem:s8+$0x19060] =	vst v16;
	v13 =	vld [tilespmem:s8+$0x64C0]  }
0x23c: {  	v16 =	vadd.f32 v9, v11;
	v8 =	vld [tilespmem:s8+$0x64A0]  }
0x23d: {  	[tilespmem:s8+$0x19000] =	vst v12;
	v12 =	vld [tilespmem:s8+$0x190E0]  }
0x23e: {  	s23 =	sadd.s32 $0x400, s23;
	v9 =	vadd.f32 v17, v15;
	v11 =	vld [tilespmem:s8+$0x19010];
	[tilespmem:s8+$0x190B0] =	vst v16  }
0x23f: {  	v7 =	vadd.f32 v7, v10;
	[tilespmem:s8+$0x19040] =	vst v14  }
0x240: {  	v15 =	vld [tilespmem:s8+$0x19020];
	v1 =	vadd.f32 v2, v1;
	[tilespmem:s8+$0x19050] =	vst v9  }
0x241: {  	v4 =	vadd.f32 v13, v4;
	[tilespmem:s8+$0x19030] =	vst v7  }
0x242: {  	[tilespmem:s8+$0x190D0] =	vst v1;
	v2 =	vadd.f32 v8, v3  }
0x243: {  	[tilespmem:s8+$0x190C0] =	vst v4;
	v0 =	vadd.f32 v0, v12  }
0x244: {  	s16 =	sadd.s32 s15, s12;
	v1 =	vadd.f32 v6, v11;
	[tilespmem:s8+$0x190A0] =	vst v2  }
0x245: {  	s16 =	smul.u32 $0x640, s16;
	[tilespmem:s8+$0x190E0] =	vst v0;
	v0 =	vadd.f32 v5, v15  }
0x246: {  	[tilespmem:s8+$0x19010] =	vst v1  }
0x247: {  	s25 =	sadd.s32 s2, s16;
	[tilespmem:s8+$0x19020] =	vst v0;
	s8 =	simm.s32 @!p0 $0xB  }
0x248: {  	[hbm4b:s25+s3] =	stream.linear.scatter [tilespmem:s29], [sflag:$0xD], $0x3200, $0x38;
	[tilespmem:$0x1F400] =	vst v63  }
0x249: {  	_ =	swait.ge @!p0 [sflag:s8], $0x3200  }
0x24a: {  	s16 =	simm.s32 @!p0 $0xC8;
	[sflag:s8] =	ssyncset.done @!p0 $0x0  }
0x24b: {  	[sflag:s8] =	ssyncadd.s32 @!p0 $0xFFFFCE00;
	s8 =	sadd.s32 @!p0 $0x7D0, s17;
	s17 =	simm.s32 @!p0 $0x12C00  }
0x24c: {  	[tilespmem:s17], [sflag:$0x4] =	stream.indirect.gather @!p0 [hbm4b:s5+s16], $0x40, s8, s16, $0xb8;
	[tilespmem:$0x1F400] =	vst v63  }
0x24d: {  	_ =	swait.ge [sflag:s7], $0x3200  }
0x24e: {  	[sflag:s7] =	ssyncset.done $0x0  }
0x24f: {  	s8 =	simm.s32 $0x0;
	[sflag:s7] =	ssyncadd.s32 $0xFFFFCE00  }
0x250: {  	v8 =	vld [tilespmem:s8+$0x6400]  }
0x251: {  	v3 =	vld [tilespmem:s8+$0x64F0]  }
0x252: {  	v5 =	vld [tilespmem:s8+$0x1C2F0]  }
0x253: {  	v0 =	vld [tilespmem:s8+$0x64E0]  }
0x254: {  	v1 =	vld [tilespmem:s8+$0x1C2D0]  }
0x255: {  	v2 =	vld [tilespmem:s8+$0x64D0]  }
0x256: {  	v4 =	vld [tilespmem:s8+$0x1C2C0]  }
0x257: {  	v9 =	vld [tilespmem:s8+$0x64B0]  }
0x258: {  	v11 =	vld [tilespmem:s8+$0x1C2B0]  }
0x259: {  	v12 =	vld [tilespmem:s8+$0x1C200]  }
0x25a: {  	v6 =	vld [tilespmem:s8+$0x6490]  }
0x25b: {  	v10 =	vld [tilespmem:s8+$0x1C290]  }
0x25c: {  	v7 =	vld [tilespmem:s8+$0x6480]  }
0x25d: {  	v13 =	vld [tilespmem:s8+$0x1C280]  }
0x25e: {  	v14 =	vld [tilespmem:s8+$0x1C270]  }
0x25f: {  	v15 =	vld [tilespmem:s8+$0x1C250]  }
0x260: {  	v16 =	vld [tilespmem:s8+$0x6460]  }
0x261: {  	v17 =	vld [tilespmem:s8+$0x6450]  }
0x262: {  	v18 =	vld [tilespmem:s8+$0x1C260];
	v5 =	vadd.f32 v3, v5  }
0x263: {  	v19 =	vld [tilespmem:s8+$0x6440]  }
0x264: {  	[tilespmem:s8+$0x1C2F0] =	vst v5;
	v5 =	vld [tilespmem:s8+$0x6470]  }
0x265: {  	v20 =	vld [tilespmem:s8+$0x1C240]  }
0x266: {  	v3 =	vld [tilespmem:s8+$0x1C2A0];
	v13 =	vadd.f32 v7, v13  }
0x267: {  	v7 =	vld [tilespmem:s8+$0x6430]  }
0x268: {  	v12 =	vadd.f32 v8, v12;
	v8 =	vld [tilespmem:s8+$0x64A0];
	[tilespmem:s8+$0x1C280] =	vst v13;
	v13 =	vadd.f32 v6, v10  }
0x269: {  	v63 =	vadd.f32 v9, v11;
	v11 =	vld [tilespmem:s8+$0x1C210];
	v14 =	vadd.f32 v5, v14  }
0x26a: {  	v10 =	vld [tilespmem:s8+$0x1C230];
	[tilespmem:s8+$0x1C290] =	vst v13  }
0x26b: {  	v13 =	vld [tilespmem:s8+$0x64C0];
	[tilespmem:s8+$0x1C270] =	vst v14;
	v14 =	vadd.f32 v16, v18  }
0x26c: {  	v6 =	vld [tilespmem:s8+$0x6410];
	[tilespmem:s8+$0x1C200] =	vst v12  }
0x26d: {  	v12 =	vld [tilespmem:s8+$0x1C2E0];
	[tilespmem:s8+$0x1C260] =	vst v14;
	v14 =	vadd.f32 v19, v20  }
0x26e: {  	s16 =	simm.s32 $0x0;
	s17 =	simm.s32 $0x400;
	v9 =	vadd.f32 v17, v15;
	[tilespmem:s8+$0x1C2B0] =	vst v63;
	v5 =	vld [tilespmem:s8+$0x6420]  }
.LBB2_15:
0x26f: {  	s23 =	sshra.s32 s17, $0x2;
	s16 =	sadd.s32 $0x4, s16;
	v15 =	vld [tilespmem:s8+$0x1C220];
	v7 =	vadd.f32 v7, v10;
	[tilespmem:s8+$0x1C240] =	vst v14  }
0x270: {  	v1 =	vadd.f32 v2, v1;
	v14 =	vld [tilespmem:s23+$0x6400];
	p0 =	slt.u32 s16, $0xC4;
	v4 =	vadd.f32 v13, v4  }
0x271: {  	v10 =	vld [tilespmem:s23+$0x64F0];
	[tilespmem:s8+$0x1C230] =	vst v7;
	v3 =	vadd.f32 v8, v3  }
0x272: {  	v7 =	vld [tilespmem:s23+$0x1C2F0];
	[tilespmem:s8+$0x1C2C0] =	vst v4;
	v2 =	vadd.f32 v0, v12  }
0x273: {  	v0 =	vld [tilespmem:s23+$0x64E0];
	v6 =	vadd.f32 v6, v11;
	[tilespmem:s8+$0x1C2D0] =	vst v1  }
0x274: {  	v1 =	vld [tilespmem:s23+$0x1C2D0];
	[tilespmem:s8+$0x1C2E0] =	vst v2  }
0x275: {  	v5 =	vadd.f32 v5, v15;
	v2 =	vld [tilespmem:s23+$0x64D0];
	[tilespmem:s8+$0x1C250] =	vst v9  }
0x276: {  	v4 =	vld [tilespmem:s23+$0x1C2C0];
	[tilespmem:s8+$0x1C210] =	vst v6  }
0x277: {  	v9 =	vld [tilespmem:s23+$0x64B0];
	v6 =	vadd.f32 v10, v7;
	[tilespmem:s8+$0x1C220] =	vst v5  }
0x278: {  	v11 =	vld [tilespmem:s23+$0x1C2B0];
	[tilespmem:s8+$0x1C2A0] =	vst v3;
	s8 =	smov.u32 s23  }
0x279: {  	v3 =	vld [tilespmem:s8+$0x1C2A0];
	[tilespmem:s8+$0x1C2F0] =	vst v6  }
0x27a: {  	v8 =	vld [tilespmem:s8+$0x1C200]  }
0x27b: {  	v6 =	vld [tilespmem:s8+$0x6490]  }
0x27c: {  	v10 =	vld [tilespmem:s8+$0x1C290]  }
0x27d: {  	v5 =	vld [tilespmem:s8+$0x6480]  }
0x27e: {  	v7 =	vld [tilespmem:s8+$0x1C280]  }
0x27f: {  	v12 =	vld [tilespmem:s8+$0x6470]  }
0x280: {  	v13 =	vld [tilespmem:s8+$0x1C270]  }
0x281: {  	v15 =	vld [tilespmem:s8+$0x1C250]  }
0x282: {  	v16 =	vld [tilespmem:s8+$0x6460]  }
0x283: {  	v17 =	vld [tilespmem:s8+$0x6450]  }
0x284: {  	v18 =	vld [tilespmem:s8+$0x1C260]  }
0x285: {  	v19 =	vld [tilespmem:s8+$0x6440];
	v12 =	vadd.f32 v12, v13  }
0x286: {  	v20 =	vadd.f32 v5, v7;
	v13 =	vld [tilespmem:s8+$0x1C240]  }
0x287: {  	v5 =	vld [tilespmem:s8+$0x6420];
	[tilespmem:s8+$0x1C270] =	vst v12  }
0x288: {  	v12 =	vadd.f32 v6, v10;
	v7 =	vld [tilespmem:s8+$0x6430];
	[tilespmem:s8+$0x1C280] =	vst v20  }
0x289: {  	v10 =	vld [tilespmem:s8+$0x1C230];
	v16 =	vadd.f32 v16, v18  }
.Ltmp6:
0x28a: {  	v6 =	vld [tilespmem:s8+$0x6410];
	[tilespmem:s8+$0x1C290] =	vst v12;
	(pc) =	sbr.rel @p0 .LBB2_15-.Ltmp6, $4  }
0x28b: {  	v12 =	vadd.f32 v14, v8;
	v14 =	vadd.f32 v19, v13;
	[tilespmem:s8+$0x1C260] =	vst v16;
	v13 =	vld [tilespmem:s8+$0x64C0]  }
0x28c: {  	v16 =	vadd.f32 v9, v11;
	v8 =	vld [tilespmem:s8+$0x64A0]  }
0x28d: {  	[tilespmem:s8+$0x1C200] =	vst v12;
	v12 =	vld [tilespmem:s8+$0x1C2E0]  }
0x28e: {  	s17 =	sadd.s32 $0x400, s17;
	v9 =	vadd.f32 v17, v15;
	v11 =	vld [tilespmem:s8+$0x1C210];
	[tilespmem:s8+$0x1C2B0] =	vst v16  }
0x28f: {  	v7 =	vadd.f32 v7, v10;
	[tilespmem:s8+$0x1C240] =	vst v14  }
0x290: {  	v15 =	vld [tilespmem:s8+$0x1C220];
	v1 =	vadd.f32 v2, v1;
	[tilespmem:s8+$0x1C250] =	vst v9  }
0x291: {  	v4 =	vadd.f32 v13, v4;
	[tilespmem:s8+$0x1C230] =	vst v7  }
0x292: {  	s14 =	sadd.s32 $0x1, s14;
	[tilespmem:s8+$0x1C2D0] =	vst v1;
	v63 =	vadd.f32 v8, v3  }
0x293: {  	p0 =	sne.s32 s14, $0x12;
	[tilespmem:s8+$0x1C2C0] =	vst v4;
	v0 =	vadd.f32 v0, v12  }
.Ltmp7:
0x294: {  	s15 =	sadd.s32 s15, s13;
	v61 =	vadd.f32 v6, v11;
	[tilespmem:s8+$0x1C2A0] =	vst v63;
	(pc) =	sbr.rel @p0 .LBB2_2-.Ltmp7, $4  }
0x295: {  	s15 =	smul.u32 $0x640, s15;
	[tilespmem:s8+$0x1C2E0] =	vst v0;
	v62 =	vadd.f32 v5, v15  }
0x296: {  	[tilespmem:s8+$0x1C210] =	vst v61  }
0x297: {  	s25 =	sadd.s32 s2, s15;
	[tilespmem:s8+$0x1C220] =	vst v62  }
0x298: {  	[hbm4b:s25+s3] =	stream.linear.scatter [tilespmem:s31], [sflag:$0xE], $0x3200, $0x38;
	[tilespmem:$0x1F400] =	vst v63  }
0x299: {  	_ =	swait.ge [sflag:s28], $0x3200  }
0x29a: {  	[sflag:s28] =	ssyncset.done $0x0  }
0x29b: {  	s14 =	simm.s32 $0x9680;
	[sflag:s28] =	ssyncadd.s32 $0xFFFFCE00  }
0x29c: {  	s15 =	simm.s32 $0x6480;
	v0 =	vld [tilespmem:s14+$0xFFFFFF80]  }
0x29d: {  	v1 =	vld [tilespmem:s15+$0xFFFFFF80];
	_ =	sdelay $0x4  }
0x29e: {  	v0 =	vadd.f32 v1, v0;
	_ =	sdelay $0x1  }
0x29f: {  	[tilespmem:s14+$0xFFFFFF80] =	vst v0;
	v0 =	vld [tilespmem:s14+$0xFFFFFF90]  }
0x2a0: {  	v1 =	vld [tilespmem:s15+$0xFFFFFF90];
	_ =	sdelay $0x4  }
0x2a1: {  	v0 =	vadd.f32 v1, v0;
	_ =	sdelay $0x1  }
0x2a2: {  	[tilespmem:s14+$0xFFFFFF90] =	vst v0;
	v0 =	vld [tilespmem:s14+$0xFFFFFFA0]  }
0x2a3: {  	v1 =	vld [tilespmem:s15+$0xFFFFFFA0];
	_ =	sdelay $0x4  }
0x2a4: {  	v0 =	vadd.f32 v1, v0;
	_ =	sdelay $0x1  }
0x2a5: {  	[tilespmem:s14+$0xFFFFFFA0] =	vst v0;
	v0 =	vld [tilespmem:s14+$0xFFFFFFB0]  }
0x2a6: {  	v1 =	vld [tilespmem:s15+$0xFFFFFFB0];
	_ =	sdelay $0x4  }
0x2a7: {  	v0 =	vadd.f32 v1, v0;
	_ =	sdelay $0x1  }
0x2a8: {  	[tilespmem:s14+$0xFFFFFFB0] =	vst v0;
	v0 =	vld [tilespmem:s14+$0xFFFFFFC0]  }
0x2a9: {  	v1 =	vld [tilespmem:s15+$0xFFFFFFC0];
	_ =	sdelay $0x4  }
0x2aa: {  	v0 =	vadd.f32 v1, v0;
	_ =	sdelay $0x1  }
0x2ab: {  	[tilespmem:s14+$0xFFFFFFC0] =	vst v0;
	v0 =	vld [tilespmem:s14+$0xFFFFFFD0]  }
0x2ac: {  	v1 =	vld [tilespmem:s15+$0xFFFFFFD0];
	_ =	sdelay $0x4  }
0x2ad: {  	v0 =	vadd.f32 v1, v0;
	_ =	sdelay $0x1  }
0x2ae: {  	[tilespmem:s14+$0xFFFFFFD0] =	vst v0;
	v0 =	vld [tilespmem:s14+$0xFFFFFFE0]  }
0x2af: {  	v1 =	vld [tilespmem:s15+$0xFFFFFFE0];
	_ =	sdelay $0x4  }
0x2b0: {  	v0 =	vadd.f32 v1, v0;
	_ =	sdelay $0x1  }
0x2b1: {  	[tilespmem:s14+$0xFFFFFFE0] =	vst v0;
	v0 =	vld [tilespmem:s14+$0xFFFFFFF0]  }
0x2b2: {  	v1 =	vld [tilespmem:s15+$0xFFFFFFF0];
	_ =	sdelay $0x4  }
0x2b3: {  	v0 =	vadd.f32 v1, v0;
	_ =	sdelay $0x1  }
0x2b4: {  	[tilespmem:s14+$0xFFFFFFF0] =	vst v0;
	v0 =	vld [tilespmem:s14+$0x0]  }
0x2b5: {  	v1 =	vld [tilespmem:s15+$0x0];
	_ =	sdelay $0x4  }
0x2b6: {  	v0 =	vadd.f32 v1, v0;
	_ =	sdelay $0x1  }
0x2b7: {  	[tilespmem:s14+$0x0] =	vst v0;
	v0 =	vld [tilespmem:s14+$0x10]  }
0x2b8: {  	v1 =	vld [tilespmem:s15+$0x10];
	_ =	sdelay $0x4  }
0x2b9: {  	v0 =	vadd.f32 v1, v0;
	_ =	sdelay $0x1  }
0x2ba: {  	[tilespmem:s14+$0x10] =	vst v0;
	v0 =	vld [tilespmem:s14+$0x20]  }
0x2bb: {  	v1 =	vld [tilespmem:s15+$0x20];
	_ =	sdelay $0x4  }
0x2bc: {  	v0 =	vadd.f32 v1, v0;
	_ =	sdelay $0x1  }
0x2bd: {  	[tilespmem:s14+$0x20] =	vst v0;
	v0 =	vld [tilespmem:s14+$0x30]  }
0x2be: {  	v1 =	vld [tilespmem:s15+$0x30];
	_ =	sdelay $0x4  }
0x2bf: {  	v0 =	vadd.f32 v1, v0;
	_ =	sdelay $0x1  }
0x2c0: {  	[tilespmem:s14+$0x30] =	vst v0;
	v0 =	vld [tilespmem:s14+$0x40]  }
0x2c1: {  	v1 =	vld [tilespmem:s15+$0x40];
	_ =	sdelay $0x4  }
0x2c2: {  	v0 =	vadd.f32 v1, v0;
	_ =	sdelay $0x1  }
0x2c3: {  	[tilespmem:s14+$0x40] =	vst v0;
	v0 =	vld [tilespmem:s14+$0x50]  }
0x2c4: {  	v1 =	vld [tilespmem:s15+$0x50];
	_ =	sdelay $0x4  }
0x2c5: {  	v0 =	vadd.f32 v1, v0;
	_ =	sdelay $0x1  }
0x2c6: {  	[tilespmem:s14+$0x50] =	vst v0;
	v0 =	vld [tilespmem:s14+$0x60]  }
0x2c7: {  	v1 =	vld [tilespmem:s15+$0x60];
	_ =	sdelay $0x4  }
0x2c8: {  	v0 =	vadd.f32 v1, v0;
	_ =	sdelay $0x1  }
0x2c9: {  	[tilespmem:s14+$0x60] =	vst v0;
	v0 =	vld [tilespmem:s14+$0x70]  }
0x2ca: {  	v1 =	vld [tilespmem:s15+$0x70];
	_ =	sdelay $0x4  }
0x2cb: {  	v0 =	vadd.f32 v1, v0  }
0x2cc: {  	s16 =	simm.s32 $0x0;
	s8 =	simm.s32 $0x9780  }
.LBB2_18:
0x2cd: {  	v1 =	vld [tilespmem:s8+$0xFFFFFF80];
	[tilespmem:s14+$0x70] =	vst v0;
	s15 =	sadd.s32 $0x100, s15;
	s14 =	smov.u32 s8  }
0x2ce: {  	s16 =	sadd.s32 $0x4, s16;
	v0 =	vld [tilespmem:s15+$0xFFFFFF80]  }
0x2cf: {  	p0 =	slt.u32 s16, $0xC4;
	_ =	sdelay $0x3  }
0x2d0: {  	v0 =	vadd.f32 v0, v1;
	_ =	sdelay $0x1  }
0x2d1: {  	[tilespmem:s8+$0xFFFFFF80] =	vst v0;
	v0 =	vld [tilespmem:s8+$0xFFFFFF90]  }
0x2d2: {  	v1 =	vld [tilespmem:s15+$0xFFFFFF90];
	_ =	sdelay $0x4  }
0x2d3: {  	v0 =	vadd.f32 v1, v0;
	_ =	sdelay $0x1  }
0x2d4: {  	[tilespmem:s8+$0xFFFFFF90] =	vst v0;
	v0 =	vld [tilespmem:s8+$0xFFFFFFA0]  }
0x2d5: {  	v1 =	vld [tilespmem:s15+$0xFFFFFFA0];
	_ =	sdelay $0x4  }
0x2d6: {  	v0 =	vadd.f32 v1, v0;
	_ =	sdelay $0x1  }
0x2d7: {  	[tilespmem:s8+$0xFFFFFFA0] =	vst v0;
	v0 =	vld [tilespmem:s8+$0xFFFFFFB0]  }
0x2d8: {  	v1 =	vld [tilespmem:s15+$0xFFFFFFB0];
	_ =	sdelay $0x4  }
0x2d9: {  	v0 =	vadd.f32 v1, v0;
	_ =	sdelay $0x1  }
0x2da: {  	[tilespmem:s8+$0xFFFFFFB0] =	vst v0;
	v0 =	vld [tilespmem:s8+$0xFFFFFFC0]  }
0x2db: {  	v1 =	vld [tilespmem:s15+$0xFFFFFFC0];
	_ =	sdelay $0x4  }
0x2dc: {  	v0 =	vadd.f32 v1, v0;
	_ =	sdelay $0x1  }
0x2dd: {  	[tilespmem:s8+$0xFFFFFFC0] =	vst v0;
	v0 =	vld [tilespmem:s8+$0xFFFFFFD0]  }
0x2de: {  	v1 =	vld [tilespmem:s15+$0xFFFFFFD0];
	_ =	sdelay $0x4  }
0x2df: {  	v0 =	vadd.f32 v1, v0;
	_ =	sdelay $0x1  }
0x2e0: {  	[tilespmem:s8+$0xFFFFFFD0] =	vst v0;
	v0 =	vld [tilespmem:s8+$0xFFFFFFE0]  }
0x2e1: {  	v1 =	vld [tilespmem:s15+$0xFFFFFFE0];
	_ =	sdelay $0x4  }
0x2e2: {  	v0 =	vadd.f32 v1, v0;
	_ =	sdelay $0x1  }
0x2e3: {  	[tilespmem:s8+$0xFFFFFFE0] =	vst v0;
	v0 =	vld [tilespmem:s8+$0xFFFFFFF0]  }
0x2e4: {  	v1 =	vld [tilespmem:s15+$0xFFFFFFF0];
	_ =	sdelay $0x4  }
0x2e5: {  	v0 =	vadd.f32 v1, v0;
	_ =	sdelay $0x1  }
0x2e6: {  	[tilespmem:s8+$0xFFFFFFF0] =	vst v0;
	v0 =	vld [tilespmem:s8+$0x0]  }
0x2e7: {  	v1 =	vld [tilespmem:s15+$0x0];
	_ =	sdelay $0x4  }
0x2e8: {  	v0 =	vadd.f32 v1, v0;
	_ =	sdelay $0x1  }
0x2e9: {  	[tilespmem:s8+$0x0] =	vst v0;
	v0 =	vld [tilespmem:s8+$0x10]  }
0x2ea: {  	v1 =	vld [tilespmem:s15+$0x10];
	_ =	sdelay $0x4  }
0x2eb: {  	v0 =	vadd.f32 v1, v0;
	_ =	sdelay $0x1  }
0x2ec: {  	[tilespmem:s8+$0x10] =	vst v0;
	v0 =	vld [tilespmem:s8+$0x20]  }
0x2ed: {  	v1 =	vld [tilespmem:s15+$0x20];
	_ =	sdelay $0x4  }
0x2ee: {  	v0 =	vadd.f32 v1, v0;
	_ =	sdelay $0x1  }
0x2ef: {  	[tilespmem:s8+$0x20] =	vst v0;
	v0 =	vld [tilespmem:s8+$0x30]  }
0x2f0: {  	v1 =	vld [tilespmem:s15+$0x30];
	_ =	sdelay $0x4  }
0x2f1: {  	v0 =	vadd.f32 v1, v0;
	_ =	sdelay $0x1  }
0x2f2: {  	[tilespmem:s8+$0x30] =	vst v0;
	v0 =	vld [tilespmem:s8+$0x40]  }
0x2f3: {  	v1 =	vld [tilespmem:s15+$0x40];
	_ =	sdelay $0x4  }
0x2f4: {  	v0 =	vadd.f32 v1, v0;
	_ =	sdelay $0x1  }
0x2f5: {  	[tilespmem:s8+$0x40] =	vst v0;
	v0 =	vld [tilespmem:s8+$0x50]  }
0x2f6: {  	v1 =	vld [tilespmem:s15+$0x50];
	_ =	sdelay $0x4  }
0x2f7: {  	v0 =	vadd.f32 v1, v0;
	_ =	sdelay $0x1  }
0x2f8: {  	[tilespmem:s8+$0x50] =	vst v0;
	v0 =	vld [tilespmem:s8+$0x60]  }
0x2f9: {  	v1 =	vld [tilespmem:s15+$0x60];
	_ =	sdelay $0x4  }
0x2fa: {  	v0 =	vadd.f32 v1, v0;
	_ =	sdelay $0x1  }
0x2fb: {  	[tilespmem:s8+$0x60] =	vst v0;
	v0 =	vld [tilespmem:s8+$0x70]  }
0x2fc: {  	v1 =	vld [tilespmem:s15+$0x70];
	_ =	sdelay $0x1  }
.Ltmp8:
0x2fd: {  	(pc) =	sbr.rel @p0 .LBB2_18-.Ltmp8, $3  }
0x2fe: {  	_ =	sdelay $0x1  }
0x2ff: {  	v0 =	vadd.f32 v1, v0  }
0x300: {  	s8 =	sadd.s32 $0x100, s8  }
0x301: {  	[tilespmem:s14+$0x70] =	vst v0;
	s8 =	rddreg [dreg:$0x6]  }
0x302: {  	[hbm4b:s8+s3] =	stream.linear.scatter [tilespmem:s20], [sflag:$0x8], $0x3200, $0x38;
	[tilespmem:$0x1F400] =	vst v63  }
0x303: {  	_ =	swait.ge [sflag:s30], $0x3200  }
0x304: {  	[sflag:s30] =	ssyncset.done $0x0  }
0x305: {  	s14 =	simm.s32 $0xC8F0;
	[sflag:s30] =	ssyncadd.s32 $0xFFFFCE00  }
0x306: {  	s15 =	simm.s32 $0x6480;
	v0 =	vld [tilespmem:s14+$0xFFFFFF10]  }
0x307: {  	v1 =	vld [tilespmem:s15+$0xFFFFFF80];
	_ =	sdelay $0x4  }
0x308: {  	v0 =	vadd.f32 v1, v0;
	_ =	sdelay $0x1  }
0x309: {  	[tilespmem:s14+$0xFFFFFF10] =	vst v0;
	v0 =	vld [tilespmem:s14+$0xFFFFFF20]  }
0x30a: {  	v1 =	vld [tilespmem:s15+$0xFFFFFF90];
	_ =	sdelay $0x4  }
0x30b: {  	v0 =	vadd.f32 v1, v0;
	_ =	sdelay $0x1  }
0x30c: {  	[tilespmem:s14+$0xFFFFFF20] =	vst v0;
	v0 =	vld [tilespmem:s14+$0xFFFFFF30]  }
0x30d: {  	v1 =	vld [tilespmem:s15+$0xFFFFFFA0];
	_ =	sdelay $0x4  }
0x30e: {  	v0 =	vadd.f32 v1, v0;
	_ =	sdelay $0x1  }
0x30f: {  	[tilespmem:s14+$0xFFFFFF30] =	vst v0;
	v0 =	vld [tilespmem:s14+$0xFFFFFF40]  }
0x310: {  	v1 =	vld [tilespmem:s15+$0xFFFFFFB0];
	_ =	sdelay $0x4  }
0x311: {  	v0 =	vadd.f32 v1, v0;
	_ =	sdelay $0x1  }
0x312: {  	[tilespmem:s14+$0xFFFFFF40] =	vst v0;
	v0 =	vld [tilespmem:s14+$0xFFFFFF50]  }
0x313: {  	v1 =	vld [tilespmem:s15+$0xFFFFFFC0];
	_ =	sdelay $0x4  }
0x314: {  	v0 =	vadd.f32 v1, v0;
	_ =	sdelay $0x1  }
0x315: {  	[tilespmem:s14+$0xFFFFFF50] =	vst v0;
	v0 =	vld [tilespmem:s14+$0xFFFFFF60]  }
0x316: {  	v1 =	vld [tilespmem:s15+$0xFFFFFFD0];
	_ =	sdelay $0x4  }
0x317: {  	v0 =	vadd.f32 v1, v0;
	_ =	sdelay $0x1  }
0x318: {  	[tilespmem:s14+$0xFFFFFF60] =	vst v0;
	v0 =	vld [tilespmem:s14+$0xFFFFFF70]  }
0x319: {  	v1 =	vld [tilespmem:s15+$0xFFFFFFE0];
	_ =	sdelay $0x4  }
0x31a: {  	v0 =	vadd.f32 v1, v0;
	_ =	sdelay $0x1  }
0x31b: {  	[tilespmem:s14+$0xFFFFFF70] =	vst v0;
	v0 =	vld [tilespmem:s14+$0xFFFFFF80]  }
0x31c: {  	v1 =	vld [tilespmem:s15+$0xFFFFFFF0];
	_ =	sdelay $0x4  }
0x31d: {  	v0 =	vadd.f32 v1, v0;
	_ =	sdelay $0x1  }
0x31e: {  	[tilespmem:s14+$0xFFFFFF80] =	vst v0;
	v0 =	vld [tilespmem:s14+$0xFFFFFF90]  }
0x31f: {  	v1 =	vld [tilespmem:s15+$0x0];
	_ =	sdelay $0x4  }
0x320: {  	v0 =	vadd.f32 v1, v0;
	_ =	sdelay $0x1  }
0x321: {  	[tilespmem:s14+$0xFFFFFF90] =	vst v0;
	v0 =	vld [tilespmem:s14+$0xFFFFFFA0]  }
0x322: {  	v1 =	vld [tilespmem:s15+$0x10];
	_ =	sdelay $0x4  }
0x323: {  	v0 =	vadd.f32 v1, v0;
	_ =	sdelay $0x1  }
0x324: {  	[tilespmem:s14+$0xFFFFFFA0] =	vst v0;
	v0 =	vld [tilespmem:s14+$0xFFFFFFB0]  }
0x325: {  	v1 =	vld [tilespmem:s15+$0x20];
	_ =	sdelay $0x4  }
0x326: {  	v0 =	vadd.f32 v1, v0;
	_ =	sdelay $0x1  }
0x327: {  	[tilespmem:s14+$0xFFFFFFB0] =	vst v0;
	v0 =	vld [tilespmem:s14+$0xFFFFFFC0]  }
0x328: {  	v1 =	vld [tilespmem:s15+$0x30];
	_ =	sdelay $0x4  }
0x329: {  	v0 =	vadd.f32 v1, v0;
	_ =	sdelay $0x1  }
0x32a: {  	[tilespmem:s14+$0xFFFFFFC0] =	vst v0;
	v0 =	vld [tilespmem:s14+$0xFFFFFFD0]  }
0x32b: {  	v1 =	vld [tilespmem:s15+$0x40];
	_ =	sdelay $0x4  }
0x32c: {  	v0 =	vadd.f32 v1, v0;
	_ =	sdelay $0x1  }
0x32d: {  	[tilespmem:s14+$0xFFFFFFD0] =	vst v0;
	v0 =	vld [tilespmem:s14+$0xFFFFFFE0]  }
0x32e: {  	v1 =	vld [tilespmem:s15+$0x50];
	_ =	sdelay $0x4  }
0x32f: {  	v0 =	vadd.f32 v1, v0;
	_ =	sdelay $0x1  }
0x330: {  	[tilespmem:s14+$0xFFFFFFE0] =	vst v0;
	v0 =	vld [tilespmem:s14+$0xFFFFFFF0]  }
0x331: {  	v1 =	vld [tilespmem:s15+$0x60];
	_ =	sdelay $0x4  }
0x332: {  	v0 =	vadd.f32 v1, v0;
	_ =	sdelay $0x1  }
0x333: {  	[tilespmem:s14+$0xFFFFFFF0] =	vst v0;
	v0 =	vld [tilespmem:s14+$0x0]  }
0x334: {  	v1 =	vld [tilespmem:s15+$0x70];
	_ =	sdelay $0x4  }
0x335: {  	v0 =	vadd.f32 v1, v0  }
0x336: {  	s16 =	simm.s32 $0x0;
	s8 =	simm.s32 $0xC9F0  }
.LBB2_20:
0x337: {  	v1 =	vld [tilespmem:s8+$0xFFFFFF10];
	[tilespmem:s14+$0x0] =	vst v0;
	s15 =	sadd.s32 $0x100, s15;
	s14 =	smov.u32 s8  }
0x338: {  	s16 =	sadd.s32 $0x4, s16;
	v0 =	vld [tilespmem:s15+$0xFFFFFF80]  }
0x339: {  	p0 =	slt.u32 s16, $0xC4;
	_ =	sdelay $0x3  }
0x33a: {  	v0 =	vadd.f32 v0, v1;
	_ =	sdelay $0x1  }
0x33b: {  	[tilespmem:s8+$0xFFFFFF10] =	vst v0;
	v0 =	vld [tilespmem:s8+$0xFFFFFF20]  }
0x33c: {  	v1 =	vld [tilespmem:s15+$0xFFFFFF90];
	_ =	sdelay $0x4  }
0x33d: {  	v0 =	vadd.f32 v1, v0;
	_ =	sdelay $0x1  }
0x33e: {  	[tilespmem:s8+$0xFFFFFF20] =	vst v0;
	v0 =	vld [tilespmem:s8+$0xFFFFFF30]  }
0x33f: {  	v1 =	vld [tilespmem:s15+$0xFFFFFFA0];
	_ =	sdelay $0x4  }
0x340: {  	v0 =	vadd.f32 v1, v0;
	_ =	sdelay $0x1  }
0x341: {  	[tilespmem:s8+$0xFFFFFF30] =	vst v0;
	v0 =	vld [tilespmem:s8+$0xFFFFFF40]  }
0x342: {  	v1 =	vld [tilespmem:s15+$0xFFFFFFB0];
	_ =	sdelay $0x4  }
0x343: {  	v0 =	vadd.f32 v1, v0;
	_ =	sdelay $0x1  }
0x344: {  	[tilespmem:s8+$0xFFFFFF40] =	vst v0;
	v0 =	vld [tilespmem:s8+$0xFFFFFF50]  }
0x345: {  	v1 =	vld [tilespmem:s15+$0xFFFFFFC0];
	_ =	sdelay $0x4  }
0x346: {  	v0 =	vadd.f32 v1, v0;
	_ =	sdelay $0x1  }
0x347: {  	[tilespmem:s8+$0xFFFFFF50] =	vst v0;
	v0 =	vld [tilespmem:s8+$0xFFFFFF60]  }
0x348: {  	v1 =	vld [tilespmem:s15+$0xFFFFFFD0];
	_ =	sdelay $0x4  }
0x349: {  	v0 =	vadd.f32 v1, v0;
	_ =	sdelay $0x1  }
0x34a: {  	[tilespmem:s8+$0xFFFFFF60] =	vst v0;
	v0 =	vld [tilespmem:s8+$0xFFFFFF70]  }
0x34b: {  	v1 =	vld [tilespmem:s15+$0xFFFFFFE0];
	_ =	sdelay $0x4  }
0x34c: {  	v0 =	vadd.f32 v1, v0;
	_ =	sdelay $0x1  }
0x34d: {  	[tilespmem:s8+$0xFFFFFF70] =	vst v0;
	v0 =	vld [tilespmem:s8+$0xFFFFFF80]  }
0x34e: {  	v1 =	vld [tilespmem:s15+$0xFFFFFFF0];
	_ =	sdelay $0x4  }
0x34f: {  	v0 =	vadd.f32 v1, v0;
	_ =	sdelay $0x1  }
0x350: {  	[tilespmem:s8+$0xFFFFFF80] =	vst v0;
	v0 =	vld [tilespmem:s8+$0xFFFFFF90]  }
0x351: {  	v1 =	vld [tilespmem:s15+$0x0];
	_ =	sdelay $0x4  }
0x352: {  	v0 =	vadd.f32 v1, v0;
	_ =	sdelay $0x1  }
0x353: {  	[tilespmem:s8+$0xFFFFFF90] =	vst v0;
	v0 =	vld [tilespmem:s8+$0xFFFFFFA0]  }
0x354: {  	v1 =	vld [tilespmem:s15+$0x10];
	_ =	sdelay $0x4  }
0x355: {  	v0 =	vadd.f32 v1, v0;
	_ =	sdelay $0x1  }
0x356: {  	[tilespmem:s8+$0xFFFFFFA0] =	vst v0;
	v0 =	vld [tilespmem:s8+$0xFFFFFFB0]  }
0x357: {  	v1 =	vld [tilespmem:s15+$0x20];
	_ =	sdelay $0x4  }
0x358: {  	v0 =	vadd.f32 v1, v0;
	_ =	sdelay $0x1  }
0x359: {  	[tilespmem:s8+$0xFFFFFFB0] =	vst v0;
	v0 =	vld [tilespmem:s8+$0xFFFFFFC0]  }
0x35a: {  	v1 =	vld [tilespmem:s15+$0x30];
	_ =	sdelay $0x4  }
0x35b: {  	v0 =	vadd.f32 v1, v0;
	_ =	sdelay $0x1  }
0x35c: {  	[tilespmem:s8+$0xFFFFFFC0] =	vst v0;
	v0 =	vld [tilespmem:s8+$0xFFFFFFD0]  }
0x35d: {  	v1 =	vld [tilespmem:s15+$0x40];
	_ =	sdelay $0x4  }
0x35e: {  	v0 =	vadd.f32 v1, v0;
	_ =	sdelay $0x1  }
0x35f: {  	[tilespmem:s8+$0xFFFFFFD0] =	vst v0;
	v0 =	vld [tilespmem:s8+$0xFFFFFFE0]  }
0x360: {  	v1 =	vld [tilespmem:s15+$0x50];
	_ =	sdelay $0x4  }
0x361: {  	v0 =	vadd.f32 v1, v0;
	_ =	sdelay $0x1  }
0x362: {  	[tilespmem:s8+$0xFFFFFFE0] =	vst v0;
	v0 =	vld [tilespmem:s8+$0xFFFFFFF0]  }
0x363: {  	v1 =	vld [tilespmem:s15+$0x60];
	_ =	sdelay $0x4  }
0x364: {  	v0 =	vadd.f32 v1, v0;
	_ =	sdelay $0x1  }
0x365: {  	[tilespmem:s8+$0xFFFFFFF0] =	vst v0;
	v0 =	vld [tilespmem:s8+$0x0]  }
0x366: {  	v1 =	vld [tilespmem:s15+$0x70];
	_ =	sdelay $0x1  }
.Ltmp9:
0x367: {  	(pc) =	sbr.rel @p0 .LBB2_20-.Ltmp9, $3  }
0x368: {  	_ =	sdelay $0x1  }
0x369: {  	v0 =	vadd.f32 v1, v0  }
0x36a: {  	s8 =	sadd.s32 $0x100, s8  }
0x36b: {  	[tilespmem:s14+$0x0] =	vst v0;
	s8 =	rddreg [dreg:$0x7]  }
0x36c: {  	[hbm4b:s8+s3] =	stream.linear.scatter [tilespmem:s21], [sflag:$0x9], $0x3200, $0x38;
	[tilespmem:$0x1F400] =	vst v63  }
0x36d: {  	_ =	swait.ge [sflag:s0], $0x3200  }
0x36e: {  	[sflag:s0] =	ssyncset.done $0x0  }
0x36f: {  	[sflag:s0] =	ssyncadd.s32 $0xFFFFCE00  }
0x370: {  	_ =	swait.ge [sflag:s22], $0x3200  }
0x371: {  	[sflag:s22] =	ssyncset.done $0x0  }
0x372: {  	s14 =	simm.s32 $0xA;
	[sflag:s22] =	ssyncadd.s32 $0xFFFFCE00  }
0x373: {  	_ =	swait.ge [sflag:s14], $0x3200  }
0x374: {  	[sflag:s14] =	ssyncset.done $0x0  }
0x375: {  	s15 =	simm.s32 $0xB;
	[sflag:s14] =	ssyncadd.s32 $0xFFFFCE00  }
0x376: {  	_ =	swait.ge [sflag:s15], $0x3200  }
0x377: {  	[sflag:s15] =	ssyncset.done $0x0  }
0x378: {  	s16 =	simm.s32 $0xC;
	[sflag:s15] =	ssyncadd.s32 $0xFFFFCE00  }
0x379: {  	_ =	swait.ge [sflag:s16], $0x3200  }
0x37a: {  	[sflag:s16] =	ssyncset.done $0x0  }
0x37b: {  	s17 =	simm.s32 $0xD;
	[sflag:s16] =	ssyncadd.s32 $0xFFFFCE00  }
0x37c: {  	_ =	swait.ge [sflag:s17], $0x3200  }
0x37d: {  	[sflag:s17] =	ssyncset.done $0x0  }
0x37e: {  	s23 =	simm.s32 $0xE;
	[sflag:s17] =	ssyncadd.s32 $0xFFFFCE00  }
0x37f: {  	_ =	swait.ge [sflag:s23], $0x3200  }
0x380: {  	s15 =	rddreg [dreg:$0x9]  }
0x381: {  	s25 =	rddreg [dreg:$0x8];
	s15 =	sadd.s32 $0x1, s15  }
0x382: {  	p0 =	sne.s32 s15, s25  }
.Ltmp10:
0x383: {  	_ = 	snop;
	(pc) =	sbr.rel @p0 .LBB2_1-.Ltmp10, $3  }
0x384: {  	_ =	sdelay $0x1  }
0x385: {  	[sflag:s23] =	ssyncset.done $0x0  }
0x386: {  	[sflag:s23] =	ssyncadd.s32 $0xFFFFCE00  }
0x387: {  	_ =	sfence.sel $0x180000  }
0x388: {  	[bflag:$0x0] =	sbarrier.arrive $0xFFFF  }
0x389: {  	_ =	strace $0x90000047  }
0x38a: {  	s0 =	stileid.u32;
	[bflag:$0x2] =	sbarrier.arrive $0xFFFF  }
0x38b: {  	p0 =	sne.s32 s0, $0x0;
	s0 =	rddreg [dreg:$0x2]  }
0x38c: {  	s0 =	sadd.s32 @!p0 $0x100000, s0  }
0x38d: {  	[sflag:s0] =	ssyncadd.tile.s32 @!p0 $0x1;
	_ =	shalt  }
.Lfunc_end2:
_tile_overlayer_lowered:
.L_overlay_start_2:
0x38e: {  	(tag) =	ssettag $0x2  }
0x38f: {  	s0 =	rddreg [dreg:$0x0];
	s2 =	stileid.u32  }
0x390: {  	s1 =	rddreg [dreg:$0x1];
	p0 =	sne.s32 s2, $0x0  }
0x391: {  	s3 =	rddreg [dreg:$0x2];
	[bflag:$0x3] =	sbarrier.arrive $0xFFFF;
	s2 =	simm.s32 @!p0 $0x1C0F  }
0x392: {  	[timem:s3], [sflag:s2] =	dma.local @!p0 [hbm:s0], s1  }
0x393: {  	s0 =	simm.s32 @!p0 $0xF  }
0x394: {  	_ =	swait.ge @!p0 [sflag:s0], s1  }
0x395: {  	s1 =	ssub.s32 @!p0 $0x0, s1;
	[sflag:s0] =	ssyncset.done @!p0 $0x0  }
0x396: {  	[sflag:s0] =	ssyncadd.s32 @!p0 s1  }
0x397: {  	[bflag:$0x3] =	sbarrier.arrive $0xFFFF  }
0x398: {  	_ =	shalt  }

// kernel: sparse-core-data-format-call.cloned.1.call-start
scs
called_computation_lowered:
.L_overlay_start_0:
0x0: {  	s2 =	sld [smem:$0x3FD9]  }
0x1: {  	s3 =	sld [smem:$0x3FFE];
	_ =	sdelay $0x1  }
0x2: {  	s1 =	srdreg.scid  }
0x3: {  	s0 =	sand.u32 $0x1, s1  }
0x4: {  	s18 =	sshll.u32 s0, $0xA;
	s2 =	sadd.s32 s3, s2  }
0x5: {  	s2 =	sadd.s32 s2, s18  }
0x6: {  	[smem:$0x3FC5] =	sst s2  }
0x7: {  	_ = 	snop  }
0x8: {  	s2 =	sld [smem:$0x3FD0];
	(tm) =	ssettm $0x1  }
0x9: {  	s19 =	sld [smem:$0x3FFB];
	_ =	sdelay $0x3  }
0xa: {  	_ =	strace s19  }
0xb: {  	s3 =	sld [smem:$0x3FFC];
	_ =	sdelay $0x3  }
0xc: {  	_ =	strace s3  }
0xd: {  	s3 =	sld [smem:$0x3FFD];
	_ =	sdelay $0x3  }
0xe: {  	_ =	strace s3  }
0xf: {  	_ =	strace $0x8FFFFFFF  }
0x10: {  	s20 =	sld [smem:$0x3FDB];
	_ =	sdelay $0x1  }
0x11: {  	s4 =	simm.s32 $_scs_section_size  }
0x12: {  	s5 =	simm.s32 $_size__tile_overlayer_lowered;
	s6 =	simm.s32 $_tile_overlayer_lowered  }
0x13: {  	s23 =	simm.s32 $0x1BFF;
	s22 =	sshll.u32 s6, $0x1;
	s3 =	sadd.s32 s4, s20  }
0x14: {  	s7 =	simm.s32 $0x0;
	s21 =	sshll.u32 s5, $0x1;
	s5 =	sadd.s32 s22, s3  }
0x15: {  	[timem:s7], [sflag:s23] =	dma.local [hbm:s5], s21  }
0x16: {  	_ =	swait.ge [sflag:s23], s21  }
0x17: {  	s4 =	ssub.s32 $0x0, s21;
	[sflag:s23] =	ssyncset.done $0x0  }
0x18: {  	[sflag:s23] =	ssyncadd.s32 s4;
	_ =	sdelay $0x1  }
0x19: {  	s24 =	simm.s32 $0x1B8B  }
0x1a: {  	_ =	swait.ge [sflag:s24], $0x1  }
0x1b: {  	[sflag:s24] =	ssyncset.done $0x0  }
0x1c: {  	s26 =	simm.s32 $0x1B8E;
	s25 =	sld [smem:$0x3FFE];
	[sflag:s24] =	ssyncadd.s32 $0xFFFFFFFF  }
0x1d: {  	s27 =	simm.s32 $execute0_lowered;
	[smem:$0x3FD2] =	sst s26  }
0x1e: {  	s5 =	sshll.u32 s27, $0x1;
	_ =	strace $0x80000049;
	[dreg:$0x1] =	wrdreg $0xFFFFFFFF  }
0x1f: {  	s28 =	simm.s32 $_size_execute0_lowered;
	s3 =	sadd.s32 s3, s5;
	[dreg:$0x0] =	wrdreg $0x0  }
0x20: {  	s5 =	sshll.u32 s28, $0x1;
	[dreg:$0x2] =	wrdreg s3  }
0x21: {  	[dreg:$0x3] =	wrdreg s5  }
0x22: {  	[dreg:$0x4] =	wrdreg $0xC0  }
0x23: {  	_ =	task [dreg:s7], $0x5FFFF  }
0x24: {  	[dreg:$0x1] =	wrdreg $0xFFFFFFFF  }
0x25: {  	[dreg:$0x0] =	wrdreg $0x60  }
0x26: {  	[dreg:$0x2] =	wrdreg s25  }
0x27: {  	[dreg:$0x3] =	wrdreg s2  }
0x28: {  	[dreg:$0x4] =	wrdreg $0x9  }
0x29: {  	_ =	task.clear_ibuf [dreg:s7], $0x5FFFF;
	_ =	strace $0x90000049  }
0x2a: {  	s29 =	simm.s32 $0x9;
	_ =	strace $0x8000004B  }
0x2b: {  	_ =	swait.ge [sflag:s29], $0x1  }
0x2c: {  	[sflag:s29] =	ssyncadd.s32 $0xFFFFFFFF  }
0x2d: {  	_ =	strace $0x9000004B  }
0x2e: {  	_ =	sfence  }
0x2f: {  	s30 =	sld [smem:$0x0];
	_ =	sdelay $0x2  }
0x30: {  	s31 =	sshll.u32 s1, $0xD;
	s1 =	sshrl.u32 s1, $0x2  }
0x31: {  	s3 =	sand.u32 $0x4000, s31;
	s1 =	sadd.s32 s1, s30  }
0x32: {  	s0 =	sor.u32 s3, s0;
	s1 =	sshll.u32 s1, $0x11  }
0x33: {  	s0 =	sor.u32 s1, s0  }
0x34: {  	s0 =	sadd.s32 $0x8F2B, s0  }
0x35: {  	[sflag:s0] =	ssyncadd.remote.s32 $0x1  }
0x36: {  	_ =	sfence.sel $0xFFFF  }
0x37: {  	[dreg:$0x0] =	wrdreg $0xFFFFFFFF;
	(pc) =	sbr.abs _section_cstart, $3  }
0x38: {  	[dreg:$0x1] =	wrdreg $0xFFFFFFFF  }
0x39: {  	_ =	task.clear_ibuf [dreg:s7], $0x2FFFF;
	_ =	strace $0x9FFFFFFF  }
0x3a: {  	(tm) =	ssettm $0x7FFFFFFF  }
0x3b: {  	_ =	shalt  }
tec
execute0_lowered:
.L_overlay_start_1:
0x0: {  	(tag) =	ssettag $0x1  }
0x1: {  	s0 =	srdreg.scid  }
0x2: {  	s1 =	sshll.u32 s0, $0x4  }
0x3: {  	s0 =	stileid.u32;
	s1 =	sand.u32 $0x10, s1  }
0x4: {  	s1 =	sor.u32 s0, s1  }
0x5: {  	s6 =	rddreg [dreg:$0x0];
	s4 =	simm.s32 $0x1;
	s2 =	sshll.u32 s1, $0x7  }
0x6: {  	s7 =	simm.s32 $0x2;
	s12 =	simm.s32 $0x0;
	s1 =	ssub.s32 $0x1000, s2  }
0x7: {  	s8 =	simm.s32 $0x8000;
	s13 =	simm.s32 $0x0;
	s3 =	sand.u32 $0xF80, s1  }
0x8: {  	s9 =	simm.s32 $0x0;
	s5 =	sshrl.u32 s1, $0xC;
	p0 =	sne.s32 s3, $0x0  }
.Ltmp0:
0x9: {  	s1 =	rddreg [dreg:$0x2];
	s4 =	simm.s32 @!p0 $0x0;
	(pc) =	sbr.rel .LBB1_1-.Ltmp0, $4  }
0xa: {  	s11 =	simm.s32 $0x0;
	s3 =	rddreg [dreg:$0x1];
	s5 =	sadd.s32 s4, s5  }
0xb: {  	_ =	strace $0x8000004A;
	s4 =	simm.s32 $0x1;
	s5 =	smul.u32 $0xC8, s5  }
0xc: {  	s6 =	sadd.s32 $0xC00, s6;
	s10 =	smov.u32 s2;
	[sflag:s4] =	ssyncpa.u1 $0x0  }
0xd: {  	p0 =	por $0x0, $0x0;
	[sflag:s7] =	ssyncpa.u1 $0x0;
	s7 =	sor.u32 $0x1, s5  }
.LBB1_4:
0xe: {  	s16 =	sshll.u32 s13, $0x3;
	s17 =	sand.u32 $0x78, s13  }
0xf: {  	s30 =	sand.u32 $0x7E00, s13;
	s12 =	sshll.u32 s12, $0xF;
	s16 =	sand.u32 $0xC00, s16  }
0x10: {  	[tilespmem:s15+$0x810 ss:$0x81] =	vst.msk $0xffff, v2;
	s31 =	sand.u32 $0x7, s13;
	s16 =	sor.u32 s17, s16;
	s17 =	sadd.s32 s3, s30  }
0x11: {  	[tilespmem:s15+$0x1020 ss:$0x81] =	vst.msk $0xffff, v0;
	s13 =	sshll.u32 s31, $0x12;
	s12 =	sadd.s32 s12, s17;
	s16 =	sshrl.u32 s16, $0x3  }
0x12: {  	[tilespmem:s15+$0x0 ss:$0x81] =	vst.msk $0xffff, v1;
	s13 =	sor.u32 $0x400, s13;
	s12 =	sadd.s32 s16, s12  }
0x13: {  	[hbm4b:s12+s13] =	stream.strided.scatter [tilespmem:s14], [sflag:$0x2], $0x2000, s8, s13, $0x20;
	[tilespmem:$0x8080] =	vst v63  }
.LBB1_5:
0x14: {  	s14 =	sadd.s32 $0x1, s9  }
0x15: {  	s12 =	sadd.s32 $0x1000, s10;
	s16 =	smov.u32 s10;
	p2 =	sgt.s32 s14, $0xC7  }
0x16: {  	s16 =	smov.u32 @p2 s12  }
0x17: {  	s14 =	simm.s32 @p2 $0x0;
	p2 =	sgt.s32 s16, $0xFFF  }
0x18: {  	s16 =	smov.u32 @p2 s2;
	p2 =	sne.s32 s11, s7  }
.Ltmp1:
0x19: {  	p1 =	slt.u32 s11, $0x2;
	(pc) =	sbr.rel @!p2 .LBB1_6-.Ltmp1, $4  }
0x1a: {  	s15 =	simm.s32 @!p1 $0x2  }
0x1b: {  	s13 =	smov.u32 s10;
	p0 =	por !p0, !p0;
	_ =	swait.ge @!p1 [sflag:s15], $0x2000  }
0x1c: {  	s12 =	smov.u32 s9;
	[sflag:s15] =	ssyncset.done @!p1 $0x0;
	s9 =	smov.u32 s14  }
0x1d: {  	s11 =	sadd.s32 $0x1, s11;
	[sflag:s15] =	ssyncadd.s32 @!p1 $0xFFFFE000;
	s10 =	smov.u32 s16  }
.LBB1_1:
0x1e: {  	p1 =	sge.u32 s11, s5  }
0x1f: {  	s14 =	sand.u32 @!p1 $0x1FFFFFF, s9  }
0x20: {  	s15 =	smulhi.u32 @!p1 $0x147AE15, s14;
	_ =	sdelay $0x1  }
0x21: {  	s15 =	smul.u32 @!p1 $0xC8, s15  }
0x22: {  	s16 =	sxor.u32 @!p1 $0xFFFFFFFF, s11;
	s17 =	smul.u32 @!p1 $0xC80, s10  }
0x23: {  	s31 =	sadd.s32 $0xFFFFFFFF, s11;
	s16 =	sshll.u32 @!p1 s16, $0xD;
	s14 =	ssub.s32 @!p1 s14, s15  }
0x24: {  	s15 =	sand.u32 @!p1 $0x2000, s16;
	s16 =	sadd.s32 @!p1 s6, s17;
	s14 =	sshll.u32 @!p1 s14, $0x4  }
0x25: {  	s17 =	simm.s32 @!p1 $0x6400;
	s14 =	sadd.s32 @!p1 s14, s16;
	s16 =	simm.s32 @!p1 $0x40  }
0x26: {  	[tilespmem:s15], [sflag:$0x1] =	stream.strided.gather @!p1 [hbm4b:s14+s16], $0x2000, s17, s16, $0x38;
	[tilespmem:$0x8080] =	vst v63  }
0x27: {  	p1 =	sge.u32 s31, s5  }
.Ltmp2:
0x28: {  	_ = 	snop;
	(pc) =	sbr.rel @p1 .LBB1_5-.Ltmp2, $1  }
0x29: {  	_ =	sdelay $0x3  }
0x2a: {  	s14 =	simm.s32 $0x1  }
0x2b: {  	_ =	swait.ge [sflag:s4], $0x2000;
	s14 =	simm.s32 @!p0 $0x0  }
0x2c: {  	[sflag:s4] =	ssyncset.done $0x0;
	s15 =	sshll.u32 s14, $0xD  }
0x2d: {  	[sflag:s4] =	ssyncadd.s32 $0xFFFFE000;
	s18 =	sor.u32 $0x20, s15  }
0x2e: {  	s14 =	smul.u32 $0x8100, s14;
	v3 =	vld [tilespmem:s18+$0x10]  }
0x2f: {  	s30 =	sand.u32 $0x1, s11;
	v2 =	vld [tilespmem:s18+$0xFFFFFFF0]  }
0x30: {  	s15 =	smul.u32 $0x8100, s30;
	s14 =	sshrl.u32 s14, $0x2;
	v0 =	vld [tilespmem:s18+$0x0]  }
0x31: {  	v1 =	vld [tilespmem:s18+$0xFFFFFFE0];
	s16 =	sor.u32 $0x4000, s14  }
0x32: {  	s31 =	sshrl.u32 s15, $0x2;
	s15 =	sadd.s32 $0x0, s16  }
0x33: {  	s17 =	simm.s32 $0x4;
	s18 =	sadd.s32 $0x40, s18;
	s14 =	sor.u32 $0x4000, s31;
	[tilespmem:s15+$0x1830 ss:$0x81] =	vst.msk $0xffff, v3  }
.LBB1_3:
0x34: {  	v3 =	vld [tilespmem:s18+$0x10];
	p1 =	sne.s32 s17, $0x1FC;
	[tilespmem:s15+$0x810 ss:$0x81] =	vst.msk $0xffff, v2;
	s19 =	smov.u32 s17;
	s17 =	sadd.s32 $0x4, s17  }
.Ltmp3:
0x35: {  	v2 =	vld [tilespmem:s18+$0xFFFFFFF0];
	[tilespmem:s15+$0x1020 ss:$0x81] =	vst.msk $0xffff, v0;
	(pc) =	sbr.rel @p1 .LBB1_3-.Ltmp3, $4  }
0x36: {  	v0 =	vld [tilespmem:s18+$0x0];
	[tilespmem:s15+$0x0 ss:$0x81] =	vst.msk $0xffff, v1  }
0x37: {  	s15 =	sshra.s32 s19, $0x2;
	v1 =	vld [tilespmem:s18+$0xFFFFFFE0]  }
0x38: {  	s15 =	sadd.s32 s15, s16  }
0x39: {  	s18 =	sadd.s32 $0x40, s18;
	[tilespmem:s15+$0x1830 ss:$0x81] =	vst.msk $0xffff, v3  }
.Ltmp4:
0x3a: {  	_ = 	snop;
	(pc) =	sbr.rel .LBB1_4-.Ltmp4, $1  }
0x3b: {  	_ =	sdelay $0x3  }
.LBB1_6:
0x3c: {  	_ =	sfence.sel $0x180000  }
0x3d: {  	s2 =	simm.s32 $0x1;
	[bflag:$0x0] =	sbarrier.arrive $0xFFFF  }
0x3e: {  	s31 =	simm.s32 $0x2;
	[sflag:s2] =	ssyncpa.u1 $0x1  }
0x3f: {  	[sflag:s31] =	ssyncpa.u1 $0x1  }
0x40: {  	p0 =	sne.s32 s0, $0x0;
	_ =	strace $0x9000004A  }
0x41: {  	s0 =	sadd.s32 @!p0 $0x100000, s1;
	[bflag:$0x2] =	sbarrier.arrive $0xFFFF  }
0x42: {  	[sflag:s0] =	ssyncadd.tile.s32 @!p0 $0x1;
	_ =	shalt  }
.Lfunc_end1:
_tile_overlayer_lowered:
.L_overlay_start_2:
0x43: {  	(tag) =	ssettag $0x2  }
0x44: {  	s0 =	rddreg [dreg:$0x0];
	s2 =	stileid.u32  }
0x45: {  	s1 =	rddreg [dreg:$0x1];
	p0 =	sne.s32 s2, $0x0  }
0x46: {  	s3 =	rddreg [dreg:$0x2];
	[bflag:$0x3] =	sbarrier.arrive $0xFFFF;
	s2 =	simm.s32 @!p0 $0x1C01  }
0x47: {  	[timem:s3], [sflag:s2] =	dma.local @!p0 [hbm:s0], s1  }
0x48: {  	s0 =	simm.s32 @!p0 $0x1  }
0x49: {  	_ =	swait.ge @!p0 [sflag:s0], s1  }
0x4a: {  	s1 =	ssub.s32 @!p0 $0x0, s1;
	[sflag:s0] =	ssyncset.done @!p0 $0x0  }
0x4b: {  	[sflag:s0] =	ssyncadd.s32 @!p0 s1  }
0x4c: {  	[bflag:$0x3] =	sbarrier.arrive $0xFFFF  }
0x4d: {  	_ =	shalt  }

</sc_bundles>
